<compile_context>
chip_gen: v7x
topology: tpu7x:2x2x1
jax: 0.10.2.dev20260603
libtpu: 0.0.44.dev20260713+nightly
codegen_flags: <defaults>
</compile_context>

<pallas_src>
import jax
import jax.numpy as jnp
from jax import lax
from jax.experimental import pallas as pl
from jax.experimental.pallas import tpu as pltpu
from jax.experimental.pallas import tpu_sc as plsc

D = 128
NROWS = 100
N = 100000
NC, NS = 2, 16
NW = NC * NS
BPW = N // NW
CHUNK = 125
CPW = BPW // CHUNK
NBUF = 5
NLANE = 16
GRP = (CHUNK // NLANE) * NLANE
TGRP = CHUNK - NLANE
ISTAGE = (BPW // 8 + 2) * 8


def _emb_body(z_hbm, tab_hbm, out_hbm, tab_v, idx_v, stage, wsems):
    wid = lax.axis_index("s") * NC + lax.axis_index("c")
    base = wid * BPW
    astart = lax.min((base // 8) * 8, N - ISTAGE)
    s = base - astart
    pltpu.sync_copy(tab_hbm, tab_v)
    pltpu.sync_copy(z_hbm.at[pl.ds(astart, ISTAGE)], idx_v)

    CW = CHUNK * D

    def write(j):
        boff = (j % NBUF) * CW
        return pltpu.make_async_copy(
            stage.at[pl.ds(boff, CW)],
            out_hbm.at[pl.ds((base + j * CHUNK) * D, CW)],
            wsems.at[j % NBUF])

    def chunk(j, carry):
        boff = (j % NBUF) * CW

        @pl.when(j >= NBUF)
        def _():
            write(j - NBUF).wait()

        def group(i):
            zv = idx_v[pl.ds(s + j * CHUNK + i, NLANE)]
            for k in range(NLANE):
                off = zv[k] * D
                dst = boff + i * D + k * D
                row = [tab_v[pl.ds(off + c * NLANE, NLANE)]
                       for c in range(D // NLANE)]
                for c in range(D // NLANE):
                    stage[pl.ds(dst + c * NLANE, NLANE)] = row[c]

        @plsc.parallel_loop(0, GRP + NLANE, step=NLANE)
        def _group(i):
            group(lax.min(i, TGRP))

        write(j).start()
        return carry

    lax.fori_loop(0, CPW, chunk, 0)
    for j in range(CPW - NBUF, CPW):
        write(j).wait()


@jax.jit
def _emb(z1d, tab_flat):
    f = pl.kernel(
        _emb_body,
        out_type=jax.ShapeDtypeStruct((N * D,), jnp.float32),
        mesh=plsc.VectorSubcoreMesh(core_axis_name="c", subcore_axis_name="s"),
        scratch_types=[
            pltpu.VMEM((NROWS * D,), jnp.float32),
            pltpu.VMEM((ISTAGE,), jnp.int32),
            pltpu.VMEM((NBUF * CHUNK * D,), jnp.float32),
            pltpu.SemaphoreType.DMA((NBUF,)),
        ],
    )
    return f(z1d, tab_flat)


def kernel(Z, emb_weight):
    out = _emb(Z.astype(jnp.int32), emb_weight.reshape(-1))
    return out.reshape(N, D)

# --- scband reference (transcript-rebuilt; emitter-appended) ---
"""Pipeline reference for scband-atom-embedding-86234353369148 (READ-ONLY COPY).

The authoritative reference and input builder live on the scoring server;
editing this copy changes nothing except your own understanding.
"""

import jax, jax.numpy as jnp
import numpy as np

MAX_ATOMIC_NUM = 100
EMB_SIZE = 128
N_ATOMS = 100000

def setup_inputs(seed: int = 0) -> dict:
    key = jax.random.key(seed)
    k_z, k_w = jax.random.split(key)
    Z = jax.random.randint(k_z, (N_ATOMS,), 0, MAX_ATOMIC_NUM, dtype=jnp.int64 if jax.config.jax_enable_x64 else jnp.int32)
    # torch.nn.init.uniform_(weight, a=-sqrt(3), b=sqrt(3))
    emb_weight = jax.random.uniform(k_w, (MAX_ATOMIC_NUM, EMB_SIZE), dtype=jnp.float32,
                                    minval=-np.sqrt(3.0), maxval=np.sqrt(3.0))
    return {"Z": Z, "emb_weight": emb_weight}

def reference(Z, emb_weight):
    # h = self.embeddings(Z): simple row-gather from embedding table
    h = jnp.take(emb_weight, Z, axis=0)
    return h

if __name__ == "__main__":
    import jax
    _d = setup_inputs()
    print(jax.jit(kernel)(*tuple(_d.values())))

</pallas_src>

<mosaic_0001>
#map = affine_map<(d0, d1) -> (0)>
module attributes {stable_mosaic.version = 14 : i64} {
  func.func @_emb_body(%arg0: i32, %arg1: i32, %arg2: memref<100000xi32, #tpu.memory_space<hbm>>, %arg3: memref<12800xf32, #tpu.memory_space<hbm>>, %arg4: memref<12800000xf32, #tpu.memory_space<hbm>>, %arg5: memref<12800xf32, #tpu.memory_space<vmem>>, %arg6: memref<3136xi32, #tpu.memory_space<vmem>>, %arg7: memref<80000xf32, #tpu.memory_space<vmem>>, %arg8: memref<5x!tpu.dma_semaphore, #tpu.memory_space<semaphore_mem>>) attributes {dimension_semantics = [#tpu.dimension_semantics<core_parallel>, #tpu.dimension_semantics<subcore_parallel>], iteration_bounds = array<i64: 2, 16>, scalar_prefetch = 0 : i64, scratch_operands = 4 : i64, tpu.core_type = #tpu.core_type<sc_vector_subcore>, window_params = [{transform_indices = #map}, {transform_indices = #map}, {transform_indices = #map}]} {
    %mul3A = arith.constant 2 : i32
    %mul3A_0 = arith.muli %arg1, %mul3A : i32
    %add3A = arith.addi %mul3A_0, %arg0 : i32
    %mul3A_1 = arith.constant 3125 : i32
    %mul3A_2 = arith.muli %add3A, %mul3A_1 : i32
    %jit3A = arith.constant 8 : i32
    %div3A = arith.divsi %mul3A_2, %jit3A : i32
    %sign3A = arith.constant 0 : i32
    %sign3A_3 = arith.cmpi sgt, %mul3A_2, %sign3A : i32
    %sign3A_4 = arith.extui %sign3A_3 : i1 to i32
    %sign3A_5 = arith.constant 0 : i32
    %sign3A_6 = arith.cmpi slt, %mul3A_2, %sign3A_5 : i32
    %sign3A_7 = arith.extui %sign3A_6 : i1 to i32
    %sign3A_8 = arith.subi %sign3A_4, %sign3A_7 : i32
    %sign3A_9 = arith.constant 0 : i32
    %sign3A_10 = arith.cmpi sgt, %jit3A, %sign3A_9 : i32
    %sign3A_11 = arith.extui %sign3A_10 : i1 to i32
    %sign3A_12 = arith.constant 0 : i32
    %sign3A_13 = arith.cmpi slt, %jit3A, %sign3A_12 : i32
    %sign3A_14 = arith.extui %sign3A_13 : i1 to i32
    %sign3A_15 = arith.subi %sign3A_11, %sign3A_14 : i32
    %ne3A = arith.cmpi ne, %sign3A_8, %sign3A_15 : i32
    %rem3A = arith.remsi %mul3A_2, %jit3A : i32
    %ne3A_16 = arith.constant 0 : i32
    %ne3A_17 = arith.cmpi ne, %rem3A, %ne3A_16 : i32
    %and3A = arith.andi %ne3A, %ne3A_17 : i1
    %sub3A = arith.constant 1 : i32
    %sub3A_18 = arith.subi %div3A, %sub3A : i32
    %select_n3A = arith.select %and3A, %sub3A_18, %div3A : i32
    %mul3A_19 = arith.constant 8 : i32
    %mul3A_20 = arith.muli %select_n3A, %mul3A_19 : i32
    %min3A = arith.constant 96864 : i32
    %min3A_21 = arith.minsi %mul3A_20, %min3A : i32
    %sub3A_22 = arith.subi %mul3A_2, %min3A_21 : i32
    "tpu.region"() ({
      %run_scoped3A = tpu.sem_alloc : memref<!tpu.dma_semaphore, #tpu.memory_space<semaphore_mem>>
      tpu.enqueue_dma source(%arg3 : memref<12800xf32, #tpu.memory_space<hbm>>) target(%arg5 : memref<12800xf32, #tpu.memory_space<vmem>>) target_semaphore(%run_scoped3A : memref<!tpu.dma_semaphore, #tpu.memory_space<semaphore_mem>>)
      tpu.wait_dma2 semaphore(%run_scoped3A : memref<!tpu.dma_semaphore, #tpu.memory_space<semaphore_mem>>) src(%arg3 : memref<12800xf32, #tpu.memory_space<hbm>>) dst(%arg5 : memref<12800xf32, #tpu.memory_space<vmem>>)
      tpu.yield
    }) : () -> ()
    "tpu.region"() ({
      %run_scoped3A = tpu.sem_alloc : memref<!tpu.dma_semaphore, #tpu.memory_space<semaphore_mem>>
      %dma_start3A = tpu.memref_slice %arg2[%min3A_21] : memref<100000xi32, #tpu.memory_space<hbm>> -> memref<3136xi32, #tpu.memory_space<hbm>>
      %dma_start3A_92 = tpu.memref_slice %arg2[%min3A_21] : memref<100000xi32, #tpu.memory_space<hbm>> -> memref<3136xi32, #tpu.memory_space<hbm>>
      tpu.enqueue_dma source(%dma_start3A_92 : memref<3136xi32, #tpu.memory_space<hbm>>) target(%arg6 : memref<3136xi32, #tpu.memory_space<vmem>>) target_semaphore(%run_scoped3A : memref<!tpu.dma_semaphore, #tpu.memory_space<semaphore_mem>>)
      %dma_wait3A_93 = tpu.memref_slice %arg2[%min3A_21] : memref<100000xi32, #tpu.memory_space<hbm>> -> memref<3136xi32, #tpu.memory_space<hbm>>
      %dma_wait3A_94 = tpu.memref_slice %arg2[%min3A_21] : memref<100000xi32, #tpu.memory_space<hbm>> -> memref<3136xi32, #tpu.memory_space<hbm>>
      tpu.wait_dma2 semaphore(%run_scoped3A : memref<!tpu.dma_semaphore, #tpu.memory_space<semaphore_mem>>) src(%dma_wait3A_94 : memref<3136xi32, #tpu.memory_space<hbm>>) dst(%arg6 : memref<3136xi32, #tpu.memory_space<vmem>>)
      tpu.yield
    }) : () -> ()
    %scan3A = arith.constant 0 : i32
    %scan3A_23 = arith.constant 0 : i32
    %scan3A_24 = arith.constant 25 : i32
    %scan3A_25 = arith.addi %scan3A_23, %scan3A_24 : i32
    %scan3A_26 = arith.constant 1 : i32
    scf.for %scan3A_92 = %scan3A_23 to %scan3A_25 step %scan3A_26  : i32 {
      %jit3A_93 = arith.constant 5 : i32
      %eq3A = arith.constant 0 : i32
      %eq3A_94 = arith.cmpi eq, %jit3A_93, %eq3A : i32
      %jit3A_95 = arith.constant 1 : i32
      %select_n3A_96 = arith.select %eq3A_94, %jit3A_95, %jit3A_93 : i32
      %rem3A_97 = arith.remsi %scan3A_92, %select_n3A_96 : i32
      %ne3A_98 = arith.constant 0 : i32
      %ne3A_99 = arith.cmpi ne, %rem3A_97, %ne3A_98 : i32
      %lt3A = arith.constant 0 : i32
      %lt3A_100 = arith.cmpi slt, %rem3A_97, %lt3A : i32
      %lt3A_101 = arith.constant 0 : i32
      %lt3A_102 = arith.cmpi slt, %select_n3A_96, %lt3A_101 : i32
      %ne3A_103 = arith.xori %lt3A_100, %lt3A_102 : i1
      %and3A_104 = arith.andi %ne3A_103, %ne3A_99 : i1
      %add3A_105 = arith.addi %rem3A_97, %select_n3A_96 : i32
      %select_n3A_106 = arith.select %and3A_104, %add3A_105, %rem3A_97 : i32
      %mul3A_107 = arith.constant 16000 : i32
      %mul3A_108 = arith.muli %select_n3A_106, %mul3A_107 : i32
      %ge3A = arith.constant 5 : i32
      %ge3A_109 = arith.cmpi sge, %scan3A_92, %ge3A : i32
      %convert_element_type3A = arith.extui %ge3A_109 : i1 to i32
      %cond3A = arith.constant 0 : i32
      %cond3A_110 = arith.cmpi ne, %convert_element_type3A, %cond3A : i32
      scf.if %cond3A_110 {
        %sub3A_157 = arith.constant 5 : i32
        %sub3A_158 = arith.subi %scan3A_92, %sub3A_157 : i32
        %jit3A_159 = arith.constant 5 : i32
        %eq3A_160 = arith.constant 0 : i32
        %eq3A_161 = arith.cmpi eq, %jit3A_159, %eq3A_160 : i32
        %jit3A_162 = arith.constant 1 : i32
        %select_n3A_163 = arith.select %eq3A_161, %jit3A_162, %jit3A_159 : i32
        %rem3A_164 = arith.remsi %sub3A_158, %select_n3A_163 : i32
        %ne3A_165 = arith.constant 0 : i32
        %ne3A_166 = arith.cmpi ne, %rem3A_164, %ne3A_165 : i32
        %lt3A_167 = arith.constant 0 : i32
        %lt3A_168 = arith.cmpi slt, %rem3A_164, %lt3A_167 : i32
        %lt3A_169 = arith.constant 0 : i32
        %lt3A_170 = arith.cmpi slt, %select_n3A_163, %lt3A_169 : i32
        %ne3A_171 = arith.xori %lt3A_168, %lt3A_170 : i1
        %and3A_172 = arith.andi %ne3A_171, %ne3A_166 : i1
        %add3A_173 = arith.addi %rem3A_164, %select_n3A_163 : i32
        %select_n3A_174 = arith.select %and3A_172, %add3A_173, %rem3A_164 : i32
        %mul3A_175 = arith.constant 16000 : i32
        %mul3A_176 = arith.muli %select_n3A_174, %mul3A_175 : i32
        %mul3A_177 = arith.constant 125 : i32
        %mul3A_178 = arith.muli %sub3A_158, %mul3A_177 : i32
        %add3A_179 = arith.addi %mul3A_2, %mul3A_178 : i32
        %mul3A_180 = arith.constant 128 : i32
        %mul3A_181 = arith.muli %add3A_179, %mul3A_180 : i32
        %jit3A_182 = arith.constant 5 : i32
        %eq3A_183 = arith.constant 0 : i32
        %eq3A_184 = arith.cmpi eq, %jit3A_182, %eq3A_183 : i32
        %jit3A_185 = arith.constant 1 : i32
        %select_n3A_186 = arith.select %eq3A_184, %jit3A_185, %jit3A_182 : i32
        %rem3A_187 = arith.remsi %sub3A_158, %select_n3A_186 : i32
        %ne3A_188 = arith.constant 0 : i32
        %ne3A_189 = arith.cmpi ne, %rem3A_187, %ne3A_188 : i32
        %lt3A_190 = arith.constant 0 : i32
        %lt3A_191 = arith.cmpi slt, %rem3A_187, %lt3A_190 : i32
        %lt3A_192 = arith.constant 0 : i32
        %lt3A_193 = arith.cmpi slt, %select_n3A_186, %lt3A_192 : i32
        %ne3A_194 = arith.xori %lt3A_191, %lt3A_193 : i1
        %and3A_195 = arith.andi %ne3A_194, %ne3A_189 : i1
        %add3A_196 = arith.addi %rem3A_187, %select_n3A_186 : i32
        %select_n3A_197 = arith.select %and3A_195, %add3A_196, %rem3A_187 : i32
        %dma_wait3A_198 = tpu.memref_slice %arg7[%mul3A_176] : memref<80000xf32, #tpu.memory_space<vmem>> -> memref<16000xf32, #tpu.memory_space<vmem>>
        %dma_wait3A_199 = tpu.memref_slice %arg4[%mul3A_181] : memref<12800000xf32, #tpu.memory_space<hbm>> -> memref<16000xf32, #tpu.memory_space<hbm>>
        %dma_wait3A_200 = tpu.memref_slice %arg8[%select_n3A_197] : memref<5x!tpu.dma_semaphore, #tpu.memory_space<semaphore_mem>> -> memref<1x!tpu.dma_semaphore, #tpu.memory_space<semaphore_mem>>
        %dma_wait3A_201 = tpu.memref_squeeze %dma_wait3A_200 : memref<1x!tpu.dma_semaphore, #tpu.memory_space<semaphore_mem>> -> memref<!tpu.dma_semaphore, #tpu.memory_space<semaphore_mem>>
        %dma_wait3A_202 = tpu.memref_slice %arg4[%mul3A_181] : memref<12800000xf32, #tpu.memory_space<hbm>> -> memref<16000xf32, #tpu.memory_space<hbm>>
        %dma_wait3A_203 = tpu.memref_slice %arg7[%mul3A_176] : memref<80000xf32, #tpu.memory_space<vmem>> -> memref<16000xf32, #tpu.memory_space<vmem>>
        tpu.wait_dma2 semaphore(%dma_wait3A_201 : memref<!tpu.dma_semaphore, #tpu.memory_space<semaphore_mem>>) src(%dma_wait3A_203 : memref<16000xf32, #tpu.memory_space<vmem>>) dst(%dma_wait3A_202 : memref<16000xf32, #tpu.memory_space<hbm>>)
      } else {
      }
      %parallel_loop3A = arith.constant 0 : i32
      %parallel_loop3A_111 = arith.constant 128 : i32
      %parallel_loop3A_112 = arith.constant 16 : i32
      scf.for %parallel_loop3A_157 = %parallel_loop3A to %parallel_loop3A_111 step %parallel_loop3A_112  : i32 {
        %parallel_loop3A_158 = arith.constant 109 : i32
        %parallel_loop3A_159 = arith.minsi %parallel_loop3A_157, %parallel_loop3A_158 : i32
        %parallel_loop3A_160 = arith.constant 125 : i32
        %parallel_loop3A_161 = arith.muli %scan3A_92, %parallel_loop3A_160 : i32
        %parallel_loop3A_162 = arith.addi %sub3A_22, %parallel_loop3A_161 : i32
        %parallel_loop3A_163 = arith.addi %parallel_loop3A_162, %parallel_loop3A_159 : i32
        %parallel_loop3A_164 = arith.index_cast %parallel_loop3A_163 : i32 to index
        %parallel_loop3A_165 = tpu.vector_load %arg6[%parallel_loop3A_164] {strides = array<i32>} : memref<3136xi32, #tpu.memory_space<vmem>>, vector<16xi32>,
        %parallel_loop3A_166 = vector.shape_cast %parallel_loop3A_165 : vector<16xi32> to vector<16xi32>
        %parallel_loop3A_167 = vector.extract_strided_slice %parallel_loop3A_166 {offsets = [0], sizes = [1], strides = [1]} : vector<16xi32> to vector<1xi32>
        %parallel_loop3A_168 = vector.extract %parallel_loop3A_167[0] : i32 from vector<1xi32>
        %parallel_loop3A_169 = arith.constant 128 : i32
        %parallel_loop3A_170 = arith.muli %parallel_loop3A_168, %parallel_loop3A_169 : i32
        %parallel_loop3A_171 = arith.constant 128 : i32
        %parallel_loop3A_172 = arith.muli %parallel_loop3A_159, %parallel_loop3A_171 : i32
        %parallel_loop3A_173 = arith.addi %mul3A_108, %parallel_loop3A_172 : i32
        %parallel_loop3A_174 = arith.constant 0 : i32
        %parallel_loop3A_175 = arith.addi %parallel_loop3A_173, %parallel_loop3A_174 : i32
        %parallel_loop3A_176 = arith.constant 0 : i32
        %parallel_loop3A_177 = arith.addi %parallel_loop3A_170, %parallel_loop3A_176 : i32
        %parallel_loop3A_178 = arith.index_cast %parallel_loop3A_177 : i32 to index
        %parallel_loop3A_179 = tpu.vector_load %arg5[%parallel_loop3A_178] {strides = array<i32>} : memref<12800xf32, #tpu.memory_space<vmem>>, vector<16xf32>,
        %parallel_loop3A_180 = vector.shape_cast %parallel_loop3A_179 : vector<16xf32> to vector<16xf32>
        %parallel_loop3A_181 = arith.constant 16 : i32
        %parallel_loop3A_182 = arith.addi %parallel_loop3A_170, %parallel_loop3A_181 : i32
        %parallel_loop3A_183 = arith.index_cast %parallel_loop3A_182 : i32 to index
        %parallel_loop3A_184 = tpu.vector_load %arg5[%parallel_loop3A_183] {strides = array<i32>} : memref<12800xf32, #tpu.memory_space<vmem>>, vector<16xf32>,
        %parallel_loop3A_185 = vector.shape_cast %parallel_loop3A_184 : vector<16xf32> to vector<16xf32>
        %parallel_loop3A_186 = arith.constant 32 : i32
        %parallel_loop3A_187 = arith.addi %parallel_loop3A_170, %parallel_loop3A_186 : i32
        %parallel_loop3A_188 = arith.index_cast %parallel_loop3A_187 : i32 to index
        %parallel_loop3A_189 = tpu.vector_load %arg5[%parallel_loop3A_188] {strides = array<i32>} : memref<12800xf32, #tpu.memory_space<vmem>>, vector<16xf32>,
        %parallel_loop3A_190 = vector.shape_cast %parallel_loop3A_189 : vector<16xf32> to vector<16xf32>
        %parallel_loop3A_191 = arith.constant 48 : i32
        %parallel_loop3A_192 = arith.addi %parallel_loop3A_170, %parallel_loop3A_191 : i32
        %parallel_loop3A_193 = arith.index_cast %parallel_loop3A_192 : i32 to index
        %parallel_loop3A_194 = tpu.vector_load %arg5[%parallel_loop3A_193] {strides = array<i32>} : memref<12800xf32, #tpu.memory_space<vmem>>, vector<16xf32>,
        %parallel_loop3A_195 = vector.shape_cast %parallel_loop3A_194 : vector<16xf32> to vector<16xf32>
        %parallel_loop3A_196 = arith.constant 64 : i32
        %parallel_loop3A_197 = arith.addi %parallel_loop3A_170, %parallel_loop3A_196 : i32
        %parallel_loop3A_198 = arith.index_cast %parallel_loop3A_197 : i32 to index
        %parallel_loop3A_199 = tpu.vector_load %arg5[%parallel_loop3A_198] {strides = array<i32>} : memref<12800xf32, #tpu.memory_space<vmem>>, vector<16xf32>,
        %parallel_loop3A_200 = vector.shape_cast %parallel_loop3A_199 : vector<16xf32> to vector<16xf32>
        %parallel_loop3A_201 = arith.constant 80 : i32
        %parallel_loop3A_202 = arith.addi %parallel_loop3A_170, %parallel_loop3A_201 : i32
        %parallel_loop3A_203 = arith.index_cast %parallel_loop3A_202 : i32 to index
        %parallel_loop3A_204 = tpu.vector_load %arg5[%parallel_loop3A_203] {strides = array<i32>} : memref<12800xf32, #tpu.memory_space<vmem>>, vector<16xf32>,
        %parallel_loop3A_205 = vector.shape_cast %parallel_loop3A_204 : vector<16xf32> to vector<16xf32>
        %parallel_loop3A_206 = arith.constant 96 : i32
        %parallel_loop3A_207 = arith.addi %parallel_loop3A_170, %parallel_loop3A_206 : i32
        %parallel_loop3A_208 = arith.index_cast %parallel_loop3A_207 : i32 to index
        %parallel_loop3A_209 = tpu.vector_load %arg5[%parallel_loop3A_208] {strides = array<i32>} : memref<12800xf32, #tpu.memory_space<vmem>>, vector<16xf32>,
        %parallel_loop3A_210 = vector.shape_cast %parallel_loop3A_209 : vector<16xf32> to vector<16xf32>
        %parallel_loop3A_211 = arith.constant 112 : i32
        %parallel_loop3A_212 = arith.addi %parallel_loop3A_170, %parallel_loop3A_211 : i32
        %parallel_loop3A_213 = arith.index_cast %parallel_loop3A_212 : i32 to index
        %parallel_loop3A_214 = tpu.vector_load %arg5[%parallel_loop3A_213] {strides = array<i32>} : memref<12800xf32, #tpu.memory_space<vmem>>, vector<16xf32>,
        %parallel_loop3A_215 = vector.shape_cast %parallel_loop3A_214 : vector<16xf32> to vector<16xf32>
        %parallel_loop3A_216 = arith.constant 0 : i32
        %parallel_loop3A_217 = arith.addi %parallel_loop3A_175, %parallel_loop3A_216 : i32
        %parallel_loop3A_218 = arith.index_cast %parallel_loop3A_217 : i32 to index
        %parallel_loop3A_219 = tpu.vector_load %arg7[%parallel_loop3A_218] {strides = array<i32>} : memref<80000xf32, #tpu.memory_space<vmem>>, vector<16xf32>,
        %parallel_loop3A_220 = vector.shape_cast %parallel_loop3A_219 : vector<16xf32> to vector<16xf32>
        %parallel_loop3A_221 = vector.shape_cast %parallel_loop3A_180 : vector<16xf32> to vector<16xf32>
        tpu.vector_store %arg7[%parallel_loop3A_218], %parallel_loop3A_221 {strides = array<i32>} : memref<80000xf32, #tpu.memory_space<vmem>>, vector<16xf32>,
        %parallel_loop3A_222 = arith.constant 16 : i32
        %parallel_loop3A_223 = arith.addi %parallel_loop3A_175, %parallel_loop3A_222 : i32
        %parallel_loop3A_224 = arith.index_cast %parallel_loop3A_223 : i32 to index
        %parallel_loop3A_225 = tpu.vector_load %arg7[%parallel_loop3A_224] {strides = array<i32>} : memref<80000xf32, #tpu.memory_space<vmem>>, vector<16xf32>,
        %parallel_loop3A_226 = vector.shape_cast %parallel_loop3A_225 : vector<16xf32> to vector<16xf32>
        %parallel_loop3A_227 = vector.shape_cast %parallel_loop3A_185 : vector<16xf32> to vector<16xf32>
        tpu.vector_store %arg7[%parallel_loop3A_224], %parallel_loop3A_227 {strides = array<i32>} : memref<80000xf32, #tpu.memory_space<vmem>>, vector<16xf32>,
        %parallel_loop3A_228 = arith.constant 32 : i32
        %parallel_loop3A_229 = arith.addi %parallel_loop3A_175, %parallel_loop3A_228 : i32
        %parallel_loop3A_230 = arith.index_cast %parallel_loop3A_229 : i32 to index
        %parallel_loop3A_231 = tpu.vector_load %arg7[%parallel_loop3A_230] {strides = array<i32>} : memref<80000xf32, #tpu.memory_space<vmem>>, vector<16xf32>,
        %parallel_loop3A_232 = vector.shape_cast %parallel_loop3A_231 : vector<16xf32> to vector<16xf32>
        %parallel_loop3A_233 = vector.shape_cast %parallel_loop3A_190 : vector<16xf32> to vector<16xf32>
        tpu.vector_store %arg7[%parallel_loop3A_230], %parallel_loop3A_233 {strides = array<i32>} : memref<80000xf32, #tpu.memory_space<vmem>>, vector<16xf32>,
        %parallel_loop3A_234 = arith.constant 48 : i32
        %parallel_loop3A_235 = arith.addi %parallel_loop3A_175, %parallel_loop3A_234 : i32
        %parallel_loop3A_236 = arith.index_cast %parallel_loop3A_235 : i32 to index
        %parallel_loop3A_237 = tpu.vector_load %arg7[%parallel_loop3A_236] {strides = array<i32>} : memref<80000xf32, #tpu.memory_space<vmem>>, vector<16xf32>,
        %parallel_loop3A_238 = vector.shape_cast %parallel_loop3A_237 : vector<16xf32> to vector<16xf32>
        %parallel_loop3A_239 = vector.shape_cast %parallel_loop3A_195 : vector<16xf32> to vector<16xf32>
        tpu.vector_store %arg7[%parallel_loop3A_236], %parallel_loop3A_239 {strides = array<i32>} : memref<80000xf32, #tpu.memory_space<vmem>>, vector<16xf32>,
        %parallel_loop3A_240 = arith.constant 64 : i32
        %parallel_loop3A_241 = arith.addi %parallel_loop3A_175, %parallel_loop3A_240 : i32
        %parallel_loop3A_242 = arith.index_cast %parallel_loop3A_241 : i32 to index
        %parallel_loop3A_243 = tpu.vector_load %arg7[%parallel_loop3A_242] {strides = array<i32>} : memref<80000xf32, #tpu.memory_space<vmem>>, vector<16xf32>,
        %parallel_loop3A_244 = vector.shape_cast %parallel_loop3A_243 : vector<16xf32> to vector<16xf32>
        %parallel_loop3A_245 = vector.shape_cast %parallel_loop3A_200 : vector<16xf32> to vector<16xf32>
        tpu.vector_store %arg7[%parallel_loop3A_242], %parallel_loop3A_245 {strides = array<i32>} : memref<80000xf32, #tpu.memory_space<vmem>>, vector<16xf32>,
        %parallel_loop3A_246 = arith.constant 80 : i32
        %parallel_loop3A_247 = arith.addi %parallel_loop3A_175, %parallel_loop3A_246 : i32
        %parallel_loop3A_248 = arith.index_cast %parallel_loop3A_247 : i32 to index
        %parallel_loop3A_249 = tpu.vector_load %arg7[%parallel_loop3A_248] {strides = array<i32>} : memref<80000xf32, #tpu.memory_space<vmem>>, vector<16xf32>,
        %parallel_loop3A_250 = vector.shape_cast %parallel_loop3A_249 : vector<16xf32> to vector<16xf32>
        %parallel_loop3A_251 = vector.shape_cast %parallel_loop3A_205 : vector<16xf32> to vector<16xf32>
        tpu.vector_store %arg7[%parallel_loop3A_248], %parallel_loop3A_251 {strides = array<i32>} : memref<80000xf32, #tpu.memory_space<vmem>>, vector<16xf32>,
        %parallel_loop3A_252 = arith.constant 96 : i32
        %parallel_loop3A_253 = arith.addi %parallel_loop3A_175, %parallel_loop3A_252 : i32
        %parallel_loop3A_254 = arith.index_cast %parallel_loop3A_253 : i32 to index
        %parallel_loop3A_255 = tpu.vector_load %arg7[%parallel_loop3A_254] {strides = array<i32>} : memref<80000xf32, #tpu.memory_space<vmem>>, vector<16xf32>,
        %parallel_loop3A_256 = vector.shape_cast %parallel_loop3A_255 : vector<16xf32> to vector<16xf32>
        %parallel_loop3A_257 = vector.shape_cast %parallel_loop3A_210 : vector<16xf32> to vector<16xf32>
        tpu.vector_store %arg7[%parallel_loop3A_254], %parallel_loop3A_257 {strides = array<i32>} : memref<80000xf32, #tpu.memory_space<vmem>>, vector<16xf32>,
        %parallel_loop3A_258 = arith.constant 112 : i32
        %parallel_loop3A_259 = arith.addi %parallel_loop3A_175, %parallel_loop3A_258 : i32
        %parallel_loop3A_260 = arith.index_cast %parallel_loop3A_259 : i32 to index
        %parallel_loop3A_261 = tpu.vector_load %arg7[%parallel_loop3A_260] {strides = array<i32>} : memref<80000xf32, #tpu.memory_space<vmem>>, vector<16xf32>,
        %parallel_loop3A_262 = vector.shape_cast %parallel_loop3A_261 : vector<16xf32> to vector<16xf32>
        %parallel_loop3A_263 = vector.shape_cast %parallel_loop3A_215 : vector<16xf32> to vector<16xf32>
        tpu.vector_store %arg7[%parallel_loop3A_260], %parallel_loop3A_263 {strides = array<i32>} : memref<80000xf32, #tpu.memory_space<vmem>>, vector<16xf32>,
        %parallel_loop3A_264 = vector.extract_strided_slice %parallel_loop3A_166 {offsets = [1], sizes = [1], strides = [1]} : vector<16xi32> to vector<1xi32>
        %parallel_loop3A_265 = vector.extract %parallel_loop3A_264[0] : i32 from vector<1xi32>
        %parallel_loop3A_266 = arith.constant 128 : i32
        %parallel_loop3A_267 = arith.muli %parallel_loop3A_265, %parallel_loop3A_266 : i32
        %parallel_loop3A_268 = arith.constant 128 : i32
        %parallel_loop3A_269 = arith.muli %parallel_loop3A_159, %parallel_loop3A_268 : i32
        %parallel_loop3A_270 = arith.addi %mul3A_108, %parallel_loop3A_269 : i32
        %parallel_loop3A_271 = arith.constant 128 : i32
        %parallel_loop3A_272 = arith.addi %parallel_loop3A_270, %parallel_loop3A_271 : i32
        %parallel_loop3A_273 = arith.constant 0 : i32
        %parallel_loop3A_274 = arith.addi %parallel_loop3A_267, %parallel_loop3A_273 : i32
        %parallel_loop3A_275 = arith.index_cast %parallel_loop3A_274 : i32 to index
        %parallel_loop3A_276 = tpu.vector_load %arg5[%parallel_loop3A_275] {strides = array<i32>} : memref<12800xf32, #tpu.memory_space<vmem>>, vector<16xf32>,
        %parallel_loop3A_277 = vector.shape_cast %parallel_loop3A_276 : vector<16xf32> to vector<16xf32>
        %parallel_loop3A_278 = arith.constant 16 : i32
        %parallel_loop3A_279 = arith.addi %parallel_loop3A_267, %parallel_loop3A_278 : i32
        %parallel_loop3A_280 = arith.index_cast %parallel_loop3A_279 : i32 to index
        %parallel_loop3A_281 = tpu.vector_load %arg5[%parallel_loop3A_280] {strides = array<i32>} : memref<12800xf32, #tpu.memory_space<vmem>>, vector<16xf32>,
        %parallel_loop3A_282 = vector.shape_cast %parallel_loop3A_281 : vector<16xf32> to vector<16xf32>
        %parallel_loop3A_283 = arith.constant 32 : i32
        %parallel_loop3A_284 = arith.addi %parallel_loop3A_267, %parallel_loop3A_283 : i32
        %parallel_loop3A_285 = arith.index_cast %parallel_loop3A_284 : i32 to index
        %parallel_loop3A_286 = tpu.vector_load %arg5[%parallel_loop3A_285] {strides = array<i32>} : memref<12800xf32, #tpu.memory_space<vmem>>, vector<16xf32>,
        %parallel_loop3A_287 = vector.shape_cast %parallel_loop3A_286 : vector<16xf32> to vector<16xf32>
        %parallel_loop3A_288 = arith.constant 48 : i32
        %parallel_loop3A_289 = arith.addi %parallel_loop3A_267, %parallel_loop3A_288 : i32
        %parallel_loop3A_290 = arith.index_cast %parallel_loop3A_289 : i32 to index
        %parallel_loop3A_291 = tpu.vector_load %arg5[%parallel_loop3A_290] {strides = array<i32>} : memref<12800xf32, #tpu.memory_space<vmem>>, vector<16xf32>,
        %parallel_loop3A_292 = vector.shape_cast %parallel_loop3A_291 : vector<16xf32> to vector<16xf32>
        %parallel_loop3A_293 = arith.constant 64 : i32
        %parallel_loop3A_294 = arith.addi %parallel_loop3A_267, %parallel_loop3A_293 : i32
        %parallel_loop3A_295 = arith.index_cast %parallel_loop3A_294 : i32 to index
        %parallel_loop3A_296 = tpu.vector_load %arg5[%parallel_loop3A_295] {strides = array<i32>} : memref<12800xf32, #tpu.memory_space<vmem>>, vector<16xf32>,
        %parallel_loop3A_297 = vector.shape_cast %parallel_loop3A_296 : vector<16xf32> to vector<16xf32>
        %parallel_loop3A_298 = arith.constant 80 : i32
        %parallel_loop3A_299 = arith.addi %parallel_loop3A_267, %parallel_loop3A_298 : i32
        %parallel_loop3A_300 = arith.index_cast %parallel_loop3A_299 : i32 to index
        %parallel_loop3A_301 = tpu.vector_load %arg5[%parallel_loop3A_300] {strides = array<i32>} : memref<12800xf32, #tpu.memory_space<vmem>>, vector<16xf32>,
        %parallel_loop3A_302 = vector.shape_cast %parallel_loop3A_301 : vector<16xf32> to vector<16xf32>
        %parallel_loop3A_303 = arith.constant 96 : i32
        %parallel_loop3A_304 = arith.addi %parallel_loop3A_267, %parallel_loop3A_303 : i32
        %parallel_loop3A_305 = arith.index_cast %parallel_loop3A_304 : i32 to index
        %parallel_loop3A_306 = tpu.vector_load %arg5[%parallel_loop3A_305] {strides = array<i32>} : memref<12800xf32, #tpu.memory_space<vmem>>, vector<16xf32>,
        %parallel_loop3A_307 = vector.shape_cast %parallel_loop3A_306 : vector<16xf32> to vector<16xf32>
        %parallel_loop3A_308 = arith.constant 112 : i32
        %parallel_loop3A_309 = arith.addi %parallel_loop3A_267, %parallel_loop3A_308 : i32
        %parallel_loop3A_310 = arith.index_cast %parallel_loop3A_309 : i32 to index
        %parallel_loop3A_311 = tpu.vector_load %arg5[%parallel_loop3A_310] {strides = array<i32>} : memref<12800xf32, #tpu.memory_space<vmem>>, vector<16xf32>,
        %parallel_loop3A_312 = vector.shape_cast %parallel_loop3A_311 : vector<16xf32> to vector<16xf32>
        %parallel_loop3A_313 = arith.constant 0 : i32
        %parallel_loop3A_314 = arith.addi %parallel_loop3A_272, %parallel_loop3A_313 : i32
        %parallel_loop3A_315 = arith.index_cast %parallel_loop3A_314 : i32 to index
        %parallel_loop3A_316 = tpu.vector_load %arg7[%parallel_loop3A_315] {strides = array<i32>} : memref<80000xf32, #tpu.memory_space<vmem>>, vector<16xf32>,
        %parallel_loop3A_317 = vector.shape_cast %parallel_loop3A_316 : vector<16xf32> to vector<16xf32>
        %parallel_loop3A_318 = vector.shape_cast %parallel_loop3A_277 : vector<16xf32> to vector<16xf32>
        tpu.vector_store %arg7[%parallel_loop3A_315], %parallel_loop3A_318 {strides = array<i32>} : memref<80000xf32, #tpu.memory_space<vmem>>, vector<16xf32>,
        %parallel_loop3A_319 = arith.constant 16 : i32
        %parallel_loop3A_320 = arith.addi %parallel_loop3A_272, %parallel_loop3A_319 : i32
        %parallel_loop3A_321 = arith.index_cast %parallel_loop3A_320 : i32 to index
        %parallel_loop3A_322 = tpu.vector_load %arg7[%parallel_loop3A_321] {strides = array<i32>} : memref<80000xf32, #tpu.memory_space<vmem>>, vector<16xf32>,
        %parallel_loop3A_323 = vector.shape_cast %parallel_loop3A_322 : vector<16xf32> to vector<16xf32>
        %parallel_loop3A_324 = vector.shape_cast %parallel_loop3A_282 : vector<16xf32> to vector<16xf32>
        tpu.vector_store %arg7[%parallel_loop3A_321], %parallel_loop3A_324 {strides = array<i32>} : memref<80000xf32, #tpu.memory_space<vmem>>, vector<16xf32>,
        %parallel_loop3A_325 = arith.constant 32 : i32
        %parallel_loop3A_326 = arith.addi %parallel_loop3A_272, %parallel_loop3A_325 : i32
        %parallel_loop3A_327 = arith.index_cast %parallel_loop3A_326 : i32 to index
        %parallel_loop3A_328 = tpu.vector_load %arg7[%parallel_loop3A_327] {strides = array<i32>} : memref<80000xf32, #tpu.memory_space<vmem>>, vector<16xf32>,
        %parallel_loop3A_329 = vector.shape_cast %parallel_loop3A_328 : vector<16xf32> to vector<16xf32>
        %parallel_loop3A_330 = vector.shape_cast %parallel_loop3A_287 : vector<16xf32> to vector<16xf32>
        tpu.vector_store %arg7[%parallel_loop3A_327], %parallel_loop3A_330 {strides = array<i32>} : memref<80000xf32, #tpu.memory_space<vmem>>, vector<16xf32>,
        %parallel_loop3A_331 = arith.constant 48 : i32
        %parallel_loop3A_332 = arith.addi %parallel_loop3A_272, %parallel_loop3A_331 : i32
        %parallel_loop3A_333 = arith.index_cast %parallel_loop3A_332 : i32 to index
        %parallel_loop3A_334 = tpu.vector_load %arg7[%parallel_loop3A_333] {strides = array<i32>} : memref<80000xf32, #tpu.memory_space<vmem>>, vector<16xf32>,
        %parallel_loop3A_335 = vector.shape_cast %parallel_loop3A_334 : vector<16xf32> to vector<16xf32>
        %parallel_loop3A_336 = vector.shape_cast %parallel_loop3A_292 : vector<16xf32> to vector<16xf32>
        tpu.vector_store %arg7[%parallel_loop3A_333], %parallel_loop3A_336 {strides = array<i32>} : memref<80000xf32, #tpu.memory_space<vmem>>, vector<16xf32>,
        %parallel_loop3A_337 = arith.constant 64 : i32
        %parallel_loop3A_338 = arith.addi %parallel_loop3A_272, %parallel_loop3A_337 : i32
        %parallel_loop3A_339 = arith.index_cast %parallel_loop3A_338 : i32 to index
        %parallel_loop3A_340 = tpu.vector_load %arg7[%parallel_loop3A_339] {strides = array<i32>} : memref<80000xf32, #tpu.memory_space<vmem>>, vector<16xf32>,
        %parallel_loop3A_341 = vector.shape_cast %parallel_loop3A_340 : vector<16xf32> to vector<16xf32>
        %parallel_loop3A_342 = vector.shape_cast %parallel_loop3A_297 : vector<16xf32> to vector<16xf32>
        tpu.vector_store %arg7[%parallel_loop3A_339], %parallel_loop3A_342 {strides = array<i32>} : memref<80000xf32, #tpu.memory_space<vmem>>, vector<16xf32>,
        %parallel_loop3A_343 = arith.constant 80 : i32
        %parallel_loop3A_344 = arith.addi %parallel_loop3A_272, %parallel_loop3A_343 : i32
        %parallel_loop3A_345 = arith.index_cast %parallel_loop3A_344 : i32 to index
        %parallel_loop3A_346 = tpu.vector_load %arg7[%parallel_loop3A_345] {strides = array<i32>} : memref<80000xf32, #tpu.memory_space<vmem>>, vector<16xf32>,
        %parallel_loop3A_347 = vector.shape_cast %parallel_loop3A_346 : vector<16xf32> to vector<16xf32>
        %parallel_loop3A_348 = vector.shape_cast %parallel_loop3A_302 : vector<16xf32> to vector<16xf32>
        tpu.vector_store %arg7[%parallel_loop3A_345], %parallel_loop3A_348 {strides = array<i32>} : memref<80000xf32, #tpu.memory_space<vmem>>, vector<16xf32>,
        %parallel_loop3A_349 = arith.constant 96 : i32
        %parallel_loop3A_350 = arith.addi %parallel_loop3A_272, %parallel_loop3A_349 : i32
        %parallel_loop3A_351 = arith.index_cast %parallel_loop3A_350 : i32 to index
        %parallel_loop3A_352 = tpu.vector_load %arg7[%parallel_loop3A_351] {strides = array<i32>} : memref<80000xf32, #tpu.memory_space<vmem>>, vector<16xf32>,
        %parallel_loop3A_353 = vector.shape_cast %parallel_loop3A_352 : vector<16xf32> to vector<16xf32>
        %parallel_loop3A_354 = vector.shape_cast %parallel_loop3A_307 : vector<16xf32> to vector<16xf32>
        tpu.vector_store %arg7[%parallel_loop3A_351], %parallel_loop3A_354 {strides = array<i32>} : memref<80000xf32, #tpu.memory_space<vmem>>, vector<16xf32>,
        %parallel_loop3A_355 = arith.constant 112 : i32
        %parallel_loop3A_356 = arith.addi %parallel_loop3A_272, %parallel_loop3A_355 : i32
        %parallel_loop3A_357 = arith.index_cast %parallel_loop3A_356 : i32 to index
        %parallel_loop3A_358 = tpu.vector_load %arg7[%parallel_loop3A_357] {strides = array<i32>} : memref<80000xf32, #tpu.memory_space<vmem>>, vector<16xf32>,
        %parallel_loop3A_359 = vector.shape_cast %parallel_loop3A_358 : vector<16xf32> to vector<16xf32>
        %parallel_loop3A_360 = vector.shape_cast %parallel_loop3A_312 : vector<16xf32> to vector<16xf32>
        tpu.vector_store %arg7[%parallel_loop3A_357], %parallel_loop3A_360 {strides = array<i32>} : memref<80000xf32, #tpu.memory_space<vmem>>, vector<16xf32>,
        %parallel_loop3A_361 = vector.extract_strided_slice %parallel_loop3A_166 {offsets = [2], sizes = [1], strides = [1]} : vector<16xi32> to vector<1xi32>
        %parallel_loop3A_362 = vector.extract %parallel_loop3A_361[0] : i32 from vector<1xi32>
        %parallel_loop3A_363 = arith.constant 128 : i32
        %parallel_loop3A_364 = arith.muli %parallel_loop3A_362, %parallel_loop3A_363 : i32
        %parallel_loop3A_365 = arith.constant 128 : i32
        %parallel_loop3A_366 = arith.muli %parallel_loop3A_159, %parallel_loop3A_365 : i32
        %parallel_loop3A_367 = arith.addi %mul3A_108, %parallel_loop3A_366 : i32
        %parallel_loop3A_368 = arith.constant 256 : i32
        %parallel_loop3A_369 = arith.addi %parallel_loop3A_367, %parallel_loop3A_368 : i32
        %parallel_loop3A_370 = arith.constant 0 : i32
        %parallel_loop3A_371 = arith.addi %parallel_loop3A_364, %parallel_loop3A_370 : i32
        %parallel_loop3A_372 = arith.index_cast %parallel_loop3A_371 : i32 to index
        %parallel_loop3A_373 = tpu.vector_load %arg5[%parallel_loop3A_372] {strides = array<i32>} : memref<12800xf32, #tpu.memory_space<vmem>>, vector<16xf32>,
        %parallel_loop3A_374 = vector.shape_cast %parallel_loop3A_373 : vector<16xf32> to vector<16xf32>
        %parallel_loop3A_375 = arith.constant 16 : i32
        %parallel_loop3A_376 = arith.addi %parallel_loop3A_364, %parallel_loop3A_375 : i32
        %parallel_loop3A_377 = arith.index_cast %parallel_loop3A_376 : i32 to index
        %parallel_loop3A_378 = tpu.vector_load %arg5[%parallel_loop3A_377] {strides = array<i32>} : memref<12800xf32, #tpu.memory_space<vmem>>, vector<16xf32>,
        %parallel_loop3A_379 = vector.shape_cast %parallel_loop3A_378 : vector<16xf32> to vector<16xf32>
        %parallel_loop3A_380 = arith.constant 32 : i32
        %parallel_loop3A_381 = arith.addi %parallel_loop3A_364, %parallel_loop3A_380 : i32
        %parallel_loop3A_382 = arith.index_cast %parallel_loop3A_381 : i32 to index
        %parallel_loop3A_383 = tpu.vector_load %arg5[%parallel_loop3A_382] {strides = array<i32>} : memref<12800xf32, #tpu.memory_space<vmem>>, vector<16xf32>,
        %parallel_loop3A_384 = vector.shape_cast %parallel_loop3A_383 : vector<16xf32> to vector<16xf32>
        %parallel_loop3A_385 = arith.constant 48 : i32
        %parallel_loop3A_386 = arith.addi %parallel_loop3A_364, %parallel_loop3A_385 : i32
        %parallel_loop3A_387 = arith.index_cast %parallel_loop3A_386 : i32 to index
        %parallel_loop3A_388 = tpu.vector_load %arg5[%parallel_loop3A_387] {strides = array<i32>} : memref<12800xf32, #tpu.memory_space<vmem>>, vector<16xf32>,
        %parallel_loop3A_389 = vector.shape_cast %parallel_loop3A_388 : vector<16xf32> to vector<16xf32>
        %parallel_loop3A_390 = arith.constant 64 : i32
        %parallel_loop3A_391 = arith.addi %parallel_loop3A_364, %parallel_loop3A_390 : i32
        %parallel_loop3A_392 = arith.index_cast %parallel_loop3A_391 : i32 to index
        %parallel_loop3A_393 = tpu.vector_load %arg5[%parallel_loop3A_392] {strides = array<i32>} : memref<12800xf32, #tpu.memory_space<vmem>>, vector<16xf32>,
        %parallel_loop3A_394 = vector.shape_cast %parallel_loop3A_393 : vector<16xf32> to vector<16xf32>
        %parallel_loop3A_395 = arith.constant 80 : i32
        %parallel_loop3A_396 = arith.addi %parallel_loop3A_364, %parallel_loop3A_395 : i32
        %parallel_loop3A_397 = arith.index_cast %parallel_loop3A_396 : i32 to index
        %parallel_loop3A_398 = tpu.vector_load %arg5[%parallel_loop3A_397] {strides = array<i32>} : memref<12800xf32, #tpu.memory_space<vmem>>, vector<16xf32>,
        %parallel_loop3A_399 = vector.shape_cast %parallel_loop3A_398 : vector<16xf32> to vector<16xf32>
        %parallel_loop3A_400 = arith.constant 96 : i32
        %parallel_loop3A_401 = arith.addi %parallel_loop3A_364, %parallel_loop3A_400 : i32
        %parallel_loop3A_402 = arith.index_cast %parallel_loop3A_401 : i32 to index
        %parallel_loop3A_403 = tpu.vector_load %arg5[%parallel_loop3A_402] {strides = array<i32>} : memref<12800xf32, #tpu.memory_space<vmem>>, vector<16xf32>,
        %parallel_loop3A_404 = vector.shape_cast %parallel_loop3A_403 : vector<16xf32> to vector<16xf32>
        %parallel_loop3A_405 = arith.constant 112 : i32
        %parallel_loop3A_406 = arith.addi %parallel_loop3A_364, %parallel_loop3A_405 : i32
        %parallel_loop3A_407 = arith.index_cast %parallel_loop3A_406 : i32 to index
        %parallel_loop3A_408 = tpu.vector_load %arg5[%parallel_loop3A_407] {strides = array<i32>} : memref<12800xf32, #tpu.memory_space<vmem>>, vector<16xf32>,
        %parallel_loop3A_409 = vector.shape_cast %parallel_loop3A_408 : vector<16xf32> to vector<16xf32>
        %parallel_loop3A_410 = arith.constant 0 : i32
        %parallel_loop3A_411 = arith.addi %parallel_loop3A_369, %parallel_loop3A_410 : i32
        %parallel_loop3A_412 = arith.index_cast %parallel_loop3A_411 : i32 to index
        %parallel_loop3A_413 = tpu.vector_load %arg7[%parallel_loop3A_412] {strides = array<i32>} : memref<80000xf32, #tpu.memory_space<vmem>>, vector<16xf32>,
        %parallel_loop3A_414 = vector.shape_cast %parallel_loop3A_413 : vector<16xf32> to vector<16xf32>
        %parallel_loop3A_415 = vector.shape_cast %parallel_loop3A_374 : vector<16xf32> to vector<16xf32>
        tpu.vector_store %arg7[%parallel_loop3A_412], %parallel_loop3A_415 {strides = array<i32>} : memref<80000xf32, #tpu.memory_space<vmem>>, vector<16xf32>,
        %parallel_loop3A_416 = arith.constant 16 : i32
        %parallel_loop3A_417 = arith.addi %parallel_loop3A_369, %parallel_loop3A_416 : i32
        %parallel_loop3A_418 = arith.index_cast %parallel_loop3A_417 : i32 to index
        %parallel_loop3A_419 = tpu.vector_load %arg7[%parallel_loop3A_418] {strides = array<i32>} : memref<80000xf32, #tpu.memory_space<vmem>>, vector<16xf32>,
        %parallel_loop3A_420 = vector.shape_cast %parallel_loop3A_419 : vector<16xf32> to vector<16xf32>
        %parallel_loop3A_421 = vector.shape_cast %parallel_loop3A_379 : vector<16xf32> to vector<16xf32>
        tpu.vector_store %arg7[%parallel_loop3A_418], %parallel_loop3A_421 {strides = array<i32>} : memref<80000xf32, #tpu.memory_space<vmem>>, vector<16xf32>,
        %parallel_loop3A_422 = arith.constant 32 : i32
        %parallel_loop3A_423 = arith.addi %parallel_loop3A_369, %parallel_loop3A_422 : i32
        %parallel_loop3A_424 = arith.index_cast %parallel_loop3A_423 : i32 to index
        %parallel_loop3A_425 = tpu.vector_load %arg7[%parallel_loop3A_424] {strides = array<i32>} : memref<80000xf32, #tpu.memory_space<vmem>>, vector<16xf32>,
        %parallel_loop3A_426 = vector.shape_cast %parallel_loop3A_425 : vector<16xf32> to vector<16xf32>
        %parallel_loop3A_427 = vector.shape_cast %parallel_loop3A_384 : vector<16xf32> to vector<16xf32>
        tpu.vector_store %arg7[%parallel_loop3A_424], %parallel_loop3A_427 {strides = array<i32>} : memref<80000xf32, #tpu.memory_space<vmem>>, vector<16xf32>,
        %parallel_loop3A_428 = arith.constant 48 : i32
        %parallel_loop3A_429 = arith.addi %parallel_loop3A_369, %parallel_loop3A_428 : i32
        %parallel_loop3A_430 = arith.index_cast %parallel_loop3A_429 : i32 to index
        %parallel_loop3A_431 = tpu.vector_load %arg7[%parallel_loop3A_430] {strides = array<i32>} : memref<80000xf32, #tpu.memory_space<vmem>>, vector<16xf32>,
        %parallel_loop3A_432 = vector.shape_cast %parallel_loop3A_431 : vector<16xf32> to vector<16xf32>
        %parallel_loop3A_433 = vector.shape_cast %parallel_loop3A_389 : vector<16xf32> to vector<16xf32>
        tpu.vector_store %arg7[%parallel_loop3A_430], %parallel_loop3A_433 {strides = array<i32>} : memref<80000xf32, #tpu.memory_space<vmem>>, vector<16xf32>,
        %parallel_loop3A_434 = arith.constant 64 : i32
        %parallel_loop3A_435 = arith.addi %parallel_loop3A_369, %parallel_loop3A_434 : i32
        %parallel_loop3A_436 = arith.index_cast %parallel_loop3A_435 : i32 to index
        %parallel_loop3A_437 = tpu.vector_load %arg7[%parallel_loop3A_436] {strides = array<i32>} : memref<80000xf32, #tpu.memory_space<vmem>>, vector<16xf32>,
        %parallel_loop3A_438 = vector.shape_cast %parallel_loop3A_437 : vector<16xf32> to vector<16xf32>
        %parallel_loop3A_439 = vector.shape_cast %parallel_loop3A_394 : vector<16xf32> to vector<16xf32>
        tpu.vector_store %arg7[%parallel_loop3A_436], %parallel_loop3A_439 {strides = array<i32>} : memref<80000xf32, #tpu.memory_space<vmem>>, vector<16xf32>,
        %parallel_loop3A_440 = arith.constant 80 : i32
        %parallel_loop3A_441 = arith.addi %parallel_loop3A_369, %parallel_loop3A_440 : i32
        %parallel_loop3A_442 = arith.index_cast %parallel_loop3A_441 : i32 to index
        %parallel_loop3A_443 = tpu.vector_load %arg7[%parallel_loop3A_442] {strides = array<i32>} : memref<80000xf32, #tpu.memory_space<vmem>>, vector<16xf32>,
        %parallel_loop3A_444 = vector.shape_cast %parallel_loop3A_443 : vector<16xf32> to vector<16xf32>
        %parallel_loop3A_445 = vector.shape_cast %parallel_loop3A_399 : vector<16xf32> to vector<16xf32>
        tpu.vector_store %arg7[%parallel_loop3A_442], %parallel_loop3A_445 {strides = array<i32>} : memref<80000xf32, #tpu.memory_space<vmem>>, vector<16xf32>,
        %parallel_loop3A_446 = arith.constant 96 : i32
        %parallel_loop3A_447 = arith.addi %parallel_loop3A_369, %parallel_loop3A_446 : i32
        %parallel_loop3A_448 = arith.index_cast %parallel_loop3A_447 : i32 to index
        %parallel_loop3A_449 = tpu.vector_load %arg7[%parallel_loop3A_448] {strides = array<i32>} : memref<80000xf32, #tpu.memory_space<vmem>>, vector<16xf32>,
        %parallel_loop3A_450 = vector.shape_cast %parallel_loop3A_449 : vector<16xf32> to vector<16xf32>
        %parallel_loop3A_451 = vector.shape_cast %parallel_loop3A_404 : vector<16xf32> to vector<16xf32>
        tpu.vector_store %arg7[%parallel_loop3A_448], %parallel_loop3A_451 {strides = array<i32>} : memref<80000xf32, #tpu.memory_space<vmem>>, vector<16xf32>,
        %parallel_loop3A_452 = arith.constant 112 : i32
        %parallel_loop3A_453 = arith.addi %parallel_loop3A_369, %parallel_loop3A_452 : i32
        %parallel_loop3A_454 = arith.index_cast %parallel_loop3A_453 : i32 to index
        %parallel_loop3A_455 = tpu.vector_load %arg7[%parallel_loop3A_454] {strides = array<i32>} : memref<80000xf32, #tpu.memory_space<vmem>>, vector<16xf32>,
        %parallel_loop3A_456 = vector.shape_cast %parallel_loop3A_455 : vector<16xf32> to vector<16xf32>
        %parallel_loop3A_457 = vector.shape_cast %parallel_loop3A_409 : vector<16xf32> to vector<16xf32>
        tpu.vector_store %arg7[%parallel_loop3A_454], %parallel_loop3A_457 {strides = array<i32>} : memref<80000xf32, #tpu.memory_space<vmem>>, vector<16xf32>,
        %parallel_loop3A_458 = vector.extract_strided_slice %parallel_loop3A_166 {offsets = [3], sizes = [1], strides = [1]} : vector<16xi32> to vector<1xi32>
        %parallel_loop3A_459 = vector.extract %parallel_loop3A_458[0] : i32 from vector<1xi32>
        %parallel_loop3A_460 = arith.constant 128 : i32
        %parallel_loop3A_461 = arith.muli %parallel_loop3A_459, %parallel_loop3A_460 : i32
        %parallel_loop3A_462 = arith.constant 128 : i32
        %parallel_loop3A_463 = arith.muli %parallel_loop3A_159, %parallel_loop3A_462 : i32
        %parallel_loop3A_464 = arith.addi %mul3A_108, %parallel_loop3A_463 : i32
        %parallel_loop3A_465 = arith.constant 384 : i32
        %parallel_loop3A_466 = arith.addi %parallel_loop3A_464, %parallel_loop3A_465 : i32
        %parallel_loop3A_467 = arith.constant 0 : i32
        %parallel_loop3A_468 = arith.addi %parallel_loop3A_461, %parallel_loop3A_467 : i32
        %parallel_loop3A_469 = arith.index_cast %parallel_loop3A_468 : i32 to index
        %parallel_loop3A_470 = tpu.vector_load %arg5[%parallel_loop3A_469] {strides = array<i32>} : memref<12800xf32, #tpu.memory_space<vmem>>, vector<16xf32>,
        %parallel_loop3A_471 = vector.shape_cast %parallel_loop3A_470 : vector<16xf32> to vector<16xf32>
        %parallel_loop3A_472 = arith.constant 16 : i32
        %parallel_loop3A_473 = arith.addi %parallel_loop3A_461, %parallel_loop3A_472 : i32
        %parallel_loop3A_474 = arith.index_cast %parallel_loop3A_473 : i32 to index
        %parallel_loop3A_475 = tpu.vector_load %arg5[%parallel_loop3A_474] {strides = array<i32>} : memref<12800xf32, #tpu.memory_space<vmem>>, vector<16xf32>,
        %parallel_loop3A_476 = vector.shape_cast %parallel_loop3A_475 : vector<16xf32> to vector<16xf32>
        %parallel_loop3A_477 = arith.constant 32 : i32
        %parallel_loop3A_478 = arith.addi %parallel_loop3A_461, %parallel_loop3A_477 : i32
        %parallel_loop3A_479 = arith.index_cast %parallel_loop3A_478 : i32 to index
        %parallel_loop3A_480 = tpu.vector_load %arg5[%parallel_loop3A_479] {strides = array<i32>} : memref<12800xf32, #tpu.memory_space<vmem>>, vector<16xf32>,
        %parallel_loop3A_481 = vector.shape_cast %parallel_loop3A_480 : vector<16xf32> to vector<16xf32>
        %parallel_loop3A_482 = arith.constant 48 : i32
        %parallel_loop3A_483 = arith.addi %parallel_loop3A_461, %parallel_loop3A_482 : i32
        %parallel_loop3A_484 = arith.index_cast %parallel_loop3A_483 : i32 to index
        %parallel_loop3A_485 = tpu.vector_load %arg5[%parallel_loop3A_484] {strides = array<i32>} : memref<12800xf32, #tpu.memory_space<vmem>>, vector<16xf32>,
        %parallel_loop3A_486 = vector.shape_cast %parallel_loop3A_485 : vector<16xf32> to vector<16xf32>
        %parallel_loop3A_487 = arith.constant 64 : i32
        %parallel_loop3A_488 = arith.addi %parallel_loop3A_461, %parallel_loop3A_487 : i32
        %parallel_loop3A_489 = arith.index_cast %parallel_loop3A_488 : i32 to index
        %parallel_loop3A_490 = tpu.vector_load %arg5[%parallel_loop3A_489] {strides = array<i32>} : memref<12800xf32, #tpu.memory_space<vmem>>, vector<16xf32>,
        %parallel_loop3A_491 = vector.shape_cast %parallel_loop3A_490 : vector<16xf32> to vector<16xf32>
        %parallel_loop3A_492 = arith.constant 80 : i32
        %parallel_loop3A_493 = arith.addi %parallel_loop3A_461, %parallel_loop3A_492 : i32
        %parallel_loop3A_494 = arith.index_cast %parallel_loop3A_493 : i32 to index
        %parallel_loop3A_495 = tpu.vector_load %arg5[%parallel_loop3A_494] {strides = array<i32>} : memref<12800xf32, #tpu.memory_space<vmem>>, vector<16xf32>,
        %parallel_loop3A_496 = vector.shape_cast %parallel_loop3A_495 : vector<16xf32> to vector<16xf32>
        %parallel_loop3A_497 = arith.constant 96 : i32
        %parallel_loop3A_498 = arith.addi %parallel_loop3A_461, %parallel_loop3A_497 : i32
        %parallel_loop3A_499 = arith.index_cast %parallel_loop3A_498 : i32 to index
        %parallel_loop3A_500 = tpu.vector_load %arg5[%parallel_loop3A_499] {strides = array<i32>} : memref<12800xf32, #tpu.memory_space<vmem>>, vector<16xf32>,
        %parallel_loop3A_501 = vector.shape_cast %parallel_loop3A_500 : vector<16xf32> to vector<16xf32>
        %parallel_loop3A_502 = arith.constant 112 : i32
        %parallel_loop3A_503 = arith.addi %parallel_loop3A_461, %parallel_loop3A_502 : i32
        %parallel_loop3A_504 = arith.index_cast %parallel_loop3A_503 : i32 to index
        %parallel_loop3A_505 = tpu.vector_load %arg5[%parallel_loop3A_504] {strides = array<i32>} : memref<12800xf32, #tpu.memory_space<vmem>>, vector<16xf32>,
        %parallel_loop3A_506 = vector.shape_cast %parallel_loop3A_505 : vector<16xf32> to vector<16xf32>
        %parallel_loop3A_507 = arith.constant 0 : i32
        %parallel_loop3A_508 = arith.addi %parallel_loop3A_466, %parallel_loop3A_507 : i32
        %parallel_loop3A_509 = arith.index_cast %parallel_loop3A_508 : i32 to index
        %parallel_loop3A_510 = tpu.vector_load %arg7[%parallel_loop3A_509] {strides = array<i32>} : memref<80000xf32, #tpu.memory_space<vmem>>, vector<16xf32>,
        %parallel_loop3A_511 = vector.shape_cast %parallel_loop3A_510 : vector<16xf32> to vector<16xf32>
        %parallel_loop3A_512 = vector.shape_cast %parallel_loop3A_471 : vector<16xf32> to vector<16xf32>
        tpu.vector_store %arg7[%parallel_loop3A_509], %parallel_loop3A_512 {strides = array<i32>} : memref<80000xf32, #tpu.memory_space<vmem>>, vector<16xf32>,
        %parallel_loop3A_513 = arith.constant 16 : i32
        %parallel_loop3A_514 = arith.addi %parallel_loop3A_466, %parallel_loop3A_513 : i32
        %parallel_loop3A_515 = arith.index_cast %parallel_loop3A_514 : i32 to index
        %parallel_loop3A_516 = tpu.vector_load %arg7[%parallel_loop3A_515] {strides = array<i32>} : memref<80000xf32, #tpu.memory_space<vmem>>, vector<16xf32>,
        %parallel_loop3A_517 = vector.shape_cast %parallel_loop3A_516 : vector<16xf32> to vector<16xf32>
        %parallel_loop3A_518 = vector.shape_cast %parallel_loop3A_476 : vector<16xf32> to vector<16xf32>
        tpu.vector_store %arg7[%parallel_loop3A_515], %parallel_loop3A_518 {strides = array<i32>} : memref<80000xf32, #tpu.memory_space<vmem>>, vector<16xf32>,
        %parallel_loop3A_519 = arith.constant 32 : i32
        %parallel_loop3A_520 = arith.addi %parallel_loop3A_466, %parallel_loop3A_519 : i32
        %parallel_loop3A_521 = arith.index_cast %parallel_loop3A_520 : i32 to index
        %parallel_loop3A_522 = tpu.vector_load %arg7[%parallel_loop3A_521] {strides = array<i32>} : memref<80000xf32, #tpu.memory_space<vmem>>, vector<16xf32>,
        %parallel_loop3A_523 = vector.shape_cast %parallel_loop3A_522 : vector<16xf32> to vector<16xf32>
        %parallel_loop3A_524 = vector.shape_cast %parallel_loop3A_481 : vector<16xf32> to vector<16xf32>
        tpu.vector_store %arg7[%parallel_loop3A_521], %parallel_loop3A_524 {strides = array<i32>} : memref<80000xf32, #tpu.memory_space<vmem>>, vector<16xf32>,
        %parallel_loop3A_525 = arith.constant 48 : i32
        %parallel_loop3A_526 = arith.addi %parallel_loop3A_466, %parallel_loop3A_525 : i32
        %parallel_loop3A_527 = arith.index_cast %parallel_loop3A_526 : i32 to index
        %parallel_loop3A_528 = tpu.vector_load %arg7[%parallel_loop3A_527] {strides = array<i32>} : memref<80000xf32, #tpu.memory_space<vmem>>, vector<16xf32>,
        %parallel_loop3A_529 = vector.shape_cast %parallel_loop3A_528 : vector<16xf32> to vector<16xf32>
        %parallel_loop3A_530 = vector.shape_cast %parallel_loop3A_486 : vector<16xf32> to vector<16xf32>
        tpu.vector_store %arg7[%parallel_loop3A_527], %parallel_loop3A_530 {strides = array<i32>} : memref<80000xf32, #tpu.memory_space<vmem>>, vector<16xf32>,
        %parallel_loop3A_531 = arith.constant 64 : i32
        %parallel_loop3A_532 = arith.addi %parallel_loop3A_466, %parallel_loop3A_531 : i32
        %parallel_loop3A_533 = arith.index_cast %parallel_loop3A_532 : i32 to index
        %parallel_loop3A_534 = tpu.vector_load %arg7[%parallel_loop3A_533] {strides = array<i32>} : memref<80000xf32, #tpu.memory_space<vmem>>, vector<16xf32>,
        %parallel_loop3A_535 = vector.shape_cast %parallel_loop3A_534 : vector<16xf32> to vector<16xf32>
        %parallel_loop3A_536 = vector.shape_cast %parallel_loop3A_491 : vector<16xf32> to vector<16xf32>
        tpu.vector_store %arg7[%parallel_loop3A_533], %parallel_loop3A_536 {strides = array<i32>} : memref<80000xf32, #tpu.memory_space<vmem>>, vector<16xf32>,
        %parallel_loop3A_537 = arith.constant 80 : i32
        %parallel_loop3A_538 = arith.addi %parallel_loop3A_466, %parallel_loop3A_537 : i32
        %parallel_loop3A_539 = arith.index_cast %parallel_loop3A_538 : i32 to index
        %parallel_loop3A_540 = tpu.vector_load %arg7[%parallel_loop3A_539] {strides = array<i32>} : memref<80000xf32, #tpu.memory_space<vmem>>, vector<16xf32>,
        %parallel_loop3A_541 = vector.shape_cast %parallel_loop3A_540 : vector<16xf32> to vector<16xf32>
        %parallel_loop3A_542 = vector.shape_cast %parallel_loop3A_496 : vector<16xf32> to vector<16xf32>
        tpu.vector_store %arg7[%parallel_loop3A_539], %parallel_loop3A_542 {strides = array<i32>} : memref<80000xf32, #tpu.memory_space<vmem>>, vector<16xf32>,
        %parallel_loop3A_543 = arith.constant 96 : i32
        %parallel_loop3A_544 = arith.addi %parallel_loop3A_466, %parallel_loop3A_543 : i32
        %parallel_loop3A_545 = arith.index_cast %parallel_loop3A_544 : i32 to index
        %parallel_loop3A_546 = tpu.vector_load %arg7[%parallel_loop3A_545] {strides = array<i32>} : memref<80000xf32, #tpu.memory_space<vmem>>, vector<16xf32>,
        %parallel_loop3A_547 = vector.shape_cast %parallel_loop3A_546 : vector<16xf32> to vector<16xf32>
        %parallel_loop3A_548 = vector.shape_cast %parallel_loop3A_501 : vector<16xf32> to vector<16xf32>
        tpu.vector_store %arg7[%parallel_loop3A_545], %parallel_loop3A_548 {strides = array<i32>} : memref<80000xf32, #tpu.memory_space<vmem>>, vector<16xf32>,
        %parallel_loop3A_549 = arith.constant 112 : i32
        %parallel_loop3A_550 = arith.addi %parallel_loop3A_466, %parallel_loop3A_549 : i32
        %parallel_loop3A_551 = arith.index_cast %parallel_loop3A_550 : i32 to index
        %parallel_loop3A_552 = tpu.vector_load %arg7[%parallel_loop3A_551] {strides = array<i32>} : memref<80000xf32, #tpu.memory_space<vmem>>, vector<16xf32>,
        %parallel_loop3A_553 = vector.shape_cast %parallel_loop3A_552 : vector<16xf32> to vector<16xf32>
        %parallel_loop3A_554 = vector.shape_cast %parallel_loop3A_506 : vector<16xf32> to vector<16xf32>
        tpu.vector_store %arg7[%parallel_loop3A_551], %parallel_loop3A_554 {strides = array<i32>} : memref<80000xf32, #tpu.memory_space<vmem>>, vector<16xf32>,
        %parallel_loop3A_555 = vector.extract_strided_slice %parallel_loop3A_166 {offsets = [4], sizes = [1], strides = [1]} : vector<16xi32> to vector<1xi32>
        %parallel_loop3A_556 = vector.extract %parallel_loop3A_555[0] : i32 from vector<1xi32>
        %parallel_loop3A_557 = arith.constant 128 : i32
        %parallel_loop3A_558 = arith.muli %parallel_loop3A_556, %parallel_loop3A_557 : i32
        %parallel_loop3A_559 = arith.constant 128 : i32
        %parallel_loop3A_560 = arith.muli %parallel_loop3A_159, %parallel_loop3A_559 : i32
        %parallel_loop3A_561 = arith.addi %mul3A_108, %parallel_loop3A_560 : i32
        %parallel_loop3A_562 = arith.constant 512 : i32
        %parallel_loop3A_563 = arith.addi %parallel_loop3A_561, %parallel_loop3A_562 : i32
        %parallel_loop3A_564 = arith.constant 0 : i32
        %parallel_loop3A_565 = arith.addi %parallel_loop3A_558, %parallel_loop3A_564 : i32
        %parallel_loop3A_566 = arith.index_cast %parallel_loop3A_565 : i32 to index
        %parallel_loop3A_567 = tpu.vector_load %arg5[%parallel_loop3A_566] {strides = array<i32>} : memref<12800xf32, #tpu.memory_space<vmem>>, vector<16xf32>,
        %parallel_loop3A_568 = vector.shape_cast %parallel_loop3A_567 : vector<16xf32> to vector<16xf32>
        %parallel_loop3A_569 = arith.constant 16 : i32
        %parallel_loop3A_570 = arith.addi %parallel_loop3A_558, %parallel_loop3A_569 : i32
        %parallel_loop3A_571 = arith.index_cast %parallel_loop3A_570 : i32 to index
        %parallel_loop3A_572 = tpu.vector_load %arg5[%parallel_loop3A_571] {strides = array<i32>} : memref<12800xf32, #tpu.memory_space<vmem>>, vector<16xf32>,
        %parallel_loop3A_573 = vector.shape_cast %parallel_loop3A_572 : vector<16xf32> to vector<16xf32>
        %parallel_loop3A_574 = arith.constant 32 : i32
        %parallel_loop3A_575 = arith.addi %parallel_loop3A_558, %parallel_loop3A_574 : i32
        %parallel_loop3A_576 = arith.index_cast %parallel_loop3A_575 : i32 to index
        %parallel_loop3A_577 = tpu.vector_load %arg5[%parallel_loop3A_576] {strides = array<i32>} : memref<12800xf32, #tpu.memory_space<vmem>>, vector<16xf32>,
        %parallel_loop3A_578 = vector.shape_cast %parallel_loop3A_577 : vector<16xf32> to vector<16xf32>
        %parallel_loop3A_579 = arith.constant 48 : i32
        %parallel_loop3A_580 = arith.addi %parallel_loop3A_558, %parallel_loop3A_579 : i32
        %parallel_loop3A_581 = arith.index_cast %parallel_loop3A_580 : i32 to index
        %parallel_loop3A_582 = tpu.vector_load %arg5[%parallel_loop3A_581] {strides = array<i32>} : memref<12800xf32, #tpu.memory_space<vmem>>, vector<16xf32>,
        %parallel_loop3A_583 = vector.shape_cast %parallel_loop3A_582 : vector<16xf32> to vector<16xf32>
        %parallel_loop3A_584 = arith.constant 64 : i32
        %parallel_loop3A_585 = arith.addi %parallel_loop3A_558, %parallel_loop3A_584 : i32
        %parallel_loop3A_586 = arith.index_cast %parallel_loop3A_585 : i32 to index
        %parallel_loop3A_587 = tpu.vector_load %arg5[%parallel_loop3A_586] {strides = array<i32>} : memref<12800xf32, #tpu.memory_space<vmem>>, vector<16xf32>,
        %parallel_loop3A_588 = vector.shape_cast %parallel_loop3A_587 : vector<16xf32> to vector<16xf32>
        %parallel_loop3A_589 = arith.constant 80 : i32
        %parallel_loop3A_590 = arith.addi %parallel_loop3A_558, %parallel_loop3A_589 : i32
        %parallel_loop3A_591 = arith.index_cast %parallel_loop3A_590 : i32 to index
        %parallel_loop3A_592 = tpu.vector_load %arg5[%parallel_loop3A_591] {strides = array<i32>} : memref<12800xf32, #tpu.memory_space<vmem>>, vector<16xf32>,
        %parallel_loop3A_593 = vector.shape_cast %parallel_loop3A_592 : vector<16xf32> to vector<16xf32>
        %parallel_loop3A_594 = arith.constant 96 : i32
        %parallel_loop3A_595 = arith.addi %parallel_loop3A_558, %parallel_loop3A_594 : i32
        %parallel_loop3A_596 = arith.index_cast %parallel_loop3A_595 : i32 to index
        %parallel_loop3A_597 = tpu.vector_load %arg5[%parallel_loop3A_596] {strides = array<i32>} : memref<12800xf32, #tpu.memory_space<vmem>>, vector<16xf32>,
        %parallel_loop3A_598 = vector.shape_cast %parallel_loop3A_597 : vector<16xf32> to vector<16xf32>
        %parallel_loop3A_599 = arith.constant 112 : i32
        %parallel_loop3A_600 = arith.addi %parallel_loop3A_558, %parallel_loop3A_599 : i32
        %parallel_loop3A_601 = arith.index_cast %parallel_loop3A_600 : i32 to index
        %parallel_loop3A_602 = tpu.vector_load %arg5[%parallel_loop3A_601] {strides = array<i32>} : memref<12800xf32, #tpu.memory_space<vmem>>, vector<16xf32>,
        %parallel_loop3A_603 = vector.shape_cast %parallel_loop3A_602 : vector<16xf32> to vector<16xf32>
        %parallel_loop3A_604 = arith.constant 0 : i32
        %parallel_loop3A_605 = arith.addi %parallel_loop3A_563, %parallel_loop3A_604 : i32
        %parallel_loop3A_606 = arith.index_cast %parallel_loop3A_605 : i32 to index
        %parallel_loop3A_607 = tpu.vector_load %arg7[%parallel_loop3A_606] {strides = array<i32>} : memref<80000xf32, #tpu.memory_space<vmem>>, vector<16xf32>,
        %parallel_loop3A_608 = vector.shape_cast %parallel_loop3A_607 : vector<16xf32> to vector<16xf32>
        %parallel_loop3A_609 = vector.shape_cast %parallel_loop3A_568 : vector<16xf32> to vector<16xf32>
        tpu.vector_store %arg7[%parallel_loop3A_606], %parallel_loop3A_609 {strides = array<i32>} : memref<80000xf32, #tpu.memory_space<vmem>>, vector<16xf32>,
        %parallel_loop3A_610 = arith.constant 16 : i32
        %parallel_loop3A_611 = arith.addi %parallel_loop3A_563, %parallel_loop3A_610 : i32
        %parallel_loop3A_612 = arith.index_cast %parallel_loop3A_611 : i32 to index
        %parallel_loop3A_613 = tpu.vector_load %arg7[%parallel_loop3A_612] {strides = array<i32>} : memref<80000xf32, #tpu.memory_space<vmem>>, vector<16xf32>,
        %parallel_loop3A_614 = vector.shape_cast %parallel_loop3A_613 : vector<16xf32> to vector<16xf32>
        %parallel_loop3A_615 = vector.shape_cast %parallel_loop3A_573 : vector<16xf32> to vector<16xf32>
        tpu.vector_store %arg7[%parallel_loop3A_612], %parallel_loop3A_615 {strides = array<i32>} : memref<80000xf32, #tpu.memory_space<vmem>>, vector<16xf32>,
        %parallel_loop3A_616 = arith.constant 32 : i32
        %parallel_loop3A_617 = arith.addi %parallel_loop3A_563, %parallel_loop3A_616 : i32
        %parallel_loop3A_618 = arith.index_cast %parallel_loop3A_617 : i32 to index
        %parallel_loop3A_619 = tpu.vector_load %arg7[%parallel_loop3A_618] {strides = array<i32>} : memref<80000xf32, #tpu.memory_space<vmem>>, vector<16xf32>,
        %parallel_loop3A_620 = vector.shape_cast %parallel_loop3A_619 : vector<16xf32> to vector<16xf32>
        %parallel_loop3A_621 = vector.shape_cast %parallel_loop3A_578 : vector<16xf32> to vector<16xf32>
        tpu.vector_store %arg7[%parallel_loop3A_618], %parallel_loop3A_621 {strides = array<i32>} : memref<80000xf32, #tpu.memory_space<vmem>>, vector<16xf32>,
        %parallel_loop3A_622 = arith.constant 48 : i32
        %parallel_loop3A_623 = arith.addi %parallel_loop3A_563, %parallel_loop3A_622 : i32
        %parallel_loop3A_624 = arith.index_cast %parallel_loop3A_623 : i32 to index
        %parallel_loop3A_625 = tpu.vector_load %arg7[%parallel_loop3A_624] {strides = array<i32>} : memref<80000xf32, #tpu.memory_space<vmem>>, vector<16xf32>,
        %parallel_loop3A_626 = vector.shape_cast %parallel_loop3A_625 : vector<16xf32> to vector<16xf32>
        %parallel_loop3A_627 = vector.shape_cast %parallel_loop3A_583 : vector<16xf32> to vector<16xf32>
        tpu.vector_store %arg7[%parallel_loop3A_624], %parallel_loop3A_627 {strides = array<i32>} : memref<80000xf32, #tpu.memory_space<vmem>>, vector<16xf32>,
        %parallel_loop3A_628 = arith.constant 64 : i32
        %parallel_loop3A_629 = arith.addi %parallel_loop3A_563, %parallel_loop3A_628 : i32
        %parallel_loop3A_630 = arith.index_cast %parallel_loop3A_629 : i32 to index
        %parallel_loop3A_631 = tpu.vector_load %arg7[%parallel_loop3A_630] {strides = array<i32>} : memref<80000xf32, #tpu.memory_space<vmem>>, vector<16xf32>,
        %parallel_loop3A_632 = vector.shape_cast %parallel_loop3A_631 : vector<16xf32> to vector<16xf32>
        %parallel_loop3A_633 = vector.shape_cast %parallel_loop3A_588 : vector<16xf32> to vector<16xf32>
        tpu.vector_store %arg7[%parallel_loop3A_630], %parallel_loop3A_633 {strides = array<i32>} : memref<80000xf32, #tpu.memory_space<vmem>>, vector<16xf32>,
        %parallel_loop3A_634 = arith.constant 80 : i32
        %parallel_loop3A_635 = arith.addi %parallel_loop3A_563, %parallel_loop3A_634 : i32
        %parallel_loop3A_636 = arith.index_cast %parallel_loop3A_635 : i32 to index
        %parallel_loop3A_637 = tpu.vector_load %arg7[%parallel_loop3A_636] {strides = array<i32>} : memref<80000xf32, #tpu.memory_space<vmem>>, vector<16xf32>,
        %parallel_loop3A_638 = vector.shape_cast %parallel_loop3A_637 : vector<16xf32> to vector<16xf32>
        %parallel_loop3A_639 = vector.shape_cast %parallel_loop3A_593 : vector<16xf32> to vector<16xf32>
        tpu.vector_store %arg7[%parallel_loop3A_636], %parallel_loop3A_639 {strides = array<i32>} : memref<80000xf32, #tpu.memory_space<vmem>>, vector<16xf32>,
        %parallel_loop3A_640 = arith.constant 96 : i32
        %parallel_loop3A_641 = arith.addi %parallel_loop3A_563, %parallel_loop3A_640 : i32
        %parallel_loop3A_642 = arith.index_cast %parallel_loop3A_641 : i32 to index
        %parallel_loop3A_643 = tpu.vector_load %arg7[%parallel_loop3A_642] {strides = array<i32>} : memref<80000xf32, #tpu.memory_space<vmem>>, vector<16xf32>,
        %parallel_loop3A_644 = vector.shape_cast %parallel_loop3A_643 : vector<16xf32> to vector<16xf32>
        %parallel_loop3A_645 = vector.shape_cast %parallel_loop3A_598 : vector<16xf32> to vector<16xf32>
        tpu.vector_store %arg7[%parallel_loop3A_642], %parallel_loop3A_645 {strides = array<i32>} : memref<80000xf32, #tpu.memory_space<vmem>>, vector<16xf32>,
        %parallel_loop3A_646 = arith.constant 112 : i32
        %parallel_loop3A_647 = arith.addi %parallel_loop3A_563, %parallel_loop3A_646 : i32
        %parallel_loop3A_648 = arith.index_cast %parallel_loop3A_647 : i32 to index
        %parallel_loop3A_649 = tpu.vector_load %arg7[%parallel_loop3A_648] {strides = array<i32>} : memref<80000xf32, #tpu.memory_space<vmem>>, vector<16xf32>,
        %parallel_loop3A_650 = vector.shape_cast %parallel_loop3A_649 : vector<16xf32> to vector<16xf32>
        %parallel_loop3A_651 = vector.shape_cast %parallel_loop3A_603 : vector<16xf32> to vector<16xf32>
        tpu.vector_store %arg7[%parallel_loop3A_648], %parallel_loop3A_651 {strides = array<i32>} : memref<80000xf32, #tpu.memory_space<vmem>>, vector<16xf32>,
        %parallel_loop3A_652 = vector.extract_strided_slice %parallel_loop3A_166 {offsets = [5], sizes = [1], strides = [1]} : vector<16xi32> to vector<1xi32>
        %parallel_loop3A_653 = vector.extract %parallel_loop3A_652[0] : i32 from vector<1xi32>
        %parallel_loop3A_654 = arith.constant 128 : i32
        %parallel_loop3A_655 = arith.muli %parallel_loop3A_653, %parallel_loop3A_654 : i32
        %parallel_loop3A_656 = arith.constant 128 : i32
        %parallel_loop3A_657 = arith.muli %parallel_loop3A_159, %parallel_loop3A_656 : i32
        %parallel_loop3A_658 = arith.addi %mul3A_108, %parallel_loop3A_657 : i32
        %parallel_loop3A_659 = arith.constant 640 : i32
        %parallel_loop3A_660 = arith.addi %parallel_loop3A_658, %parallel_loop3A_659 : i32
        %parallel_loop3A_661 = arith.constant 0 : i32
        %parallel_loop3A_662 = arith.addi %parallel_loop3A_655, %parallel_loop3A_661 : i32
        %parallel_loop3A_663 = arith.index_cast %parallel_loop3A_662 : i32 to index
        %parallel_loop3A_664 = tpu.vector_load %arg5[%parallel_loop3A_663] {strides = array<i32>} : memref<12800xf32, #tpu.memory_space<vmem>>, vector<16xf32>,
        %parallel_loop3A_665 = vector.shape_cast %parallel_loop3A_664 : vector<16xf32> to vector<16xf32>
        %parallel_loop3A_666 = arith.constant 16 : i32
        %parallel_loop3A_667 = arith.addi %parallel_loop3A_655, %parallel_loop3A_666 : i32
        %parallel_loop3A_668 = arith.index_cast %parallel_loop3A_667 : i32 to index
        %parallel_loop3A_669 = tpu.vector_load %arg5[%parallel_loop3A_668] {strides = array<i32>} : memref<12800xf32, #tpu.memory_space<vmem>>, vector<16xf32>,
        %parallel_loop3A_670 = vector.shape_cast %parallel_loop3A_669 : vector<16xf32> to vector<16xf32>
        %parallel_loop3A_671 = arith.constant 32 : i32
        %parallel_loop3A_672 = arith.addi %parallel_loop3A_655, %parallel_loop3A_671 : i32
        %parallel_loop3A_673 = arith.index_cast %parallel_loop3A_672 : i32 to index
        %parallel_loop3A_674 = tpu.vector_load %arg5[%parallel_loop3A_673] {strides = array<i32>} : memref<12800xf32, #tpu.memory_space<vmem>>, vector<16xf32>,
        %parallel_loop3A_675 = vector.shape_cast %parallel_loop3A_674 : vector<16xf32> to vector<16xf32>
        %parallel_loop3A_676 = arith.constant 48 : i32
        %parallel_loop3A_677 = arith.addi %parallel_loop3A_655, %parallel_loop3A_676 : i32
        %parallel_loop3A_678 = arith.index_cast %parallel_loop3A_677 : i32 to index
        %parallel_loop3A_679 = tpu.vector_load %arg5[%parallel_loop3A_678] {strides = array<i32>} : memref<12800xf32, #tpu.memory_space<vmem>>, vector<16xf32>,
        %parallel_loop3A_680 = vector.shape_cast %parallel_loop3A_679 : vector<16xf32> to vector<16xf32>
        %parallel_loop3A_681 = arith.constant 64 : i32
        %parallel_loop3A_682 = arith.addi %parallel_loop3A_655, %parallel_loop3A_681 : i32
        %parallel_loop3A_683 = arith.index_cast %parallel_loop3A_682 : i32 to index
        %parallel_loop3A_684 = tpu.vector_load %arg5[%parallel_loop3A_683] {strides = array<i32>} : memref<12800xf32, #tpu.memory_space<vmem>>, vector<16xf32>,
        %parallel_loop3A_685 = vector.shape_cast %parallel_loop3A_684 : vector<16xf32> to vector<16xf32>
        %parallel_loop3A_686 = arith.constant 80 : i32
        %parallel_loop3A_687 = arith.addi %parallel_loop3A_655, %parallel_loop3A_686 : i32
        %parallel_loop3A_688 = arith.index_cast %parallel_loop3A_687 : i32 to index
        %parallel_loop3A_689 = tpu.vector_load %arg5[%parallel_loop3A_688] {strides = array<i32>} : memref<12800xf32, #tpu.memory_space<vmem>>, vector<16xf32>,
        %parallel_loop3A_690 = vector.shape_cast %parallel_loop3A_689 : vector<16xf32> to vector<16xf32>
        %parallel_loop3A_691 = arith.constant 96 : i32
        %parallel_loop3A_692 = arith.addi %parallel_loop3A_655, %parallel_loop3A_691 : i32
        %parallel_loop3A_693 = arith.index_cast %parallel_loop3A_692 : i32 to index
        %parallel_loop3A_694 = tpu.vector_load %arg5[%parallel_loop3A_693] {strides = array<i32>} : memref<12800xf32, #tpu.memory_space<vmem>>, vector<16xf32>,
        %parallel_loop3A_695 = vector.shape_cast %parallel_loop3A_694 : vector<16xf32> to vector<16xf32>
        %parallel_loop3A_696 = arith.constant 112 : i32
        %parallel_loop3A_697 = arith.addi %parallel_loop3A_655, %parallel_loop3A_696 : i32
        %parallel_loop3A_698 = arith.index_cast %parallel_loop3A_697 : i32 to index
        %parallel_loop3A_699 = tpu.vector_load %arg5[%parallel_loop3A_698] {strides = array<i32>} : memref<12800xf32, #tpu.memory_space<vmem>>, vector<16xf32>,
        %parallel_loop3A_700 = vector.shape_cast %parallel_loop3A_699 : vector<16xf32> to vector<16xf32>
        %parallel_loop3A_701 = arith.constant 0 : i32
        %parallel_loop3A_702 = arith.addi %parallel_loop3A_660, %parallel_loop3A_701 : i32
        %parallel_loop3A_703 = arith.index_cast %parallel_loop3A_702 : i32 to index
        %parallel_loop3A_704 = tpu.vector_load %arg7[%parallel_loop3A_703] {strides = array<i32>} : memref<80000xf32, #tpu.memory_space<vmem>>, vector<16xf32>,
        %parallel_loop3A_705 = vector.shape_cast %parallel_loop3A_704 : vector<16xf32> to vector<16xf32>
        %parallel_loop3A_706 = vector.shape_cast %parallel_loop3A_665 : vector<16xf32> to vector<16xf32>
        tpu.vector_store %arg7[%parallel_loop3A_703], %parallel_loop3A_706 {strides = array<i32>} : memref<80000xf32, #tpu.memory_space<vmem>>, vector<16xf32>,
        %parallel_loop3A_707 = arith.constant 16 : i32
        %parallel_loop3A_708 = arith.addi %parallel_loop3A_660, %parallel_loop3A_707 : i32
        %parallel_loop3A_709 = arith.index_cast %parallel_loop3A_708 : i32 to index
        %parallel_loop3A_710 = tpu.vector_load %arg7[%parallel_loop3A_709] {strides = array<i32>} : memref<80000xf32, #tpu.memory_space<vmem>>, vector<16xf32>,
        %parallel_loop3A_711 = vector.shape_cast %parallel_loop3A_710 : vector<16xf32> to vector<16xf32>
        %parallel_loop3A_712 = vector.shape_cast %parallel_loop3A_670 : vector<16xf32> to vector<16xf32>
        tpu.vector_store %arg7[%parallel_loop3A_709], %parallel_loop3A_712 {strides = array<i32>} : memref<80000xf32, #tpu.memory_space<vmem>>, vector<16xf32>,
        %parallel_loop3A_713 = arith.constant 32 : i32
        %parallel_loop3A_714 = arith.addi %parallel_loop3A_660, %parallel_loop3A_713 : i32
        %parallel_loop3A_715 = arith.index_cast %parallel_loop3A_714 : i32 to index
        %parallel_loop3A_716 = tpu.vector_load %arg7[%parallel_loop3A_715] {strides = array<i32>} : memref<80000xf32, #tpu.memory_space<vmem>>, vector<16xf32>,
        %parallel_loop3A_717 = vector.shape_cast %parallel_loop3A_716 : vector<16xf32> to vector<16xf32>
        %parallel_loop3A_718 = vector.shape_cast %parallel_loop3A_675 : vector<16xf32> to vector<16xf32>
        tpu.vector_store %arg7[%parallel_loop3A_715], %parallel_loop3A_718 {strides = array<i32>} : memref<80000xf32, #tpu.memory_space<vmem>>, vector<16xf32>,
        %parallel_loop3A_719 = arith.constant 48 : i32
        %parallel_loop3A_720 = arith.addi %parallel_loop3A_660, %parallel_loop3A_719 : i32
        %parallel_loop3A_721 = arith.index_cast %parallel_loop3A_720 : i32 to index
        %parallel_loop3A_722 = tpu.vector_load %arg7[%parallel_loop3A_721] {strides = array<i32>} : memref<80000xf32, #tpu.memory_space<vmem>>, vector<16xf32>,
        %parallel_loop3A_723 = vector.shape_cast %parallel_loop3A_722 : vector<16xf32> to vector<16xf32>
        %parallel_loop3A_724 = vector.shape_cast %parallel_loop3A_680 : vector<16xf32> to vector<16xf32>
        tpu.vector_store %arg7[%parallel_loop3A_721], %parallel_loop3A_724 {strides = array<i32>} : memref<80000xf32, #tpu.memory_space<vmem>>, vector<16xf32>,
        %parallel_loop3A_725 = arith.constant 64 : i32
        %parallel_loop3A_726 = arith.addi %parallel_loop3A_660, %parallel_loop3A_725 : i32
        %parallel_loop3A_727 = arith.index_cast %parallel_loop3A_726 : i32 to index
        %parallel_loop3A_728 = tpu.vector_load %arg7[%parallel_loop3A_727] {strides = array<i32>} : memref<80000xf32, #tpu.memory_space<vmem>>, vector<16xf32>,
        %parallel_loop3A_729 = vector.shape_cast %parallel_loop3A_728 : vector<16xf32> to vector<16xf32>
        %parallel_loop3A_730 = vector.shape_cast %parallel_loop3A_685 : vector<16xf32> to vector<16xf32>
        tpu.vector_store %arg7[%parallel_loop3A_727], %parallel_loop3A_730 {strides = array<i32>} : memref<80000xf32, #tpu.memory_space<vmem>>, vector<16xf32>,
        %parallel_loop3A_731 = arith.constant 80 : i32
        %parallel_loop3A_732 = arith.addi %parallel_loop3A_660, %parallel_loop3A_731 : i32
        %parallel_loop3A_733 = arith.index_cast %parallel_loop3A_732 : i32 to index
        %parallel_loop3A_734 = tpu.vector_load %arg7[%parallel_loop3A_733] {strides = array<i32>} : memref<80000xf32, #tpu.memory_space<vmem>>, vector<16xf32>,
        %parallel_loop3A_735 = vector.shape_cast %parallel_loop3A_734 : vector<16xf32> to vector<16xf32>
        %parallel_loop3A_736 = vector.shape_cast %parallel_loop3A_690 : vector<16xf32> to vector<16xf32>
        tpu.vector_store %arg7[%parallel_loop3A_733], %parallel_loop3A_736 {strides = array<i32>} : memref<80000xf32, #tpu.memory_space<vmem>>, vector<16xf32>,
        %parallel_loop3A_737 = arith.constant 96 : i32
        %parallel_loop3A_738 = arith.addi %parallel_loop3A_660, %parallel_loop3A_737 : i32
        %parallel_loop3A_739 = arith.index_cast %parallel_loop3A_738 : i32 to index
        %parallel_loop3A_740 = tpu.vector_load %arg7[%parallel_loop3A_739] {strides = array<i32>} : memref<80000xf32, #tpu.memory_space<vmem>>, vector<16xf32>,
        %parallel_loop3A_741 = vector.shape_cast %parallel_loop3A_740 : vector<16xf32> to vector<16xf32>
        %parallel_loop3A_742 = vector.shape_cast %parallel_loop3A_695 : vector<16xf32> to vector<16xf32>
        tpu.vector_store %arg7[%parallel_loop3A_739], %parallel_loop3A_742 {strides = array<i32>} : memref<80000xf32, #tpu.memory_space<vmem>>, vector<16xf32>,
        %parallel_loop3A_743 = arith.constant 112 : i32
        %parallel_loop3A_744 = arith.addi %parallel_loop3A_660, %parallel_loop3A_743 : i32
        %parallel_loop3A_745 = arith.index_cast %parallel_loop3A_744 : i32 to index
        %parallel_loop3A_746 = tpu.vector_load %arg7[%parallel_loop3A_745] {strides = array<i32>} : memref<80000xf32, #tpu.memory_space<vmem>>, vector<16xf32>,
        %parallel_loop3A_747 = vector.shape_cast %parallel_loop3A_746 : vector<16xf32> to vector<16xf32>
        %parallel_loop3A_748 = vector.shape_cast %parallel_loop3A_700 : vector<16xf32> to vector<16xf32>
        tpu.vector_store %arg7[%parallel_loop3A_745], %parallel_loop3A_748 {strides = array<i32>} : memref<80000xf32, #tpu.memory_space<vmem>>, vector<16xf32>,
        %parallel_loop3A_749 = vector.extract_strided_slice %parallel_loop3A_166 {offsets = [6], sizes = [1], strides = [1]} : vector<16xi32> to vector<1xi32>
        %parallel_loop3A_750 = vector.extract %parallel_loop3A_749[0] : i32 from vector<1xi32>
        %parallel_loop3A_751 = arith.constant 128 : i32
        %parallel_loop3A_752 = arith.muli %parallel_loop3A_750, %parallel_loop3A_751 : i32
        %parallel_loop3A_753 = arith.constant 128 : i32
        %parallel_loop3A_754 = arith.muli %parallel_loop3A_159, %parallel_loop3A_753 : i32
        %parallel_loop3A_755 = arith.addi %mul3A_108, %parallel_loop3A_754 : i32
        %parallel_loop3A_756 = arith.constant 768 : i32
        %parallel_loop3A_757 = arith.addi %parallel_loop3A_755, %parallel_loop3A_756 : i32
        %parallel_loop3A_758 = arith.constant 0 : i32
        %parallel_loop3A_759 = arith.addi %parallel_loop3A_752, %parallel_loop3A_758 : i32
        %parallel_loop3A_760 = arith.index_cast %parallel_loop3A_759 : i32 to index
        %parallel_loop3A_761 = tpu.vector_load %arg5[%parallel_loop3A_760] {strides = array<i32>} : memref<12800xf32, #tpu.memory_space<vmem>>, vector<16xf32>,
        %parallel_loop3A_762 = vector.shape_cast %parallel_loop3A_761 : vector<16xf32> to vector<16xf32>
        %parallel_loop3A_763 = arith.constant 16 : i32
        %parallel_loop3A_764 = arith.addi %parallel_loop3A_752, %parallel_loop3A_763 : i32
        %parallel_loop3A_765 = arith.index_cast %parallel_loop3A_764 : i32 to index
        %parallel_loop3A_766 = tpu.vector_load %arg5[%parallel_loop3A_765] {strides = array<i32>} : memref<12800xf32, #tpu.memory_space<vmem>>, vector<16xf32>,
        %parallel_loop3A_767 = vector.shape_cast %parallel_loop3A_766 : vector<16xf32> to vector<16xf32>
        %parallel_loop3A_768 = arith.constant 32 : i32
        %parallel_loop3A_769 = arith.addi %parallel_loop3A_752, %parallel_loop3A_768 : i32
        %parallel_loop3A_770 = arith.index_cast %parallel_loop3A_769 : i32 to index
        %parallel_loop3A_771 = tpu.vector_load %arg5[%parallel_loop3A_770] {strides = array<i32>} : memref<12800xf32, #tpu.memory_space<vmem>>, vector<16xf32>,
        %parallel_loop3A_772 = vector.shape_cast %parallel_loop3A_771 : vector<16xf32> to vector<16xf32>
        %parallel_loop3A_773 = arith.constant 48 : i32
        %parallel_loop3A_774 = arith.addi %parallel_loop3A_752, %parallel_loop3A_773 : i32
        %parallel_loop3A_775 = arith.index_cast %parallel_loop3A_774 : i32 to index
        %parallel_loop3A_776 = tpu.vector_load %arg5[%parallel_loop3A_775] {strides = array<i32>} : memref<12800xf32, #tpu.memory_space<vmem>>, vector<16xf32>,
        %parallel_loop3A_777 = vector.shape_cast %parallel_loop3A_776 : vector<16xf32> to vector<16xf32>
        %parallel_loop3A_778 = arith.constant 64 : i32
        %parallel_loop3A_779 = arith.addi %parallel_loop3A_752, %parallel_loop3A_778 : i32
        %parallel_loop3A_780 = arith.index_cast %parallel_loop3A_779 : i32 to index
        %parallel_loop3A_781 = tpu.vector_load %arg5[%parallel_loop3A_780] {strides = array<i32>} : memref<12800xf32, #tpu.memory_space<vmem>>, vector<16xf32>,
        %parallel_loop3A_782 = vector.shape_cast %parallel_loop3A_781 : vector<16xf32> to vector<16xf32>
        %parallel_loop3A_783 = arith.constant 80 : i32
        %parallel_loop3A_784 = arith.addi %parallel_loop3A_752, %parallel_loop3A_783 : i32
        %parallel_loop3A_785 = arith.index_cast %parallel_loop3A_784 : i32 to index
        %parallel_loop3A_786 = tpu.vector_load %arg5[%parallel_loop3A_785] {strides = array<i32>} : memref<12800xf32, #tpu.memory_space<vmem>>, vector<16xf32>,
        %parallel_loop3A_787 = vector.shape_cast %parallel_loop3A_786 : vector<16xf32> to vector<16xf32>
        %parallel_loop3A_788 = arith.constant 96 : i32
        %parallel_loop3A_789 = arith.addi %parallel_loop3A_752, %parallel_loop3A_788 : i32
        %parallel_loop3A_790 = arith.index_cast %parallel_loop3A_789 : i32 to index
        %parallel_loop3A_791 = tpu.vector_load %arg5[%parallel_loop3A_790] {strides = array<i32>} : memref<12800xf32, #tpu.memory_space<vmem>>, vector<16xf32>,
        %parallel_loop3A_792 = vector.shape_cast %parallel_loop3A_791 : vector<16xf32> to vector<16xf32>
        %parallel_loop3A_793 = arith.constant 112 : i32
        %parallel_loop3A_794 = arith.addi %parallel_loop3A_752, %parallel_loop3A_793 : i32
        %parallel_loop3A_795 = arith.index_cast %parallel_loop3A_794 : i32 to index
        %parallel_loop3A_796 = tpu.vector_load %arg5[%parallel_loop3A_795] {strides = array<i32>} : memref<12800xf32, #tpu.memory_space<vmem>>, vector<16xf32>,
        %parallel_loop3A_797 = vector.shape_cast %parallel_loop3A_796 : vector<16xf32> to vector<16xf32>
        %parallel_loop3A_798 = arith.constant 0 : i32
        %parallel_loop3A_799 = arith.addi %parallel_loop3A_757, %parallel_loop3A_798 : i32
        %parallel_loop3A_800 = arith.index_cast %parallel_loop3A_799 : i32 to index
        %parallel_loop3A_801 = tpu.vector_load %arg7[%parallel_loop3A_800] {strides = array<i32>} : memref<80000xf32, #tpu.memory_space<vmem>>, vector<16xf32>,
        %parallel_loop3A_802 = vector.shape_cast %parallel_loop3A_801 : vector<16xf32> to vector<16xf32>
        %parallel_loop3A_803 = vector.shape_cast %parallel_loop3A_762 : vector<16xf32> to vector<16xf32>
        tpu.vector_store %arg7[%parallel_loop3A_800], %parallel_loop3A_803 {strides = array<i32>} : memref<80000xf32, #tpu.memory_space<vmem>>, vector<16xf32>,
        %parallel_loop3A_804 = arith.constant 16 : i32
        %parallel_loop3A_805 = arith.addi %parallel_loop3A_757, %parallel_loop3A_804 : i32
        %parallel_loop3A_806 = arith.index_cast %parallel_loop3A_805 : i32 to index
        %parallel_loop3A_807 = tpu.vector_load %arg7[%parallel_loop3A_806] {strides = array<i32>} : memref<80000xf32, #tpu.memory_space<vmem>>, vector<16xf32>,
        %parallel_loop3A_808 = vector.shape_cast %parallel_loop3A_807 : vector<16xf32> to vector<16xf32>
        %parallel_loop3A_809 = vector.shape_cast %parallel_loop3A_767 : vector<16xf32> to vector<16xf32>
        tpu.vector_store %arg7[%parallel_loop3A_806], %parallel_loop3A_809 {strides = array<i32>} : memref<80000xf32, #tpu.memory_space<vmem>>, vector<16xf32>,
        %parallel_loop3A_810 = arith.constant 32 : i32
        %parallel_loop3A_811 = arith.addi %parallel_loop3A_757, %parallel_loop3A_810 : i32
        %parallel_loop3A_812 = arith.index_cast %parallel_loop3A_811 : i32 to index
        %parallel_loop3A_813 = tpu.vector_load %arg7[%parallel_loop3A_812] {strides = array<i32>} : memref<80000xf32, #tpu.memory_space<vmem>>, vector<16xf32>,
        %parallel_loop3A_814 = vector.shape_cast %parallel_loop3A_813 : vector<16xf32> to vector<16xf32>
        %parallel_loop3A_815 = vector.shape_cast %parallel_loop3A_772 : vector<16xf32> to vector<16xf32>
        tpu.vector_store %arg7[%parallel_loop3A_812], %parallel_loop3A_815 {strides = array<i32>} : memref<80000xf32, #tpu.memory_space<vmem>>, vector<16xf32>,
        %parallel_loop3A_816 = arith.constant 48 : i32
        %parallel_loop3A_817 = arith.addi %parallel_loop3A_757, %parallel_loop3A_816 : i32
        %parallel_loop3A_818 = arith.index_cast %parallel_loop3A_817 : i32 to index
        %parallel_loop3A_819 = tpu.vector_load %arg7[%parallel_loop3A_818] {strides = array<i32>} : memref<80000xf32, #tpu.memory_space<vmem>>, vector<16xf32>,
        %parallel_loop3A_820 = vector.shape_cast %parallel_loop3A_819 : vector<16xf32> to vector<16xf32>
        %parallel_loop3A_821 = vector.shape_cast %parallel_loop3A_777 : vector<16xf32> to vector<16xf32>
        tpu.vector_store %arg7[%parallel_loop3A_818], %parallel_loop3A_821 {strides = array<i32>} : memref<80000xf32, #tpu.memory_space<vmem>>, vector<16xf32>,
        %parallel_loop3A_822 = arith.constant 64 : i32
        %parallel_loop3A_823 = arith.addi %parallel_loop3A_757, %parallel_loop3A_822 : i32
        %parallel_loop3A_824 = arith.index_cast %parallel_loop3A_823 : i32 to index
        %parallel_loop3A_825 = tpu.vector_load %arg7[%parallel_loop3A_824] {strides = array<i32>} : memref<80000xf32, #tpu.memory_space<vmem>>, vector<16xf32>,
        %parallel_loop3A_826 = vector.shape_cast %parallel_loop3A_825 : vector<16xf32> to vector<16xf32>
        %parallel_loop3A_827 = vector.shape_cast %parallel_loop3A_782 : vector<16xf32> to vector<16xf32>
        tpu.vector_store %arg7[%parallel_loop3A_824], %parallel_loop3A_827 {strides = array<i32>} : memref<80000xf32, #tpu.memory_space<vmem>>, vector<16xf32>,
        %parallel_loop3A_828 = arith.constant 80 : i32
        %parallel_loop3A_829 = arith.addi %parallel_loop3A_757, %parallel_loop3A_828 : i32
        %parallel_loop3A_830 = arith.index_cast %parallel_loop3A_829 : i32 to index
        %parallel_loop3A_831 = tpu.vector_load %arg7[%parallel_loop3A_830] {strides = array<i32>} : memref<80000xf32, #tpu.memory_space<vmem>>, vector<16xf32>,
        %parallel_loop3A_832 = vector.shape_cast %parallel_loop3A_831 : vector<16xf32> to vector<16xf32>
        %parallel_loop3A_833 = vector.shape_cast %parallel_loop3A_787 : vector<16xf32> to vector<16xf32>
        tpu.vector_store %arg7[%parallel_loop3A_830], %parallel_loop3A_833 {strides = array<i32>} : memref<80000xf32, #tpu.memory_space<vmem>>, vector<16xf32>,
        %parallel_loop3A_834 = arith.constant 96 : i32
        %parallel_loop3A_835 = arith.addi %parallel_loop3A_757, %parallel_loop3A_834 : i32
        %parallel_loop3A_836 = arith.index_cast %parallel_loop3A_835 : i32 to index
        %parallel_loop3A_837 = tpu.vector_load %arg7[%parallel_loop3A_836] {strides = array<i32>} : memref<80000xf32, #tpu.memory_space<vmem>>, vector<16xf32>,
        %parallel_loop3A_838 = vector.shape_cast %parallel_loop3A_837 : vector<16xf32> to vector<16xf32>
        %parallel_loop3A_839 = vector.shape_cast %parallel_loop3A_792 : vector<16xf32> to vector<16xf32>
        tpu.vector_store %arg7[%parallel_loop3A_836], %parallel_loop3A_839 {strides = array<i32>} : memref<80000xf32, #tpu.memory_space<vmem>>, vector<16xf32>,
        %parallel_loop3A_840 = arith.constant 112 : i32
        %parallel_loop3A_841 = arith.addi %parallel_loop3A_757, %parallel_loop3A_840 : i32
        %parallel_loop3A_842 = arith.index_cast %parallel_loop3A_841 : i32 to index
        %parallel_loop3A_843 = tpu.vector_load %arg7[%parallel_loop3A_842] {strides = array<i32>} : memref<80000xf32, #tpu.memory_space<vmem>>, vector<16xf32>,
        %parallel_loop3A_844 = vector.shape_cast %parallel_loop3A_843 : vector<16xf32> to vector<16xf32>
        %parallel_loop3A_845 = vector.shape_cast %parallel_loop3A_797 : vector<16xf32> to vector<16xf32>
        tpu.vector_store %arg7[%parallel_loop3A_842], %parallel_loop3A_845 {strides = array<i32>} : memref<80000xf32, #tpu.memory_space<vmem>>, vector<16xf32>,
        %parallel_loop3A_846 = vector.extract_strided_slice %parallel_loop3A_166 {offsets = [7], sizes = [1], strides = [1]} : vector<16xi32> to vector<1xi32>
        %parallel_loop3A_847 = vector.extract %parallel_loop3A_846[0] : i32 from vector<1xi32>
        %parallel_loop3A_848 = arith.constant 128 : i32
        %parallel_loop3A_849 = arith.muli %parallel_loop3A_847, %parallel_loop3A_848 : i32
        %parallel_loop3A_850 = arith.constant 128 : i32
        %parallel_loop3A_851 = arith.muli %parallel_loop3A_159, %parallel_loop3A_850 : i32
        %parallel_loop3A_852 = arith.addi %mul3A_108, %parallel_loop3A_851 : i32
        %parallel_loop3A_853 = arith.constant 896 : i32
        %parallel_loop3A_854 = arith.addi %parallel_loop3A_852, %parallel_loop3A_853 : i32
        %parallel_loop3A_855 = arith.constant 0 : i32
        %parallel_loop3A_856 = arith.addi %parallel_loop3A_849, %parallel_loop3A_855 : i32
        %parallel_loop3A_857 = arith.index_cast %parallel_loop3A_856 : i32 to index
        %parallel_loop3A_858 = tpu.vector_load %arg5[%parallel_loop3A_857] {strides = array<i32>} : memref<12800xf32, #tpu.memory_space<vmem>>, vector<16xf32>,
        %parallel_loop3A_859 = vector.shape_cast %parallel_loop3A_858 : vector<16xf32> to vector<16xf32>
        %parallel_loop3A_860 = arith.constant 16 : i32
        %parallel_loop3A_861 = arith.addi %parallel_loop3A_849, %parallel_loop3A_860 : i32
        %parallel_loop3A_862 = arith.index_cast %parallel_loop3A_861 : i32 to index
        %parallel_loop3A_863 = tpu.vector_load %arg5[%parallel_loop3A_862] {strides = array<i32>} : memref<12800xf32, #tpu.memory_space<vmem>>, vector<16xf32>,
        %parallel_loop3A_864 = vector.shape_cast %parallel_loop3A_863 : vector<16xf32> to vector<16xf32>
        %parallel_loop3A_865 = arith.constant 32 : i32
        %parallel_loop3A_866 = arith.addi %parallel_loop3A_849, %parallel_loop3A_865 : i32
        %parallel_loop3A_867 = arith.index_cast %parallel_loop3A_866 : i32 to index
        %parallel_loop3A_868 = tpu.vector_load %arg5[%parallel_loop3A_867] {strides = array<i32>} : memref<12800xf32, #tpu.memory_space<vmem>>, vector<16xf32>,
        %parallel_loop3A_869 = vector.shape_cast %parallel_loop3A_868 : vector<16xf32> to vector<16xf32>
        %parallel_loop3A_870 = arith.constant 48 : i32
        %parallel_loop3A_871 = arith.addi %parallel_loop3A_849, %parallel_loop3A_870 : i32
        %parallel_loop3A_872 = arith.index_cast %parallel_loop3A_871 : i32 to index
        %parallel_loop3A_873 = tpu.vector_load %arg5[%parallel_loop3A_872] {strides = array<i32>} : memref<12800xf32, #tpu.memory_space<vmem>>, vector<16xf32>,
        %parallel_loop3A_874 = vector.shape_cast %parallel_loop3A_873 : vector<16xf32> to vector<16xf32>
        %parallel_loop3A_875 = arith.constant 64 : i32
        %parallel_loop3A_876 = arith.addi %parallel_loop3A_849, %parallel_loop3A_875 : i32
        %parallel_loop3A_877 = arith.index_cast %parallel_loop3A_876 : i32 to index
        %parallel_loop3A_878 = tpu.vector_load %arg5[%parallel_loop3A_877] {strides = array<i32>} : memref<12800xf32, #tpu.memory_space<vmem>>, vector<16xf32>,
        %parallel_loop3A_879 = vector.shape_cast %parallel_loop3A_878 : vector<16xf32> to vector<16xf32>
        %parallel_loop3A_880 = arith.constant 80 : i32
        %parallel_loop3A_881 = arith.addi %parallel_loop3A_849, %parallel_loop3A_880 : i32
        %parallel_loop3A_882 = arith.index_cast %parallel_loop3A_881 : i32 to index
        %parallel_loop3A_883 = tpu.vector_load %arg5[%parallel_loop3A_882] {strides = array<i32>} : memref<12800xf32, #tpu.memory_space<vmem>>, vector<16xf32>,
        %parallel_loop3A_884 = vector.shape_cast %parallel_loop3A_883 : vector<16xf32> to vector<16xf32>
        %parallel_loop3A_885 = arith.constant 96 : i32
        %parallel_loop3A_886 = arith.addi %parallel_loop3A_849, %parallel_loop3A_885 : i32
        %parallel_loop3A_887 = arith.index_cast %parallel_loop3A_886 : i32 to index
        %parallel_loop3A_888 = tpu.vector_load %arg5[%parallel_loop3A_887] {strides = array<i32>} : memref<12800xf32, #tpu.memory_space<vmem>>, vector<16xf32>,
        %parallel_loop3A_889 = vector.shape_cast %parallel_loop3A_888 : vector<16xf32> to vector<16xf32>
        %parallel_loop3A_890 = arith.constant 112 : i32
        %parallel_loop3A_891 = arith.addi %parallel_loop3A_849, %parallel_loop3A_890 : i32
        %parallel_loop3A_892 = arith.index_cast %parallel_loop3A_891 : i32 to index
        %parallel_loop3A_893 = tpu.vector_load %arg5[%parallel_loop3A_892] {strides = array<i32>} : memref<12800xf32, #tpu.memory_space<vmem>>, vector<16xf32>,
        %parallel_loop3A_894 = vector.shape_cast %parallel_loop3A_893 : vector<16xf32> to vector<16xf32>
        %parallel_loop3A_895 = arith.constant 0 : i32
        %parallel_loop3A_896 = arith.addi %parallel_loop3A_854, %parallel_loop3A_895 : i32
        %parallel_loop3A_897 = arith.index_cast %parallel_loop3A_896 : i32 to index
        %parallel_loop3A_898 = tpu.vector_load %arg7[%parallel_loop3A_897] {strides = array<i32>} : memref<80000xf32, #tpu.memory_space<vmem>>, vector<16xf32>,
        %parallel_loop3A_899 = vector.shape_cast %parallel_loop3A_898 : vector<16xf32> to vector<16xf32>
        %parallel_loop3A_900 = vector.shape_cast %parallel_loop3A_859 : vector<16xf32> to vector<16xf32>
        tpu.vector_store %arg7[%parallel_loop3A_897], %parallel_loop3A_900 {strides = array<i32>} : memref<80000xf32, #tpu.memory_space<vmem>>, vector<16xf32>,
        %parallel_loop3A_901 = arith.constant 16 : i32
        %parallel_loop3A_902 = arith.addi %parallel_loop3A_854, %parallel_loop3A_901 : i32
        %parallel_loop3A_903 = arith.index_cast %parallel_loop3A_902 : i32 to index
        %parallel_loop3A_904 = tpu.vector_load %arg7[%parallel_loop3A_903] {strides = array<i32>} : memref<80000xf32, #tpu.memory_space<vmem>>, vector<16xf32>,
        %parallel_loop3A_905 = vector.shape_cast %parallel_loop3A_904 : vector<16xf32> to vector<16xf32>
        %parallel_loop3A_906 = vector.shape_cast %parallel_loop3A_864 : vector<16xf32> to vector<16xf32>
        tpu.vector_store %arg7[%parallel_loop3A_903], %parallel_loop3A_906 {strides = array<i32>} : memref<80000xf32, #tpu.memory_space<vmem>>, vector<16xf32>,
        %parallel_loop3A_907 = arith.constant 32 : i32
        %parallel_loop3A_908 = arith.addi %parallel_loop3A_854, %parallel_loop3A_907 : i32
        %parallel_loop3A_909 = arith.index_cast %parallel_loop3A_908 : i32 to index
        %parallel_loop3A_910 = tpu.vector_load %arg7[%parallel_loop3A_909] {strides = array<i32>} : memref<80000xf32, #tpu.memory_space<vmem>>, vector<16xf32>,
        %parallel_loop3A_911 = vector.shape_cast %parallel_loop3A_910 : vector<16xf32> to vector<16xf32>
        %parallel_loop3A_912 = vector.shape_cast %parallel_loop3A_869 : vector<16xf32> to vector<16xf32>
        tpu.vector_store %arg7[%parallel_loop3A_909], %parallel_loop3A_912 {strides = array<i32>} : memref<80000xf32, #tpu.memory_space<vmem>>, vector<16xf32>,
        %parallel_loop3A_913 = arith.constant 48 : i32
        %parallel_loop3A_914 = arith.addi %parallel_loop3A_854, %parallel_loop3A_913 : i32
        %parallel_loop3A_915 = arith.index_cast %parallel_loop3A_914 : i32 to index
        %parallel_loop3A_916 = tpu.vector_load %arg7[%parallel_loop3A_915] {strides = array<i32>} : memref<80000xf32, #tpu.memory_space<vmem>>, vector<16xf32>,
        %parallel_loop3A_917 = vector.shape_cast %parallel_loop3A_916 : vector<16xf32> to vector<16xf32>
        %parallel_loop3A_918 = vector.shape_cast %parallel_loop3A_874 : vector<16xf32> to vector<16xf32>
        tpu.vector_store %arg7[%parallel_loop3A_915], %parallel_loop3A_918 {strides = array<i32>} : memref<80000xf32, #tpu.memory_space<vmem>>, vector<16xf32>,
        %parallel_loop3A_919 = arith.constant 64 : i32
        %parallel_loop3A_920 = arith.addi %parallel_loop3A_854, %parallel_loop3A_919 : i32
        %parallel_loop3A_921 = arith.index_cast %parallel_loop3A_920 : i32 to index
        %parallel_loop3A_922 = tpu.vector_load %arg7[%parallel_loop3A_921] {strides = array<i32>} : memref<80000xf32, #tpu.memory_space<vmem>>, vector<16xf32>,
        %parallel_loop3A_923 = vector.shape_cast %parallel_loop3A_922 : vector<16xf32> to vector<16xf32>
        %parallel_loop3A_924 = vector.shape_cast %parallel_loop3A_879 : vector<16xf32> to vector<16xf32>
        tpu.vector_store %arg7[%parallel_loop3A_921], %parallel_loop3A_924 {strides = array<i32>} : memref<80000xf32, #tpu.memory_space<vmem>>, vector<16xf32>,
        %parallel_loop3A_925 = arith.constant 80 : i32
        %parallel_loop3A_926 = arith.addi %parallel_loop3A_854, %parallel_loop3A_925 : i32
        %parallel_loop3A_927 = arith.index_cast %parallel_loop3A_926 : i32 to index
        %parallel_loop3A_928 = tpu.vector_load %arg7[%parallel_loop3A_927] {strides = array<i32>} : memref<80000xf32, #tpu.memory_space<vmem>>, vector<16xf32>,
        %parallel_loop3A_929 = vector.shape_cast %parallel_loop3A_928 : vector<16xf32> to vector<16xf32>
        %parallel_loop3A_930 = vector.shape_cast %parallel_loop3A_884 : vector<16xf32> to vector<16xf32>
        tpu.vector_store %arg7[%parallel_loop3A_927], %parallel_loop3A_930 {strides = array<i32>} : memref<80000xf32, #tpu.memory_space<vmem>>, vector<16xf32>,
        %parallel_loop3A_931 = arith.constant 96 : i32
        %parallel_loop3A_932 = arith.addi %parallel_loop3A_854, %parallel_loop3A_931 : i32
        %parallel_loop3A_933 = arith.index_cast %parallel_loop3A_932 : i32 to index
        %parallel_loop3A_934 = tpu.vector_load %arg7[%parallel_loop3A_933] {strides = array<i32>} : memref<80000xf32, #tpu.memory_space<vmem>>, vector<16xf32>,
        %parallel_loop3A_935 = vector.shape_cast %parallel_loop3A_934 : vector<16xf32> to vector<16xf32>
        %parallel_loop3A_936 = vector.shape_cast %parallel_loop3A_889 : vector<16xf32> to vector<16xf32>
        tpu.vector_store %arg7[%parallel_loop3A_933], %parallel_loop3A_936 {strides = array<i32>} : memref<80000xf32, #tpu.memory_space<vmem>>, vector<16xf32>,
        %parallel_loop3A_937 = arith.constant 112 : i32
        %parallel_loop3A_938 = arith.addi %parallel_loop3A_854, %parallel_loop3A_937 : i32
        %parallel_loop3A_939 = arith.index_cast %parallel_loop3A_938 : i32 to index
        %parallel_loop3A_940 = tpu.vector_load %arg7[%parallel_loop3A_939] {strides = array<i32>} : memref<80000xf32, #tpu.memory_space<vmem>>, vector<16xf32>,
        %parallel_loop3A_941 = vector.shape_cast %parallel_loop3A_940 : vector<16xf32> to vector<16xf32>
        %parallel_loop3A_942 = vector.shape_cast %parallel_loop3A_894 : vector<16xf32> to vector<16xf32>
        tpu.vector_store %arg7[%parallel_loop3A_939], %parallel_loop3A_942 {strides = array<i32>} : memref<80000xf32, #tpu.memory_space<vmem>>, vector<16xf32>,
        %parallel_loop3A_943 = vector.extract_strided_slice %parallel_loop3A_166 {offsets = [8], sizes = [1], strides = [1]} : vector<16xi32> to vector<1xi32>
        %parallel_loop3A_944 = vector.extract %parallel_loop3A_943[0] : i32 from vector<1xi32>
        %parallel_loop3A_945 = arith.constant 128 : i32
        %parallel_loop3A_946 = arith.muli %parallel_loop3A_944, %parallel_loop3A_945 : i32
        %parallel_loop3A_947 = arith.constant 128 : i32
        %parallel_loop3A_948 = arith.muli %parallel_loop3A_159, %parallel_loop3A_947 : i32
        %parallel_loop3A_949 = arith.addi %mul3A_108, %parallel_loop3A_948 : i32
        %parallel_loop3A_950 = arith.constant 1024 : i32
        %parallel_loop3A_951 = arith.addi %parallel_loop3A_949, %parallel_loop3A_950 : i32
        %parallel_loop3A_952 = arith.constant 0 : i32
        %parallel_loop3A_953 = arith.addi %parallel_loop3A_946, %parallel_loop3A_952 : i32
        %parallel_loop3A_954 = arith.index_cast %parallel_loop3A_953 : i32 to index
        %parallel_loop3A_955 = tpu.vector_load %arg5[%parallel_loop3A_954] {strides = array<i32>} : memref<12800xf32, #tpu.memory_space<vmem>>, vector<16xf32>,
        %parallel_loop3A_956 = vector.shape_cast %parallel_loop3A_955 : vector<16xf32> to vector<16xf32>
        %parallel_loop3A_957 = arith.constant 16 : i32
        %parallel_loop3A_958 = arith.addi %parallel_loop3A_946, %parallel_loop3A_957 : i32
        %parallel_loop3A_959 = arith.index_cast %parallel_loop3A_958 : i32 to index
        %parallel_loop3A_960 = tpu.vector_load %arg5[%parallel_loop3A_959] {strides = array<i32>} : memref<12800xf32, #tpu.memory_space<vmem>>, vector<16xf32>,
        %parallel_loop3A_961 = vector.shape_cast %parallel_loop3A_960 : vector<16xf32> to vector<16xf32>
        %parallel_loop3A_962 = arith.constant 32 : i32
        %parallel_loop3A_963 = arith.addi %parallel_loop3A_946, %parallel_loop3A_962 : i32
        %parallel_loop3A_964 = arith.index_cast %parallel_loop3A_963 : i32 to index
        %parallel_loop3A_965 = tpu.vector_load %arg5[%parallel_loop3A_964] {strides = array<i32>} : memref<12800xf32, #tpu.memory_space<vmem>>, vector<16xf32>,
        %parallel_loop3A_966 = vector.shape_cast %parallel_loop3A_965 : vector<16xf32> to vector<16xf32>
        %parallel_loop3A_967 = arith.constant 48 : i32
        %parallel_loop3A_968 = arith.addi %parallel_loop3A_946, %parallel_loop3A_967 : i32
        %parallel_loop3A_969 = arith.index_cast %parallel_loop3A_968 : i32 to index
        %parallel_loop3A_970 = tpu.vector_load %arg5[%parallel_loop3A_969] {strides = array<i32>} : memref<12800xf32, #tpu.memory_space<vmem>>, vector<16xf32>,
        %parallel_loop3A_971 = vector.shape_cast %parallel_loop3A_970 : vector<16xf32> to vector<16xf32>
        %parallel_loop3A_972 = arith.constant 64 : i32
        %parallel_loop3A_973 = arith.addi %parallel_loop3A_946, %parallel_loop3A_972 : i32
        %parallel_loop3A_974 = arith.index_cast %parallel_loop3A_973 : i32 to index
        %parallel_loop3A_975 = tpu.vector_load %arg5[%parallel_loop3A_974] {strides = array<i32>} : memref<12800xf32, #tpu.memory_space<vmem>>, vector<16xf32>,
        %parallel_loop3A_976 = vector.shape_cast %parallel_loop3A_975 : vector<16xf32> to vector<16xf32>
        %parallel_loop3A_977 = arith.constant 80 : i32
        %parallel_loop3A_978 = arith.addi %parallel_loop3A_946, %parallel_loop3A_977 : i32
        %parallel_loop3A_979 = arith.index_cast %parallel_loop3A_978 : i32 to index
        %parallel_loop3A_980 = tpu.vector_load %arg5[%parallel_loop3A_979] {strides = array<i32>} : memref<12800xf32, #tpu.memory_space<vmem>>, vector<16xf32>,
        %parallel_loop3A_981 = vector.shape_cast %parallel_loop3A_980 : vector<16xf32> to vector<16xf32>
        %parallel_loop3A_982 = arith.constant 96 : i32
        %parallel_loop3A_983 = arith.addi %parallel_loop3A_946, %parallel_loop3A_982 : i32
        %parallel_loop3A_984 = arith.index_cast %parallel_loop3A_983 : i32 to index
        %parallel_loop3A_985 = tpu.vector_load %arg5[%parallel_loop3A_984] {strides = array<i32>} : memref<12800xf32, #tpu.memory_space<vmem>>, vector<16xf32>,
        %parallel_loop3A_986 = vector.shape_cast %parallel_loop3A_985 : vector<16xf32> to vector<16xf32>
        %parallel_loop3A_987 = arith.constant 112 : i32
        %parallel_loop3A_988 = arith.addi %parallel_loop3A_946, %parallel_loop3A_987 : i32
        %parallel_loop3A_989 = arith.index_cast %parallel_loop3A_988 : i32 to index
        %parallel_loop3A_990 = tpu.vector_load %arg5[%parallel_loop3A_989] {strides = array<i32>} : memref<12800xf32, #tpu.memory_space<vmem>>, vector<16xf32>,
        %parallel_loop3A_991 = vector.shape_cast %parallel_loop3A_990 : vector<16xf32> to vector<16xf32>
        %parallel_loop3A_992 = arith.constant 0 : i32
        %parallel_loop3A_993 = arith.addi %parallel_loop3A_951, %parallel_loop3A_992 : i32
        %parallel_loop3A_994 = arith.index_cast %parallel_loop3A_993 : i32 to index
        %parallel_loop3A_995 = tpu.vector_load %arg7[%parallel_loop3A_994] {strides = array<i32>} : memref<80000xf32, #tpu.memory_space<vmem>>, vector<16xf32>,
        %parallel_loop3A_996 = vector.shape_cast %parallel_loop3A_995 : vector<16xf32> to vector<16xf32>
        %parallel_loop3A_997 = vector.shape_cast %parallel_loop3A_956 : vector<16xf32> to vector<16xf32>
        tpu.vector_store %arg7[%parallel_loop3A_994], %parallel_loop3A_997 {strides = array<i32>} : memref<80000xf32, #tpu.memory_space<vmem>>, vector<16xf32>,
        %parallel_loop3A_998 = arith.constant 16 : i32
        %parallel_loop3A_999 = arith.addi %parallel_loop3A_951, %parallel_loop3A_998 : i32
        %parallel_loop3A_1000 = arith.index_cast %parallel_loop3A_999 : i32 to index
        %parallel_loop3A_1001 = tpu.vector_load %arg7[%parallel_loop3A_1000] {strides = array<i32>} : memref<80000xf32, #tpu.memory_space<vmem>>, vector<16xf32>,
        %parallel_loop3A_1002 = vector.shape_cast %parallel_loop3A_1001 : vector<16xf32> to vector<16xf32>
        %parallel_loop3A_1003 = vector.shape_cast %parallel_loop3A_961 : vector<16xf32> to vector<16xf32>
        tpu.vector_store %arg7[%parallel_loop3A_1000], %parallel_loop3A_1003 {strides = array<i32>} : memref<80000xf32, #tpu.memory_space<vmem>>, vector<16xf32>,
        %parallel_loop3A_1004 = arith.constant 32 : i32
        %parallel_loop3A_1005 = arith.addi %parallel_loop3A_951, %parallel_loop3A_1004 : i32
        %parallel_loop3A_1006 = arith.index_cast %parallel_loop3A_1005 : i32 to index
        %parallel_loop3A_1007 = tpu.vector_load %arg7[%parallel_loop3A_1006] {strides = array<i32>} : memref<80000xf32, #tpu.memory_space<vmem>>, vector<16xf32>,
        %parallel_loop3A_1008 = vector.shape_cast %parallel_loop3A_1007 : vector<16xf32> to vector<16xf32>
        %parallel_loop3A_1009 = vector.shape_cast %parallel_loop3A_966 : vector<16xf32> to vector<16xf32>
        tpu.vector_store %arg7[%parallel_loop3A_1006], %parallel_loop3A_1009 {strides = array<i32>} : memref<80000xf32, #tpu.memory_space<vmem>>, vector<16xf32>,
        %parallel_loop3A_1010 = arith.constant 48 : i32
        %parallel_loop3A_1011 = arith.addi %parallel_loop3A_951, %parallel_loop3A_1010 : i32
        %parallel_loop3A_1012 = arith.index_cast %parallel_loop3A_1011 : i32 to index
        %parallel_loop3A_1013 = tpu.vector_load %arg7[%parallel_loop3A_1012] {strides = array<i32>} : memref<80000xf32, #tpu.memory_space<vmem>>, vector<16xf32>,
        %parallel_loop3A_1014 = vector.shape_cast %parallel_loop3A_1013 : vector<16xf32> to vector<16xf32>
        %parallel_loop3A_1015 = vector.shape_cast %parallel_loop3A_971 : vector<16xf32> to vector<16xf32>
        tpu.vector_store %arg7[%parallel_loop3A_1012], %parallel_loop3A_1015 {strides = array<i32>} : memref<80000xf32, #tpu.memory_space<vmem>>, vector<16xf32>,
        %parallel_loop3A_1016 = arith.constant 64 : i32
        %parallel_loop3A_1017 = arith.addi %parallel_loop3A_951, %parallel_loop3A_1016 : i32
        %parallel_loop3A_1018 = arith.index_cast %parallel_loop3A_1017 : i32 to index
        %parallel_loop3A_1019 = tpu.vector_load %arg7[%parallel_loop3A_1018] {strides = array<i32>} : memref<80000xf32, #tpu.memory_space<vmem>>, vector<16xf32>,
        %parallel_loop3A_1020 = vector.shape_cast %parallel_loop3A_1019 : vector<16xf32> to vector<16xf32>
        %parallel_loop3A_1021 = vector.shape_cast %parallel_loop3A_976 : vector<16xf32> to vector<16xf32>
        tpu.vector_store %arg7[%parallel_loop3A_1018], %parallel_loop3A_1021 {strides = array<i32>} : memref<80000xf32, #tpu.memory_space<vmem>>, vector<16xf32>,
        %parallel_loop3A_1022 = arith.constant 80 : i32
        %parallel_loop3A_1023 = arith.addi %parallel_loop3A_951, %parallel_loop3A_1022 : i32
        %parallel_loop3A_1024 = arith.index_cast %parallel_loop3A_1023 : i32 to index
        %parallel_loop3A_1025 = tpu.vector_load %arg7[%parallel_loop3A_1024] {strides = array<i32>} : memref<80000xf32, #tpu.memory_space<vmem>>, vector<16xf32>,
        %parallel_loop3A_1026 = vector.shape_cast %parallel_loop3A_1025 : vector<16xf32> to vector<16xf32>
        %parallel_loop3A_1027 = vector.shape_cast %parallel_loop3A_981 : vector<16xf32> to vector<16xf32>
        tpu.vector_store %arg7[%parallel_loop3A_1024], %parallel_loop3A_1027 {strides = array<i32>} : memref<80000xf32, #tpu.memory_space<vmem>>, vector<16xf32>,
        %parallel_loop3A_1028 = arith.constant 96 : i32
        %parallel_loop3A_1029 = arith.addi %parallel_loop3A_951, %parallel_loop3A_1028 : i32
        %parallel_loop3A_1030 = arith.index_cast %parallel_loop3A_1029 : i32 to index
        %parallel_loop3A_1031 = tpu.vector_load %arg7[%parallel_loop3A_1030] {strides = array<i32>} : memref<80000xf32, #tpu.memory_space<vmem>>, vector<16xf32>,
        %parallel_loop3A_1032 = vector.shape_cast %parallel_loop3A_1031 : vector<16xf32> to vector<16xf32>
        %parallel_loop3A_1033 = vector.shape_cast %parallel_loop3A_986 : vector<16xf32> to vector<16xf32>
        tpu.vector_store %arg7[%parallel_loop3A_1030], %parallel_loop3A_1033 {strides = array<i32>} : memref<80000xf32, #tpu.memory_space<vmem>>, vector<16xf32>,
        %parallel_loop3A_1034 = arith.constant 112 : i32
        %parallel_loop3A_1035 = arith.addi %parallel_loop3A_951, %parallel_loop3A_1034 : i32
        %parallel_loop3A_1036 = arith.index_cast %parallel_loop3A_1035 : i32 to index
        %parallel_loop3A_1037 = tpu.vector_load %arg7[%parallel_loop3A_1036] {strides = array<i32>} : memref<80000xf32, #tpu.memory_space<vmem>>, vector<16xf32>,
        %parallel_loop3A_1038 = vector.shape_cast %parallel_loop3A_1037 : vector<16xf32> to vector<16xf32>
        %parallel_loop3A_1039 = vector.shape_cast %parallel_loop3A_991 : vector<16xf32> to vector<16xf32>
        tpu.vector_store %arg7[%parallel_loop3A_1036], %parallel_loop3A_1039 {strides = array<i32>} : memref<80000xf32, #tpu.memory_space<vmem>>, vector<16xf32>,
        %parallel_loop3A_1040 = vector.extract_strided_slice %parallel_loop3A_166 {offsets = [9], sizes = [1], strides = [1]} : vector<16xi32> to vector<1xi32>
        %parallel_loop3A_1041 = vector.extract %parallel_loop3A_1040[0] : i32 from vector<1xi32>
        %parallel_loop3A_1042 = arith.constant 128 : i32
        %parallel_loop3A_1043 = arith.muli %parallel_loop3A_1041, %parallel_loop3A_1042 : i32
        %parallel_loop3A_1044 = arith.constant 128 : i32
        %parallel_loop3A_1045 = arith.muli %parallel_loop3A_159, %parallel_loop3A_1044 : i32
        %parallel_loop3A_1046 = arith.addi %mul3A_108, %parallel_loop3A_1045 : i32
        %parallel_loop3A_1047 = arith.constant 1152 : i32
        %parallel_loop3A_1048 = arith.addi %parallel_loop3A_1046, %parallel_loop3A_1047 : i32
        %parallel_loop3A_1049 = arith.constant 0 : i32
        %parallel_loop3A_1050 = arith.addi %parallel_loop3A_1043, %parallel_loop3A_1049 : i32
        %parallel_loop3A_1051 = arith.index_cast %parallel_loop3A_1050 : i32 to index
        %parallel_loop3A_1052 = tpu.vector_load %arg5[%parallel_loop3A_1051] {strides = array<i32>} : memref<12800xf32, #tpu.memory_space<vmem>>, vector<16xf32>,
        %parallel_loop3A_1053 = vector.shape_cast %parallel_loop3A_1052 : vector<16xf32> to vector<16xf32>
        %parallel_loop3A_1054 = arith.constant 16 : i32
        %parallel_loop3A_1055 = arith.addi %parallel_loop3A_1043, %parallel_loop3A_1054 : i32
        %parallel_loop3A_1056 = arith.index_cast %parallel_loop3A_1055 : i32 to index
        %parallel_loop3A_1057 = tpu.vector_load %arg5[%parallel_loop3A_1056] {strides = array<i32>} : memref<12800xf32, #tpu.memory_space<vmem>>, vector<16xf32>,
        %parallel_loop3A_1058 = vector.shape_cast %parallel_loop3A_1057 : vector<16xf32> to vector<16xf32>
        %parallel_loop3A_1059 = arith.constant 32 : i32
        %parallel_loop3A_1060 = arith.addi %parallel_loop3A_1043, %parallel_loop3A_1059 : i32
        %parallel_loop3A_1061 = arith.index_cast %parallel_loop3A_1060 : i32 to index
        %parallel_loop3A_1062 = tpu.vector_load %arg5[%parallel_loop3A_1061] {strides = array<i32>} : memref<12800xf32, #tpu.memory_space<vmem>>, vector<16xf32>,
        %parallel_loop3A_1063 = vector.shape_cast %parallel_loop3A_1062 : vector<16xf32> to vector<16xf32>
        %parallel_loop3A_1064 = arith.constant 48 : i32
        %parallel_loop3A_1065 = arith.addi %parallel_loop3A_1043, %parallel_loop3A_1064 : i32
        %parallel_loop3A_1066 = arith.index_cast %parallel_loop3A_1065 : i32 to index
        %parallel_loop3A_1067 = tpu.vector_load %arg5[%parallel_loop3A_1066] {strides = array<i32>} : memref<12800xf32, #tpu.memory_space<vmem>>, vector<16xf32>,
        %parallel_loop3A_1068 = vector.shape_cast %parallel_loop3A_1067 : vector<16xf32> to vector<16xf32>
        %parallel_loop3A_1069 = arith.constant 64 : i32
        %parallel_loop3A_1070 = arith.addi %parallel_loop3A_1043, %parallel_loop3A_1069 : i32
        %parallel_loop3A_1071 = arith.index_cast %parallel_loop3A_1070 : i32 to index
        %parallel_loop3A_1072 = tpu.vector_load %arg5[%parallel_loop3A_1071] {strides = array<i32>} : memref<12800xf32, #tpu.memory_space<vmem>>, vector<16xf32>,
        %parallel_loop3A_1073 = vector.shape_cast %parallel_loop3A_1072 : vector<16xf32> to vector<16xf32>
        %parallel_loop3A_1074 = arith.constant 80 : i32
        %parallel_loop3A_1075 = arith.addi %parallel_loop3A_1043, %parallel_loop3A_1074 : i32
        %parallel_loop3A_1076 = arith.index_cast %parallel_loop3A_1075 : i32 to index
        %parallel_loop3A_1077 = tpu.vector_load %arg5[%parallel_loop3A_1076] {strides = array<i32>} : memref<12800xf32, #tpu.memory_space<vmem>>, vector<16xf32>,
        %parallel_loop3A_1078 = vector.shape_cast %parallel_loop3A_1077 : vector<16xf32> to vector<16xf32>
        %parallel_loop3A_1079 = arith.constant 96 : i32
        %parallel_loop3A_1080 = arith.addi %parallel_loop3A_1043, %parallel_loop3A_1079 : i32
        %parallel_loop3A_1081 = arith.index_cast %parallel_loop3A_1080 : i32 to index
        %parallel_loop3A_1082 = tpu.vector_load %arg5[%parallel_loop3A_1081] {strides = array<i32>} : memref<12800xf32, #tpu.memory_space<vmem>>, vector<16xf32>,
        %parallel_loop3A_1083 = vector.shape_cast %parallel_loop3A_1082 : vector<16xf32> to vector<16xf32>
        %parallel_loop3A_1084 = arith.constant 112 : i32
        %parallel_loop3A_1085 = arith.addi %parallel_loop3A_1043, %parallel_loop3A_1084 : i32
        %parallel_loop3A_1086 = arith.index_cast %parallel_loop3A_1085 : i32 to index
        %parallel_loop3A_1087 = tpu.vector_load %arg5[%parallel_loop3A_1086] {strides = array<i32>} : memref<12800xf32, #tpu.memory_space<vmem>>, vector<16xf32>,
        %parallel_loop3A_1088 = vector.shape_cast %parallel_loop3A_1087 : vector<16xf32> to vector<16xf32>
        %parallel_loop3A_1089 = arith.constant 0 : i32
        %parallel_loop3A_1090 = arith.addi %parallel_loop3A_1048, %parallel_loop3A_1089 : i32
        %parallel_loop3A_1091 = arith.index_cast %parallel_loop3A_1090 : i32 to index
        %parallel_loop3A_1092 = tpu.vector_load %arg7[%parallel_loop3A_1091] {strides = array<i32>} : memref<80000xf32, #tpu.memory_space<vmem>>, vector<16xf32>,
        %parallel_loop3A_1093 = vector.shape_cast %parallel_loop3A_1092 : vector<16xf32> to vector<16xf32>
        %parallel_loop3A_1094 = vector.shape_cast %parallel_loop3A_1053 : vector<16xf32> to vector<16xf32>
        tpu.vector_store %arg7[%parallel_loop3A_1091], %parallel_loop3A_1094 {strides = array<i32>} : memref<80000xf32, #tpu.memory_space<vmem>>, vector<16xf32>,
        %parallel_loop3A_1095 = arith.constant 16 : i32
        %parallel_loop3A_1096 = arith.addi %parallel_loop3A_1048, %parallel_loop3A_1095 : i32
        %parallel_loop3A_1097 = arith.index_cast %parallel_loop3A_1096 : i32 to index
        %parallel_loop3A_1098 = tpu.vector_load %arg7[%parallel_loop3A_1097] {strides = array<i32>} : memref<80000xf32, #tpu.memory_space<vmem>>, vector<16xf32>,
        %parallel_loop3A_1099 = vector.shape_cast %parallel_loop3A_1098 : vector<16xf32> to vector<16xf32>
        %parallel_loop3A_1100 = vector.shape_cast %parallel_loop3A_1058 : vector<16xf32> to vector<16xf32>
        tpu.vector_store %arg7[%parallel_loop3A_1097], %parallel_loop3A_1100 {strides = array<i32>} : memref<80000xf32, #tpu.memory_space<vmem>>, vector<16xf32>,
        %parallel_loop3A_1101 = arith.constant 32 : i32
        %parallel_loop3A_1102 = arith.addi %parallel_loop3A_1048, %parallel_loop3A_1101 : i32
        %parallel_loop3A_1103 = arith.index_cast %parallel_loop3A_1102 : i32 to index
        %parallel_loop3A_1104 = tpu.vector_load %arg7[%parallel_loop3A_1103] {strides = array<i32>} : memref<80000xf32, #tpu.memory_space<vmem>>, vector<16xf32>,
        %parallel_loop3A_1105 = vector.shape_cast %parallel_loop3A_1104 : vector<16xf32> to vector<16xf32>
        %parallel_loop3A_1106 = vector.shape_cast %parallel_loop3A_1063 : vector<16xf32> to vector<16xf32>
        tpu.vector_store %arg7[%parallel_loop3A_1103], %parallel_loop3A_1106 {strides = array<i32>} : memref<80000xf32, #tpu.memory_space<vmem>>, vector<16xf32>,
        %parallel_loop3A_1107 = arith.constant 48 : i32
        %parallel_loop3A_1108 = arith.addi %parallel_loop3A_1048, %parallel_loop3A_1107 : i32
        %parallel_loop3A_1109 = arith.index_cast %parallel_loop3A_1108 : i32 to index
        %parallel_loop3A_1110 = tpu.vector_load %arg7[%parallel_loop3A_1109] {strides = array<i32>} : memref<80000xf32, #tpu.memory_space<vmem>>, vector<16xf32>,
        %parallel_loop3A_1111 = vector.shape_cast %parallel_loop3A_1110 : vector<16xf32> to vector<16xf32>
        %parallel_loop3A_1112 = vector.shape_cast %parallel_loop3A_1068 : vector<16xf32> to vector<16xf32>
        tpu.vector_store %arg7[%parallel_loop3A_1109], %parallel_loop3A_1112 {strides = array<i32>} : memref<80000xf32, #tpu.memory_space<vmem>>, vector<16xf32>,
        %parallel_loop3A_1113 = arith.constant 64 : i32
        %parallel_loop3A_1114 = arith.addi %parallel_loop3A_1048, %parallel_loop3A_1113 : i32
        %parallel_loop3A_1115 = arith.index_cast %parallel_loop3A_1114 : i32 to index
        %parallel_loop3A_1116 = tpu.vector_load %arg7[%parallel_loop3A_1115] {strides = array<i32>} : memref<80000xf32, #tpu.memory_space<vmem>>, vector<16xf32>,
        %parallel_loop3A_1117 = vector.shape_cast %parallel_loop3A_1116 : vector<16xf32> to vector<16xf32>
        %parallel_loop3A_1118 = vector.shape_cast %parallel_loop3A_1073 : vector<16xf32> to vector<16xf32>
        tpu.vector_store %arg7[%parallel_loop3A_1115], %parallel_loop3A_1118 {strides = array<i32>} : memref<80000xf32, #tpu.memory_space<vmem>>, vector<16xf32>,
        %parallel_loop3A_1119 = arith.constant 80 : i32
        %parallel_loop3A_1120 = arith.addi %parallel_loop3A_1048, %parallel_loop3A_1119 : i32
        %parallel_loop3A_1121 = arith.index_cast %parallel_loop3A_1120 : i32 to index
        %parallel_loop3A_1122 = tpu.vector_load %arg7[%parallel_loop3A_1121] {strides = array<i32>} : memref<80000xf32, #tpu.memory_space<vmem>>, vector<16xf32>,
        %parallel_loop3A_1123 = vector.shape_cast %parallel_loop3A_1122 : vector<16xf32> to vector<16xf32>
        %parallel_loop3A_1124 = vector.shape_cast %parallel_loop3A_1078 : vector<16xf32> to vector<16xf32>
        tpu.vector_store %arg7[%parallel_loop3A_1121], %parallel_loop3A_1124 {strides = array<i32>} : memref<80000xf32, #tpu.memory_space<vmem>>, vector<16xf32>,
        %parallel_loop3A_1125 = arith.constant 96 : i32
        %parallel_loop3A_1126 = arith.addi %parallel_loop3A_1048, %parallel_loop3A_1125 : i32
        %parallel_loop3A_1127 = arith.index_cast %parallel_loop3A_1126 : i32 to index
        %parallel_loop3A_1128 = tpu.vector_load %arg7[%parallel_loop3A_1127] {strides = array<i32>} : memref<80000xf32, #tpu.memory_space<vmem>>, vector<16xf32>,
        %parallel_loop3A_1129 = vector.shape_cast %parallel_loop3A_1128 : vector<16xf32> to vector<16xf32>
        %parallel_loop3A_1130 = vector.shape_cast %parallel_loop3A_1083 : vector<16xf32> to vector<16xf32>
        tpu.vector_store %arg7[%parallel_loop3A_1127], %parallel_loop3A_1130 {strides = array<i32>} : memref<80000xf32, #tpu.memory_space<vmem>>, vector<16xf32>,
        %parallel_loop3A_1131 = arith.constant 112 : i32
        %parallel_loop3A_1132 = arith.addi %parallel_loop3A_1048, %parallel_loop3A_1131 : i32
        %parallel_loop3A_1133 = arith.index_cast %parallel_loop3A_1132 : i32 to index
        %parallel_loop3A_1134 = tpu.vector_load %arg7[%parallel_loop3A_1133] {strides = array<i32>} : memref<80000xf32, #tpu.memory_space<vmem>>, vector<16xf32>,
        %parallel_loop3A_1135 = vector.shape_cast %parallel_loop3A_1134 : vector<16xf32> to vector<16xf32>
        %parallel_loop3A_1136 = vector.shape_cast %parallel_loop3A_1088 : vector<16xf32> to vector<16xf32>
        tpu.vector_store %arg7[%parallel_loop3A_1133], %parallel_loop3A_1136 {strides = array<i32>} : memref<80000xf32, #tpu.memory_space<vmem>>, vector<16xf32>,
        %parallel_loop3A_1137 = vector.extract_strided_slice %parallel_loop3A_166 {offsets = [10], sizes = [1], strides = [1]} : vector<16xi32> to vector<1xi32>
        %parallel_loop3A_1138 = vector.extract %parallel_loop3A_1137[0] : i32 from vector<1xi32>
        %parallel_loop3A_1139 = arith.constant 128 : i32
        %parallel_loop3A_1140 = arith.muli %parallel_loop3A_1138, %parallel_loop3A_1139 : i32
        %parallel_loop3A_1141 = arith.constant 128 : i32
        %parallel_loop3A_1142 = arith.muli %parallel_loop3A_159, %parallel_loop3A_1141 : i32
        %parallel_loop3A_1143 = arith.addi %mul3A_108, %parallel_loop3A_1142 : i32
        %parallel_loop3A_1144 = arith.constant 1280 : i32
        %parallel_loop3A_1145 = arith.addi %parallel_loop3A_1143, %parallel_loop3A_1144 : i32
        %parallel_loop3A_1146 = arith.constant 0 : i32
        %parallel_loop3A_1147 = arith.addi %parallel_loop3A_1140, %parallel_loop3A_1146 : i32
        %parallel_loop3A_1148 = arith.index_cast %parallel_loop3A_1147 : i32 to index
        %parallel_loop3A_1149 = tpu.vector_load %arg5[%parallel_loop3A_1148] {strides = array<i32>} : memref<12800xf32, #tpu.memory_space<vmem>>, vector<16xf32>,
        %parallel_loop3A_1150 = vector.shape_cast %parallel_loop3A_1149 : vector<16xf32> to vector<16xf32>
        %parallel_loop3A_1151 = arith.constant 16 : i32
        %parallel_loop3A_1152 = arith.addi %parallel_loop3A_1140, %parallel_loop3A_1151 : i32
        %parallel_loop3A_1153 = arith.index_cast %parallel_loop3A_1152 : i32 to index
        %parallel_loop3A_1154 = tpu.vector_load %arg5[%parallel_loop3A_1153] {strides = array<i32>} : memref<12800xf32, #tpu.memory_space<vmem>>, vector<16xf32>,
        %parallel_loop3A_1155 = vector.shape_cast %parallel_loop3A_1154 : vector<16xf32> to vector<16xf32>
        %parallel_loop3A_1156 = arith.constant 32 : i32
        %parallel_loop3A_1157 = arith.addi %parallel_loop3A_1140, %parallel_loop3A_1156 : i32
        %parallel_loop3A_1158 = arith.index_cast %parallel_loop3A_1157 : i32 to index
        %parallel_loop3A_1159 = tpu.vector_load %arg5[%parallel_loop3A_1158] {strides = array<i32>} : memref<12800xf32, #tpu.memory_space<vmem>>, vector<16xf32>,
        %parallel_loop3A_1160 = vector.shape_cast %parallel_loop3A_1159 : vector<16xf32> to vector<16xf32>
        %parallel_loop3A_1161 = arith.constant 48 : i32
        %parallel_loop3A_1162 = arith.addi %parallel_loop3A_1140, %parallel_loop3A_1161 : i32
        %parallel_loop3A_1163 = arith.index_cast %parallel_loop3A_1162 : i32 to index
        %parallel_loop3A_1164 = tpu.vector_load %arg5[%parallel_loop3A_1163] {strides = array<i32>} : memref<12800xf32, #tpu.memory_space<vmem>>, vector<16xf32>,
        %parallel_loop3A_1165 = vector.shape_cast %parallel_loop3A_1164 : vector<16xf32> to vector<16xf32>
        %parallel_loop3A_1166 = arith.constant 64 : i32
        %parallel_loop3A_1167 = arith.addi %parallel_loop3A_1140, %parallel_loop3A_1166 : i32
        %parallel_loop3A_1168 = arith.index_cast %parallel_loop3A_1167 : i32 to index
        %parallel_loop3A_1169 = tpu.vector_load %arg5[%parallel_loop3A_1168] {strides = array<i32>} : memref<12800xf32, #tpu.memory_space<vmem>>, vector<16xf32>,
        %parallel_loop3A_1170 = vector.shape_cast %parallel_loop3A_1169 : vector<16xf32> to vector<16xf32>
        %parallel_loop3A_1171 = arith.constant 80 : i32
        %parallel_loop3A_1172 = arith.addi %parallel_loop3A_1140, %parallel_loop3A_1171 : i32
        %parallel_loop3A_1173 = arith.index_cast %parallel_loop3A_1172 : i32 to index
        %parallel_loop3A_1174 = tpu.vector_load %arg5[%parallel_loop3A_1173] {strides = array<i32>} : memref<12800xf32, #tpu.memory_space<vmem>>, vector<16xf32>,
        %parallel_loop3A_1175 = vector.shape_cast %parallel_loop3A_1174 : vector<16xf32> to vector<16xf32>
        %parallel_loop3A_1176 = arith.constant 96 : i32
        %parallel_loop3A_1177 = arith.addi %parallel_loop3A_1140, %parallel_loop3A_1176 : i32
        %parallel_loop3A_1178 = arith.index_cast %parallel_loop3A_1177 : i32 to index
        %parallel_loop3A_1179 = tpu.vector_load %arg5[%parallel_loop3A_1178] {strides = array<i32>} : memref<12800xf32, #tpu.memory_space<vmem>>, vector<16xf32>,
        %parallel_loop3A_1180 = vector.shape_cast %parallel_loop3A_1179 : vector<16xf32> to vector<16xf32>
        %parallel_loop3A_1181 = arith.constant 112 : i32
        %parallel_loop3A_1182 = arith.addi %parallel_loop3A_1140, %parallel_loop3A_1181 : i32
        %parallel_loop3A_1183 = arith.index_cast %parallel_loop3A_1182 : i32 to index
        %parallel_loop3A_1184 = tpu.vector_load %arg5[%parallel_loop3A_1183] {strides = array<i32>} : memref<12800xf32, #tpu.memory_space<vmem>>, vector<16xf32>,
        %parallel_loop3A_1185 = vector.shape_cast %parallel_loop3A_1184 : vector<16xf32> to vector<16xf32>
        %parallel_loop3A_1186 = arith.constant 0 : i32
        %parallel_loop3A_1187 = arith.addi %parallel_loop3A_1145, %parallel_loop3A_1186 : i32
        %parallel_loop3A_1188 = arith.index_cast %parallel_loop3A_1187 : i32 to index
        %parallel_loop3A_1189 = tpu.vector_load %arg7[%parallel_loop3A_1188] {strides = array<i32>} : memref<80000xf32, #tpu.memory_space<vmem>>, vector<16xf32>,
        %parallel_loop3A_1190 = vector.shape_cast %parallel_loop3A_1189 : vector<16xf32> to vector<16xf32>
        %parallel_loop3A_1191 = vector.shape_cast %parallel_loop3A_1150 : vector<16xf32> to vector<16xf32>
        tpu.vector_store %arg7[%parallel_loop3A_1188], %parallel_loop3A_1191 {strides = array<i32>} : memref<80000xf32, #tpu.memory_space<vmem>>, vector<16xf32>,
        %parallel_loop3A_1192 = arith.constant 16 : i32
        %parallel_loop3A_1193 = arith.addi %parallel_loop3A_1145, %parallel_loop3A_1192 : i32
        %parallel_loop3A_1194 = arith.index_cast %parallel_loop3A_1193 : i32 to index
        %parallel_loop3A_1195 = tpu.vector_load %arg7[%parallel_loop3A_1194] {strides = array<i32>} : memref<80000xf32, #tpu.memory_space<vmem>>, vector<16xf32>,
        %parallel_loop3A_1196 = vector.shape_cast %parallel_loop3A_1195 : vector<16xf32> to vector<16xf32>
        %parallel_loop3A_1197 = vector.shape_cast %parallel_loop3A_1155 : vector<16xf32> to vector<16xf32>
        tpu.vector_store %arg7[%parallel_loop3A_1194], %parallel_loop3A_1197 {strides = array<i32>} : memref<80000xf32, #tpu.memory_space<vmem>>, vector<16xf32>,
        %parallel_loop3A_1198 = arith.constant 32 : i32
        %parallel_loop3A_1199 = arith.addi %parallel_loop3A_1145, %parallel_loop3A_1198 : i32
        %parallel_loop3A_1200 = arith.index_cast %parallel_loop3A_1199 : i32 to index
        %parallel_loop3A_1201 = tpu.vector_load %arg7[%parallel_loop3A_1200] {strides = array<i32>} : memref<80000xf32, #tpu.memory_space<vmem>>, vector<16xf32>,
        %parallel_loop3A_1202 = vector.shape_cast %parallel_loop3A_1201 : vector<16xf32> to vector<16xf32>
        %parallel_loop3A_1203 = vector.shape_cast %parallel_loop3A_1160 : vector<16xf32> to vector<16xf32>
        tpu.vector_store %arg7[%parallel_loop3A_1200], %parallel_loop3A_1203 {strides = array<i32>} : memref<80000xf32, #tpu.memory_space<vmem>>, vector<16xf32>,
        %parallel_loop3A_1204 = arith.constant 48 : i32
        %parallel_loop3A_1205 = arith.addi %parallel_loop3A_1145, %parallel_loop3A_1204 : i32
        %parallel_loop3A_1206 = arith.index_cast %parallel_loop3A_1205 : i32 to index
        %parallel_loop3A_1207 = tpu.vector_load %arg7[%parallel_loop3A_1206] {strides = array<i32>} : memref<80000xf32, #tpu.memory_space<vmem>>, vector<16xf32>,
        %parallel_loop3A_1208 = vector.shape_cast %parallel_loop3A_1207 : vector<16xf32> to vector<16xf32>
        %parallel_loop3A_1209 = vector.shape_cast %parallel_loop3A_1165 : vector<16xf32> to vector<16xf32>
        tpu.vector_store %arg7[%parallel_loop3A_1206], %parallel_loop3A_1209 {strides = array<i32>} : memref<80000xf32, #tpu.memory_space<vmem>>, vector<16xf32>,
        %parallel_loop3A_1210 = arith.constant 64 : i32
        %parallel_loop3A_1211 = arith.addi %parallel_loop3A_1145, %parallel_loop3A_1210 : i32
        %parallel_loop3A_1212 = arith.index_cast %parallel_loop3A_1211 : i32 to index
        %parallel_loop3A_1213 = tpu.vector_load %arg7[%parallel_loop3A_1212] {strides = array<i32>} : memref<80000xf32, #tpu.memory_space<vmem>>, vector<16xf32>,
        %parallel_loop3A_1214 = vector.shape_cast %parallel_loop3A_1213 : vector<16xf32> to vector<16xf32>
        %parallel_loop3A_1215 = vector.shape_cast %parallel_loop3A_1170 : vector<16xf32> to vector<16xf32>
        tpu.vector_store %arg7[%parallel_loop3A_1212], %parallel_loop3A_1215 {strides = array<i32>} : memref<80000xf32, #tpu.memory_space<vmem>>, vector<16xf32>,
        %parallel_loop3A_1216 = arith.constant 80 : i32
        %parallel_loop3A_1217 = arith.addi %parallel_loop3A_1145, %parallel_loop3A_1216 : i32
        %parallel_loop3A_1218 = arith.index_cast %parallel_loop3A_1217 : i32 to index
        %parallel_loop3A_1219 = tpu.vector_load %arg7[%parallel_loop3A_1218] {strides = array<i32>} : memref<80000xf32, #tpu.memory_space<vmem>>, vector<16xf32>,
        %parallel_loop3A_1220 = vector.shape_cast %parallel_loop3A_1219 : vector<16xf32> to vector<16xf32>
        %parallel_loop3A_1221 = vector.shape_cast %parallel_loop3A_1175 : vector<16xf32> to vector<16xf32>
        tpu.vector_store %arg7[%parallel_loop3A_1218], %parallel_loop3A_1221 {strides = array<i32>} : memref<80000xf32, #tpu.memory_space<vmem>>, vector<16xf32>,
        %parallel_loop3A_1222 = arith.constant 96 : i32
        %parallel_loop3A_1223 = arith.addi %parallel_loop3A_1145, %parallel_loop3A_1222 : i32
        %parallel_loop3A_1224 = arith.index_cast %parallel_loop3A_1223 : i32 to index
        %parallel_loop3A_1225 = tpu.vector_load %arg7[%parallel_loop3A_1224] {strides = array<i32>} : memref<80000xf32, #tpu.memory_space<vmem>>, vector<16xf32>,
        %parallel_loop3A_1226 = vector.shape_cast %parallel_loop3A_1225 : vector<16xf32> to vector<16xf32>
        %parallel_loop3A_1227 = vector.shape_cast %parallel_loop3A_1180 : vector<16xf32> to vector<16xf32>
        tpu.vector_store %arg7[%parallel_loop3A_1224], %parallel_loop3A_1227 {strides = array<i32>} : memref<80000xf32, #tpu.memory_space<vmem>>, vector<16xf32>,
        %parallel_loop3A_1228 = arith.constant 112 : i32
        %parallel_loop3A_1229 = arith.addi %parallel_loop3A_1145, %parallel_loop3A_1228 : i32
        %parallel_loop3A_1230 = arith.index_cast %parallel_loop3A_1229 : i32 to index
        %parallel_loop3A_1231 = tpu.vector_load %arg7[%parallel_loop3A_1230] {strides = array<i32>} : memref<80000xf32, #tpu.memory_space<vmem>>, vector<16xf32>,
        %parallel_loop3A_1232 = vector.shape_cast %parallel_loop3A_1231 : vector<16xf32> to vector<16xf32>
        %parallel_loop3A_1233 = vector.shape_cast %parallel_loop3A_1185 : vector<16xf32> to vector<16xf32>
        tpu.vector_store %arg7[%parallel_loop3A_1230], %parallel_loop3A_1233 {strides = array<i32>} : memref<80000xf32, #tpu.memory_space<vmem>>, vector<16xf32>,
        %parallel_loop3A_1234 = vector.extract_strided_slice %parallel_loop3A_166 {offsets = [11], sizes = [1], strides = [1]} : vector<16xi32> to vector<1xi32>
        %parallel_loop3A_1235 = vector.extract %parallel_loop3A_1234[0] : i32 from vector<1xi32>
        %parallel_loop3A_1236 = arith.constant 128 : i32
        %parallel_loop3A_1237 = arith.muli %parallel_loop3A_1235, %parallel_loop3A_1236 : i32
        %parallel_loop3A_1238 = arith.constant 128 : i32
        %parallel_loop3A_1239 = arith.muli %parallel_loop3A_159, %parallel_loop3A_1238 : i32
        %parallel_loop3A_1240 = arith.addi %mul3A_108, %parallel_loop3A_1239 : i32
        %parallel_loop3A_1241 = arith.constant 1408 : i32
        %parallel_loop3A_1242 = arith.addi %parallel_loop3A_1240, %parallel_loop3A_1241 : i32
        %parallel_loop3A_1243 = arith.constant 0 : i32
        %parallel_loop3A_1244 = arith.addi %parallel_loop3A_1237, %parallel_loop3A_1243 : i32
        %parallel_loop3A_1245 = arith.index_cast %parallel_loop3A_1244 : i32 to index
        %parallel_loop3A_1246 = tpu.vector_load %arg5[%parallel_loop3A_1245] {strides = array<i32>} : memref<12800xf32, #tpu.memory_space<vmem>>, vector<16xf32>,
        %parallel_loop3A_1247 = vector.shape_cast %parallel_loop3A_1246 : vector<16xf32> to vector<16xf32>
        %parallel_loop3A_1248 = arith.constant 16 : i32
        %parallel_loop3A_1249 = arith.addi %parallel_loop3A_1237, %parallel_loop3A_1248 : i32
        %parallel_loop3A_1250 = arith.index_cast %parallel_loop3A_1249 : i32 to index
        %parallel_loop3A_1251 = tpu.vector_load %arg5[%parallel_loop3A_1250] {strides = array<i32>} : memref<12800xf32, #tpu.memory_space<vmem>>, vector<16xf32>,
        %parallel_loop3A_1252 = vector.shape_cast %parallel_loop3A_1251 : vector<16xf32> to vector<16xf32>
        %parallel_loop3A_1253 = arith.constant 32 : i32
        %parallel_loop3A_1254 = arith.addi %parallel_loop3A_1237, %parallel_loop3A_1253 : i32
        %parallel_loop3A_1255 = arith.index_cast %parallel_loop3A_1254 : i32 to index
        %parallel_loop3A_1256 = tpu.vector_load %arg5[%parallel_loop3A_1255] {strides = array<i32>} : memref<12800xf32, #tpu.memory_space<vmem>>, vector<16xf32>,
        %parallel_loop3A_1257 = vector.shape_cast %parallel_loop3A_1256 : vector<16xf32> to vector<16xf32>
        %parallel_loop3A_1258 = arith.constant 48 : i32
        %parallel_loop3A_1259 = arith.addi %parallel_loop3A_1237, %parallel_loop3A_1258 : i32
        %parallel_loop3A_1260 = arith.index_cast %parallel_loop3A_1259 : i32 to index
        %parallel_loop3A_1261 = tpu.vector_load %arg5[%parallel_loop3A_1260] {strides = array<i32>} : memref<12800xf32, #tpu.memory_space<vmem>>, vector<16xf32>,
        %parallel_loop3A_1262 = vector.shape_cast %parallel_loop3A_1261 : vector<16xf32> to vector<16xf32>
        %parallel_loop3A_1263 = arith.constant 64 : i32
        %parallel_loop3A_1264 = arith.addi %parallel_loop3A_1237, %parallel_loop3A_1263 : i32
        %parallel_loop3A_1265 = arith.index_cast %parallel_loop3A_1264 : i32 to index
        %parallel_loop3A_1266 = tpu.vector_load %arg5[%parallel_loop3A_1265] {strides = array<i32>} : memref<12800xf32, #tpu.memory_space<vmem>>, vector<16xf32>,
        %parallel_loop3A_1267 = vector.shape_cast %parallel_loop3A_1266 : vector<16xf32> to vector<16xf32>
        %parallel_loop3A_1268 = arith.constant 80 : i32
        %parallel_loop3A_1269 = arith.addi %parallel_loop3A_1237, %parallel_loop3A_1268 : i32
        %parallel_loop3A_1270 = arith.index_cast %parallel_loop3A_1269 : i32 to index
        %parallel_loop3A_1271 = tpu.vector_load %arg5[%parallel_loop3A_1270] {strides = array<i32>} : memref<12800xf32, #tpu.memory_space<vmem>>, vector<16xf32>,
        %parallel_loop3A_1272 = vector.shape_cast %parallel_loop3A_1271 : vector<16xf32> to vector<16xf32>
        %parallel_loop3A_1273 = arith.constant 96 : i32
        %parallel_loop3A_1274 = arith.addi %parallel_loop3A_1237, %parallel_loop3A_1273 : i32
        %parallel_loop3A_1275 = arith.index_cast %parallel_loop3A_1274 : i32 to index
        %parallel_loop3A_1276 = tpu.vector_load %arg5[%parallel_loop3A_1275] {strides = array<i32>} : memref<12800xf32, #tpu.memory_space<vmem>>, vector<16xf32>,
        %parallel_loop3A_1277 = vector.shape_cast %parallel_loop3A_1276 : vector<16xf32> to vector<16xf32>
        %parallel_loop3A_1278 = arith.constant 112 : i32
        %parallel_loop3A_1279 = arith.addi %parallel_loop3A_1237, %parallel_loop3A_1278 : i32
        %parallel_loop3A_1280 = arith.index_cast %parallel_loop3A_1279 : i32 to index
        %parallel_loop3A_1281 = tpu.vector_load %arg5[%parallel_loop3A_1280] {strides = array<i32>} : memref<12800xf32, #tpu.memory_space<vmem>>, vector<16xf32>,
        %parallel_loop3A_1282 = vector.shape_cast %parallel_loop3A_1281 : vector<16xf32> to vector<16xf32>
        %parallel_loop3A_1283 = arith.constant 0 : i32
        %parallel_loop3A_1284 = arith.addi %parallel_loop3A_1242, %parallel_loop3A_1283 : i32
        %parallel_loop3A_1285 = arith.index_cast %parallel_loop3A_1284 : i32 to index
        %parallel_loop3A_1286 = tpu.vector_load %arg7[%parallel_loop3A_1285] {strides = array<i32>} : memref<80000xf32, #tpu.memory_space<vmem>>, vector<16xf32>,
        %parallel_loop3A_1287 = vector.shape_cast %parallel_loop3A_1286 : vector<16xf32> to vector<16xf32>
        %parallel_loop3A_1288 = vector.shape_cast %parallel_loop3A_1247 : vector<16xf32> to vector<16xf32>
        tpu.vector_store %arg7[%parallel_loop3A_1285], %parallel_loop3A_1288 {strides = array<i32>} : memref<80000xf32, #tpu.memory_space<vmem>>, vector<16xf32>,
        %parallel_loop3A_1289 = arith.constant 16 : i32
        %parallel_loop3A_1290 = arith.addi %parallel_loop3A_1242, %parallel_loop3A_1289 : i32
        %parallel_loop3A_1291 = arith.index_cast %parallel_loop3A_1290 : i32 to index
        %parallel_loop3A_1292 = tpu.vector_load %arg7[%parallel_loop3A_1291] {strides = array<i32>} : memref<80000xf32, #tpu.memory_space<vmem>>, vector<16xf32>,
        %parallel_loop3A_1293 = vector.shape_cast %parallel_loop3A_1292 : vector<16xf32> to vector<16xf32>
        %parallel_loop3A_1294 = vector.shape_cast %parallel_loop3A_1252 : vector<16xf32> to vector<16xf32>
        tpu.vector_store %arg7[%parallel_loop3A_1291], %parallel_loop3A_1294 {strides = array<i32>} : memref<80000xf32, #tpu.memory_space<vmem>>, vector<16xf32>,
        %parallel_loop3A_1295 = arith.constant 32 : i32
        %parallel_loop3A_1296 = arith.addi %parallel_loop3A_1242, %parallel_loop3A_1295 : i32
        %parallel_loop3A_1297 = arith.index_cast %parallel_loop3A_1296 : i32 to index
        %parallel_loop3A_1298 = tpu.vector_load %arg7[%parallel_loop3A_1297] {strides = array<i32>} : memref<80000xf32, #tpu.memory_space<vmem>>, vector<16xf32>,
        %parallel_loop3A_1299 = vector.shape_cast %parallel_loop3A_1298 : vector<16xf32> to vector<16xf32>
        %parallel_loop3A_1300 = vector.shape_cast %parallel_loop3A_1257 : vector<16xf32> to vector<16xf32>
        tpu.vector_store %arg7[%parallel_loop3A_1297], %parallel_loop3A_1300 {strides = array<i32>} : memref<80000xf32, #tpu.memory_space<vmem>>, vector<16xf32>,
        %parallel_loop3A_1301 = arith.constant 48 : i32
        %parallel_loop3A_1302 = arith.addi %parallel_loop3A_1242, %parallel_loop3A_1301 : i32
        %parallel_loop3A_1303 = arith.index_cast %parallel_loop3A_1302 : i32 to index
        %parallel_loop3A_1304 = tpu.vector_load %arg7[%parallel_loop3A_1303] {strides = array<i32>} : memref<80000xf32, #tpu.memory_space<vmem>>, vector<16xf32>,
        %parallel_loop3A_1305 = vector.shape_cast %parallel_loop3A_1304 : vector<16xf32> to vector<16xf32>
        %parallel_loop3A_1306 = vector.shape_cast %parallel_loop3A_1262 : vector<16xf32> to vector<16xf32>
        tpu.vector_store %arg7[%parallel_loop3A_1303], %parallel_loop3A_1306 {strides = array<i32>} : memref<80000xf32, #tpu.memory_space<vmem>>, vector<16xf32>,
        %parallel_loop3A_1307 = arith.constant 64 : i32
        %parallel_loop3A_1308 = arith.addi %parallel_loop3A_1242, %parallel_loop3A_1307 : i32
        %parallel_loop3A_1309 = arith.index_cast %parallel_loop3A_1308 : i32 to index
        %parallel_loop3A_1310 = tpu.vector_load %arg7[%parallel_loop3A_1309] {strides = array<i32>} : memref<80000xf32, #tpu.memory_space<vmem>>, vector<16xf32>,
        %parallel_loop3A_1311 = vector.shape_cast %parallel_loop3A_1310 : vector<16xf32> to vector<16xf32>
        %parallel_loop3A_1312 = vector.shape_cast %parallel_loop3A_1267 : vector<16xf32> to vector<16xf32>
        tpu.vector_store %arg7[%parallel_loop3A_1309], %parallel_loop3A_1312 {strides = array<i32>} : memref<80000xf32, #tpu.memory_space<vmem>>, vector<16xf32>,
        %parallel_loop3A_1313 = arith.constant 80 : i32
        %parallel_loop3A_1314 = arith.addi %parallel_loop3A_1242, %parallel_loop3A_1313 : i32
        %parallel_loop3A_1315 = arith.index_cast %parallel_loop3A_1314 : i32 to index
        %parallel_loop3A_1316 = tpu.vector_load %arg7[%parallel_loop3A_1315] {strides = array<i32>} : memref<80000xf32, #tpu.memory_space<vmem>>, vector<16xf32>,
        %parallel_loop3A_1317 = vector.shape_cast %parallel_loop3A_1316 : vector<16xf32> to vector<16xf32>
        %parallel_loop3A_1318 = vector.shape_cast %parallel_loop3A_1272 : vector<16xf32> to vector<16xf32>
        tpu.vector_store %arg7[%parallel_loop3A_1315], %parallel_loop3A_1318 {strides = array<i32>} : memref<80000xf32, #tpu.memory_space<vmem>>, vector<16xf32>,
        %parallel_loop3A_1319 = arith.constant 96 : i32
        %parallel_loop3A_1320 = arith.addi %parallel_loop3A_1242, %parallel_loop3A_1319 : i32
        %parallel_loop3A_1321 = arith.index_cast %parallel_loop3A_1320 : i32 to index
        %parallel_loop3A_1322 = tpu.vector_load %arg7[%parallel_loop3A_1321] {strides = array<i32>} : memref<80000xf32, #tpu.memory_space<vmem>>, vector<16xf32>,
        %parallel_loop3A_1323 = vector.shape_cast %parallel_loop3A_1322 : vector<16xf32> to vector<16xf32>
        %parallel_loop3A_1324 = vector.shape_cast %parallel_loop3A_1277 : vector<16xf32> to vector<16xf32>
        tpu.vector_store %arg7[%parallel_loop3A_1321], %parallel_loop3A_1324 {strides = array<i32>} : memref<80000xf32, #tpu.memory_space<vmem>>, vector<16xf32>,
        %parallel_loop3A_1325 = arith.constant 112 : i32
        %parallel_loop3A_1326 = arith.addi %parallel_loop3A_1242, %parallel_loop3A_1325 : i32
        %parallel_loop3A_1327 = arith.index_cast %parallel_loop3A_1326 : i32 to index
        %parallel_loop3A_1328 = tpu.vector_load %arg7[%parallel_loop3A_1327] {strides = array<i32>} : memref<80000xf32, #tpu.memory_space<vmem>>, vector<16xf32>,
        %parallel_loop3A_1329 = vector.shape_cast %parallel_loop3A_1328 : vector<16xf32> to vector<16xf32>
        %parallel_loop3A_1330 = vector.shape_cast %parallel_loop3A_1282 : vector<16xf32> to vector<16xf32>
        tpu.vector_store %arg7[%parallel_loop3A_1327], %parallel_loop3A_1330 {strides = array<i32>} : memref<80000xf32, #tpu.memory_space<vmem>>, vector<16xf32>,
        %parallel_loop3A_1331 = vector.extract_strided_slice %parallel_loop3A_166 {offsets = [12], sizes = [1], strides = [1]} : vector<16xi32> to vector<1xi32>
        %parallel_loop3A_1332 = vector.extract %parallel_loop3A_1331[0] : i32 from vector<1xi32>
        %parallel_loop3A_1333 = arith.constant 128 : i32
        %parallel_loop3A_1334 = arith.muli %parallel_loop3A_1332, %parallel_loop3A_1333 : i32
        %parallel_loop3A_1335 = arith.constant 128 : i32
        %parallel_loop3A_1336 = arith.muli %parallel_loop3A_159, %parallel_loop3A_1335 : i32
        %parallel_loop3A_1337 = arith.addi %mul3A_108, %parallel_loop3A_1336 : i32
        %parallel_loop3A_1338 = arith.constant 1536 : i32
        %parallel_loop3A_1339 = arith.addi %parallel_loop3A_1337, %parallel_loop3A_1338 : i32
        %parallel_loop3A_1340 = arith.constant 0 : i32
        %parallel_loop3A_1341 = arith.addi %parallel_loop3A_1334, %parallel_loop3A_1340 : i32
        %parallel_loop3A_1342 = arith.index_cast %parallel_loop3A_1341 : i32 to index
        %parallel_loop3A_1343 = tpu.vector_load %arg5[%parallel_loop3A_1342] {strides = array<i32>} : memref<12800xf32, #tpu.memory_space<vmem>>, vector<16xf32>,
        %parallel_loop3A_1344 = vector.shape_cast %parallel_loop3A_1343 : vector<16xf32> to vector<16xf32>
        %parallel_loop3A_1345 = arith.constant 16 : i32
        %parallel_loop3A_1346 = arith.addi %parallel_loop3A_1334, %parallel_loop3A_1345 : i32
        %parallel_loop3A_1347 = arith.index_cast %parallel_loop3A_1346 : i32 to index
        %parallel_loop3A_1348 = tpu.vector_load %arg5[%parallel_loop3A_1347] {strides = array<i32>} : memref<12800xf32, #tpu.memory_space<vmem>>, vector<16xf32>,
        %parallel_loop3A_1349 = vector.shape_cast %parallel_loop3A_1348 : vector<16xf32> to vector<16xf32>
        %parallel_loop3A_1350 = arith.constant 32 : i32
        %parallel_loop3A_1351 = arith.addi %parallel_loop3A_1334, %parallel_loop3A_1350 : i32
        %parallel_loop3A_1352 = arith.index_cast %parallel_loop3A_1351 : i32 to index
        %parallel_loop3A_1353 = tpu.vector_load %arg5[%parallel_loop3A_1352] {strides = array<i32>} : memref<12800xf32, #tpu.memory_space<vmem>>, vector<16xf32>,
        %parallel_loop3A_1354 = vector.shape_cast %parallel_loop3A_1353 : vector<16xf32> to vector<16xf32>
        %parallel_loop3A_1355 = arith.constant 48 : i32
        %parallel_loop3A_1356 = arith.addi %parallel_loop3A_1334, %parallel_loop3A_1355 : i32
        %parallel_loop3A_1357 = arith.index_cast %parallel_loop3A_1356 : i32 to index
        %parallel_loop3A_1358 = tpu.vector_load %arg5[%parallel_loop3A_1357] {strides = array<i32>} : memref<12800xf32, #tpu.memory_space<vmem>>, vector<16xf32>,
        %parallel_loop3A_1359 = vector.shape_cast %parallel_loop3A_1358 : vector<16xf32> to vector<16xf32>
        %parallel_loop3A_1360 = arith.constant 64 : i32
        %parallel_loop3A_1361 = arith.addi %parallel_loop3A_1334, %parallel_loop3A_1360 : i32
        %parallel_loop3A_1362 = arith.index_cast %parallel_loop3A_1361 : i32 to index
        %parallel_loop3A_1363 = tpu.vector_load %arg5[%parallel_loop3A_1362] {strides = array<i32>} : memref<12800xf32, #tpu.memory_space<vmem>>, vector<16xf32>,
        %parallel_loop3A_1364 = vector.shape_cast %parallel_loop3A_1363 : vector<16xf32> to vector<16xf32>
        %parallel_loop3A_1365 = arith.constant 80 : i32
        %parallel_loop3A_1366 = arith.addi %parallel_loop3A_1334, %parallel_loop3A_1365 : i32
        %parallel_loop3A_1367 = arith.index_cast %parallel_loop3A_1366 : i32 to index
        %parallel_loop3A_1368 = tpu.vector_load %arg5[%parallel_loop3A_1367] {strides = array<i32>} : memref<12800xf32, #tpu.memory_space<vmem>>, vector<16xf32>,
        %parallel_loop3A_1369 = vector.shape_cast %parallel_loop3A_1368 : vector<16xf32> to vector<16xf32>
        %parallel_loop3A_1370 = arith.constant 96 : i32
        %parallel_loop3A_1371 = arith.addi %parallel_loop3A_1334, %parallel_loop3A_1370 : i32
        %parallel_loop3A_1372 = arith.index_cast %parallel_loop3A_1371 : i32 to index
        %parallel_loop3A_1373 = tpu.vector_load %arg5[%parallel_loop3A_1372] {strides = array<i32>} : memref<12800xf32, #tpu.memory_space<vmem>>, vector<16xf32>,
        %parallel_loop3A_1374 = vector.shape_cast %parallel_loop3A_1373 : vector<16xf32> to vector<16xf32>
        %parallel_loop3A_1375 = arith.constant 112 : i32
        %parallel_loop3A_1376 = arith.addi %parallel_loop3A_1334, %parallel_loop3A_1375 : i32
        %parallel_loop3A_1377 = arith.index_cast %parallel_loop3A_1376 : i32 to index
        %parallel_loop3A_1378 = tpu.vector_load %arg5[%parallel_loop3A_1377] {strides = array<i32>} : memref<12800xf32, #tpu.memory_space<vmem>>, vector<16xf32>,
        %parallel_loop3A_1379 = vector.shape_cast %parallel_loop3A_1378 : vector<16xf32> to vector<16xf32>
        %parallel_loop3A_1380 = arith.constant 0 : i32
        %parallel_loop3A_1381 = arith.addi %parallel_loop3A_1339, %parallel_loop3A_1380 : i32
        %parallel_loop3A_1382 = arith.index_cast %parallel_loop3A_1381 : i32 to index
        %parallel_loop3A_1383 = tpu.vector_load %arg7[%parallel_loop3A_1382] {strides = array<i32>} : memref<80000xf32, #tpu.memory_space<vmem>>, vector<16xf32>,
        %parallel_loop3A_1384 = vector.shape_cast %parallel_loop3A_1383 : vector<16xf32> to vector<16xf32>
        %parallel_loop3A_1385 = vector.shape_cast %parallel_loop3A_1344 : vector<16xf32> to vector<16xf32>
        tpu.vector_store %arg7[%parallel_loop3A_1382], %parallel_loop3A_1385 {strides = array<i32>} : memref<80000xf32, #tpu.memory_space<vmem>>, vector<16xf32>,
        %parallel_loop3A_1386 = arith.constant 16 : i32
        %parallel_loop3A_1387 = arith.addi %parallel_loop3A_1339, %parallel_loop3A_1386 : i32
        %parallel_loop3A_1388 = arith.index_cast %parallel_loop3A_1387 : i32 to index
        %parallel_loop3A_1389 = tpu.vector_load %arg7[%parallel_loop3A_1388] {strides = array<i32>} : memref<80000xf32, #tpu.memory_space<vmem>>, vector<16xf32>,
        %parallel_loop3A_1390 = vector.shape_cast %parallel_loop3A_1389 : vector<16xf32> to vector<16xf32>
        %parallel_loop3A_1391 = vector.shape_cast %parallel_loop3A_1349 : vector<16xf32> to vector<16xf32>
        tpu.vector_store %arg7[%parallel_loop3A_1388], %parallel_loop3A_1391 {strides = array<i32>} : memref<80000xf32, #tpu.memory_space<vmem>>, vector<16xf32>,
        %parallel_loop3A_1392 = arith.constant 32 : i32
        %parallel_loop3A_1393 = arith.addi %parallel_loop3A_1339, %parallel_loop3A_1392 : i32
        %parallel_loop3A_1394 = arith.index_cast %parallel_loop3A_1393 : i32 to index
        %parallel_loop3A_1395 = tpu.vector_load %arg7[%parallel_loop3A_1394] {strides = array<i32>} : memref<80000xf32, #tpu.memory_space<vmem>>, vector<16xf32>,
        %parallel_loop3A_1396 = vector.shape_cast %parallel_loop3A_1395 : vector<16xf32> to vector<16xf32>
        %parallel_loop3A_1397 = vector.shape_cast %parallel_loop3A_1354 : vector<16xf32> to vector<16xf32>
        tpu.vector_store %arg7[%parallel_loop3A_1394], %parallel_loop3A_1397 {strides = array<i32>} : memref<80000xf32, #tpu.memory_space<vmem>>, vector<16xf32>,
        %parallel_loop3A_1398 = arith.constant 48 : i32
        %parallel_loop3A_1399 = arith.addi %parallel_loop3A_1339, %parallel_loop3A_1398 : i32
        %parallel_loop3A_1400 = arith.index_cast %parallel_loop3A_1399 : i32 to index
        %parallel_loop3A_1401 = tpu.vector_load %arg7[%parallel_loop3A_1400] {strides = array<i32>} : memref<80000xf32, #tpu.memory_space<vmem>>, vector<16xf32>,
        %parallel_loop3A_1402 = vector.shape_cast %parallel_loop3A_1401 : vector<16xf32> to vector<16xf32>
        %parallel_loop3A_1403 = vector.shape_cast %parallel_loop3A_1359 : vector<16xf32> to vector<16xf32>
        tpu.vector_store %arg7[%parallel_loop3A_1400], %parallel_loop3A_1403 {strides = array<i32>} : memref<80000xf32, #tpu.memory_space<vmem>>, vector<16xf32>,
        %parallel_loop3A_1404 = arith.constant 64 : i32
        %parallel_loop3A_1405 = arith.addi %parallel_loop3A_1339, %parallel_loop3A_1404 : i32
        %parallel_loop3A_1406 = arith.index_cast %parallel_loop3A_1405 : i32 to index
        %parallel_loop3A_1407 = tpu.vector_load %arg7[%parallel_loop3A_1406] {strides = array<i32>} : memref<80000xf32, #tpu.memory_space<vmem>>, vector<16xf32>,
        %parallel_loop3A_1408 = vector.shape_cast %parallel_loop3A_1407 : vector<16xf32> to vector<16xf32>
        %parallel_loop3A_1409 = vector.shape_cast %parallel_loop3A_1364 : vector<16xf32> to vector<16xf32>
        tpu.vector_store %arg7[%parallel_loop3A_1406], %parallel_loop3A_1409 {strides = array<i32>} : memref<80000xf32, #tpu.memory_space<vmem>>, vector<16xf32>,
        %parallel_loop3A_1410 = arith.constant 80 : i32
        %parallel_loop3A_1411 = arith.addi %parallel_loop3A_1339, %parallel_loop3A_1410 : i32
        %parallel_loop3A_1412 = arith.index_cast %parallel_loop3A_1411 : i32 to index
        %parallel_loop3A_1413 = tpu.vector_load %arg7[%parallel_loop3A_1412] {strides = array<i32>} : memref<80000xf32, #tpu.memory_space<vmem>>, vector<16xf32>,
        %parallel_loop3A_1414 = vector.shape_cast %parallel_loop3A_1413 : vector<16xf32> to vector<16xf32>
        %parallel_loop3A_1415 = vector.shape_cast %parallel_loop3A_1369 : vector<16xf32> to vector<16xf32>
        tpu.vector_store %arg7[%parallel_loop3A_1412], %parallel_loop3A_1415 {strides = array<i32>} : memref<80000xf32, #tpu.memory_space<vmem>>, vector<16xf32>,
        %parallel_loop3A_1416 = arith.constant 96 : i32
        %parallel_loop3A_1417 = arith.addi %parallel_loop3A_1339, %parallel_loop3A_1416 : i32
        %parallel_loop3A_1418 = arith.index_cast %parallel_loop3A_1417 : i32 to index
        %parallel_loop3A_1419 = tpu.vector_load %arg7[%parallel_loop3A_1418] {strides = array<i32>} : memref<80000xf32, #tpu.memory_space<vmem>>, vector<16xf32>,
        %parallel_loop3A_1420 = vector.shape_cast %parallel_loop3A_1419 : vector<16xf32> to vector<16xf32>
        %parallel_loop3A_1421 = vector.shape_cast %parallel_loop3A_1374 : vector<16xf32> to vector<16xf32>
        tpu.vector_store %arg7[%parallel_loop3A_1418], %parallel_loop3A_1421 {strides = array<i32>} : memref<80000xf32, #tpu.memory_space<vmem>>, vector<16xf32>,
        %parallel_loop3A_1422 = arith.constant 112 : i32
        %parallel_loop3A_1423 = arith.addi %parallel_loop3A_1339, %parallel_loop3A_1422 : i32
        %parallel_loop3A_1424 = arith.index_cast %parallel_loop3A_1423 : i32 to index
        %parallel_loop3A_1425 = tpu.vector_load %arg7[%parallel_loop3A_1424] {strides = array<i32>} : memref<80000xf32, #tpu.memory_space<vmem>>, vector<16xf32>,
        %parallel_loop3A_1426 = vector.shape_cast %parallel_loop3A_1425 : vector<16xf32> to vector<16xf32>
        %parallel_loop3A_1427 = vector.shape_cast %parallel_loop3A_1379 : vector<16xf32> to vector<16xf32>
        tpu.vector_store %arg7[%parallel_loop3A_1424], %parallel_loop3A_1427 {strides = array<i32>} : memref<80000xf32, #tpu.memory_space<vmem>>, vector<16xf32>,
        %parallel_loop3A_1428 = vector.extract_strided_slice %parallel_loop3A_166 {offsets = [13], sizes = [1], strides = [1]} : vector<16xi32> to vector<1xi32>
        %parallel_loop3A_1429 = vector.extract %parallel_loop3A_1428[0] : i32 from vector<1xi32>
        %parallel_loop3A_1430 = arith.constant 128 : i32
        %parallel_loop3A_1431 = arith.muli %parallel_loop3A_1429, %parallel_loop3A_1430 : i32
        %parallel_loop3A_1432 = arith.constant 128 : i32
        %parallel_loop3A_1433 = arith.muli %parallel_loop3A_159, %parallel_loop3A_1432 : i32
        %parallel_loop3A_1434 = arith.addi %mul3A_108, %parallel_loop3A_1433 : i32
        %parallel_loop3A_1435 = arith.constant 1664 : i32
        %parallel_loop3A_1436 = arith.addi %parallel_loop3A_1434, %parallel_loop3A_1435 : i32
        %parallel_loop3A_1437 = arith.constant 0 : i32
        %parallel_loop3A_1438 = arith.addi %parallel_loop3A_1431, %parallel_loop3A_1437 : i32
        %parallel_loop3A_1439 = arith.index_cast %parallel_loop3A_1438 : i32 to index
        %parallel_loop3A_1440 = tpu.vector_load %arg5[%parallel_loop3A_1439] {strides = array<i32>} : memref<12800xf32, #tpu.memory_space<vmem>>, vector<16xf32>,
        %parallel_loop3A_1441 = vector.shape_cast %parallel_loop3A_1440 : vector<16xf32> to vector<16xf32>
        %parallel_loop3A_1442 = arith.constant 16 : i32
        %parallel_loop3A_1443 = arith.addi %parallel_loop3A_1431, %parallel_loop3A_1442 : i32
        %parallel_loop3A_1444 = arith.index_cast %parallel_loop3A_1443 : i32 to index
        %parallel_loop3A_1445 = tpu.vector_load %arg5[%parallel_loop3A_1444] {strides = array<i32>} : memref<12800xf32, #tpu.memory_space<vmem>>, vector<16xf32>,
        %parallel_loop3A_1446 = vector.shape_cast %parallel_loop3A_1445 : vector<16xf32> to vector<16xf32>
        %parallel_loop3A_1447 = arith.constant 32 : i32
        %parallel_loop3A_1448 = arith.addi %parallel_loop3A_1431, %parallel_loop3A_1447 : i32
        %parallel_loop3A_1449 = arith.index_cast %parallel_loop3A_1448 : i32 to index
        %parallel_loop3A_1450 = tpu.vector_load %arg5[%parallel_loop3A_1449] {strides = array<i32>} : memref<12800xf32, #tpu.memory_space<vmem>>, vector<16xf32>,
        %parallel_loop3A_1451 = vector.shape_cast %parallel_loop3A_1450 : vector<16xf32> to vector<16xf32>
        %parallel_loop3A_1452 = arith.constant 48 : i32
        %parallel_loop3A_1453 = arith.addi %parallel_loop3A_1431, %parallel_loop3A_1452 : i32
        %parallel_loop3A_1454 = arith.index_cast %parallel_loop3A_1453 : i32 to index
        %parallel_loop3A_1455 = tpu.vector_load %arg5[%parallel_loop3A_1454] {strides = array<i32>} : memref<12800xf32, #tpu.memory_space<vmem>>, vector<16xf32>,
        %parallel_loop3A_1456 = vector.shape_cast %parallel_loop3A_1455 : vector<16xf32> to vector<16xf32>
        %parallel_loop3A_1457 = arith.constant 64 : i32
        %parallel_loop3A_1458 = arith.addi %parallel_loop3A_1431, %parallel_loop3A_1457 : i32
        %parallel_loop3A_1459 = arith.index_cast %parallel_loop3A_1458 : i32 to index
        %parallel_loop3A_1460 = tpu.vector_load %arg5[%parallel_loop3A_1459] {strides = array<i32>} : memref<12800xf32, #tpu.memory_space<vmem>>, vector<16xf32>,
        %parallel_loop3A_1461 = vector.shape_cast %parallel_loop3A_1460 : vector<16xf32> to vector<16xf32>
        %parallel_loop3A_1462 = arith.constant 80 : i32
        %parallel_loop3A_1463 = arith.addi %parallel_loop3A_1431, %parallel_loop3A_1462 : i32
        %parallel_loop3A_1464 = arith.index_cast %parallel_loop3A_1463 : i32 to index
        %parallel_loop3A_1465 = tpu.vector_load %arg5[%parallel_loop3A_1464] {strides = array<i32>} : memref<12800xf32, #tpu.memory_space<vmem>>, vector<16xf32>,
        %parallel_loop3A_1466 = vector.shape_cast %parallel_loop3A_1465 : vector<16xf32> to vector<16xf32>
        %parallel_loop3A_1467 = arith.constant 96 : i32
        %parallel_loop3A_1468 = arith.addi %parallel_loop3A_1431, %parallel_loop3A_1467 : i32
        %parallel_loop3A_1469 = arith.index_cast %parallel_loop3A_1468 : i32 to index
        %parallel_loop3A_1470 = tpu.vector_load %arg5[%parallel_loop3A_1469] {strides = array<i32>} : memref<12800xf32, #tpu.memory_space<vmem>>, vector<16xf32>,
        %parallel_loop3A_1471 = vector.shape_cast %parallel_loop3A_1470 : vector<16xf32> to vector<16xf32>
        %parallel_loop3A_1472 = arith.constant 112 : i32
        %parallel_loop3A_1473 = arith.addi %parallel_loop3A_1431, %parallel_loop3A_1472 : i32
        %parallel_loop3A_1474 = arith.index_cast %parallel_loop3A_1473 : i32 to index
        %parallel_loop3A_1475 = tpu.vector_load %arg5[%parallel_loop3A_1474] {strides = array<i32>} : memref<12800xf32, #tpu.memory_space<vmem>>, vector<16xf32>,
        %parallel_loop3A_1476 = vector.shape_cast %parallel_loop3A_1475 : vector<16xf32> to vector<16xf32>
        %parallel_loop3A_1477 = arith.constant 0 : i32
        %parallel_loop3A_1478 = arith.addi %parallel_loop3A_1436, %parallel_loop3A_1477 : i32
        %parallel_loop3A_1479 = arith.index_cast %parallel_loop3A_1478 : i32 to index
        %parallel_loop3A_1480 = tpu.vector_load %arg7[%parallel_loop3A_1479] {strides = array<i32>} : memref<80000xf32, #tpu.memory_space<vmem>>, vector<16xf32>,
        %parallel_loop3A_1481 = vector.shape_cast %parallel_loop3A_1480 : vector<16xf32> to vector<16xf32>
        %parallel_loop3A_1482 = vector.shape_cast %parallel_loop3A_1441 : vector<16xf32> to vector<16xf32>
        tpu.vector_store %arg7[%parallel_loop3A_1479], %parallel_loop3A_1482 {strides = array<i32>} : memref<80000xf32, #tpu.memory_space<vmem>>, vector<16xf32>,
        %parallel_loop3A_1483 = arith.constant 16 : i32
        %parallel_loop3A_1484 = arith.addi %parallel_loop3A_1436, %parallel_loop3A_1483 : i32
        %parallel_loop3A_1485 = arith.index_cast %parallel_loop3A_1484 : i32 to index
        %parallel_loop3A_1486 = tpu.vector_load %arg7[%parallel_loop3A_1485] {strides = array<i32>} : memref<80000xf32, #tpu.memory_space<vmem>>, vector<16xf32>,
        %parallel_loop3A_1487 = vector.shape_cast %parallel_loop3A_1486 : vector<16xf32> to vector<16xf32>
        %parallel_loop3A_1488 = vector.shape_cast %parallel_loop3A_1446 : vector<16xf32> to vector<16xf32>
        tpu.vector_store %arg7[%parallel_loop3A_1485], %parallel_loop3A_1488 {strides = array<i32>} : memref<80000xf32, #tpu.memory_space<vmem>>, vector<16xf32>,
        %parallel_loop3A_1489 = arith.constant 32 : i32
        %parallel_loop3A_1490 = arith.addi %parallel_loop3A_1436, %parallel_loop3A_1489 : i32
        %parallel_loop3A_1491 = arith.index_cast %parallel_loop3A_1490 : i32 to index
        %parallel_loop3A_1492 = tpu.vector_load %arg7[%parallel_loop3A_1491] {strides = array<i32>} : memref<80000xf32, #tpu.memory_space<vmem>>, vector<16xf32>,
        %parallel_loop3A_1493 = vector.shape_cast %parallel_loop3A_1492 : vector<16xf32> to vector<16xf32>
        %parallel_loop3A_1494 = vector.shape_cast %parallel_loop3A_1451 : vector<16xf32> to vector<16xf32>
        tpu.vector_store %arg7[%parallel_loop3A_1491], %parallel_loop3A_1494 {strides = array<i32>} : memref<80000xf32, #tpu.memory_space<vmem>>, vector<16xf32>,
        %parallel_loop3A_1495 = arith.constant 48 : i32
        %parallel_loop3A_1496 = arith.addi %parallel_loop3A_1436, %parallel_loop3A_1495 : i32
        %parallel_loop3A_1497 = arith.index_cast %parallel_loop3A_1496 : i32 to index
        %parallel_loop3A_1498 = tpu.vector_load %arg7[%parallel_loop3A_1497] {strides = array<i32>} : memref<80000xf32, #tpu.memory_space<vmem>>, vector<16xf32>,
        %parallel_loop3A_1499 = vector.shape_cast %parallel_loop3A_1498 : vector<16xf32> to vector<16xf32>
        %parallel_loop3A_1500 = vector.shape_cast %parallel_loop3A_1456 : vector<16xf32> to vector<16xf32>
        tpu.vector_store %arg7[%parallel_loop3A_1497], %parallel_loop3A_1500 {strides = array<i32>} : memref<80000xf32, #tpu.memory_space<vmem>>, vector<16xf32>,
        %parallel_loop3A_1501 = arith.constant 64 : i32
        %parallel_loop3A_1502 = arith.addi %parallel_loop3A_1436, %parallel_loop3A_1501 : i32
        %parallel_loop3A_1503 = arith.index_cast %parallel_loop3A_1502 : i32 to index
        %parallel_loop3A_1504 = tpu.vector_load %arg7[%parallel_loop3A_1503] {strides = array<i32>} : memref<80000xf32, #tpu.memory_space<vmem>>, vector<16xf32>,
        %parallel_loop3A_1505 = vector.shape_cast %parallel_loop3A_1504 : vector<16xf32> to vector<16xf32>
        %parallel_loop3A_1506 = vector.shape_cast %parallel_loop3A_1461 : vector<16xf32> to vector<16xf32>
        tpu.vector_store %arg7[%parallel_loop3A_1503], %parallel_loop3A_1506 {strides = array<i32>} : memref<80000xf32, #tpu.memory_space<vmem>>, vector<16xf32>,
        %parallel_loop3A_1507 = arith.constant 80 : i32
        %parallel_loop3A_1508 = arith.addi %parallel_loop3A_1436, %parallel_loop3A_1507 : i32
        %parallel_loop3A_1509 = arith.index_cast %parallel_loop3A_1508 : i32 to index
        %parallel_loop3A_1510 = tpu.vector_load %arg7[%parallel_loop3A_1509] {strides = array<i32>} : memref<80000xf32, #tpu.memory_space<vmem>>, vector<16xf32>,
        %parallel_loop3A_1511 = vector.shape_cast %parallel_loop3A_1510 : vector<16xf32> to vector<16xf32>
        %parallel_loop3A_1512 = vector.shape_cast %parallel_loop3A_1466 : vector<16xf32> to vector<16xf32>
        tpu.vector_store %arg7[%parallel_loop3A_1509], %parallel_loop3A_1512 {strides = array<i32>} : memref<80000xf32, #tpu.memory_space<vmem>>, vector<16xf32>,
        %parallel_loop3A_1513 = arith.constant 96 : i32
        %parallel_loop3A_1514 = arith.addi %parallel_loop3A_1436, %parallel_loop3A_1513 : i32
        %parallel_loop3A_1515 = arith.index_cast %parallel_loop3A_1514 : i32 to index
        %parallel_loop3A_1516 = tpu.vector_load %arg7[%parallel_loop3A_1515] {strides = array<i32>} : memref<80000xf32, #tpu.memory_space<vmem>>, vector<16xf32>,
        %parallel_loop3A_1517 = vector.shape_cast %parallel_loop3A_1516 : vector<16xf32> to vector<16xf32>
        %parallel_loop3A_1518 = vector.shape_cast %parallel_loop3A_1471 : vector<16xf32> to vector<16xf32>
        tpu.vector_store %arg7[%parallel_loop3A_1515], %parallel_loop3A_1518 {strides = array<i32>} : memref<80000xf32, #tpu.memory_space<vmem>>, vector<16xf32>,
        %parallel_loop3A_1519 = arith.constant 112 : i32
        %parallel_loop3A_1520 = arith.addi %parallel_loop3A_1436, %parallel_loop3A_1519 : i32
        %parallel_loop3A_1521 = arith.index_cast %parallel_loop3A_1520 : i32 to index
        %parallel_loop3A_1522 = tpu.vector_load %arg7[%parallel_loop3A_1521] {strides = array<i32>} : memref<80000xf32, #tpu.memory_space<vmem>>, vector<16xf32>,
        %parallel_loop3A_1523 = vector.shape_cast %parallel_loop3A_1522 : vector<16xf32> to vector<16xf32>
        %parallel_loop3A_1524 = vector.shape_cast %parallel_loop3A_1476 : vector<16xf32> to vector<16xf32>
        tpu.vector_store %arg7[%parallel_loop3A_1521], %parallel_loop3A_1524 {strides = array<i32>} : memref<80000xf32, #tpu.memory_space<vmem>>, vector<16xf32>,
        %parallel_loop3A_1525 = vector.extract_strided_slice %parallel_loop3A_166 {offsets = [14], sizes = [1], strides = [1]} : vector<16xi32> to vector<1xi32>
        %parallel_loop3A_1526 = vector.extract %parallel_loop3A_1525[0] : i32 from vector<1xi32>
        %parallel_loop3A_1527 = arith.constant 128 : i32
        %parallel_loop3A_1528 = arith.muli %parallel_loop3A_1526, %parallel_loop3A_1527 : i32
        %parallel_loop3A_1529 = arith.constant 128 : i32
        %parallel_loop3A_1530 = arith.muli %parallel_loop3A_159, %parallel_loop3A_1529 : i32
        %parallel_loop3A_1531 = arith.addi %mul3A_108, %parallel_loop3A_1530 : i32
        %parallel_loop3A_1532 = arith.constant 1792 : i32
        %parallel_loop3A_1533 = arith.addi %parallel_loop3A_1531, %parallel_loop3A_1532 : i32
        %parallel_loop3A_1534 = arith.constant 0 : i32
        %parallel_loop3A_1535 = arith.addi %parallel_loop3A_1528, %parallel_loop3A_1534 : i32
        %parallel_loop3A_1536 = arith.index_cast %parallel_loop3A_1535 : i32 to index
        %parallel_loop3A_1537 = tpu.vector_load %arg5[%parallel_loop3A_1536] {strides = array<i32>} : memref<12800xf32, #tpu.memory_space<vmem>>, vector<16xf32>,
        %parallel_loop3A_1538 = vector.shape_cast %parallel_loop3A_1537 : vector<16xf32> to vector<16xf32>
        %parallel_loop3A_1539 = arith.constant 16 : i32
        %parallel_loop3A_1540 = arith.addi %parallel_loop3A_1528, %parallel_loop3A_1539 : i32
        %parallel_loop3A_1541 = arith.index_cast %parallel_loop3A_1540 : i32 to index
        %parallel_loop3A_1542 = tpu.vector_load %arg5[%parallel_loop3A_1541] {strides = array<i32>} : memref<12800xf32, #tpu.memory_space<vmem>>, vector<16xf32>,
        %parallel_loop3A_1543 = vector.shape_cast %parallel_loop3A_1542 : vector<16xf32> to vector<16xf32>
        %parallel_loop3A_1544 = arith.constant 32 : i32
        %parallel_loop3A_1545 = arith.addi %parallel_loop3A_1528, %parallel_loop3A_1544 : i32
        %parallel_loop3A_1546 = arith.index_cast %parallel_loop3A_1545 : i32 to index
        %parallel_loop3A_1547 = tpu.vector_load %arg5[%parallel_loop3A_1546] {strides = array<i32>} : memref<12800xf32, #tpu.memory_space<vmem>>, vector<16xf32>,
        %parallel_loop3A_1548 = vector.shape_cast %parallel_loop3A_1547 : vector<16xf32> to vector<16xf32>
        %parallel_loop3A_1549 = arith.constant 48 : i32
        %parallel_loop3A_1550 = arith.addi %parallel_loop3A_1528, %parallel_loop3A_1549 : i32
        %parallel_loop3A_1551 = arith.index_cast %parallel_loop3A_1550 : i32 to index
        %parallel_loop3A_1552 = tpu.vector_load %arg5[%parallel_loop3A_1551] {strides = array<i32>} : memref<12800xf32, #tpu.memory_space<vmem>>, vector<16xf32>,
        %parallel_loop3A_1553 = vector.shape_cast %parallel_loop3A_1552 : vector<16xf32> to vector<16xf32>
        %parallel_loop3A_1554 = arith.constant 64 : i32
        %parallel_loop3A_1555 = arith.addi %parallel_loop3A_1528, %parallel_loop3A_1554 : i32
        %parallel_loop3A_1556 = arith.index_cast %parallel_loop3A_1555 : i32 to index
        %parallel_loop3A_1557 = tpu.vector_load %arg5[%parallel_loop3A_1556] {strides = array<i32>} : memref<12800xf32, #tpu.memory_space<vmem>>, vector<16xf32>,
        %parallel_loop3A_1558 = vector.shape_cast %parallel_loop3A_1557 : vector<16xf32> to vector<16xf32>
        %parallel_loop3A_1559 = arith.constant 80 : i32
        %parallel_loop3A_1560 = arith.addi %parallel_loop3A_1528, %parallel_loop3A_1559 : i32
        %parallel_loop3A_1561 = arith.index_cast %parallel_loop3A_1560 : i32 to index
        %parallel_loop3A_1562 = tpu.vector_load %arg5[%parallel_loop3A_1561] {strides = array<i32>} : memref<12800xf32, #tpu.memory_space<vmem>>, vector<16xf32>,
        %parallel_loop3A_1563 = vector.shape_cast %parallel_loop3A_1562 : vector<16xf32> to vector<16xf32>
        %parallel_loop3A_1564 = arith.constant 96 : i32
        %parallel_loop3A_1565 = arith.addi %parallel_loop3A_1528, %parallel_loop3A_1564 : i32
        %parallel_loop3A_1566 = arith.index_cast %parallel_loop3A_1565 : i32 to index
        %parallel_loop3A_1567 = tpu.vector_load %arg5[%parallel_loop3A_1566] {strides = array<i32>} : memref<12800xf32, #tpu.memory_space<vmem>>, vector<16xf32>,
        %parallel_loop3A_1568 = vector.shape_cast %parallel_loop3A_1567 : vector<16xf32> to vector<16xf32>
        %parallel_loop3A_1569 = arith.constant 112 : i32
        %parallel_loop3A_1570 = arith.addi %parallel_loop3A_1528, %parallel_loop3A_1569 : i32
        %parallel_loop3A_1571 = arith.index_cast %parallel_loop3A_1570 : i32 to index
        %parallel_loop3A_1572 = tpu.vector_load %arg5[%parallel_loop3A_1571] {strides = array<i32>} : memref<12800xf32, #tpu.memory_space<vmem>>, vector<16xf32>,
        %parallel_loop3A_1573 = vector.shape_cast %parallel_loop3A_1572 : vector<16xf32> to vector<16xf32>
        %parallel_loop3A_1574 = arith.constant 0 : i32
        %parallel_loop3A_1575 = arith.addi %parallel_loop3A_1533, %parallel_loop3A_1574 : i32
        %parallel_loop3A_1576 = arith.index_cast %parallel_loop3A_1575 : i32 to index
        %parallel_loop3A_1577 = tpu.vector_load %arg7[%parallel_loop3A_1576] {strides = array<i32>} : memref<80000xf32, #tpu.memory_space<vmem>>, vector<16xf32>,
        %parallel_loop3A_1578 = vector.shape_cast %parallel_loop3A_1577 : vector<16xf32> to vector<16xf32>
        %parallel_loop3A_1579 = vector.shape_cast %parallel_loop3A_1538 : vector<16xf32> to vector<16xf32>
        tpu.vector_store %arg7[%parallel_loop3A_1576], %parallel_loop3A_1579 {strides = array<i32>} : memref<80000xf32, #tpu.memory_space<vmem>>, vector<16xf32>,
        %parallel_loop3A_1580 = arith.constant 16 : i32
        %parallel_loop3A_1581 = arith.addi %parallel_loop3A_1533, %parallel_loop3A_1580 : i32
        %parallel_loop3A_1582 = arith.index_cast %parallel_loop3A_1581 : i32 to index
        %parallel_loop3A_1583 = tpu.vector_load %arg7[%parallel_loop3A_1582] {strides = array<i32>} : memref<80000xf32, #tpu.memory_space<vmem>>, vector<16xf32>,
        %parallel_loop3A_1584 = vector.shape_cast %parallel_loop3A_1583 : vector<16xf32> to vector<16xf32>
        %parallel_loop3A_1585 = vector.shape_cast %parallel_loop3A_1543 : vector<16xf32> to vector<16xf32>
        tpu.vector_store %arg7[%parallel_loop3A_1582], %parallel_loop3A_1585 {strides = array<i32>} : memref<80000xf32, #tpu.memory_space<vmem>>, vector<16xf32>,
        %parallel_loop3A_1586 = arith.constant 32 : i32
        %parallel_loop3A_1587 = arith.addi %parallel_loop3A_1533, %parallel_loop3A_1586 : i32
        %parallel_loop3A_1588 = arith.index_cast %parallel_loop3A_1587 : i32 to index
        %parallel_loop3A_1589 = tpu.vector_load %arg7[%parallel_loop3A_1588] {strides = array<i32>} : memref<80000xf32, #tpu.memory_space<vmem>>, vector<16xf32>,
        %parallel_loop3A_1590 = vector.shape_cast %parallel_loop3A_1589 : vector<16xf32> to vector<16xf32>
        %parallel_loop3A_1591 = vector.shape_cast %parallel_loop3A_1548 : vector<16xf32> to vector<16xf32>
        tpu.vector_store %arg7[%parallel_loop3A_1588], %parallel_loop3A_1591 {strides = array<i32>} : memref<80000xf32, #tpu.memory_space<vmem>>, vector<16xf32>,
        %parallel_loop3A_1592 = arith.constant 48 : i32
        %parallel_loop3A_1593 = arith.addi %parallel_loop3A_1533, %parallel_loop3A_1592 : i32
        %parallel_loop3A_1594 = arith.index_cast %parallel_loop3A_1593 : i32 to index
        %parallel_loop3A_1595 = tpu.vector_load %arg7[%parallel_loop3A_1594] {strides = array<i32>} : memref<80000xf32, #tpu.memory_space<vmem>>, vector<16xf32>,
        %parallel_loop3A_1596 = vector.shape_cast %parallel_loop3A_1595 : vector<16xf32> to vector<16xf32>
        %parallel_loop3A_1597 = vector.shape_cast %parallel_loop3A_1553 : vector<16xf32> to vector<16xf32>
        tpu.vector_store %arg7[%parallel_loop3A_1594], %parallel_loop3A_1597 {strides = array<i32>} : memref<80000xf32, #tpu.memory_space<vmem>>, vector<16xf32>,
        %parallel_loop3A_1598 = arith.constant 64 : i32
        %parallel_loop3A_1599 = arith.addi %parallel_loop3A_1533, %parallel_loop3A_1598 : i32
        %parallel_loop3A_1600 = arith.index_cast %parallel_loop3A_1599 : i32 to index
        %parallel_loop3A_1601 = tpu.vector_load %arg7[%parallel_loop3A_1600] {strides = array<i32>} : memref<80000xf32, #tpu.memory_space<vmem>>, vector<16xf32>,
        %parallel_loop3A_1602 = vector.shape_cast %parallel_loop3A_1601 : vector<16xf32> to vector<16xf32>
        %parallel_loop3A_1603 = vector.shape_cast %parallel_loop3A_1558 : vector<16xf32> to vector<16xf32>
        tpu.vector_store %arg7[%parallel_loop3A_1600], %parallel_loop3A_1603 {strides = array<i32>} : memref<80000xf32, #tpu.memory_space<vmem>>, vector<16xf32>,
        %parallel_loop3A_1604 = arith.constant 80 : i32
        %parallel_loop3A_1605 = arith.addi %parallel_loop3A_1533, %parallel_loop3A_1604 : i32
        %parallel_loop3A_1606 = arith.index_cast %parallel_loop3A_1605 : i32 to index
        %parallel_loop3A_1607 = tpu.vector_load %arg7[%parallel_loop3A_1606] {strides = array<i32>} : memref<80000xf32, #tpu.memory_space<vmem>>, vector<16xf32>,
        %parallel_loop3A_1608 = vector.shape_cast %parallel_loop3A_1607 : vector<16xf32> to vector<16xf32>
        %parallel_loop3A_1609 = vector.shape_cast %parallel_loop3A_1563 : vector<16xf32> to vector<16xf32>
        tpu.vector_store %arg7[%parallel_loop3A_1606], %parallel_loop3A_1609 {strides = array<i32>} : memref<80000xf32, #tpu.memory_space<vmem>>, vector<16xf32>,
        %parallel_loop3A_1610 = arith.constant 96 : i32
        %parallel_loop3A_1611 = arith.addi %parallel_loop3A_1533, %parallel_loop3A_1610 : i32
        %parallel_loop3A_1612 = arith.index_cast %parallel_loop3A_1611 : i32 to index
        %parallel_loop3A_1613 = tpu.vector_load %arg7[%parallel_loop3A_1612] {strides = array<i32>} : memref<80000xf32, #tpu.memory_space<vmem>>, vector<16xf32>,
        %parallel_loop3A_1614 = vector.shape_cast %parallel_loop3A_1613 : vector<16xf32> to vector<16xf32>
        %parallel_loop3A_1615 = vector.shape_cast %parallel_loop3A_1568 : vector<16xf32> to vector<16xf32>
        tpu.vector_store %arg7[%parallel_loop3A_1612], %parallel_loop3A_1615 {strides = array<i32>} : memref<80000xf32, #tpu.memory_space<vmem>>, vector<16xf32>,
        %parallel_loop3A_1616 = arith.constant 112 : i32
        %parallel_loop3A_1617 = arith.addi %parallel_loop3A_1533, %parallel_loop3A_1616 : i32
        %parallel_loop3A_1618 = arith.index_cast %parallel_loop3A_1617 : i32 to index
        %parallel_loop3A_1619 = tpu.vector_load %arg7[%parallel_loop3A_1618] {strides = array<i32>} : memref<80000xf32, #tpu.memory_space<vmem>>, vector<16xf32>,
        %parallel_loop3A_1620 = vector.shape_cast %parallel_loop3A_1619 : vector<16xf32> to vector<16xf32>
        %parallel_loop3A_1621 = vector.shape_cast %parallel_loop3A_1573 : vector<16xf32> to vector<16xf32>
        tpu.vector_store %arg7[%parallel_loop3A_1618], %parallel_loop3A_1621 {strides = array<i32>} : memref<80000xf32, #tpu.memory_space<vmem>>, vector<16xf32>,
        %parallel_loop3A_1622 = vector.extract_strided_slice %parallel_loop3A_166 {offsets = [15], sizes = [1], strides = [1]} : vector<16xi32> to vector<1xi32>
        %parallel_loop3A_1623 = vector.extract %parallel_loop3A_1622[0] : i32 from vector<1xi32>
        %parallel_loop3A_1624 = arith.constant 128 : i32
        %parallel_loop3A_1625 = arith.muli %parallel_loop3A_1623, %parallel_loop3A_1624 : i32
        %parallel_loop3A_1626 = arith.constant 128 : i32
        %parallel_loop3A_1627 = arith.muli %parallel_loop3A_159, %parallel_loop3A_1626 : i32
        %parallel_loop3A_1628 = arith.addi %mul3A_108, %parallel_loop3A_1627 : i32
        %parallel_loop3A_1629 = arith.constant 1920 : i32
        %parallel_loop3A_1630 = arith.addi %parallel_loop3A_1628, %parallel_loop3A_1629 : i32
        %parallel_loop3A_1631 = arith.constant 0 : i32
        %parallel_loop3A_1632 = arith.addi %parallel_loop3A_1625, %parallel_loop3A_1631 : i32
        %parallel_loop3A_1633 = arith.index_cast %parallel_loop3A_1632 : i32 to index
        %parallel_loop3A_1634 = tpu.vector_load %arg5[%parallel_loop3A_1633] {strides = array<i32>} : memref<12800xf32, #tpu.memory_space<vmem>>, vector<16xf32>,
        %parallel_loop3A_1635 = vector.shape_cast %parallel_loop3A_1634 : vector<16xf32> to vector<16xf32>
        %parallel_loop3A_1636 = arith.constant 16 : i32
        %parallel_loop3A_1637 = arith.addi %parallel_loop3A_1625, %parallel_loop3A_1636 : i32
        %parallel_loop3A_1638 = arith.index_cast %parallel_loop3A_1637 : i32 to index
        %parallel_loop3A_1639 = tpu.vector_load %arg5[%parallel_loop3A_1638] {strides = array<i32>} : memref<12800xf32, #tpu.memory_space<vmem>>, vector<16xf32>,
        %parallel_loop3A_1640 = vector.shape_cast %parallel_loop3A_1639 : vector<16xf32> to vector<16xf32>
        %parallel_loop3A_1641 = arith.constant 32 : i32
        %parallel_loop3A_1642 = arith.addi %parallel_loop3A_1625, %parallel_loop3A_1641 : i32
        %parallel_loop3A_1643 = arith.index_cast %parallel_loop3A_1642 : i32 to index
        %parallel_loop3A_1644 = tpu.vector_load %arg5[%parallel_loop3A_1643] {strides = array<i32>} : memref<12800xf32, #tpu.memory_space<vmem>>, vector<16xf32>,
        %parallel_loop3A_1645 = vector.shape_cast %parallel_loop3A_1644 : vector<16xf32> to vector<16xf32>
        %parallel_loop3A_1646 = arith.constant 48 : i32
        %parallel_loop3A_1647 = arith.addi %parallel_loop3A_1625, %parallel_loop3A_1646 : i32
        %parallel_loop3A_1648 = arith.index_cast %parallel_loop3A_1647 : i32 to index
        %parallel_loop3A_1649 = tpu.vector_load %arg5[%parallel_loop3A_1648] {strides = array<i32>} : memref<12800xf32, #tpu.memory_space<vmem>>, vector<16xf32>,
        %parallel_loop3A_1650 = vector.shape_cast %parallel_loop3A_1649 : vector<16xf32> to vector<16xf32>
        %parallel_loop3A_1651 = arith.constant 64 : i32
        %parallel_loop3A_1652 = arith.addi %parallel_loop3A_1625, %parallel_loop3A_1651 : i32
        %parallel_loop3A_1653 = arith.index_cast %parallel_loop3A_1652 : i32 to index
        %parallel_loop3A_1654 = tpu.vector_load %arg5[%parallel_loop3A_1653] {strides = array<i32>} : memref<12800xf32, #tpu.memory_space<vmem>>, vector<16xf32>,
        %parallel_loop3A_1655 = vector.shape_cast %parallel_loop3A_1654 : vector<16xf32> to vector<16xf32>
        %parallel_loop3A_1656 = arith.constant 80 : i32
        %parallel_loop3A_1657 = arith.addi %parallel_loop3A_1625, %parallel_loop3A_1656 : i32
        %parallel_loop3A_1658 = arith.index_cast %parallel_loop3A_1657 : i32 to index
        %parallel_loop3A_1659 = tpu.vector_load %arg5[%parallel_loop3A_1658] {strides = array<i32>} : memref<12800xf32, #tpu.memory_space<vmem>>, vector<16xf32>,
        %parallel_loop3A_1660 = vector.shape_cast %parallel_loop3A_1659 : vector<16xf32> to vector<16xf32>
        %parallel_loop3A_1661 = arith.constant 96 : i32
        %parallel_loop3A_1662 = arith.addi %parallel_loop3A_1625, %parallel_loop3A_1661 : i32
        %parallel_loop3A_1663 = arith.index_cast %parallel_loop3A_1662 : i32 to index
        %parallel_loop3A_1664 = tpu.vector_load %arg5[%parallel_loop3A_1663] {strides = array<i32>} : memref<12800xf32, #tpu.memory_space<vmem>>, vector<16xf32>,
        %parallel_loop3A_1665 = vector.shape_cast %parallel_loop3A_1664 : vector<16xf32> to vector<16xf32>
        %parallel_loop3A_1666 = arith.constant 112 : i32
        %parallel_loop3A_1667 = arith.addi %parallel_loop3A_1625, %parallel_loop3A_1666 : i32
        %parallel_loop3A_1668 = arith.index_cast %parallel_loop3A_1667 : i32 to index
        %parallel_loop3A_1669 = tpu.vector_load %arg5[%parallel_loop3A_1668] {strides = array<i32>} : memref<12800xf32, #tpu.memory_space<vmem>>, vector<16xf32>,
        %parallel_loop3A_1670 = vector.shape_cast %parallel_loop3A_1669 : vector<16xf32> to vector<16xf32>
        %parallel_loop3A_1671 = arith.constant 0 : i32
        %parallel_loop3A_1672 = arith.addi %parallel_loop3A_1630, %parallel_loop3A_1671 : i32
        %parallel_loop3A_1673 = arith.index_cast %parallel_loop3A_1672 : i32 to index
        %parallel_loop3A_1674 = tpu.vector_load %arg7[%parallel_loop3A_1673] {strides = array<i32>} : memref<80000xf32, #tpu.memory_space<vmem>>, vector<16xf32>,
        %parallel_loop3A_1675 = vector.shape_cast %parallel_loop3A_1674 : vector<16xf32> to vector<16xf32>
        %parallel_loop3A_1676 = vector.shape_cast %parallel_loop3A_1635 : vector<16xf32> to vector<16xf32>
        tpu.vector_store %arg7[%parallel_loop3A_1673], %parallel_loop3A_1676 {strides = array<i32>} : memref<80000xf32, #tpu.memory_space<vmem>>, vector<16xf32>,
        %parallel_loop3A_1677 = arith.constant 16 : i32
        %parallel_loop3A_1678 = arith.addi %parallel_loop3A_1630, %parallel_loop3A_1677 : i32
        %parallel_loop3A_1679 = arith.index_cast %parallel_loop3A_1678 : i32 to index
        %parallel_loop3A_1680 = tpu.vector_load %arg7[%parallel_loop3A_1679] {strides = array<i32>} : memref<80000xf32, #tpu.memory_space<vmem>>, vector<16xf32>,
        %parallel_loop3A_1681 = vector.shape_cast %parallel_loop3A_1680 : vector<16xf32> to vector<16xf32>
        %parallel_loop3A_1682 = vector.shape_cast %parallel_loop3A_1640 : vector<16xf32> to vector<16xf32>
        tpu.vector_store %arg7[%parallel_loop3A_1679], %parallel_loop3A_1682 {strides = array<i32>} : memref<80000xf32, #tpu.memory_space<vmem>>, vector<16xf32>,
        %parallel_loop3A_1683 = arith.constant 32 : i32
        %parallel_loop3A_1684 = arith.addi %parallel_loop3A_1630, %parallel_loop3A_1683 : i32
        %parallel_loop3A_1685 = arith.index_cast %parallel_loop3A_1684 : i32 to index
        %parallel_loop3A_1686 = tpu.vector_load %arg7[%parallel_loop3A_1685] {strides = array<i32>} : memref<80000xf32, #tpu.memory_space<vmem>>, vector<16xf32>,
        %parallel_loop3A_1687 = vector.shape_cast %parallel_loop3A_1686 : vector<16xf32> to vector<16xf32>
        %parallel_loop3A_1688 = vector.shape_cast %parallel_loop3A_1645 : vector<16xf32> to vector<16xf32>
        tpu.vector_store %arg7[%parallel_loop3A_1685], %parallel_loop3A_1688 {strides = array<i32>} : memref<80000xf32, #tpu.memory_space<vmem>>, vector<16xf32>,
        %parallel_loop3A_1689 = arith.constant 48 : i32
        %parallel_loop3A_1690 = arith.addi %parallel_loop3A_1630, %parallel_loop3A_1689 : i32
        %parallel_loop3A_1691 = arith.index_cast %parallel_loop3A_1690 : i32 to index
        %parallel_loop3A_1692 = tpu.vector_load %arg7[%parallel_loop3A_1691] {strides = array<i32>} : memref<80000xf32, #tpu.memory_space<vmem>>, vector<16xf32>,
        %parallel_loop3A_1693 = vector.shape_cast %parallel_loop3A_1692 : vector<16xf32> to vector<16xf32>
        %parallel_loop3A_1694 = vector.shape_cast %parallel_loop3A_1650 : vector<16xf32> to vector<16xf32>
        tpu.vector_store %arg7[%parallel_loop3A_1691], %parallel_loop3A_1694 {strides = array<i32>} : memref<80000xf32, #tpu.memory_space<vmem>>, vector<16xf32>,
        %parallel_loop3A_1695 = arith.constant 64 : i32
        %parallel_loop3A_1696 = arith.addi %parallel_loop3A_1630, %parallel_loop3A_1695 : i32
        %parallel_loop3A_1697 = arith.index_cast %parallel_loop3A_1696 : i32 to index
        %parallel_loop3A_1698 = tpu.vector_load %arg7[%parallel_loop3A_1697] {strides = array<i32>} : memref<80000xf32, #tpu.memory_space<vmem>>, vector<16xf32>,
        %parallel_loop3A_1699 = vector.shape_cast %parallel_loop3A_1698 : vector<16xf32> to vector<16xf32>
        %parallel_loop3A_1700 = vector.shape_cast %parallel_loop3A_1655 : vector<16xf32> to vector<16xf32>
        tpu.vector_store %arg7[%parallel_loop3A_1697], %parallel_loop3A_1700 {strides = array<i32>} : memref<80000xf32, #tpu.memory_space<vmem>>, vector<16xf32>,
        %parallel_loop3A_1701 = arith.constant 80 : i32
        %parallel_loop3A_1702 = arith.addi %parallel_loop3A_1630, %parallel_loop3A_1701 : i32
        %parallel_loop3A_1703 = arith.index_cast %parallel_loop3A_1702 : i32 to index
        %parallel_loop3A_1704 = tpu.vector_load %arg7[%parallel_loop3A_1703] {strides = array<i32>} : memref<80000xf32, #tpu.memory_space<vmem>>, vector<16xf32>,
        %parallel_loop3A_1705 = vector.shape_cast %parallel_loop3A_1704 : vector<16xf32> to vector<16xf32>
        %parallel_loop3A_1706 = vector.shape_cast %parallel_loop3A_1660 : vector<16xf32> to vector<16xf32>
        tpu.vector_store %arg7[%parallel_loop3A_1703], %parallel_loop3A_1706 {strides = array<i32>} : memref<80000xf32, #tpu.memory_space<vmem>>, vector<16xf32>,
        %parallel_loop3A_1707 = arith.constant 96 : i32
        %parallel_loop3A_1708 = arith.addi %parallel_loop3A_1630, %parallel_loop3A_1707 : i32
        %parallel_loop3A_1709 = arith.index_cast %parallel_loop3A_1708 : i32 to index
        %parallel_loop3A_1710 = tpu.vector_load %arg7[%parallel_loop3A_1709] {strides = array<i32>} : memref<80000xf32, #tpu.memory_space<vmem>>, vector<16xf32>,
        %parallel_loop3A_1711 = vector.shape_cast %parallel_loop3A_1710 : vector<16xf32> to vector<16xf32>
        %parallel_loop3A_1712 = vector.shape_cast %parallel_loop3A_1665 : vector<16xf32> to vector<16xf32>
        tpu.vector_store %arg7[%parallel_loop3A_1709], %parallel_loop3A_1712 {strides = array<i32>} : memref<80000xf32, #tpu.memory_space<vmem>>, vector<16xf32>,
        %parallel_loop3A_1713 = arith.constant 112 : i32
        %parallel_loop3A_1714 = arith.addi %parallel_loop3A_1630, %parallel_loop3A_1713 : i32
        %parallel_loop3A_1715 = arith.index_cast %parallel_loop3A_1714 : i32 to index
        %parallel_loop3A_1716 = tpu.vector_load %arg7[%parallel_loop3A_1715] {strides = array<i32>} : memref<80000xf32, #tpu.memory_space<vmem>>, vector<16xf32>,
        %parallel_loop3A_1717 = vector.shape_cast %parallel_loop3A_1716 : vector<16xf32> to vector<16xf32>
        %parallel_loop3A_1718 = vector.shape_cast %parallel_loop3A_1670 : vector<16xf32> to vector<16xf32>
        tpu.vector_store %arg7[%parallel_loop3A_1715], %parallel_loop3A_1718 {strides = array<i32>} : memref<80000xf32, #tpu.memory_space<vmem>>, vector<16xf32>,
      } {sc.loop_unroll_factor = 1 : i64, sc.parallel_access}
      %jit3A_113 = arith.constant 5 : i32
      %eq3A_114 = arith.constant 0 : i32
      %eq3A_115 = arith.cmpi eq, %jit3A_113, %eq3A_114 : i32
      %jit3A_116 = arith.constant 1 : i32
      %select_n3A_117 = arith.select %eq3A_115, %jit3A_116, %jit3A_113 : i32
      %rem3A_118 = arith.remsi %scan3A_92, %select_n3A_117 : i32
      %ne3A_119 = arith.constant 0 : i32
      %ne3A_120 = arith.cmpi ne, %rem3A_118, %ne3A_119 : i32
      %lt3A_121 = arith.constant 0 : i32
      %lt3A_122 = arith.cmpi slt, %rem3A_118, %lt3A_121 : i32
      %lt3A_123 = arith.constant 0 : i32
      %lt3A_124 = arith.cmpi slt, %select_n3A_117, %lt3A_123 : i32
      %ne3A_125 = arith.xori %lt3A_122, %lt3A_124 : i1
      %and3A_126 = arith.andi %ne3A_125, %ne3A_120 : i1
      %add3A_127 = arith.addi %rem3A_118, %select_n3A_117 : i32
      %select_n3A_128 = arith.select %and3A_126, %add3A_127, %rem3A_118 : i32
      %mul3A_129 = arith.constant 16000 : i32
      %mul3A_130 = arith.muli %select_n3A_128, %mul3A_129 : i32
      %mul3A_131 = arith.constant 125 : i32
      %mul3A_132 = arith.muli %scan3A_92, %mul3A_131 : i32
      %add3A_133 = arith.addi %mul3A_2, %mul3A_132 : i32
      %mul3A_134 = arith.constant 128 : i32
      %mul3A_135 = arith.muli %add3A_133, %mul3A_134 : i32
      %jit3A_136 = arith.constant 5 : i32
      %eq3A_137 = arith.constant 0 : i32
      %eq3A_138 = arith.cmpi eq, %jit3A_136, %eq3A_137 : i32
      %jit3A_139 = arith.constant 1 : i32
      %select_n3A_140 = arith.select %eq3A_138, %jit3A_139, %jit3A_136 : i32
      %rem3A_141 = arith.remsi %scan3A_92, %select_n3A_140 : i32
      %ne3A_142 = arith.constant 0 : i32
      %ne3A_143 = arith.cmpi ne, %rem3A_141, %ne3A_142 : i32
      %lt3A_144 = arith.constant 0 : i32
      %lt3A_145 = arith.cmpi slt, %rem3A_141, %lt3A_144 : i32
      %lt3A_146 = arith.constant 0 : i32
      %lt3A_147 = arith.cmpi slt, %select_n3A_140, %lt3A_146 : i32
      %ne3A_148 = arith.xori %lt3A_145, %lt3A_147 : i1
      %and3A_149 = arith.andi %ne3A_148, %ne3A_143 : i1
      %add3A_150 = arith.addi %rem3A_141, %select_n3A_140 : i32
      %select_n3A_151 = arith.select %and3A_149, %add3A_150, %rem3A_141 : i32
      %dma_start3A = tpu.memref_slice %arg7[%mul3A_130] : memref<80000xf32, #tpu.memory_space<vmem>> -> memref<16000xf32, #tpu.memory_space<vmem>>
      %dma_start3A_152 = tpu.memref_slice %arg4[%mul3A_135] : memref<12800000xf32, #tpu.memory_space<hbm>> -> memref<16000xf32, #tpu.memory_space<hbm>>
      %dma_start3A_153 = tpu.memref_slice %arg8[%select_n3A_151] : memref<5x!tpu.dma_semaphore, #tpu.memory_space<semaphore_mem>> -> memref<1x!tpu.dma_semaphore, #tpu.memory_space<semaphore_mem>>
      %dma_start3A_154 = tpu.memref_squeeze %dma_start3A_153 : memref<1x!tpu.dma_semaphore, #tpu.memory_space<semaphore_mem>> -> memref<!tpu.dma_semaphore, #tpu.memory_space<semaphore_mem>>
      %dma_start3A_155 = tpu.memref_slice %arg4[%mul3A_135] : memref<12800000xf32, #tpu.memory_space<hbm>> -> memref<16000xf32, #tpu.memory_space<hbm>>
      %dma_start3A_156 = tpu.memref_slice %arg7[%mul3A_130] : memref<80000xf32, #tpu.memory_space<vmem>> -> memref<16000xf32, #tpu.memory_space<vmem>>
      tpu.enqueue_dma source(%dma_start3A_156 : memref<16000xf32, #tpu.memory_space<vmem>>) target(%dma_start3A_155 : memref<16000xf32, #tpu.memory_space<hbm>>) target_semaphore(%dma_start3A_154 : memref<!tpu.dma_semaphore, #tpu.memory_space<semaphore_mem>>)
    }
    %scan3A_27 = arith.constant 25 : i32
    %add3A_28 = arith.constant 2500 : i32
    %add3A_29 = arith.addi %mul3A_2, %add3A_28 : i32
    %mul3A_30 = arith.constant 128 : i32
    %mul3A_31 = arith.muli %add3A_29, %mul3A_30 : i32
    %dma_wait3A = arith.constant 0 : i32
    %dma_wait3A_32 = arith.constant 0 : i32
    %dma_wait3A_33 = tpu.memref_slice %arg7[%dma_wait3A_32] : memref<80000xf32, #tpu.memory_space<vmem>> -> memref<16000xf32, #tpu.memory_space<vmem>>
    %dma_wait3A_34 = tpu.memref_slice %arg4[%mul3A_31] : memref<12800000xf32, #tpu.memory_space<hbm>> -> memref<16000xf32, #tpu.memory_space<hbm>>
    %dma_wait3A_35 = tpu.memref_slice %arg8[%dma_wait3A] : memref<5x!tpu.dma_semaphore, #tpu.memory_space<semaphore_mem>> -> memref<1x!tpu.dma_semaphore, #tpu.memory_space<semaphore_mem>>
    %dma_wait3A_36 = tpu.memref_squeeze %dma_wait3A_35 : memref<1x!tpu.dma_semaphore, #tpu.memory_space<semaphore_mem>> -> memref<!tpu.dma_semaphore, #tpu.memory_space<semaphore_mem>>
    %dma_wait3A_37 = tpu.memref_slice %arg4[%mul3A_31] : memref<12800000xf32, #tpu.memory_space<hbm>> -> memref<16000xf32, #tpu.memory_space<hbm>>
    %dma_wait3A_38 = arith.constant 0 : i32
    %dma_wait3A_39 = tpu.memref_slice %arg7[%dma_wait3A_38] : memref<80000xf32, #tpu.memory_space<vmem>> -> memref<16000xf32, #tpu.memory_space<vmem>>
    tpu.wait_dma2 semaphore(%dma_wait3A_36 : memref<!tpu.dma_semaphore, #tpu.memory_space<semaphore_mem>>) src(%dma_wait3A_39 : memref<16000xf32, #tpu.memory_space<vmem>>) dst(%dma_wait3A_37 : memref<16000xf32, #tpu.memory_space<hbm>>)
    %add3A_40 = arith.constant 2625 : i32
    %add3A_41 = arith.addi %mul3A_2, %add3A_40 : i32
    %mul3A_42 = arith.constant 128 : i32
    %mul3A_43 = arith.muli %add3A_41, %mul3A_42 : i32
    %dma_wait3A_44 = arith.constant 1 : i32
    %dma_wait3A_45 = arith.constant 16000 : i32
    %dma_wait3A_46 = tpu.memref_slice %arg7[%dma_wait3A_45] : memref<80000xf32, #tpu.memory_space<vmem>> -> memref<16000xf32, #tpu.memory_space<vmem>>
    %dma_wait3A_47 = tpu.memref_slice %arg4[%mul3A_43] : memref<12800000xf32, #tpu.memory_space<hbm>> -> memref<16000xf32, #tpu.memory_space<hbm>>
    %dma_wait3A_48 = tpu.memref_slice %arg8[%dma_wait3A_44] : memref<5x!tpu.dma_semaphore, #tpu.memory_space<semaphore_mem>> -> memref<1x!tpu.dma_semaphore, #tpu.memory_space<semaphore_mem>>
    %dma_wait3A_49 = tpu.memref_squeeze %dma_wait3A_48 : memref<1x!tpu.dma_semaphore, #tpu.memory_space<semaphore_mem>> -> memref<!tpu.dma_semaphore, #tpu.memory_space<semaphore_mem>>
    %dma_wait3A_50 = tpu.memref_slice %arg4[%mul3A_43] : memref<12800000xf32, #tpu.memory_space<hbm>> -> memref<16000xf32, #tpu.memory_space<hbm>>
    %dma_wait3A_51 = arith.constant 16000 : i32
    %dma_wait3A_52 = tpu.memref_slice %arg7[%dma_wait3A_51] : memref<80000xf32, #tpu.memory_space<vmem>> -> memref<16000xf32, #tpu.memory_space<vmem>>
    tpu.wait_dma2 semaphore(%dma_wait3A_49 : memref<!tpu.dma_semaphore, #tpu.memory_space<semaphore_mem>>) src(%dma_wait3A_52 : memref<16000xf32, #tpu.memory_space<vmem>>) dst(%dma_wait3A_50 : memref<16000xf32, #tpu.memory_space<hbm>>)
    %add3A_53 = arith.constant 2750 : i32
    %add3A_54 = arith.addi %mul3A_2, %add3A_53 : i32
    %mul3A_55 = arith.constant 128 : i32
    %mul3A_56 = arith.muli %add3A_54, %mul3A_55 : i32
    %dma_wait3A_57 = arith.constant 2 : i32
    %dma_wait3A_58 = arith.constant 32000 : i32
    %dma_wait3A_59 = tpu.memref_slice %arg7[%dma_wait3A_58] : memref<80000xf32, #tpu.memory_space<vmem>> -> memref<16000xf32, #tpu.memory_space<vmem>>
    %dma_wait3A_60 = tpu.memref_slice %arg4[%mul3A_56] : memref<12800000xf32, #tpu.memory_space<hbm>> -> memref<16000xf32, #tpu.memory_space<hbm>>
    %dma_wait3A_61 = tpu.memref_slice %arg8[%dma_wait3A_57] : memref<5x!tpu.dma_semaphore, #tpu.memory_space<semaphore_mem>> -> memref<1x!tpu.dma_semaphore, #tpu.memory_space<semaphore_mem>>
    %dma_wait3A_62 = tpu.memref_squeeze %dma_wait3A_61 : memref<1x!tpu.dma_semaphore, #tpu.memory_space<semaphore_mem>> -> memref<!tpu.dma_semaphore, #tpu.memory_space<semaphore_mem>>
    %dma_wait3A_63 = tpu.memref_slice %arg4[%mul3A_56] : memref<12800000xf32, #tpu.memory_space<hbm>> -> memref<16000xf32, #tpu.memory_space<hbm>>
    %dma_wait3A_64 = arith.constant 32000 : i32
    %dma_wait3A_65 = tpu.memref_slice %arg7[%dma_wait3A_64] : memref<80000xf32, #tpu.memory_space<vmem>> -> memref<16000xf32, #tpu.memory_space<vmem>>
    tpu.wait_dma2 semaphore(%dma_wait3A_62 : memref<!tpu.dma_semaphore, #tpu.memory_space<semaphore_mem>>) src(%dma_wait3A_65 : memref<16000xf32, #tpu.memory_space<vmem>>) dst(%dma_wait3A_63 : memref<16000xf32, #tpu.memory_space<hbm>>)
    %add3A_66 = arith.constant 2875 : i32
    %add3A_67 = arith.addi %mul3A_2, %add3A_66 : i32
    %mul3A_68 = arith.constant 128 : i32
    %mul3A_69 = arith.muli %add3A_67, %mul3A_68 : i32
    %dma_wait3A_70 = arith.constant 3 : i32
    %dma_wait3A_71 = arith.constant 48000 : i32
    %dma_wait3A_72 = tpu.memref_slice %arg7[%dma_wait3A_71] : memref<80000xf32, #tpu.memory_space<vmem>> -> memref<16000xf32, #tpu.memory_space<vmem>>
    %dma_wait3A_73 = tpu.memref_slice %arg4[%mul3A_69] : memref<12800000xf32, #tpu.memory_space<hbm>> -> memref<16000xf32, #tpu.memory_space<hbm>>
    %dma_wait3A_74 = tpu.memref_slice %arg8[%dma_wait3A_70] : memref<5x!tpu.dma_semaphore, #tpu.memory_space<semaphore_mem>> -> memref<1x!tpu.dma_semaphore, #tpu.memory_space<semaphore_mem>>
    %dma_wait3A_75 = tpu.memref_squeeze %dma_wait3A_74 : memref<1x!tpu.dma_semaphore, #tpu.memory_space<semaphore_mem>> -> memref<!tpu.dma_semaphore, #tpu.memory_space<semaphore_mem>>
    %dma_wait3A_76 = tpu.memref_slice %arg4[%mul3A_69] : memref<12800000xf32, #tpu.memory_space<hbm>> -> memref<16000xf32, #tpu.memory_space<hbm>>
    %dma_wait3A_77 = arith.constant 48000 : i32
    %dma_wait3A_78 = tpu.memref_slice %arg7[%dma_wait3A_77] : memref<80000xf32, #tpu.memory_space<vmem>> -> memref<16000xf32, #tpu.memory_space<vmem>>
    tpu.wait_dma2 semaphore(%dma_wait3A_75 : memref<!tpu.dma_semaphore, #tpu.memory_space<semaphore_mem>>) src(%dma_wait3A_78 : memref<16000xf32, #tpu.memory_space<vmem>>) dst(%dma_wait3A_76 : memref<16000xf32, #tpu.memory_space<hbm>>)
    %add3A_79 = arith.constant 3000 : i32
    %add3A_80 = arith.addi %mul3A_2, %add3A_79 : i32
    %mul3A_81 = arith.constant 128 : i32
    %mul3A_82 = arith.muli %add3A_80, %mul3A_81 : i32
    %dma_wait3A_83 = arith.constant 4 : i32
    %dma_wait3A_84 = arith.constant 64000 : i32
    %dma_wait3A_85 = tpu.memref_slice %arg7[%dma_wait3A_84] : memref<80000xf32, #tpu.memory_space<vmem>> -> memref<16000xf32, #tpu.memory_space<vmem>>
    %dma_wait3A_86 = tpu.memref_slice %arg4[%mul3A_82] : memref<12800000xf32, #tpu.memory_space<hbm>> -> memref<16000xf32, #tpu.memory_space<hbm>>
    %dma_wait3A_87 = tpu.memref_slice %arg8[%dma_wait3A_83] : memref<5x!tpu.dma_semaphore, #tpu.memory_space<semaphore_mem>> -> memref<1x!tpu.dma_semaphore, #tpu.memory_space<semaphore_mem>>
    %dma_wait3A_88 = tpu.memref_squeeze %dma_wait3A_87 : memref<1x!tpu.dma_semaphore, #tpu.memory_space<semaphore_mem>> -> memref<!tpu.dma_semaphore, #tpu.memory_space<semaphore_mem>>
    %dma_wait3A_89 = tpu.memref_slice %arg4[%mul3A_82] : memref<12800000xf32, #tpu.memory_space<hbm>> -> memref<16000xf32, #tpu.memory_space<hbm>>
    %dma_wait3A_90 = arith.constant 64000 : i32
    %dma_wait3A_91 = tpu.memref_slice %arg7[%dma_wait3A_90] : memref<80000xf32, #tpu.memory_space<vmem>> -> memref<16000xf32, #tpu.memory_space<vmem>>
    tpu.wait_dma2 semaphore(%dma_wait3A_88 : memref<!tpu.dma_semaphore, #tpu.memory_space<semaphore_mem>>) src(%dma_wait3A_91 : memref<16000xf32, #tpu.memory_space<vmem>>) dst(%dma_wait3A_89 : memref<16000xf32, #tpu.memory_space<hbm>>)
    return
  }
}

</mosaic_0001>

<sc_bundles>
// kernel: _emb.3.cloned.1.call-start
scs
__scs_entry_jumppad:
0x0: {  	(pc) =	sbr.rel $0x88, $3  }
0x1: {  	(tag) =	ssettag $0x0;
	lr =	simm.s32 $0x1  }
0x2: {  	[smem:$0x3F9F] =	sst lr;
	_ =	strace $0xD0000000  }
0x3: {  	_ = 	snop  }
0x4: {  	_ = 	snop  }
0x5: {  	_ = 	snop  }
0x6: {  	_ = 	snop  }
0x7: {  	_ = 	snop  }
__scs_overlays_trampoline_lowered:
0x8: {  	[smem:$0x3FAE] =	sst s0  }
0x9: {  	[smem:$0x3FAF] =	sst s1  }
0xa: {  	[smem:$0x3FB0] =	sst s2  }
0xb: {  	[smem:$0x3FB1] =	sst s3  }
0xc: {  	[smem:$0x3FB2] =	sst s4  }
0xd: {  	[smem:$0x3FB3] =	sst s5  }
0xe: {  	[smem:$0x3FB4] =	sst s6  }
0xf: {  	[smem:$0x3FB5] =	sst s7  }
0x10: {  	[smem:$0x3FB6] =	sst s8  }
0x11: {  	[smem:$0x3FB7] =	sst s9;
	s0 =	simm.s32 @!p0 $0x0  }
0x12: {  	s1 =	sld [smem:$0x3F9D];
	s0 =	simm.s32 @p0 $0x1  }
0x13: {  	[smem:$0x3FB8] =	sst s0;
	s0 =	simm.s32 @!p1 $0x0  }
0x14: {  	s2 =	sld [smem:$0x3F9C];
	s0 =	simm.s32 @p1 $0x1  }
0x15: {  	[smem:$0x3FB9] =	sst s0;
	s0 =	simm.s32 @!p2 $0x0  }
0x16: {  	s3 =	sld [smem:$0x3FDB];
	s0 =	simm.s32 @p2 $0x1  }
0x17: {  	s4 =	simm.s32 $0x1BF5;
	[smem:$0x3FBB] =	sst s0  }
0x18: {  	s0 =	sld [smem:$0x3F9E];
	_ =	swait.ge [sflag:s4], $0x0  }
0x19: {  	s7 =	sld [smem:$0x3F9F]  }
0x1a: {  	s8 =	sadd.s32 $0xFFFFE003, lr  }
0x1b: {  	s9 =	sadd.s32 $0xFFFFFEF7, lr;
	s5 =	simm.s32 $0xFFFFFFFF;
	p2 =	slt.u32 s8, $0xFFFFF086  }
0x1c: {  	p1 =	slt.u32 s9, $0xF7A;
	s5 =	simm.s32 @!p2 $0x0  }
0x1d: {  	s5 =	simm.s32 @p1 $0x1;
	p0 =	seq.s32 s7, s2  }
0x1e: {  	s7 =	smul.u32 @!p0 $0xF7A, s2;
	p2 =	seq.s32 @!p0 s5, $0x0  }
0x1f: {  	s9 =	smul.u32 $0xF7A, s1;
	s8 =	simm.s32 @!p0 $0x1BF5;
	p2 =	por !p2, p0  }
0x20: {  	[sflag:s8] =	ssyncset.s32 @!p0 $0xFFFFF086;
	s6 =	sadd.s32 @!p0 s3, s7;
	s7 =	simm.s32 @!p0 $0x108  }
0x21: {  	s3 =	sadd.s32 s3, s9;
	s6 =	sadd.s32 @!p0 $0x88, s6;
	s7 =	simm.s32 @p2 $0x1082  }
0x22: {  	[simem:s7], [sflag:s8] =	dma.local @!p0 [hbm:s6], $0xF7A  }
0x23: {  	s9 =	sor.u32 $0xD0000000, s2;
	s6 =	simm.s32 $0x108;
	_ =	swait.ge @!p0 [sflag:s8], $0x0  }
0x24: {  	s3 =	sadd.s32 $0x88, s3;
	s6 =	simm.s32 @!p1 $0x1082;
	[sflag:s4] =	ssyncset.s32 $0xFFFFF086  }
0x25: {  	[simem:s6], [sflag:s4] =	dma.local [hbm:s3], $0xF7A  }
0x26: {  	[smem:$0x3F9F] =	sst s1;
	(tag) =	ssettag s2;
	_ =	strace s9  }
0x27: {  	s1 =	sld [smem:$0x3FAF]  }
0x28: {  	s2 =	sld [smem:$0x3FB0]  }
0x29: {  	s4 =	sld [smem:$0x3FB2]  }
0x2a: {  	p0 =	seq.s32 s5, $0x0;
	s5 =	sld [smem:$0x3FB3]  }
0x2b: {  	s6 =	sld [smem:$0x3FB4]  }
0x2c: {  	s7 =	sld [smem:$0x3FB5]  }
0x2d: {  	s3 =	simm.s32 $0x108;
	s8 =	sld [smem:$0x3FB6]  }
0x2e: {  	s3 =	simm.s32 @!p0 $0x1082;
	s9 =	sld [smem:$0x3FB7]  }
0x2f: {  	lr =	sadd.s32 s0, s3;
	s0 =	sld [smem:$0x3FAE]  }
0x30: {  	s3 =	sld [smem:$0x3FB1]  }
0x31: {  	[smem:$0x3FBA] =	sst s10  }
0x32: {  	s10 =	sld [smem:$0x3FB8];
	_ =	sdelay $0x3  }
0x33: {  	p0 =	seq.s32 s10, $0x1;
	s10 =	sld [smem:$0x3FBA];
	_ =	sdelay $0x3  }
0x34: {  	[smem:$0x3FBA] =	sst s10  }
0x35: {  	s10 =	sld [smem:$0x3FB9];
	_ =	sdelay $0x3  }
0x36: {  	p1 =	seq.s32 s10, $0x1;
	s10 =	sld [smem:$0x3FBA];
	_ =	sdelay $0x3  }
0x37: {  	[smem:$0x3FBA] =	sst s10  }
0x38: {  	s10 =	sld [smem:$0x3FBB]  }
0x39: {  	_ = 	snop;
	(pc) =	sbr.ind lr, $3  }
0x3a: {  	_ = 	snop  }
0x3b: {  	_ = 	snop  }
0x3c: {  	p2 =	seq.s32 s10, $0x1;
	s10 =	sld [smem:$0x3FBA]  }
0x3d: {  	_ =	shalt  }
0x3e: {  	_ =	shalt  }
0x3f: {  	_ =	shalt  }
0x40: {  	_ =	shalt  }
0x41: {  	_ =	shalt  }
0x42: {  	_ =	shalt  }
0x43: {  	_ =	shalt  }
0x44: {  	_ =	shalt  }
0x45: {  	_ =	shalt  }
0x46: {  	_ =	shalt  }
0x47: {  	_ =	shalt  }
0x48: {  	_ =	shalt  }
0x49: {  	_ =	shalt  }
0x4a: {  	_ =	shalt  }
0x4b: {  	_ =	shalt  }
0x4c: {  	_ =	shalt  }
0x4d: {  	_ =	shalt  }
0x4e: {  	_ =	shalt  }
0x4f: {  	_ =	shalt  }
0x50: {  	_ =	shalt  }
0x51: {  	_ =	shalt  }
0x52: {  	_ =	shalt  }
0x53: {  	_ =	shalt  }
0x54: {  	_ =	shalt  }
0x55: {  	_ =	shalt  }
0x56: {  	_ =	shalt  }
0x57: {  	_ =	shalt  }
0x58: {  	_ =	shalt  }
0x59: {  	_ =	shalt  }
0x5a: {  	_ =	shalt  }
0x5b: {  	_ =	shalt  }
0x5c: {  	_ =	shalt  }
0x5d: {  	_ =	shalt  }
0x5e: {  	_ =	shalt  }
0x5f: {  	_ =	shalt  }
0x60: {  	_ =	shalt  }
0x61: {  	_ =	shalt  }
0x62: {  	_ =	shalt  }
0x63: {  	_ =	shalt  }
0x64: {  	_ =	shalt  }
0x65: {  	_ =	shalt  }
0x66: {  	_ =	shalt  }
0x67: {  	_ =	shalt  }
0x68: {  	_ =	shalt  }
0x69: {  	_ =	shalt  }
0x6a: {  	_ =	shalt  }
0x6b: {  	_ =	shalt  }
0x6c: {  	_ =	shalt  }
0x6d: {  	_ =	shalt  }
0x6e: {  	_ =	shalt  }
0x6f: {  	_ =	shalt  }
0x70: {  	_ =	shalt  }
0x71: {  	_ =	shalt  }
0x72: {  	_ =	shalt  }
0x73: {  	_ =	shalt  }
0x74: {  	_ =	shalt  }
0x75: {  	_ =	shalt  }
0x76: {  	_ =	shalt  }
0x77: {  	_ =	shalt  }
0x78: {  	_ =	shalt  }
0x79: {  	_ =	shalt  }
0x7a: {  	_ =	shalt  }
0x7b: {  	_ =	shalt  }
0x7c: {  	_ =	shalt  }
0x7d: {  	_ =	shalt  }
0x7e: {  	_ =	shalt  }
0x7f: {  	_ =	shalt  }
0x80: {  	_ =	shalt  }
0x81: {  	_ =	shalt  }
0x82: {  	_ =	shalt  }
0x83: {  	_ =	shalt  }
0x84: {  	_ =	shalt  }
0x85: {  	_ =	shalt  }
0x86: {  	_ =	shalt  }
0x87: {  	_ =	shalt  }
.Lfunc_end0:
.L_simem_size_0:
called_computation_lowered:
.L_overlay_start_0:
0x88: {  	s2 =	sld [smem:$0x3FD9]  }
0x89: {  	s3 =	sld [smem:$0x3FFE];
	_ =	sdelay $0x1  }
0x8a: {  	s1 =	srdreg.scid  }
0x8b: {  	s0 =	sand.u32 $0x1, s1  }
0x8c: {  	s18 =	sshll.u32 s0, $0xA;
	s2 =	sadd.s32 s3, s2  }
0x8d: {  	s2 =	sadd.s32 s2, s18  }
0x8e: {  	[smem:$0x3FC6] =	sst s2  }
0x8f: {  	_ = 	snop  }
0x90: {  	s2 =	sld [smem:$0x3FC9]  }
0x91: {  	s19 =	sld [smem:$0x3FC8]  }
0x92: {  	s4 =	sld [smem:$0x3FD0];
	(tm) =	ssettm $0x1  }
0x93: {  	s5 =	sld [smem:$0x3FFB];
	_ =	sdelay $0x3  }
0x94: {  	_ =	strace s5  }
0x95: {  	s5 =	sld [smem:$0x3FFC];
	_ =	sdelay $0x3  }
0x96: {  	_ =	strace s5  }
0x97: {  	s5 =	sld [smem:$0x3FFD];
	_ =	sdelay $0x3  }
0x98: {  	_ =	strace s5  }
0x99: {  	_ =	strace $0x8FFFFFFF  }
0x9a: {  	s20 =	sld [smem:$0x3FDB];
	_ =	sdelay $0x1  }
0x9b: {  	s6 =	simm.s32 $_scs_section_size  }
0x9c: {  	s7 =	simm.s32 $_size__tile_overlayer_lowered;
	s8 =	simm.s32 $_tile_overlayer_lowered  }
0x9d: {  	s23 =	simm.s32 $0x1BFF;
	s22 =	sshll.u32 s8, $0x1;
	s5 =	sadd.s32 s6, s20  }
0x9e: {  	s9 =	simm.s32 $0x0;
	s21 =	sshll.u32 s7, $0x1;
	s7 =	sadd.s32 s22, s5  }
0x9f: {  	[timem:s9], [sflag:s23] =	dma.local [hbm:s7], s21  }
0xa0: {  	_ =	swait.ge [sflag:s23], s21  }
0xa1: {  	s6 =	ssub.s32 $0x0, s21;
	[sflag:s23] =	ssyncset.done $0x0  }
0xa2: {  	[sflag:s23] =	ssyncadd.s32 s6;
	_ =	sdelay $0x1  }
0xa3: {  	s24 =	simm.s32 $0x1B8B  }
0xa4: {  	_ =	swait.ge [sflag:s24], $0x1  }
0xa5: {  	[sflag:s24] =	ssyncset.done $0x0  }
0xa6: {  	s25 =	simm.s32 $0x1B8E;
	[sflag:s24] =	ssyncadd.s32 $0xFFFFFFFF  }
0xa7: {  	s26 =	simm.s32 $execute0_lowered;
	[smem:$0x3FD2] =	sst s25  }
0xa8: {  	s6 =	sshll.u32 s26, $0x1;
	_ =	strace $0x80000046;
	[dreg:$0x1] =	wrdreg $0xFFFFFFFF  }
0xa9: {  	s28 =	simm.s32 $_size_execute0_lowered;
	s5 =	sadd.s32 s5, s6;
	[dreg:$0x0] =	wrdreg $0x0  }
0xaa: {  	s6 =	sshll.u32 s28, $0x1;
	[dreg:$0x2] =	wrdreg s5  }
0xab: {  	[dreg:$0x3] =	wrdreg s6  }
0xac: {  	[dreg:$0x4] =	wrdreg $0xC0  }
0xad: {  	_ =	task [dreg:s9], $0x5FFFF  }
0xae: {  	[dreg:$0x1] =	wrdreg $0xFFFFFFFF  }
0xaf: {  	[dreg:$0x0] =	wrdreg $0x60  }
0xb0: {  	[dreg:$0x2] =	wrdreg s2  }
0xb1: {  	[dreg:$0x3] =	wrdreg s19  }
0xb2: {  	[dreg:$0x4] =	wrdreg s4  }
0xb3: {  	[dreg:$0x5] =	wrdreg $0x9  }
0xb4: {  	_ =	task.clear_ibuf [dreg:s9], $0x6FFFF;
	_ =	strace $0x90000046  }
0xb5: {  	s29 =	simm.s32 $0x9;
	_ =	strace $0x80000048  }
0xb6: {  	_ =	swait.ge [sflag:s29], $0x1  }
0xb7: {  	[sflag:s29] =	ssyncadd.s32 $0xFFFFFFFF  }
0xb8: {  	_ =	strace $0x90000048  }
0xb9: {  	_ =	sfence  }
0xba: {  	s30 =	sld [smem:$0x0];
	_ =	sdelay $0x2  }
0xbb: {  	s31 =	sshll.u32 s1, $0xD;
	s1 =	sshrl.u32 s1, $0x2  }
0xbc: {  	s3 =	sand.u32 $0x4000, s31;
	s1 =	sadd.s32 s1, s30  }
0xbd: {  	s0 =	sor.u32 s3, s0;
	s1 =	sshll.u32 s1, $0x11  }
0xbe: {  	s0 =	sor.u32 s1, s0  }
0xbf: {  	s0 =	sadd.s32 $0x8F2B, s0  }
0xc0: {  	[sflag:s0] =	ssyncadd.remote.s32 $0x1  }
0xc1: {  	_ =	sfence.sel $0xFFFF  }
0xc2: {  	[dreg:$0x0] =	wrdreg $0xFFFFFFFF;
	(pc) =	sbr.abs _section_cstart, $3  }
0xc3: {  	[dreg:$0x1] =	wrdreg $0xFFFFFFFF  }
0xc4: {  	_ =	task.clear_ibuf [dreg:s9], $0x2FFFF;
	_ =	strace $0x9FFFFFFF  }
0xc5: {  	(tm) =	ssettm $0x7FFFFFFF  }
tec
execute0_lowered:
.L_overlay_start_1:
0x0: {  	(tag) =	ssettag $0x1  }
0x1: {  	s1 =	srdreg.scid;
	s6 =	rddreg [dreg:$0x0]  }
0x2: {  	s0 =	stileid.u32;
	s2 =	rddreg [dreg:$0x1]  }
0x3: {  	s3 =	rddreg [dreg:$0x2];
	s7 =	sand.u32 $0x1, s1;
	s31 =	sshll.u32 s0, $0x1  }
0x4: {  	s5 =	simm.s32 $0x0;
	s11 =	simm.s32 $0x1;
	s1 =	sor.u32 s7, s31  }
0x5: {  	s12 =	simm.s32 $0x2;
	s13 =	simm.s32 $0x3;
	s4 =	smul.u32 $0xC35, s1  }
0x6: {  	s14 =	simm.s32 $0x4;
	s15 =	simm.s32 $0x5;
	s16 =	simm.s32 $0x0  }
0x7: {  	[smem:$0x7FF] =	sst s5;
	s7 =	ssub.s32 $0x2, s7;
	s8 =	sand.u32 $0x1FFF8, s4  }
0x8: {  	s1 =	rddreg [dreg:$0x3];
	_ =	strace $0x80000047;
	s8 =	smin.u32 s8, $0x17A60  }
0x9: {  	s9 =	sshrl.u32 s7, $0x1;
	s10 =	ssub.s32 s4, s8;
	s8 =	sshrl.u32 s8, $0x3  }
0xa: {  	s9 =	ssub.s32 s7, s9;
	s6 =	sadd.s32 s6, s8;
	s7 =	sadd.s32 $0x3200, s10  }
0xb: {  	s8 =	smax.u32 s9, $0x1;
	s9 =	simm.s32 $0x6;
	s10 =	simm.s32 $0x3200  }
.LBB2_1:
0xc: {  	[tilespmem:s5], [sflag:$0x6] =	stream.linear.gather [hbm4b:s2+s5], $0x3200, $0x38;
	[tilespmem:$0x17700] =	vst v63  }
0xd: {  	_ =	swait.ge [sflag:s9], $0x3200  }
0xe: {  	[sflag:s9] =	ssyncset.done $0x0  }
0xf: {  	[sflag:s9] =	ssyncadd.s32 $0xFFFFCE00  }
0x10: {  	[tilespmem:s10], [sflag:$0x6] =	stream.linear.gather [hbm4b:s6+s5], $0xC40, $0x38;
	[tilespmem:$0x17700] =	vst v63  }
0x11: {  	_ =	swait.ge [sflag:s9], $0xC40  }
0x12: {  	[sflag:s9] =	ssyncset.done $0x0  }
0x13: {  	s17 =	simm.s32 $0x0;
	[sflag:s9] =	ssyncadd.s32 $0xFFFFF3C0  }
.LBB2_2:
0x14: {  	p0 =	slt.u32 s17, $0x5  }
0x15: {  	s18 =	sadd.s32 @!p0 $0xFFFFFFFB, s17  }
0x16: {  	s19 =	sand.u32 @!p0 $0xFF, s18  }
0x17: {  	s19 =	smul.u32 @!p0 $0xCD, s19;
	_ =	sdelay $0x1  }
0x18: {  	s20 =	smul.u32 $0x1F4, s17;
	s19 =	sshrl.u32 @!p0 s19, $0xA  }
0x19: {  	s19 =	smul.u32 @!p0 $0x5, s19  }
0x1a: {  	s20 =	sshra.s32 s20, $0x2  }
0x1b: {  	s26 =	sadd.s32 s20, s7;
	s18 =	ssub.s32 @!p0 s18, s19  }
0x1c: {  	v6 =	vmov s26;
	s18 =	sand.u32 @!p0 $0xFF, s18  }
0x1d: {  	s18 =	sadd.s32 @!p0 $0x1, s18  }
0x1e: {  	_ =	swait.ge @!p0 [sflag:s18], $0x3E80  }
0x1f: {  	s28 =	simm.s32 $0x0;
	[sflag:s18] =	ssyncset.done @!p0 $0x0  }
0x20: {  	s21 =	smin.u32 s28, $0x6D;
	[sflag:s18] =	ssyncadd.s32 @!p0 $0xFFFFC180  }
0x21: {  	v0 =	vld.idx.msk [tilespmem:v6+s21+$0x0 ss:$0x1], $0xffff;
	_ =	sdelay $0x4  }
0x22: {  	v0 =	vshll.u32 v0, $0x9  }
0x23: {  	v9 =	vshra.s32 v0, $0x2  }
0x24: {  	(v2sf) =	vpush v9, $0x0;
	_ =	sdelay $0x7  }
0x25: {  	s30 =	simm.s32 $0x10  }
0x26: {  	s31 =	smin.u32 s30, $0x6D  }
0x27: {  	v0 =	vld.idx.msk [tilespmem:v6+s31+$0x0 ss:$0x1], $0xffff  }
0x28: {  	s24 =	smul.u32 $0xCD, s17;
	_ =	sdelay $0x1  }
0x29: {  	s18 =	sshrl.u32 s24, $0xA  }
0x2a: {  	s18 =	sand.u32 $0x3F, s18  }
0x2b: {  	s18 =	smul.u32 $0x5, s18;
	v0 =	vshll.u32 v0, $0x9;
	s22 =	spop (v2sf)  }
0x2c: {  	v5 =	vshra.s32 v0, $0x2;
	v1 =	vld [tilespmem:s22+$0x0]  }
0x2d: {  	s18 =	ssub.s32 s17, s18;
	v2 =	vld [tilespmem:s22+$0x10];
	(v2sf) =	vpush v5, $0x0  }
0x2e: {  	s18 =	sand.u32 $0xFF, s18  }
0x2f: {  	s25 =	smul.u32 $0xFA00, s18  }
0x30: {  	(v2sf) =	vpush v9, $0x1  }
0x31: {  	s19 =	sshrl.u32 s25, $0x2;
	v3 =	vld [tilespmem:s22+$0x20]  }
0x32: {  	s19 =	sadd.s32 $0x3E80, s19;
	v4 =	vld [tilespmem:s22+$0x30]  }
0x33: {  	v0 =	vmov s19;
	v7 =	vld [tilespmem:s22+$0x40]  }
0x34: {  	v8 =	vld [tilespmem:s22+$0x50]  }
0x35: {  	s23 =	simm.s32 $0x20;
	v10 =	vld [tilespmem:s22+$0x60]  }
0x36: {  	v11 =	vld [tilespmem:s22+$0x70];
	s22 =	smin.u32 s23, $0x6D  }
0x37: {  	s24 =	sshll.u32 s21, $0x7;
	v12 =	vld.idx.msk [tilespmem:v6+s22+$0x0 ss:$0x1], $0xffff  }
0x38: {  	[tilespmem:v0+s24+$0x0 ss:$0x1] =	vst.idx.msk $0xffff, v1  }
0x39: {  	[tilespmem:v0+s24+$0x10 ss:$0x1] =	vst.idx.msk $0xffff, v2  }
0x3a: {  	[tilespmem:v0+s24+$0x20 ss:$0x1] =	vst.idx.msk $0xffff, v3  }
0x3b: {  	[tilespmem:v0+s24+$0x30 ss:$0x1] =	vst.idx.msk $0xffff, v4  }
0x3c: {  	v1 =	vshll.u32 v12, $0x9;
	[tilespmem:v0+s24+$0x40 ss:$0x1] =	vst.idx.msk $0xffff, v7;
	s26 =	spop (v2sf)  }
0x3d: {  	v4 =	vshra.s32 v1, $0x2;
	[tilespmem:v0+s24+$0x50 ss:$0x1] =	vst.idx.msk $0xffff, v8;
	v1 =	vld [tilespmem:s26+$0x0]  }
0x3e: {  	[tilespmem:v0+s24+$0x60 ss:$0x1] =	vst.idx.msk $0xffff, v10;
	v2 =	vld [tilespmem:s26+$0x10]  }
0x3f: {  	(v2sf) =	vpush v4, $0x0;
	[tilespmem:v0+s24+$0x70 ss:$0x1] =	vst.idx.msk $0xffff, v11;
	s28 =	spop (v2sf);
	v15 =	vld [tilespmem:s26+$0x20]  }
0x40: {  	v3 =	vld [tilespmem:s28+$0x0]  }
0x41: {  	(v2sf) =	vpush v5, $0x1;
	v7 =	vld [tilespmem:s28+$0x10]  }
0x42: {  	(v2sf) =	vpush v9, $0x2;
	v8 =	vld [tilespmem:s28+$0x20]  }
0x43: {  	v10 =	vld [tilespmem:s28+$0x30]  }
0x44: {  	v11 =	vld [tilespmem:s28+$0x40]  }
0x45: {  	v12 =	vld [tilespmem:s28+$0x50]  }
0x46: {  	v13 =	vld [tilespmem:s28+$0x60]  }
0x47: {  	v14 =	vld [tilespmem:s28+$0x70];
	[tilespmem:v0+s24+$0x80 ss:$0x1] =	vst.idx.msk $0xffff, v3  }
0x48: {  	v3 =	vld [tilespmem:s26+$0x30];
	[tilespmem:v0+s24+$0x90 ss:$0x1] =	vst.idx.msk $0xffff, v7  }
0x49: {  	v7 =	vld [tilespmem:s26+$0x40];
	[tilespmem:v0+s24+$0xA0 ss:$0x1] =	vst.idx.msk $0xffff, v8  }
0x4a: {  	v8 =	vld [tilespmem:s26+$0x50];
	[tilespmem:v0+s24+$0xB0 ss:$0x1] =	vst.idx.msk $0xffff, v10  }
0x4b: {  	s23 =	sshll.u32 s31, $0x7;
	v10 =	vld [tilespmem:s26+$0x60];
	[tilespmem:v0+s24+$0xC0 ss:$0x1] =	vst.idx.msk $0xffff, v11  }
0x4c: {  	s30 =	simm.s32 $0x30;
	v11 =	vld [tilespmem:s26+$0x70];
	[tilespmem:v0+s23+$0x0 ss:$0x1] =	vst.idx.msk $0xffff, v1  }
0x4d: {  	s21 =	smin.u32 s30, $0x6D;
	[tilespmem:v0+s24+$0xD0 ss:$0x1] =	vst.idx.msk $0xffff, v12  }
0x4e: {  	s26 =	spop (v2sf);
	v12 =	vld.idx.msk [tilespmem:v6+s21+$0x0 ss:$0x1], $0xffff;
	[tilespmem:v0+s23+$0x10 ss:$0x1] =	vst.idx.msk $0xffff, v2  }
0x4f: {  	v16 =	vld [tilespmem:s26+$0x30];
	[tilespmem:v0+s24+$0xE0 ss:$0x1] =	vst.idx.msk $0xffff, v13  }
0x50: {  	v13 =	vld [tilespmem:s26+$0x0];
	[tilespmem:v0+s23+$0x20 ss:$0x1] =	vst.idx.msk $0xffff, v15;
	s25 =	spop (v2sf)  }
0x51: {  	v15 =	vld [tilespmem:s26+$0x10];
	[tilespmem:v0+s24+$0xF0 ss:$0x1] =	vst.idx.msk $0xffff, v14;
	s31 =	spop (v2sf)  }
0x52: {  	(v2sf) =	vpush v9, $0x3;
	v1 =	vld [tilespmem:s31+$0x0]  }
0x53: {  	v2 =	vld [tilespmem:s31+$0x10]  }
0x54: {  	v14 =	vld [tilespmem:s31+$0x20]  }
0x55: {  	[tilespmem:v0+s23+$0x30 ss:$0x1] =	vst.idx.msk $0xffff, v3;
	v3 =	vld [tilespmem:s31+$0x30]  }
0x56: {  	[tilespmem:v0+s23+$0x40 ss:$0x1] =	vst.idx.msk $0xffff, v7;
	v7 =	vld [tilespmem:s31+$0x40]  }
0x57: {  	[tilespmem:v0+s23+$0x50 ss:$0x1] =	vst.idx.msk $0xffff, v8;
	v8 =	vld [tilespmem:s31+$0x50]  }
0x58: {  	[tilespmem:v0+s23+$0x60 ss:$0x1] =	vst.idx.msk $0xffff, v10;
	v10 =	vld [tilespmem:s31+$0x60]  }
0x59: {  	[tilespmem:v0+s23+$0x70 ss:$0x1] =	vst.idx.msk $0xffff, v11;
	v11 =	vld [tilespmem:s31+$0x70]  }
0x5a: {  	v17 =	vld [tilespmem:s25+$0x0];
	[tilespmem:v0+s24+$0x100 ss:$0x1] =	vst.idx.msk $0xffff, v1  }
0x5b: {  	v23 =	vld [tilespmem:s25+$0x10];
	[tilespmem:v0+s24+$0x110 ss:$0x1] =	vst.idx.msk $0xffff, v2  }
0x5c: {  	v24 =	vld [tilespmem:s25+$0x20];
	v2 =	vshll.u32 v12, $0x9;
	[tilespmem:v0+s24+$0x120 ss:$0x1] =	vst.idx.msk $0xffff, v14  }
0x5d: {  	v1 =	vld [tilespmem:s26+$0x20];
	v2 =	vshra.s32 v2, $0x2;
	[tilespmem:v0+s24+$0x130 ss:$0x1] =	vst.idx.msk $0xffff, v3  }
0x5e: {  	v14 =	vld [tilespmem:s26+$0x40];
	(v2sf) =	vpush v2, $0x0;
	[tilespmem:v0+s24+$0x140 ss:$0x1] =	vst.idx.msk $0xffff, v7  }
0x5f: {  	v3 =	vld [tilespmem:s26+$0x50];
	[tilespmem:v0+s24+$0x150 ss:$0x1] =	vst.idx.msk $0xffff, v8  }
0x60: {  	v7 =	vld [tilespmem:s26+$0x60];
	[tilespmem:v0+s24+$0x160 ss:$0x1] =	vst.idx.msk $0xffff, v10  }
0x61: {  	s22 =	sshll.u32 s22, $0x7;
	v8 =	vld [tilespmem:s26+$0x70];
	[tilespmem:v0+s24+$0x170 ss:$0x1] =	vst.idx.msk $0xffff, v11;
	s28 =	spop (v2sf);
	(v2sf) =	vpush v9, $0x4  }
0x62: {  	[tilespmem:v0+s22+$0x0 ss:$0x1] =	vst.idx.msk $0xffff, v13;
	v10 =	vld [tilespmem:s28+$0x0]  }
0x63: {  	[tilespmem:v0+s22+$0x10 ss:$0x1] =	vst.idx.msk $0xffff, v15;
	v11 =	vld [tilespmem:s28+$0x10]  }
0x64: {  	[tilespmem:v0+s22+$0x20 ss:$0x1] =	vst.idx.msk $0xffff, v1;
	v12 =	vld [tilespmem:s28+$0x20]  }
0x65: {  	[tilespmem:v0+s22+$0x30 ss:$0x1] =	vst.idx.msk $0xffff, v16;
	v18 =	vld [tilespmem:s28+$0x30]  }
0x66: {  	[tilespmem:v0+s22+$0x40 ss:$0x1] =	vst.idx.msk $0xffff, v14;
	v19 =	vld [tilespmem:s28+$0x40]  }
0x67: {  	v20 =	vld [tilespmem:s28+$0x50];
	[tilespmem:v0+s22+$0x50 ss:$0x1] =	vst.idx.msk $0xffff, v3  }
0x68: {  	v21 =	vld [tilespmem:s28+$0x60];
	[tilespmem:v0+s22+$0x60 ss:$0x1] =	vst.idx.msk $0xffff, v7  }
0x69: {  	v22 =	vld [tilespmem:s28+$0x70];
	[tilespmem:v0+s24+$0x180 ss:$0x1] =	vst.idx.msk $0xffff, v10  }
0x6a: {  	v25 =	vld [tilespmem:s25+$0x30];
	[tilespmem:v0+s24+$0x190 ss:$0x1] =	vst.idx.msk $0xffff, v11  }
0x6b: {  	v26 =	vld [tilespmem:s25+$0x40];
	[tilespmem:v0+s24+$0x1A0 ss:$0x1] =	vst.idx.msk $0xffff, v12  }
0x6c: {  	[tilespmem:v0+s24+$0x1B0 ss:$0x1] =	vst.idx.msk $0xffff, v18;
	v18 =	vld [tilespmem:s25+$0x50]  }
0x6d: {  	s31 =	spop (v2sf);
	[tilespmem:v0+s24+$0x1C0 ss:$0x1] =	vst.idx.msk $0xffff, v19;
	v19 =	vld [tilespmem:s25+$0x60]  }
0x6e: {  	(v2sf) =	vpush v4, $0x1;
	v27 =	vld [tilespmem:s31+$0x10];
	[tilespmem:v0+s24+$0x1D0 ss:$0x1] =	vst.idx.msk $0xffff, v20  }
0x6f: {  	s30 =	simm.s32 $0x40;
	(v2sf) =	vpush v5, $0x2;
	v7 =	vld [tilespmem:s31+$0x30];
	[tilespmem:v0+s24+$0x1E0 ss:$0x1] =	vst.idx.msk $0xffff, v21  }
0x70: {  	s20 =	smin.u32 s30, $0x6D;
	v20 =	vld [tilespmem:s25+$0x70];
	[tilespmem:v0+s24+$0x1F0 ss:$0x1] =	vst.idx.msk $0xffff, v22;
	s30 =	spop (v2sf);
	(v2sf) =	vpush v9, $0x5  }
0x71: {  	v10 =	vld [tilespmem:s30+$0x0]  }
0x72: {  	v11 =	vld [tilespmem:s30+$0x10]  }
0x73: {  	v1 =	vld [tilespmem:s30+$0x20]  }
0x74: {  	v12 =	vld [tilespmem:s30+$0x30]  }
0x75: {  	v13 =	vld [tilespmem:s30+$0x40]  }
0x76: {  	[tilespmem:v0+s22+$0x70 ss:$0x1] =	vst.idx.msk $0xffff, v8;
	v3 =	vld [tilespmem:s30+$0x50]  }
0x77: {  	[tilespmem:v0+s23+$0x80 ss:$0x1] =	vst.idx.msk $0xffff, v17;
	v14 =	vld [tilespmem:s30+$0x60]  }
0x78: {  	v15 =	vld [tilespmem:s30+$0x70];
	[tilespmem:v0+s24+$0x200 ss:$0x1] =	vst.idx.msk $0xffff, v10  }
0x79: {  	v8 =	vld [tilespmem:s31+$0x40];
	[tilespmem:v0+s24+$0x210 ss:$0x1] =	vst.idx.msk $0xffff, v11  }
0x7a: {  	v21 =	vld.idx.msk [tilespmem:v6+s20+$0x0 ss:$0x1], $0xffff;
	[tilespmem:v0+s24+$0x220 ss:$0x1] =	vst.idx.msk $0xffff, v1  }
0x7b: {  	v22 =	vld [tilespmem:s31+$0x0];
	[tilespmem:v0+s24+$0x230 ss:$0x1] =	vst.idx.msk $0xffff, v12  }
0x7c: {  	v10 =	vld [tilespmem:s31+$0x50];
	[tilespmem:v0+s24+$0x240 ss:$0x1] =	vst.idx.msk $0xffff, v13  }
0x7d: {  	s28 =	spop (v2sf);
	v11 =	vld [tilespmem:s31+$0x20];
	[tilespmem:v0+s24+$0x250 ss:$0x1] =	vst.idx.msk $0xffff, v3  }
0x7e: {  	v12 =	vld [tilespmem:s31+$0x60];
	s26 =	spop (v2sf);
	(v2sf) =	vpush v5, $0x3;
	[tilespmem:v0+s24+$0x260 ss:$0x1] =	vst.idx.msk $0xffff, v14  }
0x7f: {  	v13 =	vld [tilespmem:s31+$0x70];
	[tilespmem:v0+s24+$0x270 ss:$0x1] =	vst.idx.msk $0xffff, v15;
	s31 =	spop (v2sf);
	(v2sf) =	vpush v9, $0x6  }
0x80: {  	[tilespmem:v0+s23+$0x90 ss:$0x1] =	vst.idx.msk $0xffff, v23;
	v1 =	vld [tilespmem:s31+$0x0]  }
0x81: {  	[tilespmem:v0+s23+$0xA0 ss:$0x1] =	vst.idx.msk $0xffff, v24;
	v3 =	vld [tilespmem:s31+$0x10]  }
0x82: {  	[tilespmem:v0+s23+$0xB0 ss:$0x1] =	vst.idx.msk $0xffff, v25;
	v15 =	vld [tilespmem:s31+$0x20]  }
0x83: {  	[tilespmem:v0+s23+$0xC0 ss:$0x1] =	vst.idx.msk $0xffff, v26;
	v23 =	vld [tilespmem:s31+$0x30]  }
0x84: {  	[tilespmem:v0+s23+$0xD0 ss:$0x1] =	vst.idx.msk $0xffff, v18;
	v24 =	vld [tilespmem:s31+$0x40]  }
0x85: {  	[tilespmem:v0+s23+$0xE0 ss:$0x1] =	vst.idx.msk $0xffff, v19;
	v18 =	vld [tilespmem:s31+$0x50]  }
0x86: {  	[tilespmem:v0+s23+$0xF0 ss:$0x1] =	vst.idx.msk $0xffff, v20;
	v19 =	vld [tilespmem:s31+$0x60]  }
0x87: {  	v20 =	vld [tilespmem:s31+$0x70];
	[tilespmem:v0+s24+$0x280 ss:$0x1] =	vst.idx.msk $0xffff, v1  }
0x88: {  	[tilespmem:v0+s24+$0x290 ss:$0x1] =	vst.idx.msk $0xffff, v3  }
0x89: {  	v29 =	vld [tilespmem:s26+$0x50];
	[tilespmem:v0+s24+$0x2A0 ss:$0x1] =	vst.idx.msk $0xffff, v15  }
0x8a: {  	v1 =	vshll.u32 v21, $0x9;
	v21 =	vld [tilespmem:s26+$0x20];
	[tilespmem:v0+s24+$0x2B0 ss:$0x1] =	vst.idx.msk $0xffff, v23  }
0x8b: {  	v3 =	vld [tilespmem:s26+$0x0];
	[tilespmem:v0+s24+$0x2C0 ss:$0x1] =	vst.idx.msk $0xffff, v24  }
0x8c: {  	v15 =	vld [tilespmem:s26+$0x10];
	[tilespmem:v0+s24+$0x2D0 ss:$0x1] =	vst.idx.msk $0xffff, v18  }
0x8d: {  	s29 =	spop (v2sf);
	v18 =	vld [tilespmem:s26+$0x30];
	[tilespmem:v0+s24+$0x2E0 ss:$0x1] =	vst.idx.msk $0xffff, v19  }
0x8e: {  	v19 =	vld [tilespmem:s26+$0x40];
	[tilespmem:v0+s24+$0x2F0 ss:$0x1] =	vst.idx.msk $0xffff, v20;
	s30 =	spop (v2sf)  }
0x8f: {  	v20 =	vld [tilespmem:s30+$0x0]  }
0x90: {  	v23 =	vld [tilespmem:s30+$0x10]  }
0x91: {  	v24 =	vld [tilespmem:s30+$0x20]  }
0x92: {  	v25 =	vld [tilespmem:s30+$0x30]  }
0x93: {  	s21 =	sshll.u32 s21, $0x7;
	v1 =	vshra.s32 v1, $0x2;
	v26 =	vld [tilespmem:s30+$0x40]  }
0x94: {  	[tilespmem:v0+s21+$0x0 ss:$0x1] =	vst.idx.msk $0xffff, v22;
	(v2sf) =	vpush v1, $0x0;
	v28 =	vld [tilespmem:s30+$0x50]  }
0x95: {  	[tilespmem:v0+s21+$0x10 ss:$0x1] =	vst.idx.msk $0xffff, v27;
	v22 =	vld [tilespmem:s30+$0x60]  }
0x96: {  	v27 =	vld [tilespmem:s30+$0x70];
	[tilespmem:v0+s24+$0x300 ss:$0x1] =	vst.idx.msk $0xffff, v20  }
0x97: {  	(v2sf) =	vpush v5, $0x4;
	v20 =	vld [tilespmem:s26+$0x60];
	[tilespmem:v0+s24+$0x310 ss:$0x1] =	vst.idx.msk $0xffff, v23  }
0x98: {  	(v2sf) =	vpush v9, $0x7;
	v23 =	vld [tilespmem:s26+$0x70];
	[tilespmem:v0+s23+$0x100 ss:$0x1] =	vst.idx.msk $0xffff, v3  }
0x99: {  	[tilespmem:v0+s24+$0x320 ss:$0x1] =	vst.idx.msk $0xffff, v24  }
0x9a: {  	[tilespmem:v0+s23+$0x110 ss:$0x1] =	vst.idx.msk $0xffff, v15  }
0x9b: {  	[tilespmem:v0+s24+$0x330 ss:$0x1] =	vst.idx.msk $0xffff, v25  }
0x9c: {  	v16 =	vld [tilespmem:s28+$0x0];
	[tilespmem:v0+s23+$0x120 ss:$0x1] =	vst.idx.msk $0xffff, v21  }
0x9d: {  	v17 =	vld [tilespmem:s28+$0x10];
	[tilespmem:v0+s24+$0x340 ss:$0x1] =	vst.idx.msk $0xffff, v26  }
0x9e: {  	v14 =	vld [tilespmem:s28+$0x20];
	[tilespmem:v0+s23+$0x130 ss:$0x1] =	vst.idx.msk $0xffff, v18  }
0x9f: {  	v24 =	vld [tilespmem:s28+$0x30];
	[tilespmem:v0+s24+$0x350 ss:$0x1] =	vst.idx.msk $0xffff, v28  }
0xa0: {  	v25 =	vld [tilespmem:s28+$0x40];
	[tilespmem:v0+s23+$0x140 ss:$0x1] =	vst.idx.msk $0xffff, v19  }
0xa1: {  	v26 =	vld [tilespmem:s28+$0x50];
	[tilespmem:v0+s24+$0x360 ss:$0x1] =	vst.idx.msk $0xffff, v22  }
0xa2: {  	v28 =	vld [tilespmem:s28+$0x60];
	[tilespmem:v0+s23+$0x150 ss:$0x1] =	vst.idx.msk $0xffff, v29  }
0xa3: {  	s25 =	spop (v2sf);
	v22 =	vld [tilespmem:s28+$0x70];
	[tilespmem:v0+s22+$0x80 ss:$0x1] =	vst.idx.msk $0xffff, v16  }
0xa4: {  	v30 =	vld [tilespmem:s25+$0x20];
	[tilespmem:v0+s23+$0x160 ss:$0x1] =	vst.idx.msk $0xffff, v20  }
0xa5: {  	v31 =	vld [tilespmem:s25+$0x30];
	[tilespmem:v0+s22+$0x90 ss:$0x1] =	vst.idx.msk $0xffff, v17  }
0xa6: {  	s26 =	spop (v2sf);
	v17 =	vld [tilespmem:s25+$0x60];
	[tilespmem:v0+s23+$0x170 ss:$0x1] =	vst.idx.msk $0xffff, v23  }
0xa7: {  	[tilespmem:v0+s24+$0x370 ss:$0x1] =	vst.idx.msk $0xffff, v27;
	s31 =	spop (v2sf);
	v29 =	vld [tilespmem:s29+$0x0]  }
0xa8: {  	[tilespmem:v0+s21+$0x20 ss:$0x1] =	vst.idx.msk $0xffff, v11;
	(v2sf) =	vpush v9, $0x8;
	v3 =	vld [tilespmem:s31+$0x0]  }
0xa9: {  	[tilespmem:v0+s21+$0x30 ss:$0x1] =	vst.idx.msk $0xffff, v7;
	v15 =	vld [tilespmem:s31+$0x10]  }
0xaa: {  	[tilespmem:v0+s21+$0x40 ss:$0x1] =	vst.idx.msk $0xffff, v8;
	v21 =	vld [tilespmem:s31+$0x20]  }
0xab: {  	[tilespmem:v0+s21+$0x50 ss:$0x1] =	vst.idx.msk $0xffff, v10;
	v18 =	vld [tilespmem:s31+$0x30]  }
0xac: {  	[tilespmem:v0+s21+$0x60 ss:$0x1] =	vst.idx.msk $0xffff, v12;
	v19 =	vld [tilespmem:s31+$0x40]  }
0xad: {  	[tilespmem:v0+s21+$0x70 ss:$0x1] =	vst.idx.msk $0xffff, v13;
	v27 =	vld [tilespmem:s31+$0x50]  }
0xae: {  	[tilespmem:v0+s22+$0xA0 ss:$0x1] =	vst.idx.msk $0xffff, v14;
	v20 =	vld [tilespmem:s31+$0x60]  }
0xaf: {  	v23 =	vld [tilespmem:s31+$0x70];
	[tilespmem:v0+s24+$0x380 ss:$0x1] =	vst.idx.msk $0xffff, v3  }
0xb0: {  	v3 =	vld [tilespmem:s29+$0x10];
	[tilespmem:v0+s24+$0x390 ss:$0x1] =	vst.idx.msk $0xffff, v15  }
0xb1: {  	v15 =	vld [tilespmem:s29+$0x20];
	[tilespmem:v0+s24+$0x3A0 ss:$0x1] =	vst.idx.msk $0xffff, v21  }
0xb2: {  	v21 =	vld [tilespmem:s29+$0x30];
	[tilespmem:v0+s24+$0x3B0 ss:$0x1] =	vst.idx.msk $0xffff, v18  }
0xb3: {  	v18 =	vld [tilespmem:s29+$0x40];
	[tilespmem:v0+s24+$0x3C0 ss:$0x1] =	vst.idx.msk $0xffff, v19  }
0xb4: {  	v19 =	vld [tilespmem:s29+$0x50];
	[tilespmem:v0+s24+$0x3D0 ss:$0x1] =	vst.idx.msk $0xffff, v27  }
0xb5: {  	(v2sf) =	vpush v2, $0x1;
	v27 =	vld [tilespmem:s29+$0x60];
	[tilespmem:v0+s24+$0x3E0 ss:$0x1] =	vst.idx.msk $0xffff, v20  }
0xb6: {  	(v2sf) =	vpush v4, $0x2;
	v20 =	vld [tilespmem:s29+$0x70];
	[tilespmem:v0+s23+$0x180 ss:$0x1] =	vst.idx.msk $0xffff, v29  }
0xb7: {  	s30 =	spop (v2sf);
	(v2sf) =	vpush v9, $0x9;
	v29 =	vld [tilespmem:s25+$0x0];
	[tilespmem:v0+s24+$0x3F0 ss:$0x1] =	vst.idx.msk $0xffff, v23  }
0xb8: {  	[tilespmem:v0+s23+$0x190 ss:$0x1] =	vst.idx.msk $0xffff, v3;
	v23 =	vld [tilespmem:s30+$0x0]  }
0xb9: {  	v3 =	vld [tilespmem:s30+$0x10];
	[tilespmem:v0+s23+$0x1A0 ss:$0x1] =	vst.idx.msk $0xffff, v15  }
0xba: {  	v15 =	vld [tilespmem:s30+$0x20];
	[tilespmem:v0+s23+$0x1B0 ss:$0x1] =	vst.idx.msk $0xffff, v21  }
0xbb: {  	v21 =	vld [tilespmem:s30+$0x30];
	[tilespmem:v0+s23+$0x1C0 ss:$0x1] =	vst.idx.msk $0xffff, v18  }
0xbc: {  	v18 =	vld [tilespmem:s30+$0x40];
	[tilespmem:v0+s23+$0x1D0 ss:$0x1] =	vst.idx.msk $0xffff, v19  }
0xbd: {  	v19 =	vld [tilespmem:s30+$0x50];
	[tilespmem:v0+s23+$0x1E0 ss:$0x1] =	vst.idx.msk $0xffff, v27  }
0xbe: {  	v27 =	vld [tilespmem:s30+$0x60];
	[tilespmem:v0+s23+$0x1F0 ss:$0x1] =	vst.idx.msk $0xffff, v20  }
0xbf: {  	v20 =	vld [tilespmem:s30+$0x70];
	[tilespmem:v0+s24+$0x400 ss:$0x1] =	vst.idx.msk $0xffff, v23  }
0xc0: {  	v23 =	vld [tilespmem:s25+$0x10];
	[tilespmem:v0+s24+$0x410 ss:$0x1] =	vst.idx.msk $0xffff, v3  }
0xc1: {  	v3 =	vld [tilespmem:s25+$0x40];
	[tilespmem:v0+s24+$0x420 ss:$0x1] =	vst.idx.msk $0xffff, v15  }
0xc2: {  	v32 =	vld [tilespmem:s26+$0x50];
	[tilespmem:v0+s24+$0x430 ss:$0x1] =	vst.idx.msk $0xffff, v21  }
0xc3: {  	v15 =	vld [tilespmem:s25+$0x50];
	[tilespmem:v0+s24+$0x440 ss:$0x1] =	vst.idx.msk $0xffff, v18  }
0xc4: {  	s28 =	spop (v2sf);
	v21 =	vld [tilespmem:s26+$0x10];
	[tilespmem:v0+s24+$0x450 ss:$0x1] =	vst.idx.msk $0xffff, v19  }
0xc5: {  	s29 =	spop (v2sf);
	v18 =	vld [tilespmem:s25+$0x70];
	[tilespmem:v0+s24+$0x460 ss:$0x1] =	vst.idx.msk $0xffff, v27  }
0xc6: {  	s30 =	spop (v2sf);
	v19 =	vld [tilespmem:s26+$0x0];
	[tilespmem:v0+s24+$0x470 ss:$0x1] =	vst.idx.msk $0xffff, v20  }
0xc7: {  	[tilespmem:v0+s22+$0xB0 ss:$0x1] =	vst.idx.msk $0xffff, v24;
	v11 =	vld [tilespmem:s30+$0x0]  }
0xc8: {  	[tilespmem:v0+s22+$0xC0 ss:$0x1] =	vst.idx.msk $0xffff, v25;
	v7 =	vld [tilespmem:s30+$0x10]  }
0xc9: {  	[tilespmem:v0+s22+$0xD0 ss:$0x1] =	vst.idx.msk $0xffff, v26;
	(v2sf) =	vpush v5, $0x5;
	v8 =	vld [tilespmem:s30+$0x20]  }
0xca: {  	[tilespmem:v0+s22+$0xE0 ss:$0x1] =	vst.idx.msk $0xffff, v28;
	(v2sf) =	vpush v9, $0xA;
	v10 =	vld [tilespmem:s30+$0x30]  }
0xcb: {  	s20 =	sshll.u32 s20, $0x7;
	[tilespmem:v0+s22+$0xF0 ss:$0x1] =	vst.idx.msk $0xffff, v22;
	v12 =	vld [tilespmem:s30+$0x40]  }
0xcc: {  	[tilespmem:v0+s20+$0x0 ss:$0x1] =	vst.idx.msk $0xffff, v29;
	v13 =	vld [tilespmem:s30+$0x50]  }
0xcd: {  	[tilespmem:v0+s20+$0x10 ss:$0x1] =	vst.idx.msk $0xffff, v23;
	v16 =	vld [tilespmem:s30+$0x60]  }
0xce: {  	v20 =	vld [tilespmem:s30+$0x70];
	[tilespmem:v0+s24+$0x480 ss:$0x1] =	vst.idx.msk $0xffff, v11  }
0xcf: {  	v27 =	vld [tilespmem:s26+$0x20];
	[tilespmem:v0+s24+$0x490 ss:$0x1] =	vst.idx.msk $0xffff, v7  }
0xd0: {  	v11 =	vld [tilespmem:s26+$0x30];
	[tilespmem:v0+s24+$0x4A0 ss:$0x1] =	vst.idx.msk $0xffff, v8  }
0xd1: {  	v7 =	vld [tilespmem:s26+$0x40];
	[tilespmem:v0+s24+$0x4B0 ss:$0x1] =	vst.idx.msk $0xffff, v10  }
0xd2: {  	v10 =	vld [tilespmem:s26+$0x60];
	[tilespmem:v0+s24+$0x4C0 ss:$0x1] =	vst.idx.msk $0xffff, v12  }
0xd3: {  	v12 =	vld [tilespmem:s26+$0x70];
	[tilespmem:v0+s23+$0x200 ss:$0x1] =	vst.idx.msk $0xffff, v19  }
0xd4: {  	[tilespmem:v0+s24+$0x4D0 ss:$0x1] =	vst.idx.msk $0xffff, v13  }
0xd5: {  	v28 =	vld [tilespmem:s29+$0x50];
	[tilespmem:v0+s23+$0x210 ss:$0x1] =	vst.idx.msk $0xffff, v21  }
0xd6: {  	v29 =	vld [tilespmem:s29+$0x70];
	[tilespmem:v0+s24+$0x4E0 ss:$0x1] =	vst.idx.msk $0xffff, v16  }
0xd7: {  	v23 =	vld [tilespmem:s29+$0x40];
	[tilespmem:v0+s23+$0x220 ss:$0x1] =	vst.idx.msk $0xffff, v27  }
0xd8: {  	s30 =	spop (v2sf);
	v27 =	vld [tilespmem:s29+$0x30];
	[tilespmem:v0+s24+$0x4F0 ss:$0x1] =	vst.idx.msk $0xffff, v20  }
0xd9: {  	s31 =	spop (v2sf);
	[tilespmem:v0+s23+$0x230 ss:$0x1] =	vst.idx.msk $0xffff, v11;
	v11 =	vld [tilespmem:s29+$0x0]  }
0xda: {  	v13 =	vld [tilespmem:s31+$0x0]  }
0xdb: {  	v14 =	vld [tilespmem:s31+$0x10]  }
0xdc: {  	v20 =	vld [tilespmem:s31+$0x20]  }
0xdd: {  	[tilespmem:v0+s20+$0x20 ss:$0x1] =	vst.idx.msk $0xffff, v30;
	v24 =	vld [tilespmem:s31+$0x30]  }
0xde: {  	[tilespmem:v0+s20+$0x30 ss:$0x1] =	vst.idx.msk $0xffff, v31;
	v25 =	vld [tilespmem:s31+$0x40]  }
0xdf: {  	v22 =	vld [tilespmem:s31+$0x50];
	[tilespmem:v0+s23+$0x240 ss:$0x1] =	vst.idx.msk $0xffff, v7  }
0xe0: {  	v19 =	vld [tilespmem:s31+$0x60];
	[tilespmem:v0+s23+$0x250 ss:$0x1] =	vst.idx.msk $0xffff, v32  }
0xe1: {  	v26 =	vld [tilespmem:s31+$0x70];
	[tilespmem:v0+s23+$0x260 ss:$0x1] =	vst.idx.msk $0xffff, v10  }
0xe2: {  	v10 =	vld [tilespmem:s29+$0x10];
	[tilespmem:v0+s23+$0x270 ss:$0x1] =	vst.idx.msk $0xffff, v12  }
0xe3: {  	(v2sf) =	vpush v9, $0xB;
	v12 =	vld [tilespmem:s29+$0x20];
	[tilespmem:v0+s24+$0x500 ss:$0x1] =	vst.idx.msk $0xffff, v13  }
0xe4: {  	v13 =	vld [tilespmem:s29+$0x60];
	[tilespmem:v0+s22+$0x100 ss:$0x1] =	vst.idx.msk $0xffff, v11  }
0xe5: {  	[tilespmem:v0+s24+$0x510 ss:$0x1] =	vst.idx.msk $0xffff, v14  }
0xe6: {  	[tilespmem:v0+s24+$0x520 ss:$0x1] =	vst.idx.msk $0xffff, v20  }
0xe7: {  	[tilespmem:v0+s22+$0x110 ss:$0x1] =	vst.idx.msk $0xffff, v10  }
0xe8: {  	v8 =	vld [tilespmem:s28+$0x10];
	s26 =	simm.s32 $0x50;
	[tilespmem:v0+s24+$0x530 ss:$0x1] =	vst.idx.msk $0xffff, v24  }
0xe9: {  	s25 =	smin.u32 s26, $0x6D;
	v21 =	vld [tilespmem:s28+$0x0];
	[tilespmem:v0+s22+$0x120 ss:$0x1] =	vst.idx.msk $0xffff, v12  }
0xea: {  	v16 =	vld.idx.msk [tilespmem:v6+s25+$0x0 ss:$0x1], $0xffff;
	[tilespmem:v0+s24+$0x540 ss:$0x1] =	vst.idx.msk $0xffff, v25  }
0xeb: {  	v30 =	vld [tilespmem:s30+$0x50];
	[tilespmem:v0+s22+$0x130 ss:$0x1] =	vst.idx.msk $0xffff, v27  }
0xec: {  	v31 =	vld [tilespmem:s30+$0x60];
	[tilespmem:v0+s24+$0x550 ss:$0x1] =	vst.idx.msk $0xffff, v22  }
0xed: {  	(v2sf) =	vpush v4, $0x3;
	v20 =	vld [tilespmem:s30+$0x0];
	[tilespmem:v0+s22+$0x140 ss:$0x1] =	vst.idx.msk $0xffff, v23  }
0xee: {  	v32 =	vld [tilespmem:s30+$0x70];
	[tilespmem:v0+s24+$0x560 ss:$0x1] =	vst.idx.msk $0xffff, v19  }
0xef: {  	v24 =	vld [tilespmem:s30+$0x10];
	[tilespmem:v0+s22+$0x150 ss:$0x1] =	vst.idx.msk $0xffff, v28  }
0xf0: {  	v25 =	vld [tilespmem:s30+$0x20];
	[tilespmem:v0+s24+$0x570 ss:$0x1] =	vst.idx.msk $0xffff, v26  }
0xf1: {  	v22 =	vld [tilespmem:s30+$0x30];
	[tilespmem:v0+s22+$0x160 ss:$0x1] =	vst.idx.msk $0xffff, v13  }
0xf2: {  	v19 =	vld [tilespmem:s30+$0x40];
	[tilespmem:v0+s23+$0x280 ss:$0x1] =	vst.idx.msk $0xffff, v20;
	s29 =	spop (v2sf);
	(v2sf) =	vpush v9, $0xC  }
0xf3: {  	[tilespmem:v0+s22+$0x170 ss:$0x1] =	vst.idx.msk $0xffff, v29;
	v14 =	vld [tilespmem:s29+$0x0]  }
0xf4: {  	[tilespmem:v0+s23+$0x290 ss:$0x1] =	vst.idx.msk $0xffff, v24;
	v11 =	vld [tilespmem:s29+$0x10]  }
0xf5: {  	v10 =	vld [tilespmem:s29+$0x20];
	[tilespmem:v0+s23+$0x2A0 ss:$0x1] =	vst.idx.msk $0xffff, v25  }
0xf6: {  	v12 =	vld [tilespmem:s29+$0x30];
	[tilespmem:v0+s23+$0x2B0 ss:$0x1] =	vst.idx.msk $0xffff, v22  }
0xf7: {  	v26 =	vld [tilespmem:s29+$0x40];
	[tilespmem:v0+s23+$0x2C0 ss:$0x1] =	vst.idx.msk $0xffff, v19  }
0xf8: {  	v23 =	vld [tilespmem:s29+$0x50];
	[tilespmem:v0+s23+$0x2D0 ss:$0x1] =	vst.idx.msk $0xffff, v30  }
0xf9: {  	v27 =	vld [tilespmem:s29+$0x60];
	[tilespmem:v0+s23+$0x2E0 ss:$0x1] =	vst.idx.msk $0xffff, v31  }
0xfa: {  	v28 =	vld [tilespmem:s29+$0x70];
	[tilespmem:v0+s24+$0x580 ss:$0x1] =	vst.idx.msk $0xffff, v14  }
0xfb: {  	v7 =	vld [tilespmem:s28+$0x20];
	[tilespmem:v0+s24+$0x590 ss:$0x1] =	vst.idx.msk $0xffff, v11  }
0xfc: {  	v13 =	vld [tilespmem:s28+$0x70];
	s29 =	spop (v2sf);
	[tilespmem:v0+s24+$0x5A0 ss:$0x1] =	vst.idx.msk $0xffff, v10  }
0xfd: {  	v29 =	vld [tilespmem:s29+$0x20];
	[tilespmem:v0+s24+$0x5B0 ss:$0x1] =	vst.idx.msk $0xffff, v12  }
0xfe: {  	v33 =	vld [tilespmem:s29+$0x60];
	[tilespmem:v0+s24+$0x5C0 ss:$0x1] =	vst.idx.msk $0xffff, v26  }
0xff: {  	v34 =	vld [tilespmem:s29+$0x70];
	[tilespmem:v0+s24+$0x5D0 ss:$0x1] =	vst.idx.msk $0xffff, v23  }
0x100: {  	(v2sf) =	vpush v5, $0x6;
	v30 =	vld [tilespmem:s29+$0x30];
	[tilespmem:v0+s24+$0x5E0 ss:$0x1] =	vst.idx.msk $0xffff, v27  }
0x101: {  	v31 =	vld [tilespmem:s29+$0x40];
	[tilespmem:v0+s24+$0x5F0 ss:$0x1] =	vst.idx.msk $0xffff, v28;
	s30 =	spop (v2sf);
	(v2sf) =	vpush v9, $0xD  }
0x102: {  	v23 =	vld [tilespmem:s30+$0x0]  }
0x103: {  	v20 =	vld [tilespmem:s30+$0x10]  }
0x104: {  	v24 =	vld [tilespmem:s30+$0x20]  }
0x105: {  	v25 =	vld [tilespmem:s30+$0x30]  }
0x106: {  	v22 =	vld [tilespmem:s30+$0x40]  }
0x107: {  	v19 =	vld [tilespmem:s30+$0x50]  }
0x108: {  	[tilespmem:v0+s20+$0x40 ss:$0x1] =	vst.idx.msk $0xffff, v3;
	v26 =	vld [tilespmem:s30+$0x60]  }
0x109: {  	v27 =	vld [tilespmem:s30+$0x70];
	[tilespmem:v0+s24+$0x600 ss:$0x1] =	vst.idx.msk $0xffff, v23  }
0x10a: {  	v14 =	vld [tilespmem:s28+$0x30];
	[tilespmem:v0+s24+$0x610 ss:$0x1] =	vst.idx.msk $0xffff, v20  }
0x10b: {  	v11 =	vld [tilespmem:s28+$0x60];
	[tilespmem:v0+s24+$0x620 ss:$0x1] =	vst.idx.msk $0xffff, v24  }
0x10c: {  	v10 =	vld [tilespmem:s28+$0x50];
	[tilespmem:v0+s24+$0x630 ss:$0x1] =	vst.idx.msk $0xffff, v25  }
0x10d: {  	v12 =	vld [tilespmem:s28+$0x40];
	[tilespmem:v0+s24+$0x640 ss:$0x1] =	vst.idx.msk $0xffff, v22  }
0x10e: {  	v28 =	vld [tilespmem:s29+$0x0];
	[tilespmem:v0+s24+$0x650 ss:$0x1] =	vst.idx.msk $0xffff, v19  }
0x10f: {  	s31 =	spop (v2sf);
	v23 =	vld [tilespmem:s29+$0x10];
	[tilespmem:v0+s24+$0x660 ss:$0x1] =	vst.idx.msk $0xffff, v26  }
0x110: {  	v22 =	vld [tilespmem:s29+$0x50];
	[tilespmem:v0+s24+$0x670 ss:$0x1] =	vst.idx.msk $0xffff, v27;
	s29 =	spop (v2sf)  }
0x111: {  	[tilespmem:v0+s20+$0x50 ss:$0x1] =	vst.idx.msk $0xffff, v15;
	v19 =	vld [tilespmem:s29+$0x0]  }
0x112: {  	[tilespmem:v0+s20+$0x60 ss:$0x1] =	vst.idx.msk $0xffff, v17;
	(v2sf) =	vpush v9, $0xE;
	v3 =	vld [tilespmem:s29+$0x10]  }
0x113: {  	[tilespmem:v0+s20+$0x70 ss:$0x1] =	vst.idx.msk $0xffff, v18;
	v15 =	vld [tilespmem:s29+$0x20]  }
0x114: {  	[tilespmem:v0+s23+$0x2F0 ss:$0x1] =	vst.idx.msk $0xffff, v32;
	v17 =	vld [tilespmem:s29+$0x30]  }
0x115: {  	[tilespmem:v0+s21+$0x80 ss:$0x1] =	vst.idx.msk $0xffff, v21;
	v18 =	vld [tilespmem:s29+$0x40]  }
0x116: {  	[tilespmem:v0+s22+$0x180 ss:$0x1] =	vst.idx.msk $0xffff, v28;
	v21 =	vld [tilespmem:s29+$0x50]  }
0x117: {  	[tilespmem:v0+s22+$0x190 ss:$0x1] =	vst.idx.msk $0xffff, v23;
	v63 =	vld [tilespmem:s29+$0x60]  }
0x118: {  	v23 =	vld [tilespmem:s29+$0x70];
	[tilespmem:v0+s24+$0x680 ss:$0x1] =	vst.idx.msk $0xffff, v19  }
0x119: {  	[tilespmem:v0+s24+$0x690 ss:$0x1] =	vst.idx.msk $0xffff, v3;
	v3 =	vshll.u32 v16, $0x9  }
0x11a: {  	v20 =	vld [tilespmem:s31+$0x0];
	v3 =	vshra.s32 v3, $0x2  }
0x11b: {  	v24 =	vld [tilespmem:s31+$0x20];
	(v2sf) =	vpush v3, $0x0  }
0x11c: {  	v25 =	vld [tilespmem:s31+$0x30];
	[tilespmem:v0+s24+$0x6A0 ss:$0x1] =	vst.idx.msk $0xffff, v15  }
0x11d: {  	v28 =	vld [tilespmem:s31+$0x60];
	[tilespmem:v0+s24+$0x6B0 ss:$0x1] =	vst.idx.msk $0xffff, v17  }
0x11e: {  	v26 =	vld [tilespmem:s31+$0x40];
	[tilespmem:v0+s24+$0x6C0 ss:$0x1] =	vst.idx.msk $0xffff, v18  }
0x11f: {  	v27 =	vld [tilespmem:s31+$0x50];
	[tilespmem:v0+s24+$0x6D0 ss:$0x1] =	vst.idx.msk $0xffff, v21  }
0x120: {  	v19 =	vld [tilespmem:s31+$0x10];
	[tilespmem:v0+s24+$0x6E0 ss:$0x1] =	vst.idx.msk $0xffff, v63  }
0x121: {  	s29 =	spop (v2sf);
	v17 =	vld [tilespmem:s31+$0x70];
	(v2sf) =	vpush v9, $0xF;
	[tilespmem:v0+s24+$0x6F0 ss:$0x1] =	vst.idx.msk $0xffff, v23  }
0x122: {  	[tilespmem:v0+s22+$0x1A0 ss:$0x1] =	vst.idx.msk $0xffff, v29;
	v18 =	vld [tilespmem:s29+$0x0]  }
0x123: {  	[tilespmem:v0+s22+$0x1B0 ss:$0x1] =	vst.idx.msk $0xffff, v30;
	v15 =	vld [tilespmem:s29+$0x10]  }
0x124: {  	[tilespmem:v0+s22+$0x1C0 ss:$0x1] =	vst.idx.msk $0xffff, v31;
	v16 =	vld [tilespmem:s29+$0x20]  }
0x125: {  	[tilespmem:v0+s22+$0x1D0 ss:$0x1] =	vst.idx.msk $0xffff, v22;
	v22 =	vld [tilespmem:s29+$0x30]  }
0x126: {  	[tilespmem:v0+s22+$0x1E0 ss:$0x1] =	vst.idx.msk $0xffff, v33;
	v23 =	vld [tilespmem:s29+$0x40]  }
0x127: {  	[tilespmem:v0+s22+$0x1F0 ss:$0x1] =	vst.idx.msk $0xffff, v34;
	v29 =	vld [tilespmem:s29+$0x50]  }
.LBB2_3:
0x128: {  	s26 =	sadd.s32 $0x10, s26;
	[tilespmem:v0+s23+$0x300 ss:$0x1] =	vst.idx.msk $0xffff, v20;
	v30 =	vld [tilespmem:s29+$0x60]  }
0x129: {  	s28 =	smin.u32 s26, $0x6D;
	p0 =	slt.u32 s26, $0x70;
	(v2sf) =	vpush v4, $0x4;
	v31 =	vld [tilespmem:s29+$0x70];
	[tilespmem:v0+s24+$0x700 ss:$0x1] =	vst.idx.msk $0xffff, v18  }
0x12a: {  	v9 =	vld.idx.msk [tilespmem:v6+s28+$0x0 ss:$0x1], $0xffff;
	s29 =	spop (v2sf);
	(v2sf) =	vpush v5, $0x7;
	[tilespmem:v0+s24+$0x710 ss:$0x1] =	vst.idx.msk $0xffff, v15  }
0x12b: {  	v20 =	vld [tilespmem:s29+$0x0];
	[tilespmem:v0+s24+$0x720 ss:$0x1] =	vst.idx.msk $0xffff, v16  }
0x12c: {  	v21 =	vld [tilespmem:s29+$0x10];
	[tilespmem:v0+s24+$0x730 ss:$0x1] =	vst.idx.msk $0xffff, v22  }
0x12d: {  	v22 =	vld [tilespmem:s29+$0x20];
	[tilespmem:v0+s24+$0x740 ss:$0x1] =	vst.idx.msk $0xffff, v23  }
0x12e: {  	v23 =	vld [tilespmem:s29+$0x30];
	[tilespmem:v0+s24+$0x750 ss:$0x1] =	vst.idx.msk $0xffff, v29  }
0x12f: {  	v15 =	vld [tilespmem:s29+$0x40];
	[tilespmem:v0+s24+$0x760 ss:$0x1] =	vst.idx.msk $0xffff, v30  }
0x130: {  	v16 =	vld [tilespmem:s29+$0x50];
	[tilespmem:v0+s24+$0x770 ss:$0x1] =	vst.idx.msk $0xffff, v31;
	s30 =	spop (v2sf)  }
0x131: {  	[tilespmem:v0+s23+$0x310 ss:$0x1] =	vst.idx.msk $0xffff, v19;
	v18 =	vld [tilespmem:s30+$0x0]  }
0x132: {  	[tilespmem:v0+s23+$0x320 ss:$0x1] =	vst.idx.msk $0xffff, v24;
	v19 =	vld [tilespmem:s30+$0x10]  }
0x133: {  	[tilespmem:v0+s23+$0x330 ss:$0x1] =	vst.idx.msk $0xffff, v25;
	v24 =	vld [tilespmem:s30+$0x20]  }
0x134: {  	[tilespmem:v0+s23+$0x340 ss:$0x1] =	vst.idx.msk $0xffff, v26;
	v25 =	vld [tilespmem:s30+$0x30]  }
0x135: {  	[tilespmem:v0+s23+$0x350 ss:$0x1] =	vst.idx.msk $0xffff, v27;
	v26 =	vld [tilespmem:s30+$0x40]  }
0x136: {  	[tilespmem:v0+s23+$0x360 ss:$0x1] =	vst.idx.msk $0xffff, v28;
	v27 =	vld [tilespmem:s30+$0x50]  }
0x137: {  	[tilespmem:v0+s23+$0x370 ss:$0x1] =	vst.idx.msk $0xffff, v17;
	v17 =	vld [tilespmem:s30+$0x60]  }
0x138: {  	s31 =	spop (v2sf);
	v28 =	vld [tilespmem:s30+$0x70];
	[tilespmem:v0+s24+$0x780 ss:$0x1] =	vst.idx.msk $0xffff, v18  }
0x139: {  	v18 =	vld [tilespmem:s31+$0x0];
	s30 =	spop (v2sf);
	(v2sf) =	vpush v5, $0x8;
	[tilespmem:v0+s24+$0x790 ss:$0x1] =	vst.idx.msk $0xffff, v19  }
0x13a: {  	v19 =	vld [tilespmem:s30+$0x0];
	[tilespmem:v0+s24+$0x7A0 ss:$0x1] =	vst.idx.msk $0xffff, v24  }
0x13b: {  	v24 =	vld [tilespmem:s30+$0x10];
	[tilespmem:v0+s24+$0x7B0 ss:$0x1] =	vst.idx.msk $0xffff, v25  }
0x13c: {  	v25 =	vld [tilespmem:s30+$0x20];
	[tilespmem:v0+s24+$0x7C0 ss:$0x1] =	vst.idx.msk $0xffff, v26  }
0x13d: {  	v26 =	vld [tilespmem:s30+$0x30];
	[tilespmem:v0+s24+$0x7D0 ss:$0x1] =	vst.idx.msk $0xffff, v27  }
0x13e: {  	v27 =	vld [tilespmem:s30+$0x40];
	[tilespmem:v0+s24+$0x7E0 ss:$0x1] =	vst.idx.msk $0xffff, v17  }
0x13f: {  	v17 =	vld [tilespmem:s30+$0x50];
	[tilespmem:v0+s24+$0x7F0 ss:$0x1] =	vst.idx.msk $0xffff, v28;
	s24 =	smov.u32 s23;
	s23 =	smov.u32 s22;
	s22 =	smov.u32 s21  }
0x140: {  	s21 =	smov.u32 s20;
	[tilespmem:v0+s22+$0x90 ss:$0x1] =	vst.idx.msk $0xffff, v8;
	v8 =	vld [tilespmem:s30+$0x60]  }
0x141: {  	v28 =	vld [tilespmem:s30+$0x70];
	[tilespmem:v0+s24+$0x380 ss:$0x1] =	vst.idx.msk $0xffff, v19  }
0x142: {  	v29 =	vld [tilespmem:s31+$0x10];
	[tilespmem:v0+s24+$0x390 ss:$0x1] =	vst.idx.msk $0xffff, v24  }
0x143: {  	(v2sf) =	vpush v1, $0x1;
	v24 =	vld [tilespmem:s31+$0x20];
	[tilespmem:v0+s24+$0x3A0 ss:$0x1] =	vst.idx.msk $0xffff, v25  }
0x144: {  	v25 =	vld [tilespmem:s31+$0x30];
	[tilespmem:v0+s24+$0x3B0 ss:$0x1] =	vst.idx.msk $0xffff, v26  }
0x145: {  	v26 =	vld [tilespmem:s31+$0x40];
	[tilespmem:v0+s24+$0x3C0 ss:$0x1] =	vst.idx.msk $0xffff, v27  }
0x146: {  	(v2sf) =	vpush v2, $0x2;
	v27 =	vld [tilespmem:s31+$0x50];
	[tilespmem:v0+s24+$0x3D0 ss:$0x1] =	vst.idx.msk $0xffff, v17  }
0x147: {  	v30 =	vld [tilespmem:s31+$0x60];
	[tilespmem:v0+s24+$0x3E0 ss:$0x1] =	vst.idx.msk $0xffff, v8  }
0x148: {  	v31 =	vld [tilespmem:s31+$0x70];
	[tilespmem:v0+s24+$0x3F0 ss:$0x1] =	vst.idx.msk $0xffff, v28;
	s20 =	spop (v2sf);
	(v2sf) =	vpush v5, $0x9  }
0x149: {  	[tilespmem:v0+s22+$0xA0 ss:$0x1] =	vst.idx.msk $0xffff, v7;
	v7 =	vld [tilespmem:s20+$0x0]  }
0x14a: {  	[tilespmem:v0+s22+$0xB0 ss:$0x1] =	vst.idx.msk $0xffff, v14;
	v8 =	vld [tilespmem:s20+$0x10]  }
0x14b: {  	[tilespmem:v0+s22+$0xC0 ss:$0x1] =	vst.idx.msk $0xffff, v12;
	v12 =	vld [tilespmem:s20+$0x20]  }
0x14c: {  	[tilespmem:v0+s22+$0xD0 ss:$0x1] =	vst.idx.msk $0xffff, v10;
	v10 =	vld [tilespmem:s20+$0x30]  }
0x14d: {  	[tilespmem:v0+s22+$0xE0 ss:$0x1] =	vst.idx.msk $0xffff, v11;
	v11 =	vld [tilespmem:s20+$0x40]  }
0x14e: {  	[tilespmem:v0+s22+$0xF0 ss:$0x1] =	vst.idx.msk $0xffff, v13;
	v13 =	vld [tilespmem:s20+$0x50]  }
0x14f: {  	[tilespmem:v0+s23+$0x200 ss:$0x1] =	vst.idx.msk $0xffff, v18;
	v14 =	vld [tilespmem:s20+$0x60]  }
0x150: {  	v28 =	vld [tilespmem:s20+$0x70];
	[tilespmem:v0+s24+$0x400 ss:$0x1] =	vst.idx.msk $0xffff, v7  }
0x151: {  	v17 =	vld [tilespmem:s29+$0x60];
	[tilespmem:v0+s24+$0x410 ss:$0x1] =	vst.idx.msk $0xffff, v8  }
0x152: {  	v18 =	vld [tilespmem:s29+$0x70];
	s29 =	spop (v2sf);
	[tilespmem:v0+s24+$0x420 ss:$0x1] =	vst.idx.msk $0xffff, v12  }
0x153: {  	v19 =	vld [tilespmem:s29+$0x0];
	[tilespmem:v0+s24+$0x430 ss:$0x1] =	vst.idx.msk $0xffff, v10  }
0x154: {  	v8 =	vld [tilespmem:s29+$0x10];
	[tilespmem:v0+s24+$0x440 ss:$0x1] =	vst.idx.msk $0xffff, v11  }
0x155: {  	v7 =	vld [tilespmem:s29+$0x20];
	s20 =	spop (v2sf);
	[tilespmem:v0+s24+$0x450 ss:$0x1] =	vst.idx.msk $0xffff, v13  }
0x156: {  	v10 =	vld [tilespmem:s20+$0x0];
	(v2sf) =	vpush v4, $0x5;
	[tilespmem:v0+s24+$0x460 ss:$0x1] =	vst.idx.msk $0xffff, v14  }
0x157: {  	v11 =	vld [tilespmem:s20+$0x10];
	[tilespmem:v0+s24+$0x470 ss:$0x1] =	vst.idx.msk $0xffff, v28;
	s30 =	spop (v2sf);
	(v2sf) =	vpush v5, $0xA  }
0x158: {  	[tilespmem:v0+s23+$0x210 ss:$0x1] =	vst.idx.msk $0xffff, v29;
	v12 =	vld [tilespmem:s30+$0x0]  }
0x159: {  	[tilespmem:v0+s23+$0x220 ss:$0x1] =	vst.idx.msk $0xffff, v24;
	v13 =	vld [tilespmem:s30+$0x10]  }
0x15a: {  	[tilespmem:v0+s23+$0x230 ss:$0x1] =	vst.idx.msk $0xffff, v25;
	v14 =	vld [tilespmem:s30+$0x20]  }
0x15b: {  	[tilespmem:v0+s23+$0x240 ss:$0x1] =	vst.idx.msk $0xffff, v26;
	v24 =	vld [tilespmem:s30+$0x30]  }
0x15c: {  	[tilespmem:v0+s23+$0x250 ss:$0x1] =	vst.idx.msk $0xffff, v27;
	v25 =	vld [tilespmem:s30+$0x40]  }
0x15d: {  	[tilespmem:v0+s23+$0x260 ss:$0x1] =	vst.idx.msk $0xffff, v30;
	v26 =	vld [tilespmem:s30+$0x50]  }
0x15e: {  	[tilespmem:v0+s23+$0x270 ss:$0x1] =	vst.idx.msk $0xffff, v31;
	v27 =	vld [tilespmem:s30+$0x60]  }
0x15f: {  	v28 =	vld [tilespmem:s30+$0x70];
	[tilespmem:v0+s24+$0x480 ss:$0x1] =	vst.idx.msk $0xffff, v12  }
0x160: {  	v12 =	vld [tilespmem:s20+$0x20];
	[tilespmem:v0+s24+$0x490 ss:$0x1] =	vst.idx.msk $0xffff, v13  }
0x161: {  	v13 =	vld [tilespmem:s20+$0x30];
	[tilespmem:v0+s24+$0x4A0 ss:$0x1] =	vst.idx.msk $0xffff, v14  }
0x162: {  	v14 =	vld [tilespmem:s20+$0x40];
	[tilespmem:v0+s24+$0x4B0 ss:$0x1] =	vst.idx.msk $0xffff, v24  }
0x163: {  	v24 =	vld [tilespmem:s20+$0x50];
	[tilespmem:v0+s24+$0x4C0 ss:$0x1] =	vst.idx.msk $0xffff, v25  }
0x164: {  	v25 =	vld [tilespmem:s20+$0x60];
	[tilespmem:v0+s24+$0x4D0 ss:$0x1] =	vst.idx.msk $0xffff, v26  }
0x165: {  	v26 =	vld [tilespmem:s20+$0x70];
	s30 =	spop (v2sf);
	[tilespmem:v0+s24+$0x4E0 ss:$0x1] =	vst.idx.msk $0xffff, v27  }
0x166: {  	v27 =	vld [tilespmem:s30+$0x0];
	[tilespmem:v0+s24+$0x4F0 ss:$0x1] =	vst.idx.msk $0xffff, v28;
	s31 =	spop (v2sf);
	(v2sf) =	vpush v5, $0xB  }
0x167: {  	s20 =	sshll.u32 s25, $0x7;
	s25 =	smov.u32 s28;
	v28 =	vld [tilespmem:s31+$0x0]  }
0x168: {  	[tilespmem:v0+s20+$0x0 ss:$0x1] =	vst.idx.msk $0xffff, v20;
	v20 =	vld [tilespmem:s31+$0x10]  }
0x169: {  	[tilespmem:v0+s20+$0x10 ss:$0x1] =	vst.idx.msk $0xffff, v21;
	v21 =	vld [tilespmem:s31+$0x20]  }
0x16a: {  	[tilespmem:v0+s20+$0x20 ss:$0x1] =	vst.idx.msk $0xffff, v22;
	v22 =	vld [tilespmem:s31+$0x30]  }
0x16b: {  	[tilespmem:v0+s20+$0x30 ss:$0x1] =	vst.idx.msk $0xffff, v23;
	v23 =	vld [tilespmem:s31+$0x40]  }
0x16c: {  	[tilespmem:v0+s22+$0x100 ss:$0x1] =	vst.idx.msk $0xffff, v10;
	v10 =	vld [tilespmem:s31+$0x50]  }
0x16d: {  	[tilespmem:v0+s22+$0x110 ss:$0x1] =	vst.idx.msk $0xffff, v11;
	v11 =	vld [tilespmem:s31+$0x60]  }
0x16e: {  	v29 =	vld [tilespmem:s31+$0x70];
	[tilespmem:v0+s24+$0x500 ss:$0x1] =	vst.idx.msk $0xffff, v28  }
0x16f: {  	v28 =	vld [tilespmem:s30+$0x10];
	[tilespmem:v0+s24+$0x510 ss:$0x1] =	vst.idx.msk $0xffff, v20  }
0x170: {  	v20 =	vld [tilespmem:s30+$0x20];
	[tilespmem:v0+s24+$0x520 ss:$0x1] =	vst.idx.msk $0xffff, v21  }
0x171: {  	v21 =	vld [tilespmem:s30+$0x30];
	[tilespmem:v0+s24+$0x530 ss:$0x1] =	vst.idx.msk $0xffff, v22  }
0x172: {  	v22 =	vld [tilespmem:s30+$0x40];
	[tilespmem:v0+s24+$0x540 ss:$0x1] =	vst.idx.msk $0xffff, v23  }
0x173: {  	(v2sf) =	vpush v2, $0x3;
	v23 =	vld [tilespmem:s30+$0x50];
	[tilespmem:v0+s24+$0x550 ss:$0x1] =	vst.idx.msk $0xffff, v10  }
0x174: {  	v30 =	vld [tilespmem:s30+$0x60];
	[tilespmem:v0+s24+$0x560 ss:$0x1] =	vst.idx.msk $0xffff, v11  }
0x175: {  	v31 =	vld [tilespmem:s30+$0x70];
	[tilespmem:v0+s24+$0x570 ss:$0x1] =	vst.idx.msk $0xffff, v29;
	s28 =	spop (v2sf);
	(v2sf) =	vpush v5, $0xC  }
0x176: {  	[tilespmem:v0+s22+$0x120 ss:$0x1] =	vst.idx.msk $0xffff, v12;
	v10 =	vld [tilespmem:s28+$0x0]  }
0x177: {  	[tilespmem:v0+s22+$0x130 ss:$0x1] =	vst.idx.msk $0xffff, v13;
	v11 =	vld [tilespmem:s28+$0x10]  }
0x178: {  	[tilespmem:v0+s22+$0x140 ss:$0x1] =	vst.idx.msk $0xffff, v14;
	v13 =	vld [tilespmem:s28+$0x20]  }
0x179: {  	[tilespmem:v0+s22+$0x150 ss:$0x1] =	vst.idx.msk $0xffff, v24;
	v24 =	vld [tilespmem:s28+$0x30]  }
0x17a: {  	[tilespmem:v0+s22+$0x160 ss:$0x1] =	vst.idx.msk $0xffff, v25;
	v25 =	vld [tilespmem:s28+$0x40]  }
0x17b: {  	[tilespmem:v0+s22+$0x170 ss:$0x1] =	vst.idx.msk $0xffff, v26;
	v26 =	vld [tilespmem:s28+$0x50]  }
0x17c: {  	[tilespmem:v0+s23+$0x280 ss:$0x1] =	vst.idx.msk $0xffff, v27;
	v27 =	vld [tilespmem:s28+$0x60]  }
0x17d: {  	v29 =	vld [tilespmem:s28+$0x70];
	[tilespmem:v0+s24+$0x580 ss:$0x1] =	vst.idx.msk $0xffff, v10  }
0x17e: {  	v14 =	vld [tilespmem:s29+$0x30];
	[tilespmem:v0+s24+$0x590 ss:$0x1] =	vst.idx.msk $0xffff, v11  }
0x17f: {  	v12 =	vld [tilespmem:s29+$0x40];
	[tilespmem:v0+s24+$0x5A0 ss:$0x1] =	vst.idx.msk $0xffff, v13  }
0x180: {  	v10 =	vld [tilespmem:s29+$0x50];
	[tilespmem:v0+s24+$0x5B0 ss:$0x1] =	vst.idx.msk $0xffff, v24  }
0x181: {  	v11 =	vld [tilespmem:s29+$0x60];
	[tilespmem:v0+s24+$0x5C0 ss:$0x1] =	vst.idx.msk $0xffff, v25  }
0x182: {  	v13 =	vld [tilespmem:s29+$0x70];
	s28 =	spop (v2sf);
	[tilespmem:v0+s24+$0x5D0 ss:$0x1] =	vst.idx.msk $0xffff, v26  }
0x183: {  	v24 =	vld [tilespmem:s28+$0x0];
	(v2sf) =	vpush v4, $0x6;
	[tilespmem:v0+s24+$0x5E0 ss:$0x1] =	vst.idx.msk $0xffff, v27  }
0x184: {  	v25 =	vld [tilespmem:s28+$0x10];
	[tilespmem:v0+s24+$0x5F0 ss:$0x1] =	vst.idx.msk $0xffff, v29;
	s29 =	spop (v2sf);
	(v2sf) =	vpush v5, $0xD  }
0x185: {  	[tilespmem:v0+s23+$0x290 ss:$0x1] =	vst.idx.msk $0xffff, v28;
	v26 =	vld [tilespmem:s29+$0x0]  }
0x186: {  	[tilespmem:v0+s23+$0x2A0 ss:$0x1] =	vst.idx.msk $0xffff, v20;
	v20 =	vld [tilespmem:s29+$0x10]  }
0x187: {  	[tilespmem:v0+s23+$0x2B0 ss:$0x1] =	vst.idx.msk $0xffff, v21;
	v21 =	vld [tilespmem:s29+$0x20]  }
0x188: {  	[tilespmem:v0+s23+$0x2C0 ss:$0x1] =	vst.idx.msk $0xffff, v22;
	v22 =	vld [tilespmem:s29+$0x30]  }
0x189: {  	[tilespmem:v0+s23+$0x2D0 ss:$0x1] =	vst.idx.msk $0xffff, v23;
	v23 =	vld [tilespmem:s29+$0x40]  }
0x18a: {  	[tilespmem:v0+s23+$0x2E0 ss:$0x1] =	vst.idx.msk $0xffff, v30;
	v27 =	vld [tilespmem:s29+$0x50]  }
0x18b: {  	[tilespmem:v0+s23+$0x2F0 ss:$0x1] =	vst.idx.msk $0xffff, v31;
	v28 =	vld [tilespmem:s29+$0x60]  }
0x18c: {  	v29 =	vld [tilespmem:s29+$0x70];
	[tilespmem:v0+s24+$0x600 ss:$0x1] =	vst.idx.msk $0xffff, v26  }
0x18d: {  	v30 =	vld [tilespmem:s28+$0x20];
	[tilespmem:v0+s24+$0x610 ss:$0x1] =	vst.idx.msk $0xffff, v20  }
0x18e: {  	v31 =	vld [tilespmem:s28+$0x30];
	[tilespmem:v0+s24+$0x620 ss:$0x1] =	vst.idx.msk $0xffff, v21  }
0x18f: {  	v21 =	vld [tilespmem:s28+$0x40];
	[tilespmem:v0+s24+$0x630 ss:$0x1] =	vst.idx.msk $0xffff, v22  }
0x190: {  	v22 =	vld [tilespmem:s28+$0x50];
	[tilespmem:v0+s24+$0x640 ss:$0x1] =	vst.idx.msk $0xffff, v23  }
0x191: {  	v23 =	vld [tilespmem:s28+$0x60];
	[tilespmem:v0+s24+$0x650 ss:$0x1] =	vst.idx.msk $0xffff, v27  }
0x192: {  	v32 =	vld [tilespmem:s28+$0x70];
	s28 =	spop (v2sf);
	[tilespmem:v0+s24+$0x660 ss:$0x1] =	vst.idx.msk $0xffff, v28  }
0x193: {  	v20 =	vld [tilespmem:s28+$0x0];
	[tilespmem:v0+s24+$0x670 ss:$0x1] =	vst.idx.msk $0xffff, v29;
	s29 =	spop (v2sf);
	(v2sf) =	vpush v5, $0xE  }
0x194: {  	[tilespmem:v0+s20+$0x40 ss:$0x1] =	vst.idx.msk $0xffff, v15;
	v15 =	vld [tilespmem:s29+$0x0]  }
0x195: {  	[tilespmem:v0+s20+$0x50 ss:$0x1] =	vst.idx.msk $0xffff, v16;
	v16 =	vld [tilespmem:s29+$0x10]  }
0x196: {  	[tilespmem:v0+s20+$0x60 ss:$0x1] =	vst.idx.msk $0xffff, v17;
	v17 =	vld [tilespmem:s29+$0x20]  }
0x197: {  	[tilespmem:v0+s20+$0x70 ss:$0x1] =	vst.idx.msk $0xffff, v18;
	v18 =	vld [tilespmem:s29+$0x30]  }
0x198: {  	[tilespmem:v0+s21+$0x80 ss:$0x1] =	vst.idx.msk $0xffff, v19;
	v27 =	vld [tilespmem:s29+$0x40]  }
0x199: {  	[tilespmem:v0+s22+$0x180 ss:$0x1] =	vst.idx.msk $0xffff, v24;
	v28 =	vld [tilespmem:s29+$0x50]  }
0x19a: {  	v9 =	vshll.u32 v9, $0x9;
	[tilespmem:v0+s22+$0x190 ss:$0x1] =	vst.idx.msk $0xffff, v25;
	v29 =	vld [tilespmem:s29+$0x60]  }
0x19b: {  	v9 =	vshra.s32 v9, $0x2;
	v33 =	vld [tilespmem:s29+$0x70];
	[tilespmem:v0+s24+$0x680 ss:$0x1] =	vst.idx.msk $0xffff, v15  }
0x19c: {  	(v2sf) =	vpush v9, $0x0;
	v19 =	vld [tilespmem:s28+$0x10];
	[tilespmem:v0+s24+$0x690 ss:$0x1] =	vst.idx.msk $0xffff, v16  }
0x19d: {  	v24 =	vld [tilespmem:s28+$0x20];
	[tilespmem:v0+s24+$0x6A0 ss:$0x1] =	vst.idx.msk $0xffff, v17  }
0x19e: {  	v25 =	vld [tilespmem:s28+$0x30];
	[tilespmem:v0+s24+$0x6B0 ss:$0x1] =	vst.idx.msk $0xffff, v18  }
0x19f: {  	v26 =	vld [tilespmem:s28+$0x40];
	[tilespmem:v0+s24+$0x6C0 ss:$0x1] =	vst.idx.msk $0xffff, v27  }
0x1a0: {  	v27 =	vld [tilespmem:s28+$0x50];
	[tilespmem:v0+s24+$0x6D0 ss:$0x1] =	vst.idx.msk $0xffff, v28  }
0x1a1: {  	v28 =	vld [tilespmem:s28+$0x60];
	[tilespmem:v0+s24+$0x6E0 ss:$0x1] =	vst.idx.msk $0xffff, v29  }
0x1a2: {  	v17 =	vld [tilespmem:s28+$0x70];
	[tilespmem:v0+s24+$0x6F0 ss:$0x1] =	vst.idx.msk $0xffff, v33;
	s29 =	spop (v2sf);
	(v2sf) =	vpush v5, $0xF;
	v5 =	vmovc v4;
	v4 =	vmovc v2;
	v2 =	vmov v1;
	v1 =	vmov v3  }
0x1a3: {  	v3 =	vmov v9;
	[tilespmem:v0+s22+$0x1A0 ss:$0x1] =	vst.idx.msk $0xffff, v30;
	v18 =	vld [tilespmem:s29+$0x0]  }
.Ltmp0:
0x1a4: {  	[tilespmem:v0+s22+$0x1B0 ss:$0x1] =	vst.idx.msk $0xffff, v31;
	v15 =	vld [tilespmem:s29+$0x10];
	(pc) =	sbr.rel @p0 .LBB2_3-.Ltmp0, $4  }
0x1a5: {  	[tilespmem:v0+s22+$0x1C0 ss:$0x1] =	vst.idx.msk $0xffff, v21;
	v16 =	vld [tilespmem:s29+$0x20]  }
0x1a6: {  	[tilespmem:v0+s22+$0x1D0 ss:$0x1] =	vst.idx.msk $0xffff, v22;
	v22 =	vld [tilespmem:s29+$0x30]  }
0x1a7: {  	[tilespmem:v0+s22+$0x1E0 ss:$0x1] =	vst.idx.msk $0xffff, v23;
	v23 =	vld [tilespmem:s29+$0x40]  }
0x1a8: {  	[tilespmem:v0+s22+$0x1F0 ss:$0x1] =	vst.idx.msk $0xffff, v32;
	v29 =	vld [tilespmem:s29+$0x50]  }
0x1a9: {  	_ =	sdelay $0x2  }
0x1aa: {  	v6 =	vld [tilespmem:s29+$0x60]  }
0x1ab: {  	v9 =	vld [tilespmem:s29+$0x70];
	[tilespmem:v0+s24+$0x700 ss:$0x1] =	vst.idx.msk $0xffff, v18  }
0x1ac: {  	[tilespmem:v0+s21+$0x90 ss:$0x1] =	vst.idx.msk $0xffff, v8  }
0x1ad: {  	[tilespmem:v0+s24+$0x710 ss:$0x1] =	vst.idx.msk $0xffff, v15  }
0x1ae: {  	[tilespmem:v0+s21+$0xA0 ss:$0x1] =	vst.idx.msk $0xffff, v7  }
0x1af: {  	[tilespmem:v0+s24+$0x720 ss:$0x1] =	vst.idx.msk $0xffff, v16  }
0x1b0: {  	(v2sf) =	vpush v4, $0x4;
	s28 =	spop (v2sf);
	[tilespmem:v0+s21+$0xB0 ss:$0x1] =	vst.idx.msk $0xffff, v14  }
0x1b1: {  	[tilespmem:v0+s24+$0x730 ss:$0x1] =	vst.idx.msk $0xffff, v22;
	v18 =	vld [tilespmem:s28+$0x0]  }
0x1b2: {  	(v2sf) =	vpush v5, $0x7;
	v40 =	vld [tilespmem:s28+$0x10];
	[tilespmem:v0+s24+$0x740 ss:$0x1] =	vst.idx.msk $0xffff, v23  }
0x1b3: {  	v41 =	vld [tilespmem:s28+$0x20];
	[tilespmem:v0+s24+$0x750 ss:$0x1] =	vst.idx.msk $0xffff, v29  }
0x1b4: {  	v42 =	vld [tilespmem:s28+$0x30];
	[tilespmem:v0+s24+$0x760 ss:$0x1] =	vst.idx.msk $0xffff, v6  }
0x1b5: {  	v14 =	vld [tilespmem:s28+$0x60];
	[tilespmem:v0+s24+$0x770 ss:$0x1] =	vst.idx.msk $0xffff, v9;
	s26 =	spop (v2sf)  }
0x1b6: {  	v6 =	vld [tilespmem:s26+$0x0]  }
0x1b7: {  	[tilespmem:v0+s23+$0x300 ss:$0x1] =	vst.idx.msk $0xffff, v20;
	v9 =	vld [tilespmem:s26+$0x10]  }
0x1b8: {  	[tilespmem:v0+s23+$0x310 ss:$0x1] =	vst.idx.msk $0xffff, v19;
	v15 =	vld [tilespmem:s26+$0x20]  }
0x1b9: {  	[tilespmem:v0+s23+$0x320 ss:$0x1] =	vst.idx.msk $0xffff, v24;
	v16 =	vld [tilespmem:s26+$0x30]  }
0x1ba: {  	[tilespmem:v0+s23+$0x330 ss:$0x1] =	vst.idx.msk $0xffff, v25;
	v34 =	vld [tilespmem:s26+$0x40]  }
0x1bb: {  	[tilespmem:v0+s23+$0x340 ss:$0x1] =	vst.idx.msk $0xffff, v26;
	v35 =	vld [tilespmem:s26+$0x50]  }
0x1bc: {  	[tilespmem:v0+s23+$0x350 ss:$0x1] =	vst.idx.msk $0xffff, v27;
	v21 =	vld [tilespmem:s26+$0x60]  }
0x1bd: {  	v36 =	vld [tilespmem:s26+$0x70];
	[tilespmem:v0+s24+$0x780 ss:$0x1] =	vst.idx.msk $0xffff, v6  }
0x1be: {  	[tilespmem:v0+s24+$0x790 ss:$0x1] =	vst.idx.msk $0xffff, v9;
	v9 =	vld [tilespmem:s28+$0x40]  }
0x1bf: {  	s29 =	spop (v2sf);
	[tilespmem:v0+s24+$0x7A0 ss:$0x1] =	vst.idx.msk $0xffff, v15;
	v15 =	vld [tilespmem:s28+$0x50]  }
0x1c0: {  	[tilespmem:v0+s23+$0x360 ss:$0x1] =	vst.idx.msk $0xffff, v28;
	v43 =	vld [tilespmem:s29+$0x0]  }
0x1c1: {  	[tilespmem:v0+s23+$0x370 ss:$0x1] =	vst.idx.msk $0xffff, v17;
	s30 =	spop (v2sf);
	(v2sf) =	vpush v5, $0x8;
	v44 =	vld [tilespmem:s29+$0x10]  }
0x1c2: {  	[tilespmem:v0+s21+$0xC0 ss:$0x1] =	vst.idx.msk $0xffff, v12;
	v37 =	vld [tilespmem:s30+$0x0]  }
0x1c3: {  	[tilespmem:v0+s21+$0xD0 ss:$0x1] =	vst.idx.msk $0xffff, v10;
	v38 =	vld [tilespmem:s30+$0x10]  }
0x1c4: {  	[tilespmem:v0+s21+$0xE0 ss:$0x1] =	vst.idx.msk $0xffff, v11;
	v24 =	vld [tilespmem:s30+$0x20]  }
0x1c5: {  	[tilespmem:v0+s21+$0xF0 ss:$0x1] =	vst.idx.msk $0xffff, v13;
	v25 =	vld [tilespmem:s30+$0x30]  }
0x1c6: {  	v26 =	vld [tilespmem:s30+$0x40];
	[tilespmem:v0+s24+$0x7B0 ss:$0x1] =	vst.idx.msk $0xffff, v16  }
0x1c7: {  	v39 =	vld [tilespmem:s30+$0x50];
	[tilespmem:v0+s24+$0x7C0 ss:$0x1] =	vst.idx.msk $0xffff, v34  }
0x1c8: {  	v27 =	vld [tilespmem:s30+$0x60];
	[tilespmem:v0+s24+$0x7D0 ss:$0x1] =	vst.idx.msk $0xffff, v35  }
0x1c9: {  	v28 =	vld [tilespmem:s30+$0x70];
	[tilespmem:v0+s23+$0x380 ss:$0x1] =	vst.idx.msk $0xffff, v37  }
0x1ca: {  	v45 =	vld [tilespmem:s29+$0x20];
	[tilespmem:v0+s23+$0x390 ss:$0x1] =	vst.idx.msk $0xffff, v38  }
0x1cb: {  	v53 =	vld [tilespmem:s29+$0x30];
	(v2sf) =	vpush v1, $0x1;
	[tilespmem:v0+s23+$0x3A0 ss:$0x1] =	vst.idx.msk $0xffff, v24  }
0x1cc: {  	v54 =	vld [tilespmem:s29+$0x40];
	[tilespmem:v0+s23+$0x3B0 ss:$0x1] =	vst.idx.msk $0xffff, v25  }
0x1cd: {  	v55 =	vld [tilespmem:s29+$0x50];
	[tilespmem:v0+s23+$0x3C0 ss:$0x1] =	vst.idx.msk $0xffff, v26  }
0x1ce: {  	v56 =	vld [tilespmem:s29+$0x60];
	(v2sf) =	vpush v2, $0x2;
	[tilespmem:v0+s23+$0x3D0 ss:$0x1] =	vst.idx.msk $0xffff, v39  }
0x1cf: {  	v57 =	vld [tilespmem:s29+$0x70];
	[tilespmem:v0+s23+$0x3E0 ss:$0x1] =	vst.idx.msk $0xffff, v27  }
0x1d0: {  	v16 =	vld [tilespmem:s28+$0x70];
	[tilespmem:v0+s23+$0x3F0 ss:$0x1] =	vst.idx.msk $0xffff, v28;
	s31 =	spop (v2sf);
	(v2sf) =	vpush v5, $0x9  }
0x1d1: {  	[tilespmem:v0+s24+$0x7E0 ss:$0x1] =	vst.idx.msk $0xffff, v21;
	v46 =	vld [tilespmem:s31+$0x0]  }
0x1d2: {  	[tilespmem:v0+s24+$0x7F0 ss:$0x1] =	vst.idx.msk $0xffff, v36;
	v47 =	vld [tilespmem:s31+$0x10]  }
0x1d3: {  	[tilespmem:v0+s22+$0x200 ss:$0x1] =	vst.idx.msk $0xffff, v43;
	v48 =	vld [tilespmem:s31+$0x20]  }
0x1d4: {  	s24 =	sshll.u32 s25, $0x7;
	[tilespmem:v0+s22+$0x210 ss:$0x1] =	vst.idx.msk $0xffff, v44;
	v49 =	vld [tilespmem:s31+$0x30]  }
0x1d5: {  	[tilespmem:v0+s24+$0x0 ss:$0x1] =	vst.idx.msk $0xffff, v18;
	v50 =	vld [tilespmem:s31+$0x40]  }
0x1d6: {  	[tilespmem:v0+s22+$0x220 ss:$0x1] =	vst.idx.msk $0xffff, v45;
	v51 =	vld [tilespmem:s31+$0x50]  }
0x1d7: {  	[tilespmem:v0+s24+$0x10 ss:$0x1] =	vst.idx.msk $0xffff, v40;
	v52 =	vld [tilespmem:s31+$0x60]  }
0x1d8: {  	v26 =	vld [tilespmem:s31+$0x70];
	[tilespmem:v0+s23+$0x400 ss:$0x1] =	vst.idx.msk $0xffff, v46  }
0x1d9: {  	[tilespmem:v0+s23+$0x410 ss:$0x1] =	vst.idx.msk $0xffff, v47  }
0x1da: {  	s26 =	spop (v2sf);
	[tilespmem:v0+s23+$0x420 ss:$0x1] =	vst.idx.msk $0xffff, v48  }
0x1db: {  	v17 =	vld [tilespmem:s26+$0x0];
	[tilespmem:v0+s23+$0x430 ss:$0x1] =	vst.idx.msk $0xffff, v49  }
0x1dc: {  	v6 =	vld [tilespmem:s26+$0x10];
	[tilespmem:v0+s23+$0x440 ss:$0x1] =	vst.idx.msk $0xffff, v50  }
0x1dd: {  	s28 =	spop (v2sf);
	v10 =	vld [tilespmem:s26+$0x40];
	[tilespmem:v0+s23+$0x450 ss:$0x1] =	vst.idx.msk $0xffff, v51  }
0x1de: {  	(v2sf) =	vpush v4, $0x5;
	v30 =	vld [tilespmem:s28+$0x0];
	[tilespmem:v0+s23+$0x460 ss:$0x1] =	vst.idx.msk $0xffff, v52  }
0x1df: {  	v31 =	vld [tilespmem:s28+$0x10];
	[tilespmem:v0+s23+$0x470 ss:$0x1] =	vst.idx.msk $0xffff, v26;
	s30 =	spop (v2sf);
	(v2sf) =	vpush v5, $0xA  }
0x1e0: {  	[tilespmem:v0+s22+$0x230 ss:$0x1] =	vst.idx.msk $0xffff, v53;
	v7 =	vld [tilespmem:s30+$0x0]  }
0x1e1: {  	[tilespmem:v0+s24+$0x20 ss:$0x1] =	vst.idx.msk $0xffff, v41;
	v8 =	vld [tilespmem:s30+$0x10]  }
0x1e2: {  	[tilespmem:v0+s22+$0x240 ss:$0x1] =	vst.idx.msk $0xffff, v54;
	v58 =	vld [tilespmem:s30+$0x20]  }
0x1e3: {  	[tilespmem:v0+s24+$0x30 ss:$0x1] =	vst.idx.msk $0xffff, v42;
	v59 =	vld [tilespmem:s30+$0x30]  }
0x1e4: {  	[tilespmem:v0+s22+$0x250 ss:$0x1] =	vst.idx.msk $0xffff, v55;
	v60 =	vld [tilespmem:s30+$0x40]  }
0x1e5: {  	[tilespmem:v0+s22+$0x260 ss:$0x1] =	vst.idx.msk $0xffff, v56;
	v61 =	vld [tilespmem:s30+$0x50]  }
0x1e6: {  	[tilespmem:v0+s22+$0x270 ss:$0x1] =	vst.idx.msk $0xffff, v57;
	v62 =	vld [tilespmem:s30+$0x60]  }
0x1e7: {  	v63 =	vld [tilespmem:s30+$0x70];
	[tilespmem:v0+s23+$0x480 ss:$0x1] =	vst.idx.msk $0xffff, v7  }
0x1e8: {  	v32 =	vld [tilespmem:s28+$0x20];
	[tilespmem:v0+s23+$0x490 ss:$0x1] =	vst.idx.msk $0xffff, v8  }
0x1e9: {  	v33 =	vld [tilespmem:s28+$0x30];
	[tilespmem:v0+s23+$0x4A0 ss:$0x1] =	vst.idx.msk $0xffff, v58  }
0x1ea: {  	v34 =	vld [tilespmem:s28+$0x40];
	[tilespmem:v0+s23+$0x4B0 ss:$0x1] =	vst.idx.msk $0xffff, v59  }
0x1eb: {  	v35 =	vld [tilespmem:s28+$0x50];
	[tilespmem:v0+s23+$0x4C0 ss:$0x1] =	vst.idx.msk $0xffff, v60  }
0x1ec: {  	v42 =	vld [tilespmem:s28+$0x60];
	[tilespmem:v0+s23+$0x4D0 ss:$0x1] =	vst.idx.msk $0xffff, v61  }
0x1ed: {  	v43 =	vld [tilespmem:s28+$0x70];
	s31 =	spop (v2sf);
	[tilespmem:v0+s23+$0x4E0 ss:$0x1] =	vst.idx.msk $0xffff, v62  }
0x1ee: {  	(v2sf) =	vpush v5, $0xB;
	v44 =	vld [tilespmem:s31+$0x0];
	[tilespmem:v0+s23+$0x4F0 ss:$0x1] =	vst.idx.msk $0xffff, v63;
	s30 =	spop (v2sf)  }
0x1ef: {  	v25 =	vld [tilespmem:s30+$0x0]  }
0x1f0: {  	v36 =	vld [tilespmem:s30+$0x10]  }
0x1f1: {  	v37 =	vld [tilespmem:s30+$0x20]  }
0x1f2: {  	v38 =	vld [tilespmem:s30+$0x30]  }
0x1f3: {  	v39 =	vld [tilespmem:s30+$0x40]  }
0x1f4: {  	[tilespmem:v0+s21+$0x100 ss:$0x1] =	vst.idx.msk $0xffff, v30;
	v26 =	vld [tilespmem:s30+$0x50]  }
0x1f5: {  	[tilespmem:v0+s21+$0x110 ss:$0x1] =	vst.idx.msk $0xffff, v31;
	v40 =	vld [tilespmem:s30+$0x60]  }
0x1f6: {  	v41 =	vld [tilespmem:s30+$0x70];
	[tilespmem:v0+s23+$0x500 ss:$0x1] =	vst.idx.msk $0xffff, v25  }
0x1f7: {  	v45 =	vld [tilespmem:s31+$0x10];
	[tilespmem:v0+s23+$0x510 ss:$0x1] =	vst.idx.msk $0xffff, v36  }
0x1f8: {  	v46 =	vld [tilespmem:s31+$0x20];
	[tilespmem:v0+s23+$0x520 ss:$0x1] =	vst.idx.msk $0xffff, v37  }
0x1f9: {  	v47 =	vld [tilespmem:s31+$0x30];
	[tilespmem:v0+s23+$0x530 ss:$0x1] =	vst.idx.msk $0xffff, v38  }
0x1fa: {  	v48 =	vld [tilespmem:s31+$0x40];
	[tilespmem:v0+s23+$0x540 ss:$0x1] =	vst.idx.msk $0xffff, v39  }
0x1fb: {  	(v2sf) =	vpush v2, $0x3;
	v49 =	vld [tilespmem:s31+$0x50];
	[tilespmem:v0+s23+$0x550 ss:$0x1] =	vst.idx.msk $0xffff, v26  }
0x1fc: {  	v57 =	vld [tilespmem:s31+$0x60];
	[tilespmem:v0+s23+$0x560 ss:$0x1] =	vst.idx.msk $0xffff, v40  }
0x1fd: {  	v28 =	vld [tilespmem:s31+$0x70];
	(v2sf) =	vpush v5, $0xC;
	s28 =	spop (v2sf);
	[tilespmem:v0+s23+$0x570 ss:$0x1] =	vst.idx.msk $0xffff, v41  }
0x1fe: {  	[tilespmem:v0+s21+$0x120 ss:$0x1] =	vst.idx.msk $0xffff, v32;
	v50 =	vld [tilespmem:s28+$0x0]  }
0x1ff: {  	[tilespmem:v0+s21+$0x130 ss:$0x1] =	vst.idx.msk $0xffff, v33;
	v51 =	vld [tilespmem:s28+$0x10]  }
0x200: {  	[tilespmem:v0+s21+$0x140 ss:$0x1] =	vst.idx.msk $0xffff, v34;
	v52 =	vld [tilespmem:s28+$0x20]  }
0x201: {  	[tilespmem:v0+s21+$0x150 ss:$0x1] =	vst.idx.msk $0xffff, v35;
	v53 =	vld [tilespmem:s28+$0x30]  }
0x202: {  	[tilespmem:v0+s21+$0x160 ss:$0x1] =	vst.idx.msk $0xffff, v42;
	v54 =	vld [tilespmem:s28+$0x40]  }
0x203: {  	[tilespmem:v0+s21+$0x170 ss:$0x1] =	vst.idx.msk $0xffff, v43;
	v23 =	vld [tilespmem:s28+$0x50]  }
0x204: {  	[tilespmem:v0+s22+$0x280 ss:$0x1] =	vst.idx.msk $0xffff, v44;
	v55 =	vld [tilespmem:s28+$0x60]  }
0x205: {  	v56 =	vld [tilespmem:s28+$0x70];
	[tilespmem:v0+s23+$0x580 ss:$0x1] =	vst.idx.msk $0xffff, v50  }
0x206: {  	v11 =	vld [tilespmem:s26+$0x50];
	[tilespmem:v0+s23+$0x590 ss:$0x1] =	vst.idx.msk $0xffff, v51  }
0x207: {  	v12 =	vld [tilespmem:s26+$0x60];
	[tilespmem:v0+s23+$0x5A0 ss:$0x1] =	vst.idx.msk $0xffff, v52  }
0x208: {  	v13 =	vld [tilespmem:s26+$0x70];
	[tilespmem:v0+s23+$0x5B0 ss:$0x1] =	vst.idx.msk $0xffff, v53  }
0x209: {  	v7 =	vld [tilespmem:s26+$0x20];
	[tilespmem:v0+s23+$0x5C0 ss:$0x1] =	vst.idx.msk $0xffff, v54  }
0x20a: {  	v8 =	vld [tilespmem:s26+$0x30];
	s30 =	spop (v2sf);
	[tilespmem:v0+s23+$0x5D0 ss:$0x1] =	vst.idx.msk $0xffff, v23  }
0x20b: {  	v58 =	vld [tilespmem:s30+$0x0];
	[tilespmem:v0+s23+$0x5E0 ss:$0x1] =	vst.idx.msk $0xffff, v55  }
0x20c: {  	v31 =	vld [tilespmem:s30+$0x10];
	s31 =	spop (v2sf);
	[tilespmem:v0+s23+$0x5F0 ss:$0x1] =	vst.idx.msk $0xffff, v56  }
0x20d: {  	[tilespmem:v0+s22+$0x290 ss:$0x1] =	vst.idx.msk $0xffff, v45;
	(v2sf) =	vpush v4, $0x6;
	v59 =	vld [tilespmem:s31+$0x0]  }
0x20e: {  	[tilespmem:v0+s22+$0x2A0 ss:$0x1] =	vst.idx.msk $0xffff, v46;
	(v2sf) =	vpush v5, $0xD;
	v60 =	vld [tilespmem:s31+$0x10]  }
0x20f: {  	[tilespmem:v0+s22+$0x2B0 ss:$0x1] =	vst.idx.msk $0xffff, v47;
	v61 =	vld [tilespmem:s31+$0x20]  }
0x210: {  	[tilespmem:v0+s22+$0x2C0 ss:$0x1] =	vst.idx.msk $0xffff, v48;
	v62 =	vld [tilespmem:s31+$0x30]  }
0x211: {  	[tilespmem:v0+s22+$0x2D0 ss:$0x1] =	vst.idx.msk $0xffff, v49;
	v24 =	vld [tilespmem:s31+$0x40]  }
0x212: {  	[tilespmem:v0+s22+$0x2E0 ss:$0x1] =	vst.idx.msk $0xffff, v57;
	v63 =	vld [tilespmem:s31+$0x50]  }
0x213: {  	[tilespmem:v0+s22+$0x2F0 ss:$0x1] =	vst.idx.msk $0xffff, v28;
	v25 =	vld [tilespmem:s31+$0x60]  }
0x214: {  	v30 =	vld [tilespmem:s31+$0x70];
	[tilespmem:v0+s23+$0x600 ss:$0x1] =	vst.idx.msk $0xffff, v59  }
0x215: {  	v19 =	vld [tilespmem:s30+$0x20];
	[tilespmem:v0+s23+$0x610 ss:$0x1] =	vst.idx.msk $0xffff, v60  }
0x216: {  	v20 =	vld [tilespmem:s30+$0x30];
	[tilespmem:v0+s23+$0x620 ss:$0x1] =	vst.idx.msk $0xffff, v61  }
0x217: {  	v21 =	vld [tilespmem:s30+$0x40];
	[tilespmem:v0+s23+$0x630 ss:$0x1] =	vst.idx.msk $0xffff, v62  }
0x218: {  	[tilespmem:v0+s24+$0x40 ss:$0x1] =	vst.idx.msk $0xffff, v9  }
0x219: {  	[tilespmem:v0+s20+$0x80 ss:$0x1] =	vst.idx.msk $0xffff, v17  }
0x21a: {  	v32 =	vld [tilespmem:s30+$0x50];
	[tilespmem:v0+s23+$0x640 ss:$0x1] =	vst.idx.msk $0xffff, v24  }
0x21b: {  	v33 =	vld [tilespmem:s30+$0x60];
	[tilespmem:v0+s23+$0x650 ss:$0x1] =	vst.idx.msk $0xffff, v63  }
0x21c: {  	s28 =	spop (v2sf);
	v34 =	vld [tilespmem:s30+$0x70];
	[tilespmem:v0+s23+$0x660 ss:$0x1] =	vst.idx.msk $0xffff, v25  }
0x21d: {  	(v2sf) =	vpush v5, $0xE;
	s29 =	spop (v2sf);
	v42 =	vld [tilespmem:s28+$0x0];
	[tilespmem:v0+s23+$0x670 ss:$0x1] =	vst.idx.msk $0xffff, v30  }
0x21e: {  	[tilespmem:v0+s21+$0x180 ss:$0x1] =	vst.idx.msk $0xffff, v58;
	v25 =	vld [tilespmem:s29+$0x0]  }
0x21f: {  	[tilespmem:v0+s24+$0x50 ss:$0x1] =	vst.idx.msk $0xffff, v15;
	v35 =	vld [tilespmem:s29+$0x10]  }
0x220: {  	[tilespmem:v0+s21+$0x190 ss:$0x1] =	vst.idx.msk $0xffff, v31;
	v36 =	vld [tilespmem:s29+$0x20]  }
0x221: {  	[tilespmem:v0+s20+$0x90 ss:$0x1] =	vst.idx.msk $0xffff, v6;
	v37 =	vld [tilespmem:s29+$0x30]  }
0x222: {  	[tilespmem:v0+s24+$0x60 ss:$0x1] =	vst.idx.msk $0xffff, v14;
	v38 =	vld [tilespmem:s29+$0x40]  }
0x223: {  	[tilespmem:v0+s21+$0x1A0 ss:$0x1] =	vst.idx.msk $0xffff, v19;
	v39 =	vld [tilespmem:s29+$0x50]  }
0x224: {  	(v2sf) =	vpush v5, $0xF;
	[tilespmem:v0+s20+$0xA0 ss:$0x1] =	vst.idx.msk $0xffff, v7;
	v40 =	vld [tilespmem:s29+$0x60]  }
0x225: {  	(v2sf) =	vpush v2, $0x4;
	v41 =	vld [tilespmem:s29+$0x70];
	[tilespmem:v0+s23+$0x680 ss:$0x1] =	vst.idx.msk $0xffff, v25  }
0x226: {  	v43 =	vld [tilespmem:s28+$0x10];
	[tilespmem:v0+s23+$0x690 ss:$0x1] =	vst.idx.msk $0xffff, v35  }
0x227: {  	v44 =	vld [tilespmem:s28+$0x20];
	[tilespmem:v0+s23+$0x6A0 ss:$0x1] =	vst.idx.msk $0xffff, v36  }
0x228: {  	v45 =	vld [tilespmem:s28+$0x30];
	[tilespmem:v0+s23+$0x6B0 ss:$0x1] =	vst.idx.msk $0xffff, v37  }
0x229: {  	v46 =	vld [tilespmem:s28+$0x40];
	[tilespmem:v0+s23+$0x6C0 ss:$0x1] =	vst.idx.msk $0xffff, v38  }
0x22a: {  	v47 =	vld [tilespmem:s28+$0x50];
	[tilespmem:v0+s23+$0x6D0 ss:$0x1] =	vst.idx.msk $0xffff, v39  }
0x22b: {  	v48 =	vld [tilespmem:s28+$0x60];
	(v2sf) =	vpush v4, $0x7;
	[tilespmem:v0+s23+$0x6E0 ss:$0x1] =	vst.idx.msk $0xffff, v40  }
0x22c: {  	v49 =	vld [tilespmem:s28+$0x70];
	s30 =	spop (v2sf);
	[tilespmem:v0+s23+$0x6F0 ss:$0x1] =	vst.idx.msk $0xffff, v41  }
0x22d: {  	[tilespmem:v0+s24+$0x70 ss:$0x1] =	vst.idx.msk $0xffff, v16;
	v5 =	vld [tilespmem:s30+$0x0]  }
0x22e: {  	[tilespmem:v0+s21+$0x1B0 ss:$0x1] =	vst.idx.msk $0xffff, v20;
	v50 =	vld [tilespmem:s30+$0x10]  }
0x22f: {  	[tilespmem:v0+s21+$0x1C0 ss:$0x1] =	vst.idx.msk $0xffff, v21;
	v51 =	vld [tilespmem:s30+$0x20]  }
0x230: {  	[tilespmem:v0+s22+$0x300 ss:$0x1] =	vst.idx.msk $0xffff, v42;
	v52 =	vld [tilespmem:s30+$0x30]  }
0x231: {  	[tilespmem:v0+s21+$0x1D0 ss:$0x1] =	vst.idx.msk $0xffff, v32;
	v53 =	vld [tilespmem:s30+$0x40]  }
0x232: {  	[tilespmem:v0+s22+$0x310 ss:$0x1] =	vst.idx.msk $0xffff, v43;
	v54 =	vld [tilespmem:s30+$0x50]  }
0x233: {  	[tilespmem:v0+s21+$0x1E0 ss:$0x1] =	vst.idx.msk $0xffff, v33;
	s31 =	spop (v2sf);
	v55 =	vld [tilespmem:s30+$0x60]  }
0x234: {  	[tilespmem:v0+s21+$0x1F0 ss:$0x1] =	vst.idx.msk $0xffff, v34;
	s26 =	spop (v2sf);
	v56 =	vld [tilespmem:s30+$0x70]  }
0x235: {  	[tilespmem:v0+s22+$0x320 ss:$0x1] =	vst.idx.msk $0xffff, v44;
	v44 =	vld [tilespmem:s26+$0x0]  }
0x236: {  	[tilespmem:v0+s22+$0x330 ss:$0x1] =	vst.idx.msk $0xffff, v45;
	v45 =	vld [tilespmem:s26+$0x10]  }
0x237: {  	[tilespmem:v0+s22+$0x340 ss:$0x1] =	vst.idx.msk $0xffff, v46;
	v46 =	vld [tilespmem:s26+$0x20]  }
0x238: {  	[tilespmem:v0+s22+$0x350 ss:$0x1] =	vst.idx.msk $0xffff, v47;
	v47 =	vld [tilespmem:s26+$0x30]  }
0x239: {  	[tilespmem:v0+s22+$0x360 ss:$0x1] =	vst.idx.msk $0xffff, v48;
	v48 =	vld [tilespmem:s26+$0x40]  }
0x23a: {  	[tilespmem:v0+s22+$0x370 ss:$0x1] =	vst.idx.msk $0xffff, v49;
	s29 =	spop (v2sf);
	v49 =	vld [tilespmem:s26+$0x50]  }
0x23b: {  	[tilespmem:v0+s20+$0xB0 ss:$0x1] =	vst.idx.msk $0xffff, v8;
	v57 =	vld [tilespmem:s29+$0x0]  }
0x23c: {  	[tilespmem:v0+s20+$0xC0 ss:$0x1] =	vst.idx.msk $0xffff, v10;
	v23 =	vld [tilespmem:s29+$0x10]  }
0x23d: {  	(v2sf) =	vpush v4, $0x8;
	v58 =	vld [tilespmem:s29+$0x20];
	[tilespmem:v0+s23+$0x700 ss:$0x1] =	vst.idx.msk $0xffff, v5  }
0x23e: {  	v59 =	vld [tilespmem:s29+$0x30];
	[tilespmem:v0+s23+$0x710 ss:$0x1] =	vst.idx.msk $0xffff, v50  }
0x23f: {  	v60 =	vld [tilespmem:s29+$0x40];
	[tilespmem:v0+s23+$0x720 ss:$0x1] =	vst.idx.msk $0xffff, v51  }
0x240: {  	v61 =	vld [tilespmem:s29+$0x50];
	[tilespmem:v0+s23+$0x730 ss:$0x1] =	vst.idx.msk $0xffff, v52  }
0x241: {  	v62 =	vld [tilespmem:s29+$0x60];
	[tilespmem:v0+s23+$0x740 ss:$0x1] =	vst.idx.msk $0xffff, v53  }
0x242: {  	v63 =	vld [tilespmem:s29+$0x70];
	[tilespmem:v0+s23+$0x750 ss:$0x1] =	vst.idx.msk $0xffff, v54  }
0x243: {  	v50 =	vld [tilespmem:s26+$0x60];
	[tilespmem:v0+s23+$0x760 ss:$0x1] =	vst.idx.msk $0xffff, v55  }
0x244: {  	v51 =	vld [tilespmem:s26+$0x70];
	[tilespmem:v0+s23+$0x770 ss:$0x1] =	vst.idx.msk $0xffff, v56  }
0x245: {  	(v2sf) =	vpush v3, $0x1;
	[tilespmem:v0+s22+$0x380 ss:$0x1] =	vst.idx.msk $0xffff, v57;
	v26 =	vld [tilespmem:s31+$0x0]  }
0x246: {  	[tilespmem:v0+s22+$0x390 ss:$0x1] =	vst.idx.msk $0xffff, v23;
	v28 =	vld [tilespmem:s31+$0x10]  }
0x247: {  	[tilespmem:v0+s22+$0x3A0 ss:$0x1] =	vst.idx.msk $0xffff, v58;
	v29 =	vld [tilespmem:s31+$0x20]  }
0x248: {  	[tilespmem:v0+s22+$0x3B0 ss:$0x1] =	vst.idx.msk $0xffff, v59;
	v25 =	vld [tilespmem:s31+$0x30]  }
0x249: {  	[tilespmem:v0+s22+$0x3C0 ss:$0x1] =	vst.idx.msk $0xffff, v60;
	v9 =	vld [tilespmem:s31+$0x40]  }
0x24a: {  	(v2sf) =	vpush v1, $0x2;
	[tilespmem:v0+s22+$0x3D0 ss:$0x1] =	vst.idx.msk $0xffff, v61;
	v15 =	vld [tilespmem:s31+$0x50]  }
0x24b: {  	[tilespmem:v0+s22+$0x3E0 ss:$0x1] =	vst.idx.msk $0xffff, v62;
	v30 =	vld [tilespmem:s31+$0x60]  }
0x24c: {  	v31 =	vld [tilespmem:s31+$0x70];
	[tilespmem:v0+s22+$0x3F0 ss:$0x1] =	vst.idx.msk $0xffff, v63;
	s30 =	spop (v2sf)  }
0x24d: {  	[tilespmem:v0+s20+$0xD0 ss:$0x1] =	vst.idx.msk $0xffff, v11;
	v17 =	vld [tilespmem:s30+$0x0]  }
0x24e: {  	[tilespmem:v0+s20+$0xE0 ss:$0x1] =	vst.idx.msk $0xffff, v12;
	v37 =	vld [tilespmem:s30+$0x10]  }
0x24f: {  	[tilespmem:v0+s20+$0xF0 ss:$0x1] =	vst.idx.msk $0xffff, v13;
	v38 =	vld [tilespmem:s30+$0x20]  }
0x250: {  	[tilespmem:v0+s21+$0x200 ss:$0x1] =	vst.idx.msk $0xffff, v44;
	v39 =	vld [tilespmem:s30+$0x30]  }
0x251: {  	[tilespmem:v0+s21+$0x210 ss:$0x1] =	vst.idx.msk $0xffff, v45;
	v40 =	vld [tilespmem:s30+$0x40]  }
0x252: {  	[tilespmem:v0+s21+$0x220 ss:$0x1] =	vst.idx.msk $0xffff, v46;
	v41 =	vld [tilespmem:s30+$0x50]  }
0x253: {  	[tilespmem:v0+s21+$0x230 ss:$0x1] =	vst.idx.msk $0xffff, v47;
	(v2sf) =	vpush v4, $0x9;
	v42 =	vld [tilespmem:s30+$0x60]  }
0x254: {  	[tilespmem:v0+s21+$0x240 ss:$0x1] =	vst.idx.msk $0xffff, v48;
	v43 =	vld [tilespmem:s30+$0x70];
	s25 =	spop (v2sf)  }
0x255: {  	[tilespmem:v0+s21+$0x250 ss:$0x1] =	vst.idx.msk $0xffff, v49;
	v12 =	vld [tilespmem:s25+$0x0]  }
0x256: {  	v6 =	vld [tilespmem:s25+$0x10];
	[tilespmem:v0+s23+$0x780 ss:$0x1] =	vst.idx.msk $0xffff, v26  }
0x257: {  	v7 =	vld [tilespmem:s25+$0x30];
	[tilespmem:v0+s23+$0x790 ss:$0x1] =	vst.idx.msk $0xffff, v28  }
0x258: {  	v8 =	vld [tilespmem:s25+$0x40];
	[tilespmem:v0+s23+$0x7A0 ss:$0x1] =	vst.idx.msk $0xffff, v29  }
0x259: {  	s31 =	spop (v2sf);
	v10 =	vld [tilespmem:s25+$0x60];
	[tilespmem:v0+s22+$0x400 ss:$0x1] =	vst.idx.msk $0xffff, v17  }
0x25a: {  	v59 =	vld [tilespmem:s31+$0x0];
	[tilespmem:v0+s23+$0x7B0 ss:$0x1] =	vst.idx.msk $0xffff, v25  }
0x25b: {  	(v2sf) =	vpush v2, $0x5;
	v60 =	vld [tilespmem:s31+$0x10];
	[tilespmem:v0+s22+$0x410 ss:$0x1] =	vst.idx.msk $0xffff, v37  }
0x25c: {  	v61 =	vld [tilespmem:s31+$0x20];
	[tilespmem:v0+s23+$0x7C0 ss:$0x1] =	vst.idx.msk $0xffff, v9  }
0x25d: {  	v62 =	vld [tilespmem:s31+$0x30];
	[tilespmem:v0+s22+$0x420 ss:$0x1] =	vst.idx.msk $0xffff, v38  }
0x25e: {  	v63 =	vld [tilespmem:s31+$0x40];
	[tilespmem:v0+s22+$0x430 ss:$0x1] =	vst.idx.msk $0xffff, v39  }
0x25f: {  	v9 =	vld [tilespmem:s25+$0x50];
	[tilespmem:v0+s22+$0x440 ss:$0x1] =	vst.idx.msk $0xffff, v40  }
0x260: {  	v38 =	vld [tilespmem:s31+$0x50];
	[tilespmem:v0+s22+$0x450 ss:$0x1] =	vst.idx.msk $0xffff, v41  }
0x261: {  	v39 =	vld [tilespmem:s31+$0x60];
	[tilespmem:v0+s22+$0x460 ss:$0x1] =	vst.idx.msk $0xffff, v42  }
0x262: {  	v40 =	vld [tilespmem:s31+$0x70];
	[tilespmem:v0+s22+$0x470 ss:$0x1] =	vst.idx.msk $0xffff, v43;
	s29 =	spop (v2sf)  }
0x263: {  	[tilespmem:v0+s21+$0x260 ss:$0x1] =	vst.idx.msk $0xffff, v50;
	v5 =	vld [tilespmem:s29+$0x0]  }
0x264: {  	[tilespmem:v0+s21+$0x270 ss:$0x1] =	vst.idx.msk $0xffff, v51;
	(v2sf) =	vpush v4, $0xA;
	v52 =	vld [tilespmem:s29+$0x10]  }
0x265: {  	[tilespmem:v0+s23+$0x7D0 ss:$0x1] =	vst.idx.msk $0xffff, v15;
	v53 =	vld [tilespmem:s29+$0x20]  }
0x266: {  	[tilespmem:v0+s23+$0x7E0 ss:$0x1] =	vst.idx.msk $0xffff, v30;
	v54 =	vld [tilespmem:s29+$0x30]  }
0x267: {  	[tilespmem:v0+s23+$0x7F0 ss:$0x1] =	vst.idx.msk $0xffff, v31;
	v55 =	vld [tilespmem:s29+$0x40]  }
0x268: {  	[tilespmem:v0+s20+$0x100 ss:$0x1] =	vst.idx.msk $0xffff, v59;
	v56 =	vld [tilespmem:s29+$0x50]  }
0x269: {  	[tilespmem:v0+s20+$0x110 ss:$0x1] =	vst.idx.msk $0xffff, v60;
	v57 =	vld [tilespmem:s29+$0x60]  }
0x26a: {  	[tilespmem:v0+s20+$0x120 ss:$0x1] =	vst.idx.msk $0xffff, v61;
	v58 =	vld [tilespmem:s29+$0x70];
	s26 =	spop (v2sf)  }
0x26b: {  	[tilespmem:v0+s20+$0x130 ss:$0x1] =	vst.idx.msk $0xffff, v62;
	(v2sf) =	vpush v4, $0xB;
	v41 =	vld [tilespmem:s26+$0x0]  }
0x26c: {  	(v2sf) =	vpush v1, $0x3;
	v42 =	vld [tilespmem:s26+$0x10];
	[tilespmem:v0+s22+$0x480 ss:$0x1] =	vst.idx.msk $0xffff, v5  }
0x26d: {  	v43 =	vld [tilespmem:s26+$0x20];
	[tilespmem:v0+s22+$0x490 ss:$0x1] =	vst.idx.msk $0xffff, v52  }
0x26e: {  	v44 =	vld [tilespmem:s26+$0x30];
	[tilespmem:v0+s22+$0x4A0 ss:$0x1] =	vst.idx.msk $0xffff, v53  }
0x26f: {  	v45 =	vld [tilespmem:s26+$0x40];
	[tilespmem:v0+s22+$0x4B0 ss:$0x1] =	vst.idx.msk $0xffff, v54  }
0x270: {  	v30 =	vld [tilespmem:s26+$0x60];
	[tilespmem:v0+s22+$0x4C0 ss:$0x1] =	vst.idx.msk $0xffff, v55  }
0x271: {  	v31 =	vld [tilespmem:s26+$0x70];
	[tilespmem:v0+s22+$0x4D0 ss:$0x1] =	vst.idx.msk $0xffff, v56  }
0x272: {  	v5 =	vld [tilespmem:s25+$0x20];
	[tilespmem:v0+s22+$0x4E0 ss:$0x1] =	vst.idx.msk $0xffff, v57  }
0x273: {  	v52 =	vld [tilespmem:s26+$0x50];
	[tilespmem:v0+s22+$0x4F0 ss:$0x1] =	vst.idx.msk $0xffff, v58;
	s30 =	spop (v2sf)  }
0x274: {  	[tilespmem:v0+s20+$0x140 ss:$0x1] =	vst.idx.msk $0xffff, v63;
	v11 =	vld [tilespmem:s30+$0x0]  }
0x275: {  	[tilespmem:v0+s20+$0x150 ss:$0x1] =	vst.idx.msk $0xffff, v38;
	v13 =	vld [tilespmem:s30+$0x10]  }
0x276: {  	[tilespmem:v0+s20+$0x160 ss:$0x1] =	vst.idx.msk $0xffff, v39;
	v32 =	vld [tilespmem:s30+$0x20]  }
0x277: {  	[tilespmem:v0+s20+$0x170 ss:$0x1] =	vst.idx.msk $0xffff, v40;
	v33 =	vld [tilespmem:s30+$0x30]  }
0x278: {  	[tilespmem:v0+s21+$0x280 ss:$0x1] =	vst.idx.msk $0xffff, v41;
	v34 =	vld [tilespmem:s30+$0x40]  }
0x279: {  	[tilespmem:v0+s21+$0x290 ss:$0x1] =	vst.idx.msk $0xffff, v42;
	v35 =	vld [tilespmem:s30+$0x50]  }
0x27a: {  	[tilespmem:v0+s21+$0x2A0 ss:$0x1] =	vst.idx.msk $0xffff, v43;
	v36 =	vld [tilespmem:s30+$0x60];
	s31 =	spop (v2sf)  }
0x27b: {  	[tilespmem:v0+s21+$0x2B0 ss:$0x1] =	vst.idx.msk $0xffff, v44;
	(v2sf) =	vpush v4, $0xC;
	v37 =	vld [tilespmem:s30+$0x70];
	s29 =	spop (v2sf)  }
0x27c: {  	(v2sf) =	vpush v2, $0x6;
	v23 =	vld [tilespmem:s29+$0x0];
	[tilespmem:v0+s22+$0x500 ss:$0x1] =	vst.idx.msk $0xffff, v11  }
0x27d: {  	v57 =	vld [tilespmem:s29+$0x10];
	[tilespmem:v0+s22+$0x510 ss:$0x1] =	vst.idx.msk $0xffff, v13  }
0x27e: {  	v58 =	vld [tilespmem:s29+$0x20];
	[tilespmem:v0+s22+$0x520 ss:$0x1] =	vst.idx.msk $0xffff, v32  }
0x27f: {  	v59 =	vld [tilespmem:s29+$0x30];
	[tilespmem:v0+s22+$0x530 ss:$0x1] =	vst.idx.msk $0xffff, v33  }
0x280: {  	v60 =	vld [tilespmem:s29+$0x40];
	[tilespmem:v0+s22+$0x540 ss:$0x1] =	vst.idx.msk $0xffff, v34  }
0x281: {  	v61 =	vld [tilespmem:s29+$0x50];
	[tilespmem:v0+s22+$0x550 ss:$0x1] =	vst.idx.msk $0xffff, v35  }
0x282: {  	v62 =	vld [tilespmem:s29+$0x60];
	[tilespmem:v0+s22+$0x560 ss:$0x1] =	vst.idx.msk $0xffff, v36  }
0x283: {  	v63 =	vld [tilespmem:s29+$0x70];
	[tilespmem:v0+s22+$0x570 ss:$0x1] =	vst.idx.msk $0xffff, v37  }
0x284: {  	[tilespmem:v0+s21+$0x2C0 ss:$0x1] =	vst.idx.msk $0xffff, v45;
	v11 =	vld [tilespmem:s31+$0x0]  }
0x285: {  	[tilespmem:v0+s21+$0x2D0 ss:$0x1] =	vst.idx.msk $0xffff, v52;
	v46 =	vld [tilespmem:s31+$0x10]  }
0x286: {  	[tilespmem:v0+s21+$0x2E0 ss:$0x1] =	vst.idx.msk $0xffff, v30;
	v47 =	vld [tilespmem:s31+$0x20]  }
0x287: {  	[tilespmem:v0+s21+$0x2F0 ss:$0x1] =	vst.idx.msk $0xffff, v31;
	v48 =	vld [tilespmem:s31+$0x30]  }
0x288: {  	[tilespmem:v0+s20+$0x180 ss:$0x1] =	vst.idx.msk $0xffff, v23;
	v49 =	vld [tilespmem:s31+$0x40]  }
0x289: {  	[tilespmem:v0+s20+$0x190 ss:$0x1] =	vst.idx.msk $0xffff, v57;
	v22 =	vld [tilespmem:s31+$0x50]  }
0x28a: {  	[tilespmem:v0+s20+$0x1A0 ss:$0x1] =	vst.idx.msk $0xffff, v58;
	v50 =	vld [tilespmem:s31+$0x60];
	s30 =	spop (v2sf)  }
0x28b: {  	[tilespmem:v0+s20+$0x1B0 ss:$0x1] =	vst.idx.msk $0xffff, v59;
	v51 =	vld [tilespmem:s31+$0x70];
	s31 =	spop (v2sf)  }
0x28c: {  	[tilespmem:v0+s20+$0x1C0 ss:$0x1] =	vst.idx.msk $0xffff, v60;
	v34 =	vld [tilespmem:s31+$0x0]  }
0x28d: {  	(v2sf) =	vpush v4, $0xD;
	v35 =	vld [tilespmem:s31+$0x10];
	[tilespmem:v0+s22+$0x580 ss:$0x1] =	vst.idx.msk $0xffff, v11  }
0x28e: {  	v36 =	vld [tilespmem:s31+$0x20];
	[tilespmem:v0+s22+$0x590 ss:$0x1] =	vst.idx.msk $0xffff, v46  }
0x28f: {  	v37 =	vld [tilespmem:s31+$0x30];
	[tilespmem:v0+s22+$0x5A0 ss:$0x1] =	vst.idx.msk $0xffff, v47  }
0x290: {  	(v2sf) =	vpush v4, $0xE;
	v38 =	vld [tilespmem:s31+$0x40];
	[tilespmem:v0+s22+$0x5B0 ss:$0x1] =	vst.idx.msk $0xffff, v48  }
0x291: {  	(v2sf) =	vpush v4, $0xF;
	v39 =	vld [tilespmem:s31+$0x50];
	[tilespmem:v0+s22+$0x5C0 ss:$0x1] =	vst.idx.msk $0xffff, v49  }
0x292: {  	(v2sf) =	vpush v1, $0x4;
	v40 =	vld [tilespmem:s31+$0x60];
	[tilespmem:v0+s22+$0x5D0 ss:$0x1] =	vst.idx.msk $0xffff, v22  }
0x293: {  	v41 =	vld [tilespmem:s31+$0x70];
	[tilespmem:v0+s22+$0x5E0 ss:$0x1] =	vst.idx.msk $0xffff, v50  }
0x294: {  	v11 =	vld [tilespmem:s25+$0x70];
	[tilespmem:v0+s22+$0x5F0 ss:$0x1] =	vst.idx.msk $0xffff, v51  }
0x295: {  	[tilespmem:v0+s20+$0x1D0 ss:$0x1] =	vst.idx.msk $0xffff, v61;
	v14 =	vld [tilespmem:s30+$0x0]  }
0x296: {  	[tilespmem:v0+s20+$0x1E0 ss:$0x1] =	vst.idx.msk $0xffff, v62;
	v15 =	vld [tilespmem:s30+$0x10]  }
0x297: {  	[tilespmem:v0+s20+$0x1F0 ss:$0x1] =	vst.idx.msk $0xffff, v63;
	v16 =	vld [tilespmem:s30+$0x20]  }
0x298: {  	[tilespmem:v0+s24+$0x80 ss:$0x1] =	vst.idx.msk $0xffff, v12;
	v22 =	vld [tilespmem:s30+$0x30]  }
0x299: {  	[tilespmem:v0+s24+$0x90 ss:$0x1] =	vst.idx.msk $0xffff, v6;
	v53 =	vld [tilespmem:s30+$0x40]  }
0x29a: {  	[tilespmem:v0+s21+$0x300 ss:$0x1] =	vst.idx.msk $0xffff, v34;
	v54 =	vld [tilespmem:s30+$0x50]  }
0x29b: {  	[tilespmem:v0+s21+$0x310 ss:$0x1] =	vst.idx.msk $0xffff, v35;
	v55 =	vld [tilespmem:s30+$0x60]  }
0x29c: {  	v56 =	vld [tilespmem:s30+$0x70];
	s26 =	spop (v2sf);
	(v2sf) =	vpush v2, $0x7;
	[tilespmem:v0+s22+$0x600 ss:$0x1] =	vst.idx.msk $0xffff, v14  }
0x29d: {  	[tilespmem:v0+s22+$0x610 ss:$0x1] =	vst.idx.msk $0xffff, v15  }
0x29e: {  	[tilespmem:v0+s22+$0x620 ss:$0x1] =	vst.idx.msk $0xffff, v16  }
0x29f: {  	s28 =	spop (v2sf);
	[tilespmem:v0+s22+$0x630 ss:$0x1] =	vst.idx.msk $0xffff, v22  }
0x2a0: {  	s29 =	spop (v2sf);
	[tilespmem:v0+s22+$0x640 ss:$0x1] =	vst.idx.msk $0xffff, v53  }
0x2a1: {  	s30 =	spop (v2sf);
	[tilespmem:v0+s22+$0x650 ss:$0x1] =	vst.idx.msk $0xffff, v54  }
0x2a2: {  	v34 =	vld [tilespmem:s30+$0x60];
	[tilespmem:v0+s22+$0x660 ss:$0x1] =	vst.idx.msk $0xffff, v55  }
0x2a3: {  	v35 =	vld [tilespmem:s30+$0x70];
	[tilespmem:v0+s22+$0x670 ss:$0x1] =	vst.idx.msk $0xffff, v56  }
0x2a4: {  	[tilespmem:v0+s24+$0xA0 ss:$0x1] =	vst.idx.msk $0xffff, v5;
	v18 =	vld [tilespmem:s26+$0x0]  }
0x2a5: {  	[tilespmem:v0+s24+$0xB0 ss:$0x1] =	vst.idx.msk $0xffff, v7;
	v28 =	vld [tilespmem:s26+$0x10]  }
0x2a6: {  	[tilespmem:v0+s21+$0x320 ss:$0x1] =	vst.idx.msk $0xffff, v36;
	v29 =	vld [tilespmem:s26+$0x20]  }
0x2a7: {  	[tilespmem:v0+s21+$0x330 ss:$0x1] =	vst.idx.msk $0xffff, v37;
	v30 =	vld [tilespmem:s26+$0x30]  }
0x2a8: {  	[tilespmem:v0+s21+$0x340 ss:$0x1] =	vst.idx.msk $0xffff, v38;
	v25 =	vld [tilespmem:s26+$0x40]  }
0x2a9: {  	[tilespmem:v0+s21+$0x350 ss:$0x1] =	vst.idx.msk $0xffff, v39;
	v31 =	vld [tilespmem:s26+$0x50]  }
0x2aa: {  	[tilespmem:v0+s21+$0x360 ss:$0x1] =	vst.idx.msk $0xffff, v40;
	v32 =	vld [tilespmem:s26+$0x60]  }
0x2ab: {  	[tilespmem:v0+s21+$0x370 ss:$0x1] =	vst.idx.msk $0xffff, v41;
	v33 =	vld [tilespmem:s26+$0x70];
	s31 =	spop (v2sf)  }
0x2ac: {  	[tilespmem:v0+s24+$0xC0 ss:$0x1] =	vst.idx.msk $0xffff, v8;
	v17 =	vld [tilespmem:s31+$0x0]  }
0x2ad: {  	[tilespmem:v0+s24+$0xD0 ss:$0x1] =	vst.idx.msk $0xffff, v9;
	v50 =	vld [tilespmem:s31+$0x10]  }
0x2ae: {  	[tilespmem:v0+s24+$0xE0 ss:$0x1] =	vst.idx.msk $0xffff, v10;
	v51 =	vld [tilespmem:s31+$0x20]  }
0x2af: {  	[tilespmem:v0+s24+$0xF0 ss:$0x1] =	vst.idx.msk $0xffff, v11;
	v52 =	vld [tilespmem:s31+$0x30]  }
0x2b0: {  	[tilespmem:v0+s22+$0x680 ss:$0x1] =	vst.idx.msk $0xffff, v18;
	v53 =	vld [tilespmem:s31+$0x40]  }
0x2b1: {  	[tilespmem:v0+s22+$0x690 ss:$0x1] =	vst.idx.msk $0xffff, v28;
	v54 =	vld [tilespmem:s31+$0x50]  }
0x2b2: {  	(v2sf) =	vpush v2, $0x8;
	v55 =	vld [tilespmem:s31+$0x60];
	[tilespmem:v0+s22+$0x6A0 ss:$0x1] =	vst.idx.msk $0xffff, v29  }
0x2b3: {  	v56 =	vld [tilespmem:s31+$0x70];
	[tilespmem:v0+s22+$0x6B0 ss:$0x1] =	vst.idx.msk $0xffff, v30  }
0x2b4: {  	v28 =	vld [tilespmem:s30+$0x0];
	[tilespmem:v0+s22+$0x6C0 ss:$0x1] =	vst.idx.msk $0xffff, v25  }
0x2b5: {  	v29 =	vld [tilespmem:s30+$0x10];
	[tilespmem:v0+s22+$0x6D0 ss:$0x1] =	vst.idx.msk $0xffff, v31  }
0x2b6: {  	v30 =	vld [tilespmem:s30+$0x20];
	[tilespmem:v0+s22+$0x6E0 ss:$0x1] =	vst.idx.msk $0xffff, v32  }
0x2b7: {  	v31 =	vld [tilespmem:s30+$0x30];
	[tilespmem:v0+s21+$0x380 ss:$0x1] =	vst.idx.msk $0xffff, v17  }
0x2b8: {  	v32 =	vld [tilespmem:s30+$0x40];
	[tilespmem:v0+s22+$0x6F0 ss:$0x1] =	vst.idx.msk $0xffff, v33  }
0x2b9: {  	[tilespmem:v0+s21+$0x390 ss:$0x1] =	vst.idx.msk $0xffff, v50;
	v33 =	vld [tilespmem:s30+$0x50]  }
0x2ba: {  	[tilespmem:v0+s20+$0x200 ss:$0x1] =	vst.idx.msk $0xffff, v28;
	v42 =	vld [tilespmem:s28+$0x0]  }
0x2bb: {  	v43 =	vld [tilespmem:s28+$0x10];
	[tilespmem:v0+s21+$0x3A0 ss:$0x1] =	vst.idx.msk $0xffff, v51  }
0x2bc: {  	v44 =	vld [tilespmem:s28+$0x20];
	[tilespmem:v0+s20+$0x210 ss:$0x1] =	vst.idx.msk $0xffff, v29  }
0x2bd: {  	v45 =	vld [tilespmem:s28+$0x30];
	[tilespmem:v0+s21+$0x3B0 ss:$0x1] =	vst.idx.msk $0xffff, v52  }
0x2be: {  	v46 =	vld [tilespmem:s28+$0x40];
	[tilespmem:v0+s21+$0x3C0 ss:$0x1] =	vst.idx.msk $0xffff, v53  }
0x2bf: {  	v47 =	vld [tilespmem:s28+$0x50];
	[tilespmem:v0+s21+$0x3D0 ss:$0x1] =	vst.idx.msk $0xffff, v54  }
0x2c0: {  	v48 =	vld [tilespmem:s28+$0x60];
	[tilespmem:v0+s21+$0x3E0 ss:$0x1] =	vst.idx.msk $0xffff, v55  }
0x2c1: {  	v49 =	vld [tilespmem:s28+$0x70];
	s28 =	spop (v2sf);
	[tilespmem:v0+s21+$0x3F0 ss:$0x1] =	vst.idx.msk $0xffff, v56  }
0x2c2: {  	(v2sf) =	vpush v3, $0x2;
	[tilespmem:v0+s22+$0x700 ss:$0x1] =	vst.idx.msk $0xffff, v42;
	v13 =	vld [tilespmem:s28+$0x0]  }
0x2c3: {  	[tilespmem:v0+s22+$0x710 ss:$0x1] =	vst.idx.msk $0xffff, v43;
	v21 =	vld [tilespmem:s28+$0x10]  }
0x2c4: {  	(v2sf) =	vpush v2, $0x9;
	v22 =	vld [tilespmem:s28+$0x20];
	[tilespmem:v0+s22+$0x720 ss:$0x1] =	vst.idx.msk $0xffff, v44  }
0x2c5: {  	v23 =	vld [tilespmem:s28+$0x30];
	[tilespmem:v0+s22+$0x730 ss:$0x1] =	vst.idx.msk $0xffff, v45  }
0x2c6: {  	v24 =	vld [tilespmem:s28+$0x40];
	[tilespmem:v0+s22+$0x740 ss:$0x1] =	vst.idx.msk $0xffff, v46  }
0x2c7: {  	v25 =	vld [tilespmem:s28+$0x50];
	[tilespmem:v0+s22+$0x750 ss:$0x1] =	vst.idx.msk $0xffff, v47  }
0x2c8: {  	v26 =	vld [tilespmem:s28+$0x60];
	[tilespmem:v0+s22+$0x760 ss:$0x1] =	vst.idx.msk $0xffff, v48  }
0x2c9: {  	v27 =	vld [tilespmem:s28+$0x70];
	[tilespmem:v0+s22+$0x770 ss:$0x1] =	vst.idx.msk $0xffff, v49  }
0x2ca: {  	[tilespmem:v0+s20+$0x220 ss:$0x1] =	vst.idx.msk $0xffff, v30;
	v19 =	vld [tilespmem:s29+$0x0]  }
0x2cb: {  	[tilespmem:v0+s20+$0x230 ss:$0x1] =	vst.idx.msk $0xffff, v31;
	v57 =	vld [tilespmem:s29+$0x10]  }
0x2cc: {  	[tilespmem:v0+s21+$0x400 ss:$0x1] =	vst.idx.msk $0xffff, v13;
	v58 =	vld [tilespmem:s29+$0x20]  }
0x2cd: {  	[tilespmem:v0+s21+$0x410 ss:$0x1] =	vst.idx.msk $0xffff, v21;
	v59 =	vld [tilespmem:s29+$0x30]  }
0x2ce: {  	v60 =	vld [tilespmem:s29+$0x40];
	[tilespmem:v0+s21+$0x420 ss:$0x1] =	vst.idx.msk $0xffff, v22  }
0x2cf: {  	v61 =	vld [tilespmem:s29+$0x50];
	[tilespmem:v0+s21+$0x430 ss:$0x1] =	vst.idx.msk $0xffff, v23  }
0x2d0: {  	v62 =	vld [tilespmem:s29+$0x60];
	[tilespmem:v0+s21+$0x440 ss:$0x1] =	vst.idx.msk $0xffff, v24  }
0x2d1: {  	v63 =	vld [tilespmem:s29+$0x70];
	s29 =	spop (v2sf);
	[tilespmem:v0+s21+$0x450 ss:$0x1] =	vst.idx.msk $0xffff, v25  }
0x2d2: {  	(v2sf) =	vpush v1, $0x5;
	v43 =	vld [tilespmem:s29+$0x0];
	[tilespmem:v0+s21+$0x460 ss:$0x1] =	vst.idx.msk $0xffff, v26  }
0x2d3: {  	s30 =	spop (v2sf);
	(v2sf) =	vpush v2, $0xA;
	v44 =	vld [tilespmem:s29+$0x10];
	[tilespmem:v0+s21+$0x470 ss:$0x1] =	vst.idx.msk $0xffff, v27  }
0x2d4: {  	[tilespmem:v0+s20+$0x240 ss:$0x1] =	vst.idx.msk $0xffff, v32;
	v36 =	vld [tilespmem:s30+$0x0]  }
0x2d5: {  	[tilespmem:v0+s20+$0x250 ss:$0x1] =	vst.idx.msk $0xffff, v33;
	v37 =	vld [tilespmem:s30+$0x10]  }
0x2d6: {  	[tilespmem:v0+s20+$0x260 ss:$0x1] =	vst.idx.msk $0xffff, v34;
	v38 =	vld [tilespmem:s30+$0x20]  }
0x2d7: {  	[tilespmem:v0+s20+$0x270 ss:$0x1] =	vst.idx.msk $0xffff, v35;
	v39 =	vld [tilespmem:s30+$0x30]  }
0x2d8: {  	[tilespmem:v0+s22+$0x780 ss:$0x1] =	vst.idx.msk $0xffff, v19;
	v40 =	vld [tilespmem:s30+$0x40]  }
0x2d9: {  	[tilespmem:v0+s22+$0x790 ss:$0x1] =	vst.idx.msk $0xffff, v57;
	v41 =	vld [tilespmem:s30+$0x50]  }
0x2da: {  	v42 =	vld [tilespmem:s30+$0x60];
	[tilespmem:v0+s22+$0x7A0 ss:$0x1] =	vst.idx.msk $0xffff, v58  }
0x2db: {  	v18 =	vld [tilespmem:s30+$0x70];
	[tilespmem:v0+s21+$0x480 ss:$0x1] =	vst.idx.msk $0xffff, v36  }
0x2dc: {  	v45 =	vld [tilespmem:s29+$0x20];
	[tilespmem:v0+s21+$0x490 ss:$0x1] =	vst.idx.msk $0xffff, v37  }
0x2dd: {  	v46 =	vld [tilespmem:s29+$0x30];
	[tilespmem:v0+s21+$0x4A0 ss:$0x1] =	vst.idx.msk $0xffff, v38  }
0x2de: {  	v47 =	vld [tilespmem:s29+$0x40];
	[tilespmem:v0+s21+$0x4B0 ss:$0x1] =	vst.idx.msk $0xffff, v39  }
0x2df: {  	v48 =	vld [tilespmem:s29+$0x50];
	[tilespmem:v0+s21+$0x4C0 ss:$0x1] =	vst.idx.msk $0xffff, v40  }
0x2e0: {  	v49 =	vld [tilespmem:s29+$0x60];
	[tilespmem:v0+s21+$0x4D0 ss:$0x1] =	vst.idx.msk $0xffff, v41  }
0x2e1: {  	v50 =	vld [tilespmem:s29+$0x70];
	s31 =	spop (v2sf);
	[tilespmem:v0+s21+$0x4E0 ss:$0x1] =	vst.idx.msk $0xffff, v42  }
0x2e2: {  	(v2sf) =	vpush v2, $0xB;
	s25 =	spop (v2sf);
	v58 =	vld [tilespmem:s31+$0x0];
	[tilespmem:v0+s21+$0x4F0 ss:$0x1] =	vst.idx.msk $0xffff, v18  }
0x2e3: {  	[tilespmem:v0+s24+$0x100 ss:$0x1] =	vst.idx.msk $0xffff, v43;
	v51 =	vld [tilespmem:s25+$0x0]  }
0x2e4: {  	[tilespmem:v0+s24+$0x110 ss:$0x1] =	vst.idx.msk $0xffff, v44;
	v52 =	vld [tilespmem:s25+$0x10]  }
0x2e5: {  	[tilespmem:v0+s22+$0x7B0 ss:$0x1] =	vst.idx.msk $0xffff, v59;
	v53 =	vld [tilespmem:s25+$0x20]  }
0x2e6: {  	[tilespmem:v0+s22+$0x7C0 ss:$0x1] =	vst.idx.msk $0xffff, v60;
	v54 =	vld [tilespmem:s25+$0x30]  }
0x2e7: {  	[tilespmem:v0+s22+$0x7D0 ss:$0x1] =	vst.idx.msk $0xffff, v61;
	v55 =	vld [tilespmem:s25+$0x40]  }
0x2e8: {  	[tilespmem:v0+s22+$0x7E0 ss:$0x1] =	vst.idx.msk $0xffff, v62;
	v56 =	vld [tilespmem:s25+$0x50]  }
0x2e9: {  	[tilespmem:v0+s22+$0x7F0 ss:$0x1] =	vst.idx.msk $0xffff, v63;
	v57 =	vld [tilespmem:s25+$0x60]  }
0x2ea: {  	v18 =	vld [tilespmem:s25+$0x70];
	[tilespmem:v0+s21+$0x500 ss:$0x1] =	vst.idx.msk $0xffff, v51  }
0x2eb: {  	v59 =	vld [tilespmem:s31+$0x10];
	[tilespmem:v0+s21+$0x510 ss:$0x1] =	vst.idx.msk $0xffff, v52  }
0x2ec: {  	v60 =	vld [tilespmem:s31+$0x20];
	[tilespmem:v0+s21+$0x520 ss:$0x1] =	vst.idx.msk $0xffff, v53  }
0x2ed: {  	v61 =	vld [tilespmem:s31+$0x30];
	[tilespmem:v0+s21+$0x530 ss:$0x1] =	vst.idx.msk $0xffff, v54  }
0x2ee: {  	v62 =	vld [tilespmem:s31+$0x40];
	[tilespmem:v0+s21+$0x540 ss:$0x1] =	vst.idx.msk $0xffff, v55  }
0x2ef: {  	(v2sf) =	vpush v3, $0x3;
	v63 =	vld [tilespmem:s31+$0x50];
	[tilespmem:v0+s21+$0x550 ss:$0x1] =	vst.idx.msk $0xffff, v56  }
0x2f0: {  	v21 =	vld [tilespmem:s31+$0x60];
	[tilespmem:v0+s21+$0x560 ss:$0x1] =	vst.idx.msk $0xffff, v57  }
0x2f1: {  	v22 =	vld [tilespmem:s31+$0x70];
	(v2sf) =	vpush v2, $0xC;
	s26 =	spop (v2sf);
	[tilespmem:v0+s21+$0x570 ss:$0x1] =	vst.idx.msk $0xffff, v18  }
0x2f2: {  	[tilespmem:v0+s24+$0x120 ss:$0x1] =	vst.idx.msk $0xffff, v45;
	v23 =	vld [tilespmem:s26+$0x0]  }
0x2f3: {  	[tilespmem:v0+s24+$0x130 ss:$0x1] =	vst.idx.msk $0xffff, v46;
	v24 =	vld [tilespmem:s26+$0x10]  }
0x2f4: {  	[tilespmem:v0+s24+$0x140 ss:$0x1] =	vst.idx.msk $0xffff, v47;
	v25 =	vld [tilespmem:s26+$0x20]  }
0x2f5: {  	[tilespmem:v0+s24+$0x150 ss:$0x1] =	vst.idx.msk $0xffff, v48;
	v26 =	vld [tilespmem:s26+$0x30]  }
0x2f6: {  	[tilespmem:v0+s24+$0x160 ss:$0x1] =	vst.idx.msk $0xffff, v49;
	v27 =	vld [tilespmem:s26+$0x40]  }
0x2f7: {  	[tilespmem:v0+s24+$0x170 ss:$0x1] =	vst.idx.msk $0xffff, v50;
	v28 =	vld [tilespmem:s26+$0x50]  }
0x2f8: {  	[tilespmem:v0+s20+$0x280 ss:$0x1] =	vst.idx.msk $0xffff, v58;
	v29 =	vld [tilespmem:s26+$0x60]  }
0x2f9: {  	v18 =	vld [tilespmem:s26+$0x70];
	[tilespmem:v0+s21+$0x580 ss:$0x1] =	vst.idx.msk $0xffff, v23  }
0x2fa: {  	[tilespmem:v0+s21+$0x590 ss:$0x1] =	vst.idx.msk $0xffff, v24  }
0x2fb: {  	[tilespmem:v0+s21+$0x5A0 ss:$0x1] =	vst.idx.msk $0xffff, v25  }
0x2fc: {  	[tilespmem:v0+s21+$0x5B0 ss:$0x1] =	vst.idx.msk $0xffff, v26  }
0x2fd: {  	[tilespmem:v0+s21+$0x5C0 ss:$0x1] =	vst.idx.msk $0xffff, v27  }
0x2fe: {  	s28 =	spop (v2sf);
	[tilespmem:v0+s21+$0x5D0 ss:$0x1] =	vst.idx.msk $0xffff, v28  }
0x2ff: {  	(v2sf) =	vpush v1, $0x6;
	v30 =	vld [tilespmem:s28+$0x0];
	[tilespmem:v0+s21+$0x5E0 ss:$0x1] =	vst.idx.msk $0xffff, v29  }
0x300: {  	s29 =	spop (v2sf);
	(v2sf) =	vpush v2, $0xD;
	v31 =	vld [tilespmem:s28+$0x10];
	[tilespmem:v0+s21+$0x5F0 ss:$0x1] =	vst.idx.msk $0xffff, v18  }
0x301: {  	[tilespmem:v0+s20+$0x290 ss:$0x1] =	vst.idx.msk $0xffff, v59;
	v5 =	vld [tilespmem:s29+$0x0]  }
0x302: {  	[tilespmem:v0+s20+$0x2A0 ss:$0x1] =	vst.idx.msk $0xffff, v60;
	v6 =	vld [tilespmem:s29+$0x10]  }
0x303: {  	[tilespmem:v0+s20+$0x2B0 ss:$0x1] =	vst.idx.msk $0xffff, v61;
	v7 =	vld [tilespmem:s29+$0x20]  }
0x304: {  	[tilespmem:v0+s20+$0x2C0 ss:$0x1] =	vst.idx.msk $0xffff, v62;
	v8 =	vld [tilespmem:s29+$0x30]  }
0x305: {  	[tilespmem:v0+s20+$0x2D0 ss:$0x1] =	vst.idx.msk $0xffff, v63;
	v9 =	vld [tilespmem:s29+$0x40]  }
0x306: {  	[tilespmem:v0+s20+$0x2E0 ss:$0x1] =	vst.idx.msk $0xffff, v21;
	v10 =	vld [tilespmem:s29+$0x50]  }
0x307: {  	[tilespmem:v0+s20+$0x2F0 ss:$0x1] =	vst.idx.msk $0xffff, v22;
	v11 =	vld [tilespmem:s29+$0x60]  }
0x308: {  	v18 =	vld [tilespmem:s29+$0x70];
	[tilespmem:v0+s21+$0x600 ss:$0x1] =	vst.idx.msk $0xffff, v5  }
0x309: {  	v32 =	vld [tilespmem:s28+$0x20];
	[tilespmem:v0+s21+$0x610 ss:$0x1] =	vst.idx.msk $0xffff, v6  }
0x30a: {  	v33 =	vld [tilespmem:s28+$0x30];
	[tilespmem:v0+s21+$0x620 ss:$0x1] =	vst.idx.msk $0xffff, v7  }
0x30b: {  	v34 =	vld [tilespmem:s28+$0x40];
	[tilespmem:v0+s21+$0x630 ss:$0x1] =	vst.idx.msk $0xffff, v8  }
0x30c: {  	v35 =	vld [tilespmem:s28+$0x50];
	[tilespmem:v0+s21+$0x640 ss:$0x1] =	vst.idx.msk $0xffff, v9  }
0x30d: {  	v36 =	vld [tilespmem:s28+$0x60];
	[tilespmem:v0+s21+$0x650 ss:$0x1] =	vst.idx.msk $0xffff, v10  }
0x30e: {  	v37 =	vld [tilespmem:s28+$0x70];
	s30 =	spop (v2sf);
	[tilespmem:v0+s21+$0x660 ss:$0x1] =	vst.idx.msk $0xffff, v11  }
0x30f: {  	(v2sf) =	vpush v2, $0xE;
	s31 =	spop (v2sf);
	v45 =	vld [tilespmem:s30+$0x0];
	[tilespmem:v0+s21+$0x670 ss:$0x1] =	vst.idx.msk $0xffff, v18  }
0x310: {  	v18 =	vld [tilespmem:s31+$0x0]  }
0x311: {  	v38 =	vld [tilespmem:s31+$0x10]  }
0x312: {  	v39 =	vld [tilespmem:s31+$0x20]  }
0x313: {  	v40 =	vld [tilespmem:s31+$0x30]  }
0x314: {  	v41 =	vld [tilespmem:s31+$0x40]  }
0x315: {  	v42 =	vld [tilespmem:s31+$0x50]  }
0x316: {  	(v2sf) =	vpush v2, $0xF;
	v43 =	vld [tilespmem:s31+$0x60]  }
0x317: {  	(v2sf) =	vpush v3, $0x4;
	v44 =	vld [tilespmem:s31+$0x70];
	[tilespmem:v0+s21+$0x680 ss:$0x1] =	vst.idx.msk $0xffff, v18  }
0x318: {  	v46 =	vld [tilespmem:s30+$0x10];
	[tilespmem:v0+s21+$0x690 ss:$0x1] =	vst.idx.msk $0xffff, v38  }
0x319: {  	v47 =	vld [tilespmem:s30+$0x20];
	[tilespmem:v0+s21+$0x6A0 ss:$0x1] =	vst.idx.msk $0xffff, v39  }
0x31a: {  	v48 =	vld [tilespmem:s30+$0x30];
	[tilespmem:v0+s21+$0x6B0 ss:$0x1] =	vst.idx.msk $0xffff, v40  }
0x31b: {  	v49 =	vld [tilespmem:s30+$0x40];
	[tilespmem:v0+s21+$0x6C0 ss:$0x1] =	vst.idx.msk $0xffff, v41  }
0x31c: {  	v50 =	vld [tilespmem:s30+$0x50];
	[tilespmem:v0+s21+$0x6D0 ss:$0x1] =	vst.idx.msk $0xffff, v42  }
0x31d: {  	v51 =	vld [tilespmem:s30+$0x60];
	[tilespmem:v0+s21+$0x6E0 ss:$0x1] =	vst.idx.msk $0xffff, v43  }
0x31e: {  	v52 =	vld [tilespmem:s30+$0x70];
	s25 =	spop (v2sf);
	[tilespmem:v0+s21+$0x6F0 ss:$0x1] =	vst.idx.msk $0xffff, v44  }
0x31f: {  	[tilespmem:v0+s24+$0x180 ss:$0x1] =	vst.idx.msk $0xffff, v30;
	(v2sf) =	vpush v1, $0x7;
	v16 =	vld [tilespmem:s25+$0x0]  }
0x320: {  	[tilespmem:v0+s24+$0x190 ss:$0x1] =	vst.idx.msk $0xffff, v31;
	v53 =	vld [tilespmem:s25+$0x10]  }
0x321: {  	[tilespmem:v0+s24+$0x1A0 ss:$0x1] =	vst.idx.msk $0xffff, v32;
	v54 =	vld [tilespmem:s25+$0x20]  }
0x322: {  	[tilespmem:v0+s24+$0x1B0 ss:$0x1] =	vst.idx.msk $0xffff, v33;
	v55 =	vld [tilespmem:s25+$0x30]  }
0x323: {  	[tilespmem:v0+s24+$0x1C0 ss:$0x1] =	vst.idx.msk $0xffff, v34;
	v56 =	vld [tilespmem:s25+$0x40]  }
0x324: {  	[tilespmem:v0+s24+$0x1D0 ss:$0x1] =	vst.idx.msk $0xffff, v35;
	v57 =	vld [tilespmem:s25+$0x50]  }
0x325: {  	[tilespmem:v0+s24+$0x1E0 ss:$0x1] =	vst.idx.msk $0xffff, v36;
	s22 =	spop (v2sf);
	v58 =	vld [tilespmem:s25+$0x60]  }
0x326: {  	[tilespmem:v0+s24+$0x1F0 ss:$0x1] =	vst.idx.msk $0xffff, v37;
	s26 =	spop (v2sf);
	v59 =	vld [tilespmem:s25+$0x70]  }
0x327: {  	[tilespmem:v0+s20+$0x300 ss:$0x1] =	vst.idx.msk $0xffff, v45;
	v60 =	vld [tilespmem:s26+$0x0]  }
0x328: {  	[tilespmem:v0+s20+$0x310 ss:$0x1] =	vst.idx.msk $0xffff, v46;
	v61 =	vld [tilespmem:s26+$0x10]  }
0x329: {  	[tilespmem:v0+s20+$0x320 ss:$0x1] =	vst.idx.msk $0xffff, v47;
	v62 =	vld [tilespmem:s26+$0x20]  }
0x32a: {  	[tilespmem:v0+s20+$0x330 ss:$0x1] =	vst.idx.msk $0xffff, v48;
	v63 =	vld [tilespmem:s26+$0x30]  }
0x32b: {  	[tilespmem:v0+s20+$0x340 ss:$0x1] =	vst.idx.msk $0xffff, v49;
	v19 =	vld [tilespmem:s26+$0x40]  }
0x32c: {  	[tilespmem:v0+s20+$0x350 ss:$0x1] =	vst.idx.msk $0xffff, v50;
	v20 =	vld [tilespmem:s26+$0x50]  }
0x32d: {  	[tilespmem:v0+s20+$0x360 ss:$0x1] =	vst.idx.msk $0xffff, v51;
	v21 =	vld [tilespmem:s26+$0x60]  }
0x32e: {  	[tilespmem:v0+s20+$0x370 ss:$0x1] =	vst.idx.msk $0xffff, v52;
	v22 =	vld [tilespmem:s26+$0x70];
	s31 =	spop (v2sf)  }
0x32f: {  	v39 =	vld [tilespmem:s31+$0x0]  }
0x330: {  	v40 =	vld [tilespmem:s31+$0x10]  }
0x331: {  	v41 =	vld [tilespmem:s31+$0x20]  }
0x332: {  	v42 =	vld [tilespmem:s31+$0x30];
	[tilespmem:v0+s21+$0x700 ss:$0x1] =	vst.idx.msk $0xffff, v16  }
0x333: {  	(v2sf) =	vpush v1, $0x8;
	v43 =	vld [tilespmem:s31+$0x40];
	[tilespmem:v0+s24+$0x200 ss:$0x1] =	vst.idx.msk $0xffff, v60  }
0x334: {  	(v2sf) =	vpush v1, $0x9;
	v44 =	vld [tilespmem:s31+$0x50];
	[tilespmem:v0+s21+$0x710 ss:$0x1] =	vst.idx.msk $0xffff, v53  }
0x335: {  	(v2sf) =	vpush v3, $0x5;
	v45 =	vld [tilespmem:s31+$0x60];
	[tilespmem:v0+s24+$0x210 ss:$0x1] =	vst.idx.msk $0xffff, v61  }
0x336: {  	v46 =	vld [tilespmem:s31+$0x70];
	[tilespmem:v0+s20+$0x380 ss:$0x1] =	vst.idx.msk $0xffff, v39  }
0x337: {  	[tilespmem:v0+s21+$0x720 ss:$0x1] =	vst.idx.msk $0xffff, v54  }
0x338: {  	[tilespmem:v0+s21+$0x730 ss:$0x1] =	vst.idx.msk $0xffff, v55  }
0x339: {  	[tilespmem:v0+s21+$0x740 ss:$0x1] =	vst.idx.msk $0xffff, v56  }
0x33a: {  	[tilespmem:v0+s21+$0x750 ss:$0x1] =	vst.idx.msk $0xffff, v57  }
0x33b: {  	[tilespmem:v0+s21+$0x760 ss:$0x1] =	vst.idx.msk $0xffff, v58  }
0x33c: {  	[tilespmem:v0+s21+$0x770 ss:$0x1] =	vst.idx.msk $0xffff, v59  }
0x33d: {  	[tilespmem:v0+s24+$0x220 ss:$0x1] =	vst.idx.msk $0xffff, v62;
	v11 =	vld [tilespmem:s22+$0x0]  }
0x33e: {  	[tilespmem:v0+s20+$0x390 ss:$0x1] =	vst.idx.msk $0xffff, v40;
	v24 =	vld [tilespmem:s22+$0x10]  }
0x33f: {  	[tilespmem:v0+s24+$0x230 ss:$0x1] =	vst.idx.msk $0xffff, v63;
	v25 =	vld [tilespmem:s22+$0x20]  }
0x340: {  	[tilespmem:v0+s20+$0x3A0 ss:$0x1] =	vst.idx.msk $0xffff, v41;
	v26 =	vld [tilespmem:s22+$0x30]  }
0x341: {  	[tilespmem:v0+s24+$0x240 ss:$0x1] =	vst.idx.msk $0xffff, v19;
	v27 =	vld [tilespmem:s22+$0x40]  }
0x342: {  	s30 =	spop (v2sf);
	[tilespmem:v0+s24+$0x250 ss:$0x1] =	vst.idx.msk $0xffff, v20;
	v28 =	vld [tilespmem:s22+$0x50]  }
0x343: {  	[tilespmem:v0+s24+$0x260 ss:$0x1] =	vst.idx.msk $0xffff, v21;
	s29 =	spop (v2sf);
	v29 =	vld [tilespmem:s22+$0x60]  }
0x344: {  	[tilespmem:v0+s24+$0x270 ss:$0x1] =	vst.idx.msk $0xffff, v22;
	v30 =	vld [tilespmem:s22+$0x70];
	s28 =	spop (v2sf)  }
0x345: {  	[tilespmem:v0+s20+$0x3B0 ss:$0x1] =	vst.idx.msk $0xffff, v42;
	v2 =	vld [tilespmem:s28+$0x0]  }
0x346: {  	[tilespmem:v0+s20+$0x3C0 ss:$0x1] =	vst.idx.msk $0xffff, v43;
	v5 =	vld [tilespmem:s28+$0x10]  }
0x347: {  	(v2sf) =	vpush v1, $0xA;
	[tilespmem:v0+s20+$0x3D0 ss:$0x1] =	vst.idx.msk $0xffff, v44;
	v6 =	vld [tilespmem:s28+$0x20]  }
0x348: {  	(v2sf) =	vpush v1, $0xB;
	[tilespmem:v0+s20+$0x3E0 ss:$0x1] =	vst.idx.msk $0xffff, v45;
	v7 =	vld [tilespmem:s28+$0x30]  }
0x349: {  	(v2sf) =	vpush v1, $0xC;
	[tilespmem:v0+s20+$0x3F0 ss:$0x1] =	vst.idx.msk $0xffff, v46;
	v23 =	vld [tilespmem:s28+$0x40]  }
0x34a: {  	(v2sf) =	vpush v3, $0x6;
	v8 =	vld [tilespmem:s28+$0x50];
	[tilespmem:v0+s21+$0x780 ss:$0x1] =	vst.idx.msk $0xffff, v11  }
0x34b: {  	v9 =	vld [tilespmem:s28+$0x60];
	[tilespmem:v0+s21+$0x790 ss:$0x1] =	vst.idx.msk $0xffff, v24  }
0x34c: {  	v10 =	vld [tilespmem:s28+$0x70];
	[tilespmem:v0+s24+$0x280 ss:$0x1] =	vst.idx.msk $0xffff, v2  }
0x34d: {  	[tilespmem:v0+s21+$0x7A0 ss:$0x1] =	vst.idx.msk $0xffff, v25  }
0x34e: {  	[tilespmem:v0+s24+$0x290 ss:$0x1] =	vst.idx.msk $0xffff, v5  }
0x34f: {  	[tilespmem:v0+s21+$0x7B0 ss:$0x1] =	vst.idx.msk $0xffff, v26  }
0x350: {  	[tilespmem:v0+s24+$0x2A0 ss:$0x1] =	vst.idx.msk $0xffff, v6  }
0x351: {  	[tilespmem:v0+s21+$0x7C0 ss:$0x1] =	vst.idx.msk $0xffff, v27  }
0x352: {  	v54 =	vld [tilespmem:s30+$0x10];
	[tilespmem:v0+s24+$0x2B0 ss:$0x1] =	vst.idx.msk $0xffff, v7  }
0x353: {  	v55 =	vld [tilespmem:s30+$0x20];
	[tilespmem:v0+s21+$0x7D0 ss:$0x1] =	vst.idx.msk $0xffff, v28  }
0x354: {  	v56 =	vld [tilespmem:s30+$0x30];
	[tilespmem:v0+s24+$0x2C0 ss:$0x1] =	vst.idx.msk $0xffff, v23  }
0x355: {  	[tilespmem:v0+s24+$0x2D0 ss:$0x1] =	vst.idx.msk $0xffff, v8;
	v8 =	vld [tilespmem:s30+$0x0]  }
0x356: {  	v57 =	vld [tilespmem:s30+$0x40];
	s28 =	spop (v2sf);
	[tilespmem:v0+s21+$0x7E0 ss:$0x1] =	vst.idx.msk $0xffff, v29  }
0x357: {  	v58 =	vld [tilespmem:s30+$0x50];
	(v2sf) =	vpush v1, $0xD;
	s26 =	spop (v2sf);
	[tilespmem:v0+s21+$0x7F0 ss:$0x1] =	vst.idx.msk $0xffff, v30  }
0x358: {  	v59 =	vld [tilespmem:s30+$0x60];
	(v2sf) =	vpush v1, $0xE;
	[tilespmem:v0+s24+$0x2E0 ss:$0x1] =	vst.idx.msk $0xffff, v9;
	s25 =	spop (v2sf)  }
0x359: {  	v60 =	vld [tilespmem:s30+$0x70];
	[tilespmem:v0+s24+$0x2F0 ss:$0x1] =	vst.idx.msk $0xffff, v10;
	(v2sf) =	vpush v1, $0xF;
	s23 =	spop (v2sf)  }
0x35a: {  	(v2sf) =	vpush v3, $0x7;
	v31 =	vld [tilespmem:s23+$0x0];
	[tilespmem:v0+s20+$0x400 ss:$0x1] =	vst.idx.msk $0xffff, v8  }
0x35b: {  	v32 =	vld [tilespmem:s23+$0x10];
	[tilespmem:v0+s20+$0x410 ss:$0x1] =	vst.idx.msk $0xffff, v54  }
0x35c: {  	v33 =	vld [tilespmem:s23+$0x20];
	[tilespmem:v0+s20+$0x420 ss:$0x1] =	vst.idx.msk $0xffff, v55  }
0x35d: {  	v34 =	vld [tilespmem:s23+$0x30];
	[tilespmem:v0+s20+$0x430 ss:$0x1] =	vst.idx.msk $0xffff, v56  }
0x35e: {  	v35 =	vld [tilespmem:s23+$0x40];
	[tilespmem:v0+s20+$0x440 ss:$0x1] =	vst.idx.msk $0xffff, v57  }
0x35f: {  	v36 =	vld [tilespmem:s23+$0x50];
	[tilespmem:v0+s20+$0x450 ss:$0x1] =	vst.idx.msk $0xffff, v58  }
0x360: {  	v37 =	vld [tilespmem:s23+$0x60];
	[tilespmem:v0+s20+$0x460 ss:$0x1] =	vst.idx.msk $0xffff, v59  }
0x361: {  	v38 =	vld [tilespmem:s23+$0x70];
	[tilespmem:v0+s20+$0x470 ss:$0x1] =	vst.idx.msk $0xffff, v60  }
0x362: {  	[tilespmem:v0+s24+$0x300 ss:$0x1] =	vst.idx.msk $0xffff, v31;
	v4 =	vld [tilespmem:s29+$0x0]  }
0x363: {  	[tilespmem:v0+s24+$0x310 ss:$0x1] =	vst.idx.msk $0xffff, v32;
	v16 =	vld [tilespmem:s29+$0x10]  }
0x364: {  	[tilespmem:v0+s24+$0x320 ss:$0x1] =	vst.idx.msk $0xffff, v33;
	v17 =	vld [tilespmem:s29+$0x20]  }
0x365: {  	[tilespmem:v0+s24+$0x330 ss:$0x1] =	vst.idx.msk $0xffff, v34;
	v18 =	vld [tilespmem:s29+$0x30]  }
0x366: {  	s23 =	spop (v2sf);
	v19 =	vld [tilespmem:s29+$0x40];
	[tilespmem:v0+s24+$0x340 ss:$0x1] =	vst.idx.msk $0xffff, v35  }
0x367: {  	s22 =	spop (v2sf);
	v20 =	vld [tilespmem:s29+$0x50];
	[tilespmem:v0+s24+$0x350 ss:$0x1] =	vst.idx.msk $0xffff, v36  }
0x368: {  	v21 =	vld [tilespmem:s29+$0x60];
	[tilespmem:v0+s24+$0x360 ss:$0x1] =	vst.idx.msk $0xffff, v37;
	s21 =	spop (v2sf)  }
0x369: {  	v22 =	vld [tilespmem:s29+$0x70];
	[tilespmem:v0+s24+$0x370 ss:$0x1] =	vst.idx.msk $0xffff, v38;
	s31 =	spop (v2sf)  }
0x36a: {  	(v2sf) =	vpush v3, $0x8;
	[tilespmem:v0+s20+$0x480 ss:$0x1] =	vst.idx.msk $0xffff, v4;
	v9 =	vld [tilespmem:s31+$0x0]  }
0x36b: {  	[tilespmem:v0+s20+$0x490 ss:$0x1] =	vst.idx.msk $0xffff, v16;
	v47 =	vld [tilespmem:s31+$0x10]  }
0x36c: {  	v48 =	vld [tilespmem:s31+$0x20];
	[tilespmem:v0+s20+$0x4A0 ss:$0x1] =	vst.idx.msk $0xffff, v17  }
0x36d: {  	v49 =	vld [tilespmem:s31+$0x30];
	[tilespmem:v0+s20+$0x4B0 ss:$0x1] =	vst.idx.msk $0xffff, v18  }
0x36e: {  	v50 =	vld [tilespmem:s31+$0x40];
	[tilespmem:v0+s20+$0x4C0 ss:$0x1] =	vst.idx.msk $0xffff, v19  }
0x36f: {  	v51 =	vld [tilespmem:s31+$0x50];
	[tilespmem:v0+s20+$0x4D0 ss:$0x1] =	vst.idx.msk $0xffff, v20  }
0x370: {  	v52 =	vld [tilespmem:s31+$0x60];
	[tilespmem:v0+s20+$0x4E0 ss:$0x1] =	vst.idx.msk $0xffff, v21  }
0x371: {  	v53 =	vld [tilespmem:s31+$0x70];
	[tilespmem:v0+s20+$0x4F0 ss:$0x1] =	vst.idx.msk $0xffff, v22  }
0x372: {  	[tilespmem:v0+s24+$0x380 ss:$0x1] =	vst.idx.msk $0xffff, v9;
	v31 =	vld [tilespmem:s28+$0x0]  }
0x373: {  	[tilespmem:v0+s24+$0x390 ss:$0x1] =	vst.idx.msk $0xffff, v47;
	v32 =	vld [tilespmem:s28+$0x10]  }
0x374: {  	v33 =	vld [tilespmem:s28+$0x20];
	[tilespmem:v0+s24+$0x3A0 ss:$0x1] =	vst.idx.msk $0xffff, v48  }
0x375: {  	v34 =	vld [tilespmem:s28+$0x30];
	[tilespmem:v0+s24+$0x3B0 ss:$0x1] =	vst.idx.msk $0xffff, v49  }
0x376: {  	v35 =	vld [tilespmem:s28+$0x40];
	[tilespmem:v0+s24+$0x3C0 ss:$0x1] =	vst.idx.msk $0xffff, v50  }
0x377: {  	v36 =	vld [tilespmem:s28+$0x50];
	[tilespmem:v0+s24+$0x3D0 ss:$0x1] =	vst.idx.msk $0xffff, v51  }
0x378: {  	v37 =	vld [tilespmem:s28+$0x60];
	[tilespmem:v0+s24+$0x3E0 ss:$0x1] =	vst.idx.msk $0xffff, v52  }
0x379: {  	s31 =	spop (v2sf);
	v38 =	vld [tilespmem:s28+$0x70];
	[tilespmem:v0+s24+$0x3F0 ss:$0x1] =	vst.idx.msk $0xffff, v53  }
0x37a: {  	[tilespmem:v0+s20+$0x500 ss:$0x1] =	vst.idx.msk $0xffff, v31;
	v61 =	vld [tilespmem:s31+$0x0]  }
0x37b: {  	[tilespmem:v0+s20+$0x510 ss:$0x1] =	vst.idx.msk $0xffff, v32;
	v62 =	vld [tilespmem:s31+$0x10]  }
0x37c: {  	v63 =	vld [tilespmem:s31+$0x20];
	[tilespmem:v0+s20+$0x520 ss:$0x1] =	vst.idx.msk $0xffff, v33  }
0x37d: {  	v12 =	vld [tilespmem:s31+$0x30];
	[tilespmem:v0+s20+$0x530 ss:$0x1] =	vst.idx.msk $0xffff, v34  }
0x37e: {  	(v2sf) =	vpush v3, $0x9;
	v13 =	vld [tilespmem:s31+$0x40];
	[tilespmem:v0+s20+$0x540 ss:$0x1] =	vst.idx.msk $0xffff, v35  }
0x37f: {  	v14 =	vld [tilespmem:s31+$0x50];
	[tilespmem:v0+s20+$0x550 ss:$0x1] =	vst.idx.msk $0xffff, v36  }
0x380: {  	v15 =	vld [tilespmem:s31+$0x60];
	[tilespmem:v0+s20+$0x560 ss:$0x1] =	vst.idx.msk $0xffff, v37  }
0x381: {  	v10 =	vld [tilespmem:s31+$0x70];
	[tilespmem:v0+s24+$0x400 ss:$0x1] =	vst.idx.msk $0xffff, v61  }
0x382: {  	[tilespmem:v0+s20+$0x570 ss:$0x1] =	vst.idx.msk $0xffff, v38  }
0x383: {  	[tilespmem:v0+s24+$0x410 ss:$0x1] =	vst.idx.msk $0xffff, v62  }
0x384: {  	[tilespmem:v0+s24+$0x420 ss:$0x1] =	vst.idx.msk $0xffff, v63  }
0x385: {  	[tilespmem:v0+s24+$0x430 ss:$0x1] =	vst.idx.msk $0xffff, v12  }
0x386: {  	v46 =	vld [tilespmem:s26+$0x10];
	[tilespmem:v0+s24+$0x440 ss:$0x1] =	vst.idx.msk $0xffff, v13  }
0x387: {  	v47 =	vld [tilespmem:s26+$0x20];
	[tilespmem:v0+s24+$0x450 ss:$0x1] =	vst.idx.msk $0xffff, v14  }
0x388: {  	v48 =	vld [tilespmem:s26+$0x30];
	[tilespmem:v0+s24+$0x460 ss:$0x1] =	vst.idx.msk $0xffff, v15  }
0x389: {  	[tilespmem:v0+s24+$0x470 ss:$0x1] =	vst.idx.msk $0xffff, v10;
	v10 =	vld [tilespmem:s26+$0x0]  }
0x38a: {  	v49 =	vld [tilespmem:s26+$0x40]  }
0x38b: {  	v50 =	vld [tilespmem:s26+$0x50]  }
0x38c: {  	v51 =	vld [tilespmem:s26+$0x60]  }
0x38d: {  	s31 =	spop (v2sf);
	v52 =	vld [tilespmem:s26+$0x70]  }
0x38e: {  	(v2sf) =	vpush v3, $0xA;
	v23 =	vld [tilespmem:s31+$0x0];
	[tilespmem:v0+s20+$0x580 ss:$0x1] =	vst.idx.msk $0xffff, v10  }
0x38f: {  	v24 =	vld [tilespmem:s31+$0x10];
	[tilespmem:v0+s20+$0x590 ss:$0x1] =	vst.idx.msk $0xffff, v46  }
0x390: {  	v25 =	vld [tilespmem:s31+$0x20];
	[tilespmem:v0+s20+$0x5A0 ss:$0x1] =	vst.idx.msk $0xffff, v47  }
0x391: {  	v26 =	vld [tilespmem:s31+$0x30];
	[tilespmem:v0+s20+$0x5B0 ss:$0x1] =	vst.idx.msk $0xffff, v48  }
0x392: {  	v27 =	vld [tilespmem:s31+$0x40];
	[tilespmem:v0+s20+$0x5C0 ss:$0x1] =	vst.idx.msk $0xffff, v49  }
0x393: {  	v28 =	vld [tilespmem:s31+$0x50];
	[tilespmem:v0+s20+$0x5D0 ss:$0x1] =	vst.idx.msk $0xffff, v50  }
0x394: {  	v29 =	vld [tilespmem:s31+$0x60];
	[tilespmem:v0+s20+$0x5E0 ss:$0x1] =	vst.idx.msk $0xffff, v51  }
0x395: {  	v30 =	vld [tilespmem:s31+$0x70];
	[tilespmem:v0+s20+$0x5F0 ss:$0x1] =	vst.idx.msk $0xffff, v52  }
0x396: {  	[tilespmem:v0+s24+$0x480 ss:$0x1] =	vst.idx.msk $0xffff, v23;
	v10 =	vld [tilespmem:s25+$0x0]  }
0x397: {  	[tilespmem:v0+s24+$0x490 ss:$0x1] =	vst.idx.msk $0xffff, v24;
	v60 =	vld [tilespmem:s25+$0x10]  }
0x398: {  	[tilespmem:v0+s24+$0x4A0 ss:$0x1] =	vst.idx.msk $0xffff, v25;
	v61 =	vld [tilespmem:s25+$0x20]  }
0x399: {  	[tilespmem:v0+s24+$0x4B0 ss:$0x1] =	vst.idx.msk $0xffff, v26;
	v62 =	vld [tilespmem:s25+$0x30]  }
0x39a: {  	[tilespmem:v0+s24+$0x4C0 ss:$0x1] =	vst.idx.msk $0xffff, v27;
	v63 =	vld [tilespmem:s25+$0x40]  }
0x39b: {  	[tilespmem:v0+s24+$0x4D0 ss:$0x1] =	vst.idx.msk $0xffff, v28;
	v12 =	vld [tilespmem:s25+$0x50]  }
0x39c: {  	[tilespmem:v0+s24+$0x4E0 ss:$0x1] =	vst.idx.msk $0xffff, v29;
	v13 =	vld [tilespmem:s25+$0x60]  }
0x39d: {  	s30 =	spop (v2sf);
	[tilespmem:v0+s24+$0x4F0 ss:$0x1] =	vst.idx.msk $0xffff, v30;
	v14 =	vld [tilespmem:s25+$0x70]  }
0x39e: {  	(v2sf) =	vpush v3, $0xB;
	v7 =	vld [tilespmem:s30+$0x0];
	[tilespmem:v0+s20+$0x600 ss:$0x1] =	vst.idx.msk $0xffff, v10  }
0x39f: {  	v39 =	vld [tilespmem:s30+$0x10];
	[tilespmem:v0+s20+$0x610 ss:$0x1] =	vst.idx.msk $0xffff, v60  }
0x3a0: {  	v40 =	vld [tilespmem:s30+$0x20];
	[tilespmem:v0+s20+$0x620 ss:$0x1] =	vst.idx.msk $0xffff, v61  }
0x3a1: {  	v41 =	vld [tilespmem:s30+$0x30];
	[tilespmem:v0+s20+$0x630 ss:$0x1] =	vst.idx.msk $0xffff, v62  }
0x3a2: {  	v42 =	vld [tilespmem:s30+$0x40];
	[tilespmem:v0+s20+$0x640 ss:$0x1] =	vst.idx.msk $0xffff, v63  }
0x3a3: {  	v43 =	vld [tilespmem:s30+$0x50];
	[tilespmem:v0+s20+$0x650 ss:$0x1] =	vst.idx.msk $0xffff, v12  }
0x3a4: {  	v44 =	vld [tilespmem:s30+$0x60];
	[tilespmem:v0+s20+$0x660 ss:$0x1] =	vst.idx.msk $0xffff, v13  }
0x3a5: {  	v45 =	vld [tilespmem:s30+$0x70];
	[tilespmem:v0+s20+$0x670 ss:$0x1] =	vst.idx.msk $0xffff, v14  }
0x3a6: {  	[tilespmem:v0+s24+$0x500 ss:$0x1] =	vst.idx.msk $0xffff, v7;
	v10 =	vld [tilespmem:s23+$0x0]  }
0x3a7: {  	[tilespmem:v0+s24+$0x510 ss:$0x1] =	vst.idx.msk $0xffff, v39;
	v22 =	vld [tilespmem:s23+$0x10]  }
0x3a8: {  	[tilespmem:v0+s24+$0x520 ss:$0x1] =	vst.idx.msk $0xffff, v40;
	v23 =	vld [tilespmem:s23+$0x20]  }
0x3a9: {  	[tilespmem:v0+s24+$0x530 ss:$0x1] =	vst.idx.msk $0xffff, v41;
	v24 =	vld [tilespmem:s23+$0x30]  }
0x3aa: {  	[tilespmem:v0+s24+$0x540 ss:$0x1] =	vst.idx.msk $0xffff, v42;
	v25 =	vld [tilespmem:s23+$0x40]  }
0x3ab: {  	[tilespmem:v0+s24+$0x550 ss:$0x1] =	vst.idx.msk $0xffff, v43;
	v26 =	vld [tilespmem:s23+$0x50]  }
0x3ac: {  	[tilespmem:v0+s24+$0x560 ss:$0x1] =	vst.idx.msk $0xffff, v44;
	v27 =	vld [tilespmem:s23+$0x60]  }
0x3ad: {  	s31 =	spop (v2sf);
	[tilespmem:v0+s24+$0x570 ss:$0x1] =	vst.idx.msk $0xffff, v45;
	v28 =	vld [tilespmem:s23+$0x70]  }
0x3ae: {  	(v2sf) =	vpush v3, $0xC;
	v6 =	vld [tilespmem:s31+$0x0];
	[tilespmem:v0+s20+$0x680 ss:$0x1] =	vst.idx.msk $0xffff, v10  }
0x3af: {  	v53 =	vld [tilespmem:s31+$0x10];
	[tilespmem:v0+s20+$0x690 ss:$0x1] =	vst.idx.msk $0xffff, v22  }
0x3b0: {  	v54 =	vld [tilespmem:s31+$0x20];
	[tilespmem:v0+s20+$0x6A0 ss:$0x1] =	vst.idx.msk $0xffff, v23  }
0x3b1: {  	v55 =	vld [tilespmem:s31+$0x30];
	[tilespmem:v0+s20+$0x6B0 ss:$0x1] =	vst.idx.msk $0xffff, v24  }
0x3b2: {  	v56 =	vld [tilespmem:s31+$0x40];
	[tilespmem:v0+s20+$0x6C0 ss:$0x1] =	vst.idx.msk $0xffff, v25  }
0x3b3: {  	v57 =	vld [tilespmem:s31+$0x50];
	[tilespmem:v0+s20+$0x6D0 ss:$0x1] =	vst.idx.msk $0xffff, v26  }
0x3b4: {  	v58 =	vld [tilespmem:s31+$0x60];
	[tilespmem:v0+s20+$0x6E0 ss:$0x1] =	vst.idx.msk $0xffff, v27  }
0x3b5: {  	v59 =	vld [tilespmem:s31+$0x70];
	[tilespmem:v0+s20+$0x6F0 ss:$0x1] =	vst.idx.msk $0xffff, v28  }
0x3b6: {  	[tilespmem:v0+s24+$0x580 ss:$0x1] =	vst.idx.msk $0xffff, v6;
	v10 =	vld [tilespmem:s22+$0x0]  }
0x3b7: {  	[tilespmem:v0+s24+$0x590 ss:$0x1] =	vst.idx.msk $0xffff, v53;
	v36 =	vld [tilespmem:s22+$0x10]  }
0x3b8: {  	[tilespmem:v0+s24+$0x5A0 ss:$0x1] =	vst.idx.msk $0xffff, v54;
	v37 =	vld [tilespmem:s22+$0x20]  }
0x3b9: {  	[tilespmem:v0+s24+$0x5B0 ss:$0x1] =	vst.idx.msk $0xffff, v55;
	v38 =	vld [tilespmem:s22+$0x30]  }
0x3ba: {  	[tilespmem:v0+s24+$0x5C0 ss:$0x1] =	vst.idx.msk $0xffff, v56;
	v39 =	vld [tilespmem:s22+$0x40]  }
0x3bb: {  	[tilespmem:v0+s24+$0x5D0 ss:$0x1] =	vst.idx.msk $0xffff, v57;
	v40 =	vld [tilespmem:s22+$0x50]  }
0x3bc: {  	[tilespmem:v0+s24+$0x5E0 ss:$0x1] =	vst.idx.msk $0xffff, v58;
	v41 =	vld [tilespmem:s22+$0x60]  }
0x3bd: {  	s26 =	spop (v2sf);
	[tilespmem:v0+s24+$0x5F0 ss:$0x1] =	vst.idx.msk $0xffff, v59;
	v42 =	vld [tilespmem:s22+$0x70]  }
0x3be: {  	v5 =	vld [tilespmem:s26+$0x0]  }
0x3bf: {  	v15 =	vld [tilespmem:s26+$0x10]  }
0x3c0: {  	v16 =	vld [tilespmem:s26+$0x20]  }
0x3c1: {  	v17 =	vld [tilespmem:s26+$0x30]  }
0x3c2: {  	v18 =	vld [tilespmem:s26+$0x40]  }
0x3c3: {  	v19 =	vld [tilespmem:s26+$0x50]  }
0x3c4: {  	(v2sf) =	vpush v3, $0xD;
	v20 =	vld [tilespmem:s26+$0x60];
	[tilespmem:v0+s20+$0x700 ss:$0x1] =	vst.idx.msk $0xffff, v10  }
0x3c5: {  	v21 =	vld [tilespmem:s26+$0x70];
	[tilespmem:v0+s24+$0x600 ss:$0x1] =	vst.idx.msk $0xffff, v5  }
0x3c6: {  	[tilespmem:v0+s20+$0x710 ss:$0x1] =	vst.idx.msk $0xffff, v36  }
0x3c7: {  	[tilespmem:v0+s24+$0x610 ss:$0x1] =	vst.idx.msk $0xffff, v15  }
0x3c8: {  	[tilespmem:v0+s20+$0x720 ss:$0x1] =	vst.idx.msk $0xffff, v37  }
0x3c9: {  	[tilespmem:v0+s24+$0x620 ss:$0x1] =	vst.idx.msk $0xffff, v16  }
0x3ca: {  	[tilespmem:v0+s20+$0x730 ss:$0x1] =	vst.idx.msk $0xffff, v38  }
0x3cb: {  	[tilespmem:v0+s24+$0x630 ss:$0x1] =	vst.idx.msk $0xffff, v17  }
0x3cc: {  	[tilespmem:v0+s20+$0x740 ss:$0x1] =	vst.idx.msk $0xffff, v39  }
0x3cd: {  	[tilespmem:v0+s24+$0x640 ss:$0x1] =	vst.idx.msk $0xffff, v18  }
0x3ce: {  	[tilespmem:v0+s20+$0x750 ss:$0x1] =	vst.idx.msk $0xffff, v40  }
0x3cf: {  	[tilespmem:v0+s24+$0x650 ss:$0x1] =	vst.idx.msk $0xffff, v19  }
0x3d0: {  	[tilespmem:v0+s20+$0x760 ss:$0x1] =	vst.idx.msk $0xffff, v41  }
0x3d1: {  	[tilespmem:v0+s24+$0x660 ss:$0x1] =	vst.idx.msk $0xffff, v20  }
0x3d2: {  	[tilespmem:v0+s20+$0x770 ss:$0x1] =	vst.idx.msk $0xffff, v42  }
0x3d3: {  	s28 =	spop (v2sf);
	(v2sf) =	vpush v3, $0xE;
	[tilespmem:v0+s24+$0x670 ss:$0x1] =	vst.idx.msk $0xffff, v21;
	v9 =	vld [tilespmem:s21+$0x0]  }
0x3d4: {  	v2 =	vld [tilespmem:s28+$0x0]  }
0x3d5: {  	v29 =	vld [tilespmem:s28+$0x10]  }
0x3d6: {  	v30 =	vld [tilespmem:s28+$0x20]  }
0x3d7: {  	v31 =	vld [tilespmem:s28+$0x30]  }
0x3d8: {  	v32 =	vld [tilespmem:s28+$0x40]  }
0x3d9: {  	v33 =	vld [tilespmem:s28+$0x50]  }
0x3da: {  	v34 =	vld [tilespmem:s28+$0x60]  }
0x3db: {  	v35 =	vld [tilespmem:s28+$0x70];
	[tilespmem:v0+s24+$0x680 ss:$0x1] =	vst.idx.msk $0xffff, v2  }
0x3dc: {  	v50 =	vld [tilespmem:s21+$0x10];
	[tilespmem:v0+s24+$0x690 ss:$0x1] =	vst.idx.msk $0xffff, v29  }
0x3dd: {  	v51 =	vld [tilespmem:s21+$0x20];
	[tilespmem:v0+s24+$0x6A0 ss:$0x1] =	vst.idx.msk $0xffff, v30  }
0x3de: {  	v52 =	vld [tilespmem:s21+$0x30];
	[tilespmem:v0+s24+$0x6B0 ss:$0x1] =	vst.idx.msk $0xffff, v31  }
0x3df: {  	v53 =	vld [tilespmem:s21+$0x40];
	[tilespmem:v0+s24+$0x6C0 ss:$0x1] =	vst.idx.msk $0xffff, v32  }
0x3e0: {  	v54 =	vld [tilespmem:s21+$0x50];
	[tilespmem:v0+s24+$0x6D0 ss:$0x1] =	vst.idx.msk $0xffff, v33  }
0x3e1: {  	v55 =	vld [tilespmem:s21+$0x60];
	[tilespmem:v0+s24+$0x6E0 ss:$0x1] =	vst.idx.msk $0xffff, v34  }
0x3e2: {  	v56 =	vld [tilespmem:s21+$0x70];
	[tilespmem:v0+s24+$0x6F0 ss:$0x1] =	vst.idx.msk $0xffff, v35;
	s29 =	spop (v2sf);
	(v2sf) =	vpush v3, $0xF  }
0x3e3: {  	v1 =	vld [tilespmem:s29+$0x0]  }
0x3e4: {  	v43 =	vld [tilespmem:s29+$0x10]  }
0x3e5: {  	v44 =	vld [tilespmem:s29+$0x20]  }
0x3e6: {  	v45 =	vld [tilespmem:s29+$0x30]  }
0x3e7: {  	v46 =	vld [tilespmem:s29+$0x40]  }
0x3e8: {  	v47 =	vld [tilespmem:s29+$0x50]  }
0x3e9: {  	[tilespmem:v0+s20+$0x780 ss:$0x1] =	vst.idx.msk $0xffff, v9;
	v48 =	vld [tilespmem:s29+$0x60]  }
0x3ea: {  	v49 =	vld [tilespmem:s29+$0x70];
	[tilespmem:v0+s24+$0x700 ss:$0x1] =	vst.idx.msk $0xffff, v1  }
0x3eb: {  	[tilespmem:v0+s24+$0x710 ss:$0x1] =	vst.idx.msk $0xffff, v43  }
0x3ec: {  	[tilespmem:v0+s24+$0x720 ss:$0x1] =	vst.idx.msk $0xffff, v44  }
0x3ed: {  	[tilespmem:v0+s24+$0x730 ss:$0x1] =	vst.idx.msk $0xffff, v45  }
0x3ee: {  	[tilespmem:v0+s24+$0x740 ss:$0x1] =	vst.idx.msk $0xffff, v46  }
0x3ef: {  	[tilespmem:v0+s24+$0x750 ss:$0x1] =	vst.idx.msk $0xffff, v47  }
0x3f0: {  	[tilespmem:v0+s24+$0x760 ss:$0x1] =	vst.idx.msk $0xffff, v48  }
0x3f1: {  	[tilespmem:v0+s24+$0x770 ss:$0x1] =	vst.idx.msk $0xffff, v49;
	s30 =	spop (v2sf)  }
0x3f2: {  	[tilespmem:v0+s20+$0x790 ss:$0x1] =	vst.idx.msk $0xffff, v50;
	v8 =	vld [tilespmem:s30+$0x0]  }
0x3f3: {  	[tilespmem:v0+s20+$0x7A0 ss:$0x1] =	vst.idx.msk $0xffff, v51;
	v57 =	vld [tilespmem:s30+$0x10]  }
0x3f4: {  	[tilespmem:v0+s20+$0x7B0 ss:$0x1] =	vst.idx.msk $0xffff, v52;
	v58 =	vld [tilespmem:s30+$0x20]  }
0x3f5: {  	[tilespmem:v0+s20+$0x7C0 ss:$0x1] =	vst.idx.msk $0xffff, v53;
	v59 =	vld [tilespmem:s30+$0x30]  }
0x3f6: {  	[tilespmem:v0+s20+$0x7D0 ss:$0x1] =	vst.idx.msk $0xffff, v54;
	v60 =	vld [tilespmem:s30+$0x40]  }
0x3f7: {  	[tilespmem:v0+s20+$0x7E0 ss:$0x1] =	vst.idx.msk $0xffff, v55;
	v61 =	vld [tilespmem:s30+$0x50]  }
0x3f8: {  	[tilespmem:v0+s20+$0x7F0 ss:$0x1] =	vst.idx.msk $0xffff, v56;
	v62 =	vld [tilespmem:s30+$0x60]  }
0x3f9: {  	v63 =	vld [tilespmem:s30+$0x70];
	[tilespmem:v0+s24+$0x780 ss:$0x1] =	vst.idx.msk $0xffff, v8  }
0x3fa: {  	[tilespmem:v0+s24+$0x790 ss:$0x1] =	vst.idx.msk $0xffff, v57  }
0x3fb: {  	s31 =	smul.u32 $0x7D, s17;
	s17 =	sadd.s32 $0x1, s17;
	[tilespmem:v0+s24+$0x7A0 ss:$0x1] =	vst.idx.msk $0xffff, v58  }
0x3fc: {  	p0 =	sne.s32 s17, $0x19;
	[tilespmem:v0+s24+$0x7B0 ss:$0x1] =	vst.idx.msk $0xffff, v59  }
.Ltmp1:
0x3fd: {  	[tilespmem:v0+s24+$0x7C0 ss:$0x1] =	vst.idx.msk $0xffff, v60;
	(pc) =	sbr.rel @p0 .LBB2_2-.Ltmp1, $4  }
0x3fe: {  	s20 =	sadd.s32 s4, s31;
	[tilespmem:v0+s24+$0x7D0 ss:$0x1] =	vst.idx.msk $0xffff, v61  }
0x3ff: {  	s20 =	sshll.u32 s20, $0x4;
	[tilespmem:v0+s24+$0x7E0 ss:$0x1] =	vst.idx.msk $0xffff, v62  }
0x400: {  	s18 =	sadd.s32 $0x1, s18;
	s20 =	sadd.s32 s3, s20;
	[tilespmem:v0+s24+$0x7F0 ss:$0x1] =	vst.idx.msk $0xffff, v63  }
0x401: {  	[hbm4b:s20+s5] =	stream.linear.scatter [tilespmem:s19], [sflag:s18], $0x3E80, $0x38;
	[tilespmem:$0x17700] =	vst v63  }
0x402: {  	_ =	swait.ge [sflag:s11], $0x3E80  }
0x403: {  	[sflag:s11] =	ssyncset.done $0x0  }
0x404: {  	[sflag:s11] =	ssyncadd.s32 $0xFFFFC180  }
0x405: {  	_ =	swait.ge [sflag:s12], $0x3E80  }
0x406: {  	[sflag:s12] =	ssyncset.done $0x0  }
0x407: {  	[sflag:s12] =	ssyncadd.s32 $0xFFFFC180  }
0x408: {  	_ =	swait.ge [sflag:s13], $0x3E80  }
0x409: {  	[sflag:s13] =	ssyncset.done $0x0  }
0x40a: {  	s16 =	sadd.s32 $0x1, s16;
	[sflag:s13] =	ssyncadd.s32 $0xFFFFC180  }
0x40b: {  	p0 =	sne.s32 s16, s8;
	_ =	swait.ge [sflag:s14], $0x3E80  }
.Ltmp2:
0x40c: {  	[sflag:s14] =	ssyncset.done $0x0;
	(pc) =	sbr.rel @p0 .LBB2_1-.Ltmp2, $4  }
0x40d: {  	[sflag:s14] =	ssyncadd.s32 $0xFFFFC180  }
0x40e: {  	_ =	swait.ge [sflag:s15], $0x3E80  }
0x40f: {  	[sflag:s15] =	ssyncset.done $0x0  }
0x410: {  	[sflag:s15] =	ssyncadd.s32 $0xFFFFC180  }
0x411: {  	_ =	sfence.sel $0x180000  }
0x412: {  	[bflag:$0x0] =	sbarrier.arrive $0xFFFF  }
0x413: {  	p0 =	sne.s32 s0, $0x0;
	_ =	strace $0x90000047  }
0x414: {  	s0 =	sadd.s32 @!p0 $0x100000, s1;
	[bflag:$0x2] =	sbarrier.arrive $0xFFFF  }
0x415: {  	[sflag:s0] =	ssyncadd.tile.s32 @!p0 $0x1;
	_ =	shalt  }
.Lfunc_end2:
_tile_overlayer_lowered:
.L_overlay_start_2:
0x416: {  	(tag) =	ssettag $0x2  }
0x417: {  	s0 =	rddreg [dreg:$0x0];
	s2 =	stileid.u32  }
0x418: {  	s1 =	rddreg [dreg:$0x1];
	p0 =	sne.s32 s2, $0x0  }
0x419: {  	s3 =	rddreg [dreg:$0x2];
	[bflag:$0x3] =	sbarrier.arrive $0xFFFF;
	s2 =	simm.s32 @!p0 $0x1C06  }
0x41a: {  	[timem:s3], [sflag:s2] =	dma.local @!p0 [hbm:s0], s1  }
0x41b: {  	s0 =	simm.s32 @!p0 $0x6  }
0x41c: {  	_ =	swait.ge @!p0 [sflag:s0], s1  }
0x41d: {  	s1 =	ssub.s32 @!p0 $0x0, s1;
	[sflag:s0] =	ssyncset.done @!p0 $0x0  }
0x41e: {  	[sflag:s0] =	ssyncadd.s32 @!p0 s1  }
0x41f: {  	[bflag:$0x3] =	sbarrier.arrive $0xFFFF  }
0x420: {  	_ =	shalt  }

</sc_bundles>
